<compile_context>
chip_gen: v7x
topology: tpu7x:2x2x1
jax: 0.10.2.dev20260603
libtpu: 0.0.44.dev20260713+nightly
codegen_flags: <defaults>
</compile_context>

<pallas_src>
import functools

import jax
import jax.numpy as jnp
from jax import lax
from jax.experimental import pallas as pl
from jax.experimental.pallas import tpu as pltpu
from jax.experimental.pallas import tpu_sc as plsc

V = 1_000_000
D = 32
S = 26
B = 16384
CHUNK = 128
NCHUNKS_TOT = (S * B) // CHUNK
NC = 2
NS = 16
NW = NC * NS
CPW = NCHUNKS_TOT // NW
NBUF = 2

TBLK = 16384
TGRID = -(-V // TBLK)

_mesh = plsc.VectorSubcoreMesh(core_axis_name="c", subcore_axis_name="s")


def _repack_body(w_ref, o_ref, m_ref):
    for sb in range(TBLK // 512):
        m_ref[sb] = w_ref[:, pl.ds(sb * 512, 512)].T
        for k in range(4):
            o_ref[pl.ds(sb * 128, 128), k * D:(k + 1) * D] = (
                m_ref[sb, pl.Slice(k, 128, 4), :])


_repack = pl.pallas_call(
    _repack_body,
    grid=(TGRID,),
    in_specs=[pl.BlockSpec((D, TBLK), lambda b: (0, b))],
    out_specs=pl.BlockSpec((TBLK // 4, 4 * D), lambda b: (b, 0)),
    out_shape=jax.ShapeDtypeStruct((V // 4, 4 * D), jnp.float32),
    scratch_shapes=[pltpu.VMEM((TBLK // 512, 512, D), jnp.float32)],
)


@functools.partial(
    pl.kernel,
    mesh=_mesh,
    out_type=jax.ShapeDtypeStruct((S, D // 8, B // CHUNK, 8, CHUNK),
                                  jnp.float32),
    scratch_types=[
        pltpu.VMEM((CPW, CHUNK), jnp.int32),
        pltpu.VMEM((NBUF, CHUNK, D), jnp.float32),
        pltpu.VMEM((NBUF, D // 8, 1, 8, CHUNK), jnp.float32),
        [pltpu.SemaphoreType.DMA] * NBUF,
        [pltpu.SemaphoreType.DMA] * NBUF,
    ],
    compiler_params=pltpu.CompilerParams(use_tc_tiling_on_sc=False,
                                         needs_layout_passes=False,
                                         disable_bounds_checks=True),
)
def _gather_kernel(idx_hbm, table_hbm, out_hbm, idx_v, bufg, buft, sg, sw):
    wid = lax.axis_index("s") * NC + lax.axis_index("c")
    c0 = wid * CPW
    pltpu.sync_copy(idx_hbm.at[pl.ds(c0, CPW)], idx_v)

    def gather(j, b):
        return pltpu.make_async_copy(
            table_hbm.at[idx_v.at[j]], bufg.at[b], sg[b])

    def write(j, b):
        cg = c0 + j
        s = cg // (B // CHUNK)
        bh = cg % (B // CHUNK)
        return pltpu.make_async_copy(
            buft.at[b], out_hbm.at[s, :, pl.ds(bh, 1)], sw[b])

    def transpose(b):
        src = bufg.at[b]

        @plsc.parallel_loop(0, (CHUNK // 16) * D, 1, unroll=32)
        def _(t):
            v = t % (CHUNK // 16)
            c = t // (CHUNK // 16)
            rows = jnp.arange(16, dtype=jnp.int32) + v * 16
            cols = jnp.zeros((16,), dtype=jnp.int32) + c
            vreg = plsc.load_gather(src, [rows, cols])
            buft[b, c // 8, 0, c % 8, pl.ds(v * 16, 16)] = vreg

    for b in range(NBUF):
        gather(b, b).start()
    for b in range(NBUF):
        gather(b, b).wait()
        transpose(b)
        write(b, b).start()
        gather(b + NBUF, b).start()

    def group(g, carry):
        for b in range(NBUF):
            j = g * NBUF + b
            gather(j, b).wait()
            write(j - NBUF, b).wait()
            transpose(b)
            write(j, b).start()
            gather(j + NBUF, b).start()
        return carry

    lax.fori_loop(1, CPW // NBUF - 1, group, 0)

    for b in range(NBUF):
        j = CPW - NBUF + b
        gather(j, b).wait()
        write(j - NBUF, b).wait()
        transpose(b)
        write(j, b).start()
    for b in range(NBUF):
        write(CPW - NBUF + b, b).wait()


def kernel(token_ids, weight):
    table = _repack(weight.astype(jnp.float32).T).reshape(V, D)
    ids = token_ids.astype(jnp.int32).T.reshape(NCHUNKS_TOT, CHUNK)
    out5 = _gather_kernel(ids, table)
    return out5.transpose(2, 4, 0, 1, 3).reshape(B, S, D)

# --- scband reference (transcript-rebuilt; emitter-appended) ---
"""Pipeline reference for scband-embedding-70789650973482 (READ-ONLY COPY).

The authoritative reference and input builder live on the scoring server;
editing this copy changes nothing except your own understanding.
"""

import jax, jax.numpy as jnp
import numpy as np

NUM_EMBEDDINGS = 1000000
EMBEDDING_DIM = 32

def setup_inputs(seed: int = 0) -> dict:
    key = jax.random.key(seed)
    k_idx, k_w = jax.random.split(key)
    token_ids = jax.random.randint(k_idx, (16384, 26), 0, NUM_EMBEDDINGS, dtype=jnp.int64)
    # trunc_normal_(mean=0, std=1, a=-3, b=3)
    weight = jax.random.truncated_normal(k_w, -3.0, 3.0, (NUM_EMBEDDINGS, EMBEDDING_DIM), dtype=jnp.float32)
    return {"token_ids": token_ids, "weight": weight}

def reference(token_ids, weight):
    # Faithful translation of: return self.weight[token_ids]
    return weight[token_ids]

if __name__ == "__main__":
    import jax
    _d = setup_inputs()
    print(jax.jit(kernel)(*tuple(_d.values())))

</pallas_src>

<mosaic_0001>
#map = affine_map<(d0, d1) -> (0, 0)>
#map1 = affine_map<(d0, d1) -> (0, 0, 0, 0, 0)>
module attributes {stable_mosaic.version = 14 : i64} {
  func.func @_gather_kernel(%arg0: i32, %arg1: i32, %arg2: memref<3328x128xi32, #tpu.memory_space<hbm>>, %arg3: memref<1000000x32xf32, #tpu.memory_space<hbm>>, %arg4: memref<26x4x128x8x128xf32, #tpu.memory_space<hbm>>, %arg5: memref<104x128xi32, #tpu.memory_space<vmem>>, %arg6: memref<2x128x32xf32, #tpu.memory_space<vmem>>, %arg7: memref<2x4x1x8x128xf32, #tpu.memory_space<vmem>>, %arg8: memref<!tpu.dma_semaphore, #tpu.memory_space<semaphore_mem>>, %arg9: memref<!tpu.dma_semaphore, #tpu.memory_space<semaphore_mem>>, %arg10: memref<!tpu.dma_semaphore, #tpu.memory_space<semaphore_mem>>, %arg11: memref<!tpu.dma_semaphore, #tpu.memory_space<semaphore_mem>>) attributes {dimension_semantics = [#tpu.dimension_semantics<core_parallel>, #tpu.dimension_semantics<subcore_parallel>], iteration_bounds = array<i64: 2, 16>, scalar_prefetch = 0 : i64, scratch_operands = 7 : i64, tpu.core_type = #tpu.core_type<sc_vector_subcore>, window_params = [{transform_indices = #map}, {transform_indices = #map}, {transform_indices = #map1}]} {
    %mul3A = arith.constant 2 : i32
    %mul3A_0 = arith.muli %arg1, %mul3A : i32
    %add3A = arith.addi %mul3A_0, %arg0 : i32
    %mul3A_1 = arith.constant 104 : i32
    %mul3A_2 = arith.muli %add3A, %mul3A_1 : i32
    "tpu.region"() ({
      %run_scoped3A = tpu.sem_alloc : memref<!tpu.dma_semaphore, #tpu.memory_space<semaphore_mem>>
      %dma_start3A_627 = arith.constant 0 : i32
      %dma_start3A_628 = tpu.memref_slice %arg2[%mul3A_2, %dma_start3A_627] : memref<3328x128xi32, #tpu.memory_space<hbm>> -> memref<104x128xi32, #tpu.memory_space<hbm>>
      %dma_start3A_629 = arith.constant 0 : i32
      %dma_start3A_630 = tpu.memref_slice %arg2[%mul3A_2, %dma_start3A_629] : memref<3328x128xi32, #tpu.memory_space<hbm>> -> memref<104x128xi32, #tpu.memory_space<hbm>>
      tpu.enqueue_dma source(%dma_start3A_630 : memref<104x128xi32, #tpu.memory_space<hbm>>) target(%arg5 : memref<104x128xi32, #tpu.memory_space<vmem>>) target_semaphore(%run_scoped3A : memref<!tpu.dma_semaphore, #tpu.memory_space<semaphore_mem>>)
      %dma_wait3A_631 = arith.constant 0 : i32
      %dma_wait3A_632 = tpu.memref_slice %arg2[%mul3A_2, %dma_wait3A_631] : memref<3328x128xi32, #tpu.memory_space<hbm>> -> memref<104x128xi32, #tpu.memory_space<hbm>>
      %dma_wait3A_633 = arith.constant 0 : i32
      %dma_wait3A_634 = tpu.memref_slice %arg2[%mul3A_2, %dma_wait3A_633] : memref<3328x128xi32, #tpu.memory_space<hbm>> -> memref<104x128xi32, #tpu.memory_space<hbm>>
      tpu.wait_dma2 semaphore(%run_scoped3A : memref<!tpu.dma_semaphore, #tpu.memory_space<semaphore_mem>>) src(%dma_wait3A_634 : memref<104x128xi32, #tpu.memory_space<hbm>>) dst(%arg5 : memref<104x128xi32, #tpu.memory_space<vmem>>)
      tpu.yield
    }) : () -> ()
    %dma_start3A = arith.constant 0 : i32
    %dma_start3A_3 = arith.constant 0 : i32
    %dma_start3A_4 = arith.constant 0 : i32
    %dma_start3A_5 = arith.constant 0 : i32
    %dma_start3A_6 = tpu.memref_slice %arg6[%dma_start3A_3, %dma_start3A_4, %dma_start3A_5] : memref<2x128x32xf32, #tpu.memory_space<vmem>> -> memref<1x128x32xf32, #tpu.memory_space<vmem>>
    %dma_start3A_7 = tpu.memref_squeeze %dma_start3A_6 : memref<1x128x32xf32, #tpu.memory_space<vmem>> -> memref<128x32xf32, #tpu.memory_space<vmem>>
    %dma_start3A_8 = arith.constant 0 : i32
    %dma_start3A_9 = tpu.memref_slice %arg5[%dma_start3A, %dma_start3A_8] : memref<104x128xi32, #tpu.memory_space<vmem>> -> memref<1x128xi32, #tpu.memory_space<vmem>>
    %dma_start3A_10 = tpu.memref_squeeze %dma_start3A_9 : memref<1x128xi32, #tpu.memory_space<vmem>> -> memref<128xi32, #tpu.memory_space<vmem>>
    %dma_start3A_11 = arith.constant 0 : i32
    %dma_start3A_12 = arith.constant 0 : i32
    %dma_start3A_13 = tpu.memref_slice %arg3[%dma_start3A_11, %dma_start3A_12] : memref<1000000x32xf32, #tpu.memory_space<hbm>> -> memref<1000000x32xf32, #tpu.memory_space<hbm>>
    tpu.enqueue_indirect_dma source(%dma_start3A_13 : memref<1000000x32xf32, #tpu.memory_space<hbm>>) target(%dma_start3A_7 : memref<128x32xf32, #tpu.memory_space<vmem>>) offsets(%dma_start3A_10 : memref<128xi32, #tpu.memory_space<vmem>>) semaphore(%arg8 : memref<!tpu.dma_semaphore, #tpu.memory_space<semaphore_mem>>)
    %dma_start3A_14 = arith.constant 1 : i32
    %dma_start3A_15 = arith.constant 1 : i32
    %dma_start3A_16 = arith.constant 0 : i32
    %dma_start3A_17 = arith.constant 0 : i32
    %dma_start3A_18 = tpu.memref_slice %arg6[%dma_start3A_15, %dma_start3A_16, %dma_start3A_17] : memref<2x128x32xf32, #tpu.memory_space<vmem>> -> memref<1x128x32xf32, #tpu.memory_space<vmem>>
    %dma_start3A_19 = tpu.memref_squeeze %dma_start3A_18 : memref<1x128x32xf32, #tpu.memory_space<vmem>> -> memref<128x32xf32, #tpu.memory_space<vmem>>
    %dma_start3A_20 = arith.constant 0 : i32
    %dma_start3A_21 = tpu.memref_slice %arg5[%dma_start3A_14, %dma_start3A_20] : memref<104x128xi32, #tpu.memory_space<vmem>> -> memref<1x128xi32, #tpu.memory_space<vmem>>
    %dma_start3A_22 = tpu.memref_squeeze %dma_start3A_21 : memref<1x128xi32, #tpu.memory_space<vmem>> -> memref<128xi32, #tpu.memory_space<vmem>>
    %dma_start3A_23 = arith.constant 0 : i32
    %dma_start3A_24 = arith.constant 0 : i32
    %dma_start3A_25 = tpu.memref_slice %arg3[%dma_start3A_23, %dma_start3A_24] : memref<1000000x32xf32, #tpu.memory_space<hbm>> -> memref<1000000x32xf32, #tpu.memory_space<hbm>>
    tpu.enqueue_indirect_dma source(%dma_start3A_25 : memref<1000000x32xf32, #tpu.memory_space<hbm>>) target(%dma_start3A_19 : memref<128x32xf32, #tpu.memory_space<vmem>>) offsets(%dma_start3A_22 : memref<128xi32, #tpu.memory_space<vmem>>) semaphore(%arg9 : memref<!tpu.dma_semaphore, #tpu.memory_space<semaphore_mem>>)
    %dma_wait3A = arith.constant 0 : i32
    %dma_wait3A_26 = arith.constant 0 : i32
    %dma_wait3A_27 = arith.constant 0 : i32
    %dma_wait3A_28 = arith.constant 0 : i32
    %dma_wait3A_29 = tpu.memref_slice %arg6[%dma_wait3A_26, %dma_wait3A_27, %dma_wait3A_28] : memref<2x128x32xf32, #tpu.memory_space<vmem>> -> memref<1x128x32xf32, #tpu.memory_space<vmem>>
    %dma_wait3A_30 = tpu.memref_squeeze %dma_wait3A_29 : memref<1x128x32xf32, #tpu.memory_space<vmem>> -> memref<128x32xf32, #tpu.memory_space<vmem>>
    %dma_wait3A_31 = arith.constant 0 : i32
    %dma_wait3A_32 = tpu.memref_slice %arg5[%dma_wait3A, %dma_wait3A_31] : memref<104x128xi32, #tpu.memory_space<vmem>> -> memref<1x128xi32, #tpu.memory_space<vmem>>
    %dma_wait3A_33 = tpu.memref_squeeze %dma_wait3A_32 : memref<1x128xi32, #tpu.memory_space<vmem>> -> memref<128xi32, #tpu.memory_space<vmem>>
    %dma_wait3A_34 = arith.constant 0 : i32
    %dma_wait3A_35 = arith.constant 0 : i32
    %dma_wait3A_36 = tpu.memref_slice %arg3[%dma_wait3A_34, %dma_wait3A_35] : memref<1000000x32xf32, #tpu.memory_space<hbm>> -> memref<1000000x32xf32, #tpu.memory_space<hbm>>
    tpu.wait_indirect_dma semaphore(%arg8 : memref<!tpu.dma_semaphore, #tpu.memory_space<semaphore_mem>>) src(%dma_wait3A_36 : memref<1000000x32xf32, #tpu.memory_space<hbm>>) dst(%dma_wait3A_30 : memref<128x32xf32, #tpu.memory_space<vmem>>)
    %parallel_loop3A = arith.constant 0 : i32
    %parallel_loop3A_37 = arith.constant 256 : i32
    %parallel_loop3A_38 = arith.constant 1 : i32
    %parallel_loop3A_39 = arith.constant 0 : i32
    scf.for %parallel_loop3A_627 = %parallel_loop3A to %parallel_loop3A_37 step %parallel_loop3A_38  : i32 {
      %parallel_loop3A_628 = arith.constant 8 : i32
      %parallel_loop3A_629 = arith.constant 0 : i32
      %parallel_loop3A_630 = arith.cmpi eq, %parallel_loop3A_628, %parallel_loop3A_629 : i32
      %parallel_loop3A_631 = arith.constant 1 : i32
      %parallel_loop3A_632 = arith.select %parallel_loop3A_630, %parallel_loop3A_631, %parallel_loop3A_628 : i32
      %parallel_loop3A_633 = arith.remsi %parallel_loop3A_627, %parallel_loop3A_632 : i32
      %parallel_loop3A_634 = arith.constant 0 : i32
      %parallel_loop3A_635 = arith.cmpi ne, %parallel_loop3A_633, %parallel_loop3A_634 : i32
      %parallel_loop3A_636 = arith.constant 0 : i32
      %parallel_loop3A_637 = arith.cmpi slt, %parallel_loop3A_633, %parallel_loop3A_636 : i32
      %parallel_loop3A_638 = arith.constant 0 : i32
      %parallel_loop3A_639 = arith.cmpi slt, %parallel_loop3A_632, %parallel_loop3A_638 : i32
      %parallel_loop3A_640 = arith.xori %parallel_loop3A_637, %parallel_loop3A_639 : i1
      %parallel_loop3A_641 = arith.andi %parallel_loop3A_640, %parallel_loop3A_635 : i1
      %parallel_loop3A_642 = arith.addi %parallel_loop3A_633, %parallel_loop3A_632 : i32
      %parallel_loop3A_643 = arith.select %parallel_loop3A_641, %parallel_loop3A_642, %parallel_loop3A_633 : i32
      %parallel_loop3A_644 = arith.constant 8 : i32
      %parallel_loop3A_645 = arith.divsi %parallel_loop3A_627, %parallel_loop3A_644 : i32
      %parallel_loop3A_646 = arith.constant 0 : i32
      %parallel_loop3A_647 = arith.cmpi sgt, %parallel_loop3A_627, %parallel_loop3A_646 : i32
      %parallel_loop3A_648 = arith.extui %parallel_loop3A_647 : i1 to i32
      %parallel_loop3A_649 = arith.constant 0 : i32
      %parallel_loop3A_650 = arith.cmpi slt, %parallel_loop3A_627, %parallel_loop3A_649 : i32
      %parallel_loop3A_651 = arith.extui %parallel_loop3A_650 : i1 to i32
      %parallel_loop3A_652 = arith.subi %parallel_loop3A_648, %parallel_loop3A_651 : i32
      %parallel_loop3A_653 = arith.constant 0 : i32
      %parallel_loop3A_654 = arith.cmpi sgt, %parallel_loop3A_644, %parallel_loop3A_653 : i32
      %parallel_loop3A_655 = arith.extui %parallel_loop3A_654 : i1 to i32
      %parallel_loop3A_656 = arith.constant 0 : i32
      %parallel_loop3A_657 = arith.cmpi slt, %parallel_loop3A_644, %parallel_loop3A_656 : i32
      %parallel_loop3A_658 = arith.extui %parallel_loop3A_657 : i1 to i32
      %parallel_loop3A_659 = arith.subi %parallel_loop3A_655, %parallel_loop3A_658 : i32
      %parallel_loop3A_660 = arith.cmpi ne, %parallel_loop3A_652, %parallel_loop3A_659 : i32
      %parallel_loop3A_661 = arith.remsi %parallel_loop3A_627, %parallel_loop3A_644 : i32
      %parallel_loop3A_662 = arith.constant 0 : i32
      %parallel_loop3A_663 = arith.cmpi ne, %parallel_loop3A_661, %parallel_loop3A_662 : i32
      %parallel_loop3A_664 = arith.andi %parallel_loop3A_660, %parallel_loop3A_663 : i1
      %parallel_loop3A_665 = arith.constant 1 : i32
      %parallel_loop3A_666 = arith.subi %parallel_loop3A_645, %parallel_loop3A_665 : i32
      %parallel_loop3A_667 = arith.select %parallel_loop3A_664, %parallel_loop3A_666, %parallel_loop3A_645 : i32
      %parallel_loop3A_668 = tpu.iota {dimensions = array<i32: 0>} : vector<16xi32>
      %parallel_loop3A_669 = arith.constant 16 : i32
      %parallel_loop3A_670 = arith.muli %parallel_loop3A_643, %parallel_loop3A_669 : i32
      %parallel_loop3A_671 = vector.broadcast %parallel_loop3A_670 : i32 to vector<16xi32>
      %parallel_loop3A_672 = arith.addi %parallel_loop3A_668, %parallel_loop3A_671 : vector<16xi32>
      %parallel_loop3A_673 = arith.constant 0 : i32
      %parallel_loop3A_674 = vector.broadcast %parallel_loop3A_673 : i32 to vector<16xi32>
      %parallel_loop3A_675 = vector.broadcast %parallel_loop3A_667 : i32 to vector<16xi32>
      %parallel_loop3A_676 = arith.addi %parallel_loop3A_674, %parallel_loop3A_675 : vector<16xi32>
      %parallel_loop3A_677 = arith.constant 0 : i32
      %parallel_loop3A_678 = arith.constant 0 : i32
      %parallel_loop3A_679 = tpu.memref_slice %arg6[%parallel_loop3A_39, %parallel_loop3A_677, %parallel_loop3A_678] : memref<2x128x32xf32, #tpu.memory_space<vmem>> -> memref<1x128x32xf32, #tpu.memory_space<vmem>>
      %parallel_loop3A_680 = tpu.memref_squeeze %parallel_loop3A_679 : memref<1x128x32xf32, #tpu.memory_space<vmem>> -> memref<128x32xf32, #tpu.memory_space<vmem>>
      %parallel_loop3A_681 = tpu.vector_load_idx %parallel_loop3A_680[%parallel_loop3A_672, %parallel_loop3A_676] : memref<128x32xf32, #tpu.memory_space<vmem>>[vector<16xi32>, vector<16xi32>], vector<16xf32>,
      %parallel_loop3A_682 = arith.constant 8 : i32
      %parallel_loop3A_683 = arith.divsi %parallel_loop3A_667, %parallel_loop3A_682 : i32
      %parallel_loop3A_684 = arith.constant 0 : i32
      %parallel_loop3A_685 = arith.cmpi sgt, %parallel_loop3A_667, %parallel_loop3A_684 : i32
      %parallel_loop3A_686 = arith.extui %parallel_loop3A_685 : i1 to i32
      %parallel_loop3A_687 = arith.constant 0 : i32
      %parallel_loop3A_688 = arith.cmpi slt, %parallel_loop3A_667, %parallel_loop3A_687 : i32
      %parallel_loop3A_689 = arith.extui %parallel_loop3A_688 : i1 to i32
      %parallel_loop3A_690 = arith.subi %parallel_loop3A_686, %parallel_loop3A_689 : i32
      %parallel_loop3A_691 = arith.constant 0 : i32
      %parallel_loop3A_692 = arith.cmpi sgt, %parallel_loop3A_682, %parallel_loop3A_691 : i32
      %parallel_loop3A_693 = arith.extui %parallel_loop3A_692 : i1 to i32
      %parallel_loop3A_694 = arith.constant 0 : i32
      %parallel_loop3A_695 = arith.cmpi slt, %parallel_loop3A_682, %parallel_loop3A_694 : i32
      %parallel_loop3A_696 = arith.extui %parallel_loop3A_695 : i1 to i32
      %parallel_loop3A_697 = arith.subi %parallel_loop3A_693, %parallel_loop3A_696 : i32
      %parallel_loop3A_698 = arith.cmpi ne, %parallel_loop3A_690, %parallel_loop3A_697 : i32
      %parallel_loop3A_699 = arith.remsi %parallel_loop3A_667, %parallel_loop3A_682 : i32
      %parallel_loop3A_700 = arith.constant 0 : i32
      %parallel_loop3A_701 = arith.cmpi ne, %parallel_loop3A_699, %parallel_loop3A_700 : i32
      %parallel_loop3A_702 = arith.andi %parallel_loop3A_698, %parallel_loop3A_701 : i1
      %parallel_loop3A_703 = arith.constant 1 : i32
      %parallel_loop3A_704 = arith.subi %parallel_loop3A_683, %parallel_loop3A_703 : i32
      %parallel_loop3A_705 = arith.select %parallel_loop3A_702, %parallel_loop3A_704, %parallel_loop3A_683 : i32
      %parallel_loop3A_706 = arith.constant 8 : i32
      %parallel_loop3A_707 = arith.constant 0 : i32
      %parallel_loop3A_708 = arith.cmpi eq, %parallel_loop3A_706, %parallel_loop3A_707 : i32
      %parallel_loop3A_709 = arith.constant 1 : i32
      %parallel_loop3A_710 = arith.select %parallel_loop3A_708, %parallel_loop3A_709, %parallel_loop3A_706 : i32
      %parallel_loop3A_711 = arith.remsi %parallel_loop3A_667, %parallel_loop3A_710 : i32
      %parallel_loop3A_712 = arith.constant 0 : i32
      %parallel_loop3A_713 = arith.cmpi ne, %parallel_loop3A_711, %parallel_loop3A_712 : i32
      %parallel_loop3A_714 = arith.constant 0 : i32
      %parallel_loop3A_715 = arith.cmpi slt, %parallel_loop3A_711, %parallel_loop3A_714 : i32
      %parallel_loop3A_716 = arith.constant 0 : i32
      %parallel_loop3A_717 = arith.cmpi slt, %parallel_loop3A_710, %parallel_loop3A_716 : i32
      %parallel_loop3A_718 = arith.xori %parallel_loop3A_715, %parallel_loop3A_717 : i1
      %parallel_loop3A_719 = arith.andi %parallel_loop3A_718, %parallel_loop3A_713 : i1
      %parallel_loop3A_720 = arith.addi %parallel_loop3A_711, %parallel_loop3A_710 : i32
      %parallel_loop3A_721 = arith.select %parallel_loop3A_719, %parallel_loop3A_720, %parallel_loop3A_711 : i32
      %parallel_loop3A_722 = arith.constant 16 : i32
      %parallel_loop3A_723 = arith.muli %parallel_loop3A_643, %parallel_loop3A_722 : i32
      %parallel_loop3A_724 = arith.constant 0 : i32
      %parallel_loop3A_725 = arith.constant 0 : i32
      %parallel_loop3A_726 = arith.index_cast %parallel_loop3A_724 : i32 to index
      %parallel_loop3A_727 = arith.index_cast %parallel_loop3A_705 : i32 to index
      %parallel_loop3A_728 = arith.index_cast %parallel_loop3A_725 : i32 to index
      %parallel_loop3A_729 = arith.index_cast %parallel_loop3A_721 : i32 to index
      %parallel_loop3A_730 = arith.index_cast %parallel_loop3A_723 : i32 to index
      %parallel_loop3A_731 = tpu.vector_load %arg7[%parallel_loop3A_726, %parallel_loop3A_727, %parallel_loop3A_728, %parallel_loop3A_729, %parallel_loop3A_730] {strides = array<i32>} : memref<2x4x1x8x128xf32, #tpu.memory_space<vmem>>, vector<16xf32>,
      tpu.vector_store %arg7[%parallel_loop3A_726, %parallel_loop3A_727, %parallel_loop3A_728, %parallel_loop3A_729, %parallel_loop3A_730], %parallel_loop3A_681 {strides = array<i32>} : memref<2x4x1x8x128xf32, #tpu.memory_space<vmem>>, vector<16xf32>,
    } {sc.loop_unroll_factor = 32 : i64, sc.parallel_access}
    %add3A_40 = arith.constant 0 : i32
    %add3A_41 = arith.addi %mul3A_2, %add3A_40 : i32
    %jit3A = arith.constant 128 : i32
    %div3A = arith.divsi %add3A_41, %jit3A : i32
    %sign3A = arith.constant 0 : i32
    %sign3A_42 = arith.cmpi sgt, %add3A_41, %sign3A : i32
    %sign3A_43 = arith.extui %sign3A_42 : i1 to i32
    %sign3A_44 = arith.constant 0 : i32
    %sign3A_45 = arith.cmpi slt, %add3A_41, %sign3A_44 : i32
    %sign3A_46 = arith.extui %sign3A_45 : i1 to i32
    %sign3A_47 = arith.subi %sign3A_43, %sign3A_46 : i32
    %sign3A_48 = arith.constant 0 : i32
    %sign3A_49 = arith.cmpi sgt, %jit3A, %sign3A_48 : i32
    %sign3A_50 = arith.extui %sign3A_49 : i1 to i32
    %sign3A_51 = arith.constant 0 : i32
    %sign3A_52 = arith.cmpi slt, %jit3A, %sign3A_51 : i32
    %sign3A_53 = arith.extui %sign3A_52 : i1 to i32
    %sign3A_54 = arith.subi %sign3A_50, %sign3A_53 : i32
    %ne3A = arith.cmpi ne, %sign3A_47, %sign3A_54 : i32
    %rem3A = arith.remsi %add3A_41, %jit3A : i32
    %ne3A_55 = arith.constant 0 : i32
    %ne3A_56 = arith.cmpi ne, %rem3A, %ne3A_55 : i32
    %and3A = arith.andi %ne3A, %ne3A_56 : i1
    %sub3A = arith.constant 1 : i32
    %sub3A_57 = arith.subi %div3A, %sub3A : i32
    %select_n3A = arith.select %and3A, %sub3A_57, %div3A : i32
    %jit3A_58 = arith.constant 128 : i32
    %eq3A = arith.constant 0 : i32
    %eq3A_59 = arith.cmpi eq, %jit3A_58, %eq3A : i32
    %jit3A_60 = arith.constant 1 : i32
    %select_n3A_61 = arith.select %eq3A_59, %jit3A_60, %jit3A_58 : i32
    %rem3A_62 = arith.remsi %add3A_41, %select_n3A_61 : i32
    %ne3A_63 = arith.constant 0 : i32
    %ne3A_64 = arith.cmpi ne, %rem3A_62, %ne3A_63 : i32
    %lt3A = arith.constant 0 : i32
    %lt3A_65 = arith.cmpi slt, %rem3A_62, %lt3A : i32
    %lt3A_66 = arith.constant 0 : i32
    %lt3A_67 = arith.cmpi slt, %select_n3A_61, %lt3A_66 : i32
    %ne3A_68 = arith.xori %lt3A_65, %lt3A_67 : i1
    %and3A_69 = arith.andi %ne3A_68, %ne3A_64 : i1
    %add3A_70 = arith.addi %rem3A_62, %select_n3A_61 : i32
    %select_n3A_71 = arith.select %and3A_69, %add3A_70, %rem3A_62 : i32
    %dma_start3A_72 = arith.constant 0 : i32
    %dma_start3A_73 = arith.constant 0 : i32
    %dma_start3A_74 = arith.constant 0 : i32
    %dma_start3A_75 = arith.constant 0 : i32
    %dma_start3A_76 = arith.constant 0 : i32
    %dma_start3A_77 = tpu.memref_slice %arg7[%dma_start3A_72, %dma_start3A_73, %dma_start3A_74, %dma_start3A_75, %dma_start3A_76] : memref<2x4x1x8x128xf32, #tpu.memory_space<vmem>> -> memref<1x4x1x8x128xf32, #tpu.memory_space<vmem>>
    %dma_start3A_78 = tpu.memref_squeeze %dma_start3A_77 : memref<1x4x1x8x128xf32, #tpu.memory_space<vmem>> -> memref<4x1x8x128xf32, #tpu.memory_space<vmem>>
    %dma_start3A_79 = arith.constant 0 : i32
    %dma_start3A_80 = arith.constant 0 : i32
    %dma_start3A_81 = arith.constant 0 : i32
    %dma_start3A_82 = tpu.memref_slice %arg4[%select_n3A, %dma_start3A_79, %select_n3A_71, %dma_start3A_80, %dma_start3A_81] : memref<26x4x128x8x128xf32, #tpu.memory_space<hbm>> -> memref<1x4x1x8x128xf32, #tpu.memory_space<hbm>>
    %dma_start3A_83 = tpu.memref_squeeze %dma_start3A_82 : memref<1x4x1x8x128xf32, #tpu.memory_space<hbm>> -> memref<4x1x8x128xf32, #tpu.memory_space<hbm>>
    %dma_start3A_84 = arith.constant 0 : i32
    %dma_start3A_85 = arith.constant 0 : i32
    %dma_start3A_86 = arith.constant 0 : i32
    %dma_start3A_87 = tpu.memref_slice %arg4[%select_n3A, %dma_start3A_84, %select_n3A_71, %dma_start3A_85, %dma_start3A_86] : memref<26x4x128x8x128xf32, #tpu.memory_space<hbm>> -> memref<1x4x1x8x128xf32, #tpu.memory_space<hbm>>
    %dma_start3A_88 = tpu.memref_squeeze %dma_start3A_87 : memref<1x4x1x8x128xf32, #tpu.memory_space<hbm>> -> memref<4x1x8x128xf32, #tpu.memory_space<hbm>>
    %dma_start3A_89 = arith.constant 0 : i32
    %dma_start3A_90 = arith.constant 0 : i32
    %dma_start3A_91 = arith.constant 0 : i32
    %dma_start3A_92 = arith.constant 0 : i32
    %dma_start3A_93 = tpu.memref_slice %arg7[%dma_start3A_72, %dma_start3A_89, %dma_start3A_90, %dma_start3A_91, %dma_start3A_92] : memref<2x4x1x8x128xf32, #tpu.memory_space<vmem>> -> memref<1x4x1x8x128xf32, #tpu.memory_space<vmem>>
    %dma_start3A_94 = tpu.memref_squeeze %dma_start3A_93 : memref<1x4x1x8x128xf32, #tpu.memory_space<vmem>> -> memref<4x1x8x128xf32, #tpu.memory_space<vmem>>
    tpu.enqueue_dma source(%dma_start3A_94 : memref<4x1x8x128xf32, #tpu.memory_space<vmem>>) target(%dma_start3A_88 : memref<4x1x8x128xf32, #tpu.memory_space<hbm>>) target_semaphore(%arg10 : memref<!tpu.dma_semaphore, #tpu.memory_space<semaphore_mem>>)
    %dma_start3A_95 = arith.constant 2 : i32
    %dma_start3A_96 = arith.constant 0 : i32
    %dma_start3A_97 = arith.constant 0 : i32
    %dma_start3A_98 = arith.constant 0 : i32
    %dma_start3A_99 = tpu.memref_slice %arg6[%dma_start3A_96, %dma_start3A_97, %dma_start3A_98] : memref<2x128x32xf32, #tpu.memory_space<vmem>> -> memref<1x128x32xf32, #tpu.memory_space<vmem>>
    %dma_start3A_100 = tpu.memref_squeeze %dma_start3A_99 : memref<1x128x32xf32, #tpu.memory_space<vmem>> -> memref<128x32xf32, #tpu.memory_space<vmem>>
    %dma_start3A_101 = arith.constant 0 : i32
    %dma_start3A_102 = tpu.memref_slice %arg5[%dma_start3A_95, %dma_start3A_101] : memref<104x128xi32, #tpu.memory_space<vmem>> -> memref<1x128xi32, #tpu.memory_space<vmem>>
    %dma_start3A_103 = tpu.memref_squeeze %dma_start3A_102 : memref<1x128xi32, #tpu.memory_space<vmem>> -> memref<128xi32, #tpu.memory_space<vmem>>
    %dma_start3A_104 = arith.constant 0 : i32
    %dma_start3A_105 = arith.constant 0 : i32
    %dma_start3A_106 = tpu.memref_slice %arg3[%dma_start3A_104, %dma_start3A_105] : memref<1000000x32xf32, #tpu.memory_space<hbm>> -> memref<1000000x32xf32, #tpu.memory_space<hbm>>
    tpu.enqueue_indirect_dma source(%dma_start3A_106 : memref<1000000x32xf32, #tpu.memory_space<hbm>>) target(%dma_start3A_100 : memref<128x32xf32, #tpu.memory_space<vmem>>) offsets(%dma_start3A_103 : memref<128xi32, #tpu.memory_space<vmem>>) semaphore(%arg8 : memref<!tpu.dma_semaphore, #tpu.memory_space<semaphore_mem>>)
    %dma_wait3A_107 = arith.constant 1 : i32
    %dma_wait3A_108 = arith.constant 1 : i32
    %dma_wait3A_109 = arith.constant 0 : i32
    %dma_wait3A_110 = arith.constant 0 : i32
    %dma_wait3A_111 = tpu.memref_slice %arg6[%dma_wait3A_108, %dma_wait3A_109, %dma_wait3A_110] : memref<2x128x32xf32, #tpu.memory_space<vmem>> -> memref<1x128x32xf32, #tpu.memory_space<vmem>>
    %dma_wait3A_112 = tpu.memref_squeeze %dma_wait3A_111 : memref<1x128x32xf32, #tpu.memory_space<vmem>> -> memref<128x32xf32, #tpu.memory_space<vmem>>
    %dma_wait3A_113 = arith.constant 0 : i32
    %dma_wait3A_114 = tpu.memref_slice %arg5[%dma_wait3A_107, %dma_wait3A_113] : memref<104x128xi32, #tpu.memory_space<vmem>> -> memref<1x128xi32, #tpu.memory_space<vmem>>
    %dma_wait3A_115 = tpu.memref_squeeze %dma_wait3A_114 : memref<1x128xi32, #tpu.memory_space<vmem>> -> memref<128xi32, #tpu.memory_space<vmem>>
    %dma_wait3A_116 = arith.constant 0 : i32
    %dma_wait3A_117 = arith.constant 0 : i32
    %dma_wait3A_118 = tpu.memref_slice %arg3[%dma_wait3A_116, %dma_wait3A_117] : memref<1000000x32xf32, #tpu.memory_space<hbm>> -> memref<1000000x32xf32, #tpu.memory_space<hbm>>
    tpu.wait_indirect_dma semaphore(%arg9 : memref<!tpu.dma_semaphore, #tpu.memory_space<semaphore_mem>>) src(%dma_wait3A_118 : memref<1000000x32xf32, #tpu.memory_space<hbm>>) dst(%dma_wait3A_112 : memref<128x32xf32, #tpu.memory_space<vmem>>)
    %parallel_loop3A_119 = arith.constant 0 : i32
    %parallel_loop3A_120 = arith.constant 256 : i32
    %parallel_loop3A_121 = arith.constant 1 : i32
    %parallel_loop3A_122 = arith.constant 1 : i32
    scf.for %parallel_loop3A_627 = %parallel_loop3A_119 to %parallel_loop3A_120 step %parallel_loop3A_121  : i32 {
      %parallel_loop3A_628 = arith.constant 8 : i32
      %parallel_loop3A_629 = arith.constant 0 : i32
      %parallel_loop3A_630 = arith.cmpi eq, %parallel_loop3A_628, %parallel_loop3A_629 : i32
      %parallel_loop3A_631 = arith.constant 1 : i32
      %parallel_loop3A_632 = arith.select %parallel_loop3A_630, %parallel_loop3A_631, %parallel_loop3A_628 : i32
      %parallel_loop3A_633 = arith.remsi %parallel_loop3A_627, %parallel_loop3A_632 : i32
      %parallel_loop3A_634 = arith.constant 0 : i32
      %parallel_loop3A_635 = arith.cmpi ne, %parallel_loop3A_633, %parallel_loop3A_634 : i32
      %parallel_loop3A_636 = arith.constant 0 : i32
      %parallel_loop3A_637 = arith.cmpi slt, %parallel_loop3A_633, %parallel_loop3A_636 : i32
      %parallel_loop3A_638 = arith.constant 0 : i32
      %parallel_loop3A_639 = arith.cmpi slt, %parallel_loop3A_632, %parallel_loop3A_638 : i32
      %parallel_loop3A_640 = arith.xori %parallel_loop3A_637, %parallel_loop3A_639 : i1
      %parallel_loop3A_641 = arith.andi %parallel_loop3A_640, %parallel_loop3A_635 : i1
      %parallel_loop3A_642 = arith.addi %parallel_loop3A_633, %parallel_loop3A_632 : i32
      %parallel_loop3A_643 = arith.select %parallel_loop3A_641, %parallel_loop3A_642, %parallel_loop3A_633 : i32
      %parallel_loop3A_644 = arith.constant 8 : i32
      %parallel_loop3A_645 = arith.divsi %parallel_loop3A_627, %parallel_loop3A_644 : i32
      %parallel_loop3A_646 = arith.constant 0 : i32
      %parallel_loop3A_647 = arith.cmpi sgt, %parallel_loop3A_627, %parallel_loop3A_646 : i32
      %parallel_loop3A_648 = arith.extui %parallel_loop3A_647 : i1 to i32
      %parallel_loop3A_649 = arith.constant 0 : i32
      %parallel_loop3A_650 = arith.cmpi slt, %parallel_loop3A_627, %parallel_loop3A_649 : i32
      %parallel_loop3A_651 = arith.extui %parallel_loop3A_650 : i1 to i32
      %parallel_loop3A_652 = arith.subi %parallel_loop3A_648, %parallel_loop3A_651 : i32
      %parallel_loop3A_653 = arith.constant 0 : i32
      %parallel_loop3A_654 = arith.cmpi sgt, %parallel_loop3A_644, %parallel_loop3A_653 : i32
      %parallel_loop3A_655 = arith.extui %parallel_loop3A_654 : i1 to i32
      %parallel_loop3A_656 = arith.constant 0 : i32
      %parallel_loop3A_657 = arith.cmpi slt, %parallel_loop3A_644, %parallel_loop3A_656 : i32
      %parallel_loop3A_658 = arith.extui %parallel_loop3A_657 : i1 to i32
      %parallel_loop3A_659 = arith.subi %parallel_loop3A_655, %parallel_loop3A_658 : i32
      %parallel_loop3A_660 = arith.cmpi ne, %parallel_loop3A_652, %parallel_loop3A_659 : i32
      %parallel_loop3A_661 = arith.remsi %parallel_loop3A_627, %parallel_loop3A_644 : i32
      %parallel_loop3A_662 = arith.constant 0 : i32
      %parallel_loop3A_663 = arith.cmpi ne, %parallel_loop3A_661, %parallel_loop3A_662 : i32
      %parallel_loop3A_664 = arith.andi %parallel_loop3A_660, %parallel_loop3A_663 : i1
      %parallel_loop3A_665 = arith.constant 1 : i32
      %parallel_loop3A_666 = arith.subi %parallel_loop3A_645, %parallel_loop3A_665 : i32
      %parallel_loop3A_667 = arith.select %parallel_loop3A_664, %parallel_loop3A_666, %parallel_loop3A_645 : i32
      %parallel_loop3A_668 = tpu.iota {dimensions = array<i32: 0>} : vector<16xi32>
      %parallel_loop3A_669 = arith.constant 16 : i32
      %parallel_loop3A_670 = arith.muli %parallel_loop3A_643, %parallel_loop3A_669 : i32
      %parallel_loop3A_671 = vector.broadcast %parallel_loop3A_670 : i32 to vector<16xi32>
      %parallel_loop3A_672 = arith.addi %parallel_loop3A_668, %parallel_loop3A_671 : vector<16xi32>
      %parallel_loop3A_673 = arith.constant 0 : i32
      %parallel_loop3A_674 = vector.broadcast %parallel_loop3A_673 : i32 to vector<16xi32>
      %parallel_loop3A_675 = vector.broadcast %parallel_loop3A_667 : i32 to vector<16xi32>
      %parallel_loop3A_676 = arith.addi %parallel_loop3A_674, %parallel_loop3A_675 : vector<16xi32>
      %parallel_loop3A_677 = arith.constant 0 : i32
      %parallel_loop3A_678 = arith.constant 0 : i32
      %parallel_loop3A_679 = tpu.memref_slice %arg6[%parallel_loop3A_122, %parallel_loop3A_677, %parallel_loop3A_678] : memref<2x128x32xf32, #tpu.memory_space<vmem>> -> memref<1x128x32xf32, #tpu.memory_space<vmem>>
      %parallel_loop3A_680 = tpu.memref_squeeze %parallel_loop3A_679 : memref<1x128x32xf32, #tpu.memory_space<vmem>> -> memref<128x32xf32, #tpu.memory_space<vmem>>
      %parallel_loop3A_681 = tpu.vector_load_idx %parallel_loop3A_680[%parallel_loop3A_672, %parallel_loop3A_676] : memref<128x32xf32, #tpu.memory_space<vmem>>[vector<16xi32>, vector<16xi32>], vector<16xf32>,
      %parallel_loop3A_682 = arith.constant 8 : i32
      %parallel_loop3A_683 = arith.divsi %parallel_loop3A_667, %parallel_loop3A_682 : i32
      %parallel_loop3A_684 = arith.constant 0 : i32
      %parallel_loop3A_685 = arith.cmpi sgt, %parallel_loop3A_667, %parallel_loop3A_684 : i32
      %parallel_loop3A_686 = arith.extui %parallel_loop3A_685 : i1 to i32
      %parallel_loop3A_687 = arith.constant 0 : i32
      %parallel_loop3A_688 = arith.cmpi slt, %parallel_loop3A_667, %parallel_loop3A_687 : i32
      %parallel_loop3A_689 = arith.extui %parallel_loop3A_688 : i1 to i32
      %parallel_loop3A_690 = arith.subi %parallel_loop3A_686, %parallel_loop3A_689 : i32
      %parallel_loop3A_691 = arith.constant 0 : i32
      %parallel_loop3A_692 = arith.cmpi sgt, %parallel_loop3A_682, %parallel_loop3A_691 : i32
      %parallel_loop3A_693 = arith.extui %parallel_loop3A_692 : i1 to i32
      %parallel_loop3A_694 = arith.constant 0 : i32
      %parallel_loop3A_695 = arith.cmpi slt, %parallel_loop3A_682, %parallel_loop3A_694 : i32
      %parallel_loop3A_696 = arith.extui %parallel_loop3A_695 : i1 to i32
      %parallel_loop3A_697 = arith.subi %parallel_loop3A_693, %parallel_loop3A_696 : i32
      %parallel_loop3A_698 = arith.cmpi ne, %parallel_loop3A_690, %parallel_loop3A_697 : i32
      %parallel_loop3A_699 = arith.remsi %parallel_loop3A_667, %parallel_loop3A_682 : i32
      %parallel_loop3A_700 = arith.constant 0 : i32
      %parallel_loop3A_701 = arith.cmpi ne, %parallel_loop3A_699, %parallel_loop3A_700 : i32
      %parallel_loop3A_702 = arith.andi %parallel_loop3A_698, %parallel_loop3A_701 : i1
      %parallel_loop3A_703 = arith.constant 1 : i32
      %parallel_loop3A_704 = arith.subi %parallel_loop3A_683, %parallel_loop3A_703 : i32
      %parallel_loop3A_705 = arith.select %parallel_loop3A_702, %parallel_loop3A_704, %parallel_loop3A_683 : i32
      %parallel_loop3A_706 = arith.constant 8 : i32
      %parallel_loop3A_707 = arith.constant 0 : i32
      %parallel_loop3A_708 = arith.cmpi eq, %parallel_loop3A_706, %parallel_loop3A_707 : i32
      %parallel_loop3A_709 = arith.constant 1 : i32
      %parallel_loop3A_710 = arith.select %parallel_loop3A_708, %parallel_loop3A_709, %parallel_loop3A_706 : i32
      %parallel_loop3A_711 = arith.remsi %parallel_loop3A_667, %parallel_loop3A_710 : i32
      %parallel_loop3A_712 = arith.constant 0 : i32
      %parallel_loop3A_713 = arith.cmpi ne, %parallel_loop3A_711, %parallel_loop3A_712 : i32
      %parallel_loop3A_714 = arith.constant 0 : i32
      %parallel_loop3A_715 = arith.cmpi slt, %parallel_loop3A_711, %parallel_loop3A_714 : i32
      %parallel_loop3A_716 = arith.constant 0 : i32
      %parallel_loop3A_717 = arith.cmpi slt, %parallel_loop3A_710, %parallel_loop3A_716 : i32
      %parallel_loop3A_718 = arith.xori %parallel_loop3A_715, %parallel_loop3A_717 : i1
      %parallel_loop3A_719 = arith.andi %parallel_loop3A_718, %parallel_loop3A_713 : i1
      %parallel_loop3A_720 = arith.addi %parallel_loop3A_711, %parallel_loop3A_710 : i32
      %parallel_loop3A_721 = arith.select %parallel_loop3A_719, %parallel_loop3A_720, %parallel_loop3A_711 : i32
      %parallel_loop3A_722 = arith.constant 16 : i32
      %parallel_loop3A_723 = arith.muli %parallel_loop3A_643, %parallel_loop3A_722 : i32
      %parallel_loop3A_724 = arith.constant 1 : i32
      %parallel_loop3A_725 = arith.constant 0 : i32
      %parallel_loop3A_726 = arith.index_cast %parallel_loop3A_724 : i32 to index
      %parallel_loop3A_727 = arith.index_cast %parallel_loop3A_705 : i32 to index
      %parallel_loop3A_728 = arith.index_cast %parallel_loop3A_725 : i32 to index
      %parallel_loop3A_729 = arith.index_cast %parallel_loop3A_721 : i32 to index
      %parallel_loop3A_730 = arith.index_cast %parallel_loop3A_723 : i32 to index
      %parallel_loop3A_731 = tpu.vector_load %arg7[%parallel_loop3A_726, %parallel_loop3A_727, %parallel_loop3A_728, %parallel_loop3A_729, %parallel_loop3A_730] {strides = array<i32>} : memref<2x4x1x8x128xf32, #tpu.memory_space<vmem>>, vector<16xf32>,
      tpu.vector_store %arg7[%parallel_loop3A_726, %parallel_loop3A_727, %parallel_loop3A_728, %parallel_loop3A_729, %parallel_loop3A_730], %parallel_loop3A_681 {strides = array<i32>} : memref<2x4x1x8x128xf32, #tpu.memory_space<vmem>>, vector<16xf32>,
    } {sc.loop_unroll_factor = 32 : i64, sc.parallel_access}
    %add3A_123 = arith.constant 1 : i32
    %add3A_124 = arith.addi %mul3A_2, %add3A_123 : i32
    %jit3A_125 = arith.constant 128 : i32
    %div3A_126 = arith.divsi %add3A_124, %jit3A_125 : i32
    %sign3A_127 = arith.constant 0 : i32
    %sign3A_128 = arith.cmpi sgt, %add3A_124, %sign3A_127 : i32
    %sign3A_129 = arith.extui %sign3A_128 : i1 to i32
    %sign3A_130 = arith.constant 0 : i32
    %sign3A_131 = arith.cmpi slt, %add3A_124, %sign3A_130 : i32
    %sign3A_132 = arith.extui %sign3A_131 : i1 to i32
    %sign3A_133 = arith.subi %sign3A_129, %sign3A_132 : i32
    %sign3A_134 = arith.constant 0 : i32
    %sign3A_135 = arith.cmpi sgt, %jit3A_125, %sign3A_134 : i32
    %sign3A_136 = arith.extui %sign3A_135 : i1 to i32
    %sign3A_137 = arith.constant 0 : i32
    %sign3A_138 = arith.cmpi slt, %jit3A_125, %sign3A_137 : i32
    %sign3A_139 = arith.extui %sign3A_138 : i1 to i32
    %sign3A_140 = arith.subi %sign3A_136, %sign3A_139 : i32
    %ne3A_141 = arith.cmpi ne, %sign3A_133, %sign3A_140 : i32
    %rem3A_142 = arith.remsi %add3A_124, %jit3A_125 : i32
    %ne3A_143 = arith.constant 0 : i32
    %ne3A_144 = arith.cmpi ne, %rem3A_142, %ne3A_143 : i32
    %and3A_145 = arith.andi %ne3A_141, %ne3A_144 : i1
    %sub3A_146 = arith.constant 1 : i32
    %sub3A_147 = arith.subi %div3A_126, %sub3A_146 : i32
    %select_n3A_148 = arith.select %and3A_145, %sub3A_147, %div3A_126 : i32
    %jit3A_149 = arith.constant 128 : i32
    %eq3A_150 = arith.constant 0 : i32
    %eq3A_151 = arith.cmpi eq, %jit3A_149, %eq3A_150 : i32
    %jit3A_152 = arith.constant 1 : i32
    %select_n3A_153 = arith.select %eq3A_151, %jit3A_152, %jit3A_149 : i32
    %rem3A_154 = arith.remsi %add3A_124, %select_n3A_153 : i32
    %ne3A_155 = arith.constant 0 : i32
    %ne3A_156 = arith.cmpi ne, %rem3A_154, %ne3A_155 : i32
    %lt3A_157 = arith.constant 0 : i32
    %lt3A_158 = arith.cmpi slt, %rem3A_154, %lt3A_157 : i32
    %lt3A_159 = arith.constant 0 : i32
    %lt3A_160 = arith.cmpi slt, %select_n3A_153, %lt3A_159 : i32
    %ne3A_161 = arith.xori %lt3A_158, %lt3A_160 : i1
    %and3A_162 = arith.andi %ne3A_161, %ne3A_156 : i1
    %add3A_163 = arith.addi %rem3A_154, %select_n3A_153 : i32
    %select_n3A_164 = arith.select %and3A_162, %add3A_163, %rem3A_154 : i32
    %dma_start3A_165 = arith.constant 1 : i32
    %dma_start3A_166 = arith.constant 0 : i32
    %dma_start3A_167 = arith.constant 0 : i32
    %dma_start3A_168 = arith.constant 0 : i32
    %dma_start3A_169 = arith.constant 0 : i32
    %dma_start3A_170 = tpu.memref_slice %arg7[%dma_start3A_165, %dma_start3A_166, %dma_start3A_167, %dma_start3A_168, %dma_start3A_169] : memref<2x4x1x8x128xf32, #tpu.memory_space<vmem>> -> memref<1x4x1x8x128xf32, #tpu.memory_space<vmem>>
    %dma_start3A_171 = tpu.memref_squeeze %dma_start3A_170 : memref<1x4x1x8x128xf32, #tpu.memory_space<vmem>> -> memref<4x1x8x128xf32, #tpu.memory_space<vmem>>
    %dma_start3A_172 = arith.constant 0 : i32
    %dma_start3A_173 = arith.constant 0 : i32
    %dma_start3A_174 = arith.constant 0 : i32
    %dma_start3A_175 = tpu.memref_slice %arg4[%select_n3A_148, %dma_start3A_172, %select_n3A_164, %dma_start3A_173, %dma_start3A_174] : memref<26x4x128x8x128xf32, #tpu.memory_space<hbm>> -> memref<1x4x1x8x128xf32, #tpu.memory_space<hbm>>
    %dma_start3A_176 = tpu.memref_squeeze %dma_start3A_175 : memref<1x4x1x8x128xf32, #tpu.memory_space<hbm>> -> memref<4x1x8x128xf32, #tpu.memory_space<hbm>>
    %dma_start3A_177 = arith.constant 0 : i32
    %dma_start3A_178 = arith.constant 0 : i32
    %dma_start3A_179 = arith.constant 0 : i32
    %dma_start3A_180 = tpu.memref_slice %arg4[%select_n3A_148, %dma_start3A_177, %select_n3A_164, %dma_start3A_178, %dma_start3A_179] : memref<26x4x128x8x128xf32, #tpu.memory_space<hbm>> -> memref<1x4x1x8x128xf32, #tpu.memory_space<hbm>>
    %dma_start3A_181 = tpu.memref_squeeze %dma_start3A_180 : memref<1x4x1x8x128xf32, #tpu.memory_space<hbm>> -> memref<4x1x8x128xf32, #tpu.memory_space<hbm>>
    %dma_start3A_182 = arith.constant 0 : i32
    %dma_start3A_183 = arith.constant 0 : i32
    %dma_start3A_184 = arith.constant 0 : i32
    %dma_start3A_185 = arith.constant 0 : i32
    %dma_start3A_186 = tpu.memref_slice %arg7[%dma_start3A_165, %dma_start3A_182, %dma_start3A_183, %dma_start3A_184, %dma_start3A_185] : memref<2x4x1x8x128xf32, #tpu.memory_space<vmem>> -> memref<1x4x1x8x128xf32, #tpu.memory_space<vmem>>
    %dma_start3A_187 = tpu.memref_squeeze %dma_start3A_186 : memref<1x4x1x8x128xf32, #tpu.memory_space<vmem>> -> memref<4x1x8x128xf32, #tpu.memory_space<vmem>>
    tpu.enqueue_dma source(%dma_start3A_187 : memref<4x1x8x128xf32, #tpu.memory_space<vmem>>) target(%dma_start3A_181 : memref<4x1x8x128xf32, #tpu.memory_space<hbm>>) target_semaphore(%arg11 : memref<!tpu.dma_semaphore, #tpu.memory_space<semaphore_mem>>)
    %dma_start3A_188 = arith.constant 3 : i32
    %dma_start3A_189 = arith.constant 1 : i32
    %dma_start3A_190 = arith.constant 0 : i32
    %dma_start3A_191 = arith.constant 0 : i32
    %dma_start3A_192 = tpu.memref_slice %arg6[%dma_start3A_189, %dma_start3A_190, %dma_start3A_191] : memref<2x128x32xf32, #tpu.memory_space<vmem>> -> memref<1x128x32xf32, #tpu.memory_space<vmem>>
    %dma_start3A_193 = tpu.memref_squeeze %dma_start3A_192 : memref<1x128x32xf32, #tpu.memory_space<vmem>> -> memref<128x32xf32, #tpu.memory_space<vmem>>
    %dma_start3A_194 = arith.constant 0 : i32
    %dma_start3A_195 = tpu.memref_slice %arg5[%dma_start3A_188, %dma_start3A_194] : memref<104x128xi32, #tpu.memory_space<vmem>> -> memref<1x128xi32, #tpu.memory_space<vmem>>
    %dma_start3A_196 = tpu.memref_squeeze %dma_start3A_195 : memref<1x128xi32, #tpu.memory_space<vmem>> -> memref<128xi32, #tpu.memory_space<vmem>>
    %dma_start3A_197 = arith.constant 0 : i32
    %dma_start3A_198 = arith.constant 0 : i32
    %dma_start3A_199 = tpu.memref_slice %arg3[%dma_start3A_197, %dma_start3A_198] : memref<1000000x32xf32, #tpu.memory_space<hbm>> -> memref<1000000x32xf32, #tpu.memory_space<hbm>>
    tpu.enqueue_indirect_dma source(%dma_start3A_199 : memref<1000000x32xf32, #tpu.memory_space<hbm>>) target(%dma_start3A_193 : memref<128x32xf32, #tpu.memory_space<vmem>>) offsets(%dma_start3A_196 : memref<128xi32, #tpu.memory_space<vmem>>) semaphore(%arg9 : memref<!tpu.dma_semaphore, #tpu.memory_space<semaphore_mem>>)
    %scan3A = arith.constant 0 : i32
    %scan3A_200 = arith.constant 1 : i32
    %scan3A_201 = arith.constant 50 : i32
    %scan3A_202 = arith.addi %scan3A_200, %scan3A_201 : i32
    %scan3A_203 = arith.constant 1 : i32
    scf.for %scan3A_627 = %scan3A_200 to %scan3A_202 step %scan3A_203  : i32 {
      %mul3A_628 = arith.constant 2 : i32
      %mul3A_629 = arith.muli %scan3A_627, %mul3A_628 : i32
      %add3A_630 = arith.constant 0 : i32
      %add3A_631 = arith.addi %mul3A_629, %add3A_630 : i32
      %dma_wait3A_632 = arith.constant 0 : i32
      %dma_wait3A_633 = arith.constant 0 : i32
      %dma_wait3A_634 = arith.constant 0 : i32
      %dma_wait3A_635 = tpu.memref_slice %arg6[%dma_wait3A_632, %dma_wait3A_633, %dma_wait3A_634] : memref<2x128x32xf32, #tpu.memory_space<vmem>> -> memref<1x128x32xf32, #tpu.memory_space<vmem>>
      %dma_wait3A_636 = tpu.memref_squeeze %dma_wait3A_635 : memref<1x128x32xf32, #tpu.memory_space<vmem>> -> memref<128x32xf32, #tpu.memory_space<vmem>>
      %dma_wait3A_637 = arith.constant 0 : i32
      %dma_wait3A_638 = tpu.memref_slice %arg5[%add3A_631, %dma_wait3A_637] : memref<104x128xi32, #tpu.memory_space<vmem>> -> memref<1x128xi32, #tpu.memory_space<vmem>>
      %dma_wait3A_639 = tpu.memref_squeeze %dma_wait3A_638 : memref<1x128xi32, #tpu.memory_space<vmem>> -> memref<128xi32, #tpu.memory_space<vmem>>
      %dma_wait3A_640 = arith.constant 0 : i32
      %dma_wait3A_641 = arith.constant 0 : i32
      %dma_wait3A_642 = tpu.memref_slice %arg3[%dma_wait3A_640, %dma_wait3A_641] : memref<1000000x32xf32, #tpu.memory_space<hbm>> -> memref<1000000x32xf32, #tpu.memory_space<hbm>>
      tpu.wait_indirect_dma semaphore(%arg8 : memref<!tpu.dma_semaphore, #tpu.memory_space<semaphore_mem>>) src(%dma_wait3A_642 : memref<1000000x32xf32, #tpu.memory_space<hbm>>) dst(%dma_wait3A_636 : memref<128x32xf32, #tpu.memory_space<vmem>>)
      %sub3A_643 = arith.constant 2 : i32
      %sub3A_644 = arith.subi %add3A_631, %sub3A_643 : i32
      %add3A_645 = arith.addi %mul3A_2, %sub3A_644 : i32
      %jit3A_646 = arith.constant 128 : i32
      %div3A_647 = arith.divsi %add3A_645, %jit3A_646 : i32
      %sign3A_648 = arith.constant 0 : i32
      %sign3A_649 = arith.cmpi sgt, %add3A_645, %sign3A_648 : i32
      %sign3A_650 = arith.extui %sign3A_649 : i1 to i32
      %sign3A_651 = arith.constant 0 : i32
      %sign3A_652 = arith.cmpi slt, %add3A_645, %sign3A_651 : i32
      %sign3A_653 = arith.extui %sign3A_652 : i1 to i32
      %sign3A_654 = arith.subi %sign3A_650, %sign3A_653 : i32
      %sign3A_655 = arith.constant 0 : i32
      %sign3A_656 = arith.cmpi sgt, %jit3A_646, %sign3A_655 : i32
      %sign3A_657 = arith.extui %sign3A_656 : i1 to i32
      %sign3A_658 = arith.constant 0 : i32
      %sign3A_659 = arith.cmpi slt, %jit3A_646, %sign3A_658 : i32
      %sign3A_660 = arith.extui %sign3A_659 : i1 to i32
      %sign3A_661 = arith.subi %sign3A_657, %sign3A_660 : i32
      %ne3A_662 = arith.cmpi ne, %sign3A_654, %sign3A_661 : i32
      %rem3A_663 = arith.remsi %add3A_645, %jit3A_646 : i32
      %ne3A_664 = arith.constant 0 : i32
      %ne3A_665 = arith.cmpi ne, %rem3A_663, %ne3A_664 : i32
      %and3A_666 = arith.andi %ne3A_662, %ne3A_665 : i1
      %sub3A_667 = arith.constant 1 : i32
      %sub3A_668 = arith.subi %div3A_647, %sub3A_667 : i32
      %select_n3A_669 = arith.select %and3A_666, %sub3A_668, %div3A_647 : i32
      %jit3A_670 = arith.constant 128 : i32
      %eq3A_671 = arith.constant 0 : i32
      %eq3A_672 = arith.cmpi eq, %jit3A_670, %eq3A_671 : i32
      %jit3A_673 = arith.constant 1 : i32
      %select_n3A_674 = arith.select %eq3A_672, %jit3A_673, %jit3A_670 : i32
      %rem3A_675 = arith.remsi %add3A_645, %select_n3A_674 : i32
      %ne3A_676 = arith.constant 0 : i32
      %ne3A_677 = arith.cmpi ne, %rem3A_675, %ne3A_676 : i32
      %lt3A_678 = arith.constant 0 : i32
      %lt3A_679 = arith.cmpi slt, %rem3A_675, %lt3A_678 : i32
      %lt3A_680 = arith.constant 0 : i32
      %lt3A_681 = arith.cmpi slt, %select_n3A_674, %lt3A_680 : i32
      %ne3A_682 = arith.xori %lt3A_679, %lt3A_681 : i1
      %and3A_683 = arith.andi %ne3A_682, %ne3A_677 : i1
      %add3A_684 = arith.addi %rem3A_675, %select_n3A_674 : i32
      %select_n3A_685 = arith.select %and3A_683, %add3A_684, %rem3A_675 : i32
      %dma_wait3A_686 = arith.constant 0 : i32
      %dma_wait3A_687 = arith.constant 0 : i32
      %dma_wait3A_688 = arith.constant 0 : i32
      %dma_wait3A_689 = arith.constant 0 : i32
      %dma_wait3A_690 = arith.constant 0 : i32
      %dma_wait3A_691 = tpu.memref_slice %arg7[%dma_wait3A_686, %dma_wait3A_687, %dma_wait3A_688, %dma_wait3A_689, %dma_wait3A_690] : memref<2x4x1x8x128xf32, #tpu.memory_space<vmem>> -> memref<1x4x1x8x128xf32, #tpu.memory_space<vmem>>
      %dma_wait3A_692 = tpu.memref_squeeze %dma_wait3A_691 : memref<1x4x1x8x128xf32, #tpu.memory_space<vmem>> -> memref<4x1x8x128xf32, #tpu.memory_space<vmem>>
      %dma_wait3A_693 = arith.constant 0 : i32
      %dma_wait3A_694 = arith.constant 0 : i32
      %dma_wait3A_695 = arith.constant 0 : i32
      %dma_wait3A_696 = tpu.memref_slice %arg4[%select_n3A_669, %dma_wait3A_693, %select_n3A_685, %dma_wait3A_694, %dma_wait3A_695] : memref<26x4x128x8x128xf32, #tpu.memory_space<hbm>> -> memref<1x4x1x8x128xf32, #tpu.memory_space<hbm>>
      %dma_wait3A_697 = tpu.memref_squeeze %dma_wait3A_696 : memref<1x4x1x8x128xf32, #tpu.memory_space<hbm>> -> memref<4x1x8x128xf32, #tpu.memory_space<hbm>>
      %dma_wait3A_698 = arith.constant 0 : i32
      %dma_wait3A_699 = arith.constant 0 : i32
      %dma_wait3A_700 = arith.constant 0 : i32
      %dma_wait3A_701 = tpu.memref_slice %arg4[%select_n3A_669, %dma_wait3A_698, %select_n3A_685, %dma_wait3A_699, %dma_wait3A_700] : memref<26x4x128x8x128xf32, #tpu.memory_space<hbm>> -> memref<1x4x1x8x128xf32, #tpu.memory_space<hbm>>
      %dma_wait3A_702 = tpu.memref_squeeze %dma_wait3A_701 : memref<1x4x1x8x128xf32, #tpu.memory_space<hbm>> -> memref<4x1x8x128xf32, #tpu.memory_space<hbm>>
      %dma_wait3A_703 = arith.constant 0 : i32
      %dma_wait3A_704 = arith.constant 0 : i32
      %dma_wait3A_705 = arith.constant 0 : i32
      %dma_wait3A_706 = arith.constant 0 : i32
      %dma_wait3A_707 = tpu.memref_slice %arg7[%dma_wait3A_686, %dma_wait3A_703, %dma_wait3A_704, %dma_wait3A_705, %dma_wait3A_706] : memref<2x4x1x8x128xf32, #tpu.memory_space<vmem>> -> memref<1x4x1x8x128xf32, #tpu.memory_space<vmem>>
      %dma_wait3A_708 = tpu.memref_squeeze %dma_wait3A_707 : memref<1x4x1x8x128xf32, #tpu.memory_space<vmem>> -> memref<4x1x8x128xf32, #tpu.memory_space<vmem>>
      tpu.wait_dma2 semaphore(%arg10 : memref<!tpu.dma_semaphore, #tpu.memory_space<semaphore_mem>>) src(%dma_wait3A_708 : memref<4x1x8x128xf32, #tpu.memory_space<vmem>>) dst(%dma_wait3A_702 : memref<4x1x8x128xf32, #tpu.memory_space<hbm>>)
      %parallel_loop3A_709 = arith.constant 0 : i32
      %parallel_loop3A_710 = arith.constant 256 : i32
      %parallel_loop3A_711 = arith.constant 1 : i32
      %parallel_loop3A_712 = arith.constant 0 : i32
      scf.for %parallel_loop3A_952 = %parallel_loop3A_709 to %parallel_loop3A_710 step %parallel_loop3A_711  : i32 {
        %parallel_loop3A_953 = arith.constant 8 : i32
        %parallel_loop3A_954 = arith.constant 0 : i32
        %parallel_loop3A_955 = arith.cmpi eq, %parallel_loop3A_953, %parallel_loop3A_954 : i32
        %parallel_loop3A_956 = arith.constant 1 : i32
        %parallel_loop3A_957 = arith.select %parallel_loop3A_955, %parallel_loop3A_956, %parallel_loop3A_953 : i32
        %parallel_loop3A_958 = arith.remsi %parallel_loop3A_952, %parallel_loop3A_957 : i32
        %parallel_loop3A_959 = arith.constant 0 : i32
        %parallel_loop3A_960 = arith.cmpi ne, %parallel_loop3A_958, %parallel_loop3A_959 : i32
        %parallel_loop3A_961 = arith.constant 0 : i32
        %parallel_loop3A_962 = arith.cmpi slt, %parallel_loop3A_958, %parallel_loop3A_961 : i32
        %parallel_loop3A_963 = arith.constant 0 : i32
        %parallel_loop3A_964 = arith.cmpi slt, %parallel_loop3A_957, %parallel_loop3A_963 : i32
        %parallel_loop3A_965 = arith.xori %parallel_loop3A_962, %parallel_loop3A_964 : i1
        %parallel_loop3A_966 = arith.andi %parallel_loop3A_965, %parallel_loop3A_960 : i1
        %parallel_loop3A_967 = arith.addi %parallel_loop3A_958, %parallel_loop3A_957 : i32
        %parallel_loop3A_968 = arith.select %parallel_loop3A_966, %parallel_loop3A_967, %parallel_loop3A_958 : i32
        %parallel_loop3A_969 = arith.constant 8 : i32
        %parallel_loop3A_970 = arith.divsi %parallel_loop3A_952, %parallel_loop3A_969 : i32
        %parallel_loop3A_971 = arith.constant 0 : i32
        %parallel_loop3A_972 = arith.cmpi sgt, %parallel_loop3A_952, %parallel_loop3A_971 : i32
        %parallel_loop3A_973 = arith.extui %parallel_loop3A_972 : i1 to i32
        %parallel_loop3A_974 = arith.constant 0 : i32
        %parallel_loop3A_975 = arith.cmpi slt, %parallel_loop3A_952, %parallel_loop3A_974 : i32
        %parallel_loop3A_976 = arith.extui %parallel_loop3A_975 : i1 to i32
        %parallel_loop3A_977 = arith.subi %parallel_loop3A_973, %parallel_loop3A_976 : i32
        %parallel_loop3A_978 = arith.constant 0 : i32
        %parallel_loop3A_979 = arith.cmpi sgt, %parallel_loop3A_969, %parallel_loop3A_978 : i32
        %parallel_loop3A_980 = arith.extui %parallel_loop3A_979 : i1 to i32
        %parallel_loop3A_981 = arith.constant 0 : i32
        %parallel_loop3A_982 = arith.cmpi slt, %parallel_loop3A_969, %parallel_loop3A_981 : i32
        %parallel_loop3A_983 = arith.extui %parallel_loop3A_982 : i1 to i32
        %parallel_loop3A_984 = arith.subi %parallel_loop3A_980, %parallel_loop3A_983 : i32
        %parallel_loop3A_985 = arith.cmpi ne, %parallel_loop3A_977, %parallel_loop3A_984 : i32
        %parallel_loop3A_986 = arith.remsi %parallel_loop3A_952, %parallel_loop3A_969 : i32
        %parallel_loop3A_987 = arith.constant 0 : i32
        %parallel_loop3A_988 = arith.cmpi ne, %parallel_loop3A_986, %parallel_loop3A_987 : i32
        %parallel_loop3A_989 = arith.andi %parallel_loop3A_985, %parallel_loop3A_988 : i1
        %parallel_loop3A_990 = arith.constant 1 : i32
        %parallel_loop3A_991 = arith.subi %parallel_loop3A_970, %parallel_loop3A_990 : i32
        %parallel_loop3A_992 = arith.select %parallel_loop3A_989, %parallel_loop3A_991, %parallel_loop3A_970 : i32
        %parallel_loop3A_993 = tpu.iota {dimensions = array<i32: 0>} : vector<16xi32>
        %parallel_loop3A_994 = arith.constant 16 : i32
        %parallel_loop3A_995 = arith.muli %parallel_loop3A_968, %parallel_loop3A_994 : i32
        %parallel_loop3A_996 = vector.broadcast %parallel_loop3A_995 : i32 to vector<16xi32>
        %parallel_loop3A_997 = arith.addi %parallel_loop3A_993, %parallel_loop3A_996 : vector<16xi32>
        %parallel_loop3A_998 = arith.constant 0 : i32
        %parallel_loop3A_999 = vector.broadcast %parallel_loop3A_998 : i32 to vector<16xi32>
        %parallel_loop3A_1000 = vector.broadcast %parallel_loop3A_992 : i32 to vector<16xi32>
        %parallel_loop3A_1001 = arith.addi %parallel_loop3A_999, %parallel_loop3A_1000 : vector<16xi32>
        %parallel_loop3A_1002 = arith.constant 0 : i32
        %parallel_loop3A_1003 = arith.constant 0 : i32
        %parallel_loop3A_1004 = tpu.memref_slice %arg6[%parallel_loop3A_712, %parallel_loop3A_1002, %parallel_loop3A_1003] : memref<2x128x32xf32, #tpu.memory_space<vmem>> -> memref<1x128x32xf32, #tpu.memory_space<vmem>>
        %parallel_loop3A_1005 = tpu.memref_squeeze %parallel_loop3A_1004 : memref<1x128x32xf32, #tpu.memory_space<vmem>> -> memref<128x32xf32, #tpu.memory_space<vmem>>
        %parallel_loop3A_1006 = tpu.vector_load_idx %parallel_loop3A_1005[%parallel_loop3A_997, %parallel_loop3A_1001] : memref<128x32xf32, #tpu.memory_space<vmem>>[vector<16xi32>, vector<16xi32>], vector<16xf32>,
        %parallel_loop3A_1007 = arith.constant 8 : i32
        %parallel_loop3A_1008 = arith.divsi %parallel_loop3A_992, %parallel_loop3A_1007 : i32
        %parallel_loop3A_1009 = arith.constant 0 : i32
        %parallel_loop3A_1010 = arith.cmpi sgt, %parallel_loop3A_992, %parallel_loop3A_1009 : i32
        %parallel_loop3A_1011 = arith.extui %parallel_loop3A_1010 : i1 to i32
        %parallel_loop3A_1012 = arith.constant 0 : i32
        %parallel_loop3A_1013 = arith.cmpi slt, %parallel_loop3A_992, %parallel_loop3A_1012 : i32
        %parallel_loop3A_1014 = arith.extui %parallel_loop3A_1013 : i1 to i32
        %parallel_loop3A_1015 = arith.subi %parallel_loop3A_1011, %parallel_loop3A_1014 : i32
        %parallel_loop3A_1016 = arith.constant 0 : i32
        %parallel_loop3A_1017 = arith.cmpi sgt, %parallel_loop3A_1007, %parallel_loop3A_1016 : i32
        %parallel_loop3A_1018 = arith.extui %parallel_loop3A_1017 : i1 to i32
        %parallel_loop3A_1019 = arith.constant 0 : i32
        %parallel_loop3A_1020 = arith.cmpi slt, %parallel_loop3A_1007, %parallel_loop3A_1019 : i32
        %parallel_loop3A_1021 = arith.extui %parallel_loop3A_1020 : i1 to i32
        %parallel_loop3A_1022 = arith.subi %parallel_loop3A_1018, %parallel_loop3A_1021 : i32
        %parallel_loop3A_1023 = arith.cmpi ne, %parallel_loop3A_1015, %parallel_loop3A_1022 : i32
        %parallel_loop3A_1024 = arith.remsi %parallel_loop3A_992, %parallel_loop3A_1007 : i32
        %parallel_loop3A_1025 = arith.constant 0 : i32
        %parallel_loop3A_1026 = arith.cmpi ne, %parallel_loop3A_1024, %parallel_loop3A_1025 : i32
        %parallel_loop3A_1027 = arith.andi %parallel_loop3A_1023, %parallel_loop3A_1026 : i1
        %parallel_loop3A_1028 = arith.constant 1 : i32
        %parallel_loop3A_1029 = arith.subi %parallel_loop3A_1008, %parallel_loop3A_1028 : i32
        %parallel_loop3A_1030 = arith.select %parallel_loop3A_1027, %parallel_loop3A_1029, %parallel_loop3A_1008 : i32
        %parallel_loop3A_1031 = arith.constant 8 : i32
        %parallel_loop3A_1032 = arith.constant 0 : i32
        %parallel_loop3A_1033 = arith.cmpi eq, %parallel_loop3A_1031, %parallel_loop3A_1032 : i32
        %parallel_loop3A_1034 = arith.constant 1 : i32
        %parallel_loop3A_1035 = arith.select %parallel_loop3A_1033, %parallel_loop3A_1034, %parallel_loop3A_1031 : i32
        %parallel_loop3A_1036 = arith.remsi %parallel_loop3A_992, %parallel_loop3A_1035 : i32
        %parallel_loop3A_1037 = arith.constant 0 : i32
        %parallel_loop3A_1038 = arith.cmpi ne, %parallel_loop3A_1036, %parallel_loop3A_1037 : i32
        %parallel_loop3A_1039 = arith.constant 0 : i32
        %parallel_loop3A_1040 = arith.cmpi slt, %parallel_loop3A_1036, %parallel_loop3A_1039 : i32
        %parallel_loop3A_1041 = arith.constant 0 : i32
        %parallel_loop3A_1042 = arith.cmpi slt, %parallel_loop3A_1035, %parallel_loop3A_1041 : i32
        %parallel_loop3A_1043 = arith.xori %parallel_loop3A_1040, %parallel_loop3A_1042 : i1
        %parallel_loop3A_1044 = arith.andi %parallel_loop3A_1043, %parallel_loop3A_1038 : i1
        %parallel_loop3A_1045 = arith.addi %parallel_loop3A_1036, %parallel_loop3A_1035 : i32
        %parallel_loop3A_1046 = arith.select %parallel_loop3A_1044, %parallel_loop3A_1045, %parallel_loop3A_1036 : i32
        %parallel_loop3A_1047 = arith.constant 16 : i32
        %parallel_loop3A_1048 = arith.muli %parallel_loop3A_968, %parallel_loop3A_1047 : i32
        %parallel_loop3A_1049 = arith.constant 0 : i32
        %parallel_loop3A_1050 = arith.constant 0 : i32
        %parallel_loop3A_1051 = arith.index_cast %parallel_loop3A_1049 : i32 to index
        %parallel_loop3A_1052 = arith.index_cast %parallel_loop3A_1030 : i32 to index
        %parallel_loop3A_1053 = arith.index_cast %parallel_loop3A_1050 : i32 to index
        %parallel_loop3A_1054 = arith.index_cast %parallel_loop3A_1046 : i32 to index
        %parallel_loop3A_1055 = arith.index_cast %parallel_loop3A_1048 : i32 to index
        %parallel_loop3A_1056 = tpu.vector_load %arg7[%parallel_loop3A_1051, %parallel_loop3A_1052, %parallel_loop3A_1053, %parallel_loop3A_1054, %parallel_loop3A_1055] {strides = array<i32>} : memref<2x4x1x8x128xf32, #tpu.memory_space<vmem>>, vector<16xf32>,
        tpu.vector_store %arg7[%parallel_loop3A_1051, %parallel_loop3A_1052, %parallel_loop3A_1053, %parallel_loop3A_1054, %parallel_loop3A_1055], %parallel_loop3A_1006 {strides = array<i32>} : memref<2x4x1x8x128xf32, #tpu.memory_space<vmem>>, vector<16xf32>,
      } {sc.loop_unroll_factor = 32 : i64, sc.parallel_access}
      %add3A_713 = arith.addi %mul3A_2, %add3A_631 : i32
      %jit3A_714 = arith.constant 128 : i32
      %div3A_715 = arith.divsi %add3A_713, %jit3A_714 : i32
      %sign3A_716 = arith.constant 0 : i32
      %sign3A_717 = arith.cmpi sgt, %add3A_713, %sign3A_716 : i32
      %sign3A_718 = arith.extui %sign3A_717 : i1 to i32
      %sign3A_719 = arith.constant 0 : i32
      %sign3A_720 = arith.cmpi slt, %add3A_713, %sign3A_719 : i32
      %sign3A_721 = arith.extui %sign3A_720 : i1 to i32
      %sign3A_722 = arith.subi %sign3A_718, %sign3A_721 : i32
      %sign3A_723 = arith.constant 0 : i32
      %sign3A_724 = arith.cmpi sgt, %jit3A_714, %sign3A_723 : i32
      %sign3A_725 = arith.extui %sign3A_724 : i1 to i32
      %sign3A_726 = arith.constant 0 : i32
      %sign3A_727 = arith.cmpi slt, %jit3A_714, %sign3A_726 : i32
      %sign3A_728 = arith.extui %sign3A_727 : i1 to i32
      %sign3A_729 = arith.subi %sign3A_725, %sign3A_728 : i32
      %ne3A_730 = arith.cmpi ne, %sign3A_722, %sign3A_729 : i32
      %rem3A_731 = arith.remsi %add3A_713, %jit3A_714 : i32
      %ne3A_732 = arith.constant 0 : i32
      %ne3A_733 = arith.cmpi ne, %rem3A_731, %ne3A_732 : i32
      %and3A_734 = arith.andi %ne3A_730, %ne3A_733 : i1
      %sub3A_735 = arith.constant 1 : i32
      %sub3A_736 = arith.subi %div3A_715, %sub3A_735 : i32
      %select_n3A_737 = arith.select %and3A_734, %sub3A_736, %div3A_715 : i32
      %jit3A_738 = arith.constant 128 : i32
      %eq3A_739 = arith.constant 0 : i32
      %eq3A_740 = arith.cmpi eq, %jit3A_738, %eq3A_739 : i32
      %jit3A_741 = arith.constant 1 : i32
      %select_n3A_742 = arith.select %eq3A_740, %jit3A_741, %jit3A_738 : i32
      %rem3A_743 = arith.remsi %add3A_713, %select_n3A_742 : i32
      %ne3A_744 = arith.constant 0 : i32
      %ne3A_745 = arith.cmpi ne, %rem3A_743, %ne3A_744 : i32
      %lt3A_746 = arith.constant 0 : i32
      %lt3A_747 = arith.cmpi slt, %rem3A_743, %lt3A_746 : i32
      %lt3A_748 = arith.constant 0 : i32
      %lt3A_749 = arith.cmpi slt, %select_n3A_742, %lt3A_748 : i32
      %ne3A_750 = arith.xori %lt3A_747, %lt3A_749 : i1
      %and3A_751 = arith.andi %ne3A_750, %ne3A_745 : i1
      %add3A_752 = arith.addi %rem3A_743, %select_n3A_742 : i32
      %select_n3A_753 = arith.select %and3A_751, %add3A_752, %rem3A_743 : i32
      %dma_start3A_754 = arith.constant 0 : i32
      %dma_start3A_755 = arith.constant 0 : i32
      %dma_start3A_756 = arith.constant 0 : i32
      %dma_start3A_757 = arith.constant 0 : i32
      %dma_start3A_758 = arith.constant 0 : i32
      %dma_start3A_759 = tpu.memref_slice %arg7[%dma_start3A_754, %dma_start3A_755, %dma_start3A_756, %dma_start3A_757, %dma_start3A_758] : memref<2x4x1x8x128xf32, #tpu.memory_space<vmem>> -> memref<1x4x1x8x128xf32, #tpu.memory_space<vmem>>
      %dma_start3A_760 = tpu.memref_squeeze %dma_start3A_759 : memref<1x4x1x8x128xf32, #tpu.memory_space<vmem>> -> memref<4x1x8x128xf32, #tpu.memory_space<vmem>>
      %dma_start3A_761 = arith.constant 0 : i32
      %dma_start3A_762 = arith.constant 0 : i32
      %dma_start3A_763 = arith.constant 0 : i32
      %dma_start3A_764 = tpu.memref_slice %arg4[%select_n3A_737, %dma_start3A_761, %select_n3A_753, %dma_start3A_762, %dma_start3A_763] : memref<26x4x128x8x128xf32, #tpu.memory_space<hbm>> -> memref<1x4x1x8x128xf32, #tpu.memory_space<hbm>>
      %dma_start3A_765 = tpu.memref_squeeze %dma_start3A_764 : memref<1x4x1x8x128xf32, #tpu.memory_space<hbm>> -> memref<4x1x8x128xf32, #tpu.memory_space<hbm>>
      %dma_start3A_766 = arith.constant 0 : i32
      %dma_start3A_767 = arith.constant 0 : i32
      %dma_start3A_768 = arith.constant 0 : i32
      %dma_start3A_769 = tpu.memref_slice %arg4[%select_n3A_737, %dma_start3A_766, %select_n3A_753, %dma_start3A_767, %dma_start3A_768] : memref<26x4x128x8x128xf32, #tpu.memory_space<hbm>> -> memref<1x4x1x8x128xf32, #tpu.memory_space<hbm>>
      %dma_start3A_770 = tpu.memref_squeeze %dma_start3A_769 : memref<1x4x1x8x128xf32, #tpu.memory_space<hbm>> -> memref<4x1x8x128xf32, #tpu.memory_space<hbm>>
      %dma_start3A_771 = arith.constant 0 : i32
      %dma_start3A_772 = arith.constant 0 : i32
      %dma_start3A_773 = arith.constant 0 : i32
      %dma_start3A_774 = arith.constant 0 : i32
      %dma_start3A_775 = tpu.memref_slice %arg7[%dma_start3A_754, %dma_start3A_771, %dma_start3A_772, %dma_start3A_773, %dma_start3A_774] : memref<2x4x1x8x128xf32, #tpu.memory_space<vmem>> -> memref<1x4x1x8x128xf32, #tpu.memory_space<vmem>>
      %dma_start3A_776 = tpu.memref_squeeze %dma_start3A_775 : memref<1x4x1x8x128xf32, #tpu.memory_space<vmem>> -> memref<4x1x8x128xf32, #tpu.memory_space<vmem>>
      tpu.enqueue_dma source(%dma_start3A_776 : memref<4x1x8x128xf32, #tpu.memory_space<vmem>>) target(%dma_start3A_770 : memref<4x1x8x128xf32, #tpu.memory_space<hbm>>) target_semaphore(%arg10 : memref<!tpu.dma_semaphore, #tpu.memory_space<semaphore_mem>>)
      %add3A_777 = arith.constant 2 : i32
      %add3A_778 = arith.addi %add3A_631, %add3A_777 : i32
      %dma_start3A_779 = arith.constant 0 : i32
      %dma_start3A_780 = arith.constant 0 : i32
      %dma_start3A_781 = arith.constant 0 : i32
      %dma_start3A_782 = tpu.memref_slice %arg6[%dma_start3A_779, %dma_start3A_780, %dma_start3A_781] : memref<2x128x32xf32, #tpu.memory_space<vmem>> -> memref<1x128x32xf32, #tpu.memory_space<vmem>>
      %dma_start3A_783 = tpu.memref_squeeze %dma_start3A_782 : memref<1x128x32xf32, #tpu.memory_space<vmem>> -> memref<128x32xf32, #tpu.memory_space<vmem>>
      %dma_start3A_784 = arith.constant 0 : i32
      %dma_start3A_785 = tpu.memref_slice %arg5[%add3A_778, %dma_start3A_784] : memref<104x128xi32, #tpu.memory_space<vmem>> -> memref<1x128xi32, #tpu.memory_space<vmem>>
      %dma_start3A_786 = tpu.memref_squeeze %dma_start3A_785 : memref<1x128xi32, #tpu.memory_space<vmem>> -> memref<128xi32, #tpu.memory_space<vmem>>
      %dma_start3A_787 = arith.constant 0 : i32
      %dma_start3A_788 = arith.constant 0 : i32
      %dma_start3A_789 = tpu.memref_slice %arg3[%dma_start3A_787, %dma_start3A_788] : memref<1000000x32xf32, #tpu.memory_space<hbm>> -> memref<1000000x32xf32, #tpu.memory_space<hbm>>
      tpu.enqueue_indirect_dma source(%dma_start3A_789 : memref<1000000x32xf32, #tpu.memory_space<hbm>>) target(%dma_start3A_783 : memref<128x32xf32, #tpu.memory_space<vmem>>) offsets(%dma_start3A_786 : memref<128xi32, #tpu.memory_space<vmem>>) semaphore(%arg8 : memref<!tpu.dma_semaphore, #tpu.memory_space<semaphore_mem>>)
      %mul3A_790 = arith.constant 2 : i32
      %mul3A_791 = arith.muli %scan3A_627, %mul3A_790 : i32
      %add3A_792 = arith.constant 1 : i32
      %add3A_793 = arith.addi %mul3A_791, %add3A_792 : i32
      %dma_wait3A_794 = arith.constant 1 : i32
      %dma_wait3A_795 = arith.constant 0 : i32
      %dma_wait3A_796 = arith.constant 0 : i32
      %dma_wait3A_797 = tpu.memref_slice %arg6[%dma_wait3A_794, %dma_wait3A_795, %dma_wait3A_796] : memref<2x128x32xf32, #tpu.memory_space<vmem>> -> memref<1x128x32xf32, #tpu.memory_space<vmem>>
      %dma_wait3A_798 = tpu.memref_squeeze %dma_wait3A_797 : memref<1x128x32xf32, #tpu.memory_space<vmem>> -> memref<128x32xf32, #tpu.memory_space<vmem>>
      %dma_wait3A_799 = arith.constant 0 : i32
      %dma_wait3A_800 = tpu.memref_slice %arg5[%add3A_793, %dma_wait3A_799] : memref<104x128xi32, #tpu.memory_space<vmem>> -> memref<1x128xi32, #tpu.memory_space<vmem>>
      %dma_wait3A_801 = tpu.memref_squeeze %dma_wait3A_800 : memref<1x128xi32, #tpu.memory_space<vmem>> -> memref<128xi32, #tpu.memory_space<vmem>>
      %dma_wait3A_802 = arith.constant 0 : i32
      %dma_wait3A_803 = arith.constant 0 : i32
      %dma_wait3A_804 = tpu.memref_slice %arg3[%dma_wait3A_802, %dma_wait3A_803] : memref<1000000x32xf32, #tpu.memory_space<hbm>> -> memref<1000000x32xf32, #tpu.memory_space<hbm>>
      tpu.wait_indirect_dma semaphore(%arg9 : memref<!tpu.dma_semaphore, #tpu.memory_space<semaphore_mem>>) src(%dma_wait3A_804 : memref<1000000x32xf32, #tpu.memory_space<hbm>>) dst(%dma_wait3A_798 : memref<128x32xf32, #tpu.memory_space<vmem>>)
      %sub3A_805 = arith.constant 2 : i32
      %sub3A_806 = arith.subi %add3A_793, %sub3A_805 : i32
      %add3A_807 = arith.addi %mul3A_2, %sub3A_806 : i32
      %jit3A_808 = arith.constant 128 : i32
      %div3A_809 = arith.divsi %add3A_807, %jit3A_808 : i32
      %sign3A_810 = arith.constant 0 : i32
      %sign3A_811 = arith.cmpi sgt, %add3A_807, %sign3A_810 : i32
      %sign3A_812 = arith.extui %sign3A_811 : i1 to i32
      %sign3A_813 = arith.constant 0 : i32
      %sign3A_814 = arith.cmpi slt, %add3A_807, %sign3A_813 : i32
      %sign3A_815 = arith.extui %sign3A_814 : i1 to i32
      %sign3A_816 = arith.subi %sign3A_812, %sign3A_815 : i32
      %sign3A_817 = arith.constant 0 : i32
      %sign3A_818 = arith.cmpi sgt, %jit3A_808, %sign3A_817 : i32
      %sign3A_819 = arith.extui %sign3A_818 : i1 to i32
      %sign3A_820 = arith.constant 0 : i32
      %sign3A_821 = arith.cmpi slt, %jit3A_808, %sign3A_820 : i32
      %sign3A_822 = arith.extui %sign3A_821 : i1 to i32
      %sign3A_823 = arith.subi %sign3A_819, %sign3A_822 : i32
      %ne3A_824 = arith.cmpi ne, %sign3A_816, %sign3A_823 : i32
      %rem3A_825 = arith.remsi %add3A_807, %jit3A_808 : i32
      %ne3A_826 = arith.constant 0 : i32
      %ne3A_827 = arith.cmpi ne, %rem3A_825, %ne3A_826 : i32
      %and3A_828 = arith.andi %ne3A_824, %ne3A_827 : i1
      %sub3A_829 = arith.constant 1 : i32
      %sub3A_830 = arith.subi %div3A_809, %sub3A_829 : i32
      %select_n3A_831 = arith.select %and3A_828, %sub3A_830, %div3A_809 : i32
      %jit3A_832 = arith.constant 128 : i32
      %eq3A_833 = arith.constant 0 : i32
      %eq3A_834 = arith.cmpi eq, %jit3A_832, %eq3A_833 : i32
      %jit3A_835 = arith.constant 1 : i32
      %select_n3A_836 = arith.select %eq3A_834, %jit3A_835, %jit3A_832 : i32
      %rem3A_837 = arith.remsi %add3A_807, %select_n3A_836 : i32
      %ne3A_838 = arith.constant 0 : i32
      %ne3A_839 = arith.cmpi ne, %rem3A_837, %ne3A_838 : i32
      %lt3A_840 = arith.constant 0 : i32
      %lt3A_841 = arith.cmpi slt, %rem3A_837, %lt3A_840 : i32
      %lt3A_842 = arith.constant 0 : i32
      %lt3A_843 = arith.cmpi slt, %select_n3A_836, %lt3A_842 : i32
      %ne3A_844 = arith.xori %lt3A_841, %lt3A_843 : i1
      %and3A_845 = arith.andi %ne3A_844, %ne3A_839 : i1
      %add3A_846 = arith.addi %rem3A_837, %select_n3A_836 : i32
      %select_n3A_847 = arith.select %and3A_845, %add3A_846, %rem3A_837 : i32
      %dma_wait3A_848 = arith.constant 1 : i32
      %dma_wait3A_849 = arith.constant 0 : i32
      %dma_wait3A_850 = arith.constant 0 : i32
      %dma_wait3A_851 = arith.constant 0 : i32
      %dma_wait3A_852 = arith.constant 0 : i32
      %dma_wait3A_853 = tpu.memref_slice %arg7[%dma_wait3A_848, %dma_wait3A_849, %dma_wait3A_850, %dma_wait3A_851, %dma_wait3A_852] : memref<2x4x1x8x128xf32, #tpu.memory_space<vmem>> -> memref<1x4x1x8x128xf32, #tpu.memory_space<vmem>>
      %dma_wait3A_854 = tpu.memref_squeeze %dma_wait3A_853 : memref<1x4x1x8x128xf32, #tpu.memory_space<vmem>> -> memref<4x1x8x128xf32, #tpu.memory_space<vmem>>
      %dma_wait3A_855 = arith.constant 0 : i32
      %dma_wait3A_856 = arith.constant 0 : i32
      %dma_wait3A_857 = arith.constant 0 : i32
      %dma_wait3A_858 = tpu.memref_slice %arg4[%select_n3A_831, %dma_wait3A_855, %select_n3A_847, %dma_wait3A_856, %dma_wait3A_857] : memref<26x4x128x8x128xf32, #tpu.memory_space<hbm>> -> memref<1x4x1x8x128xf32, #tpu.memory_space<hbm>>
      %dma_wait3A_859 = tpu.memref_squeeze %dma_wait3A_858 : memref<1x4x1x8x128xf32, #tpu.memory_space<hbm>> -> memref<4x1x8x128xf32, #tpu.memory_space<hbm>>
      %dma_wait3A_860 = arith.constant 0 : i32
      %dma_wait3A_861 = arith.constant 0 : i32
      %dma_wait3A_862 = arith.constant 0 : i32
      %dma_wait3A_863 = tpu.memref_slice %arg4[%select_n3A_831, %dma_wait3A_860, %select_n3A_847, %dma_wait3A_861, %dma_wait3A_862] : memref<26x4x128x8x128xf32, #tpu.memory_space<hbm>> -> memref<1x4x1x8x128xf32, #tpu.memory_space<hbm>>
      %dma_wait3A_864 = tpu.memref_squeeze %dma_wait3A_863 : memref<1x4x1x8x128xf32, #tpu.memory_space<hbm>> -> memref<4x1x8x128xf32, #tpu.memory_space<hbm>>
      %dma_wait3A_865 = arith.constant 0 : i32
      %dma_wait3A_866 = arith.constant 0 : i32
      %dma_wait3A_867 = arith.constant 0 : i32
      %dma_wait3A_868 = arith.constant 0 : i32
      %dma_wait3A_869 = tpu.memref_slice %arg7[%dma_wait3A_848, %dma_wait3A_865, %dma_wait3A_866, %dma_wait3A_867, %dma_wait3A_868] : memref<2x4x1x8x128xf32, #tpu.memory_space<vmem>> -> memref<1x4x1x8x128xf32, #tpu.memory_space<vmem>>
      %dma_wait3A_870 = tpu.memref_squeeze %dma_wait3A_869 : memref<1x4x1x8x128xf32, #tpu.memory_space<vmem>> -> memref<4x1x8x128xf32, #tpu.memory_space<vmem>>
      tpu.wait_dma2 semaphore(%arg11 : memref<!tpu.dma_semaphore, #tpu.memory_space<semaphore_mem>>) src(%dma_wait3A_870 : memref<4x1x8x128xf32, #tpu.memory_space<vmem>>) dst(%dma_wait3A_864 : memref<4x1x8x128xf32, #tpu.memory_space<hbm>>)
      %parallel_loop3A_871 = arith.constant 0 : i32
      %parallel_loop3A_872 = arith.constant 256 : i32
      %parallel_loop3A_873 = arith.constant 1 : i32
      %parallel_loop3A_874 = arith.constant 1 : i32
      scf.for %parallel_loop3A_952 = %parallel_loop3A_871 to %parallel_loop3A_872 step %parallel_loop3A_873  : i32 {
        %parallel_loop3A_953 = arith.constant 8 : i32
        %parallel_loop3A_954 = arith.constant 0 : i32
        %parallel_loop3A_955 = arith.cmpi eq, %parallel_loop3A_953, %parallel_loop3A_954 : i32
        %parallel_loop3A_956 = arith.constant 1 : i32
        %parallel_loop3A_957 = arith.select %parallel_loop3A_955, %parallel_loop3A_956, %parallel_loop3A_953 : i32
        %parallel_loop3A_958 = arith.remsi %parallel_loop3A_952, %parallel_loop3A_957 : i32
        %parallel_loop3A_959 = arith.constant 0 : i32
        %parallel_loop3A_960 = arith.cmpi ne, %parallel_loop3A_958, %parallel_loop3A_959 : i32
        %parallel_loop3A_961 = arith.constant 0 : i32
        %parallel_loop3A_962 = arith.cmpi slt, %parallel_loop3A_958, %parallel_loop3A_961 : i32
        %parallel_loop3A_963 = arith.constant 0 : i32
        %parallel_loop3A_964 = arith.cmpi slt, %parallel_loop3A_957, %parallel_loop3A_963 : i32
        %parallel_loop3A_965 = arith.xori %parallel_loop3A_962, %parallel_loop3A_964 : i1
        %parallel_loop3A_966 = arith.andi %parallel_loop3A_965, %parallel_loop3A_960 : i1
        %parallel_loop3A_967 = arith.addi %parallel_loop3A_958, %parallel_loop3A_957 : i32
        %parallel_loop3A_968 = arith.select %parallel_loop3A_966, %parallel_loop3A_967, %parallel_loop3A_958 : i32
        %parallel_loop3A_969 = arith.constant 8 : i32
        %parallel_loop3A_970 = arith.divsi %parallel_loop3A_952, %parallel_loop3A_969 : i32
        %parallel_loop3A_971 = arith.constant 0 : i32
        %parallel_loop3A_972 = arith.cmpi sgt, %parallel_loop3A_952, %parallel_loop3A_971 : i32
        %parallel_loop3A_973 = arith.extui %parallel_loop3A_972 : i1 to i32
        %parallel_loop3A_974 = arith.constant 0 : i32
        %parallel_loop3A_975 = arith.cmpi slt, %parallel_loop3A_952, %parallel_loop3A_974 : i32
        %parallel_loop3A_976 = arith.extui %parallel_loop3A_975 : i1 to i32
        %parallel_loop3A_977 = arith.subi %parallel_loop3A_973, %parallel_loop3A_976 : i32
        %parallel_loop3A_978 = arith.constant 0 : i32
        %parallel_loop3A_979 = arith.cmpi sgt, %parallel_loop3A_969, %parallel_loop3A_978 : i32
        %parallel_loop3A_980 = arith.extui %parallel_loop3A_979 : i1 to i32
        %parallel_loop3A_981 = arith.constant 0 : i32
        %parallel_loop3A_982 = arith.cmpi slt, %parallel_loop3A_969, %parallel_loop3A_981 : i32
        %parallel_loop3A_983 = arith.extui %parallel_loop3A_982 : i1 to i32
        %parallel_loop3A_984 = arith.subi %parallel_loop3A_980, %parallel_loop3A_983 : i32
        %parallel_loop3A_985 = arith.cmpi ne, %parallel_loop3A_977, %parallel_loop3A_984 : i32
        %parallel_loop3A_986 = arith.remsi %parallel_loop3A_952, %parallel_loop3A_969 : i32
        %parallel_loop3A_987 = arith.constant 0 : i32
        %parallel_loop3A_988 = arith.cmpi ne, %parallel_loop3A_986, %parallel_loop3A_987 : i32
        %parallel_loop3A_989 = arith.andi %parallel_loop3A_985, %parallel_loop3A_988 : i1
        %parallel_loop3A_990 = arith.constant 1 : i32
        %parallel_loop3A_991 = arith.subi %parallel_loop3A_970, %parallel_loop3A_990 : i32
        %parallel_loop3A_992 = arith.select %parallel_loop3A_989, %parallel_loop3A_991, %parallel_loop3A_970 : i32
        %parallel_loop3A_993 = tpu.iota {dimensions = array<i32: 0>} : vector<16xi32>
        %parallel_loop3A_994 = arith.constant 16 : i32
        %parallel_loop3A_995 = arith.muli %parallel_loop3A_968, %parallel_loop3A_994 : i32
        %parallel_loop3A_996 = vector.broadcast %parallel_loop3A_995 : i32 to vector<16xi32>
        %parallel_loop3A_997 = arith.addi %parallel_loop3A_993, %parallel_loop3A_996 : vector<16xi32>
        %parallel_loop3A_998 = arith.constant 0 : i32
        %parallel_loop3A_999 = vector.broadcast %parallel_loop3A_998 : i32 to vector<16xi32>
        %parallel_loop3A_1000 = vector.broadcast %parallel_loop3A_992 : i32 to vector<16xi32>
        %parallel_loop3A_1001 = arith.addi %parallel_loop3A_999, %parallel_loop3A_1000 : vector<16xi32>
        %parallel_loop3A_1002 = arith.constant 0 : i32
        %parallel_loop3A_1003 = arith.constant 0 : i32
        %parallel_loop3A_1004 = tpu.memref_slice %arg6[%parallel_loop3A_874, %parallel_loop3A_1002, %parallel_loop3A_1003] : memref<2x128x32xf32, #tpu.memory_space<vmem>> -> memref<1x128x32xf32, #tpu.memory_space<vmem>>
        %parallel_loop3A_1005 = tpu.memref_squeeze %parallel_loop3A_1004 : memref<1x128x32xf32, #tpu.memory_space<vmem>> -> memref<128x32xf32, #tpu.memory_space<vmem>>
        %parallel_loop3A_1006 = tpu.vector_load_idx %parallel_loop3A_1005[%parallel_loop3A_997, %parallel_loop3A_1001] : memref<128x32xf32, #tpu.memory_space<vmem>>[vector<16xi32>, vector<16xi32>], vector<16xf32>,
        %parallel_loop3A_1007 = arith.constant 8 : i32
        %parallel_loop3A_1008 = arith.divsi %parallel_loop3A_992, %parallel_loop3A_1007 : i32
        %parallel_loop3A_1009 = arith.constant 0 : i32
        %parallel_loop3A_1010 = arith.cmpi sgt, %parallel_loop3A_992, %parallel_loop3A_1009 : i32
        %parallel_loop3A_1011 = arith.extui %parallel_loop3A_1010 : i1 to i32
        %parallel_loop3A_1012 = arith.constant 0 : i32
        %parallel_loop3A_1013 = arith.cmpi slt, %parallel_loop3A_992, %parallel_loop3A_1012 : i32
        %parallel_loop3A_1014 = arith.extui %parallel_loop3A_1013 : i1 to i32
        %parallel_loop3A_1015 = arith.subi %parallel_loop3A_1011, %parallel_loop3A_1014 : i32
        %parallel_loop3A_1016 = arith.constant 0 : i32
        %parallel_loop3A_1017 = arith.cmpi sgt, %parallel_loop3A_1007, %parallel_loop3A_1016 : i32
        %parallel_loop3A_1018 = arith.extui %parallel_loop3A_1017 : i1 to i32
        %parallel_loop3A_1019 = arith.constant 0 : i32
        %parallel_loop3A_1020 = arith.cmpi slt, %parallel_loop3A_1007, %parallel_loop3A_1019 : i32
        %parallel_loop3A_1021 = arith.extui %parallel_loop3A_1020 : i1 to i32
        %parallel_loop3A_1022 = arith.subi %parallel_loop3A_1018, %parallel_loop3A_1021 : i32
        %parallel_loop3A_1023 = arith.cmpi ne, %parallel_loop3A_1015, %parallel_loop3A_1022 : i32
        %parallel_loop3A_1024 = arith.remsi %parallel_loop3A_992, %parallel_loop3A_1007 : i32
        %parallel_loop3A_1025 = arith.constant 0 : i32
        %parallel_loop3A_1026 = arith.cmpi ne, %parallel_loop3A_1024, %parallel_loop3A_1025 : i32
        %parallel_loop3A_1027 = arith.andi %parallel_loop3A_1023, %parallel_loop3A_1026 : i1
        %parallel_loop3A_1028 = arith.constant 1 : i32
        %parallel_loop3A_1029 = arith.subi %parallel_loop3A_1008, %parallel_loop3A_1028 : i32
        %parallel_loop3A_1030 = arith.select %parallel_loop3A_1027, %parallel_loop3A_1029, %parallel_loop3A_1008 : i32
        %parallel_loop3A_1031 = arith.constant 8 : i32
        %parallel_loop3A_1032 = arith.constant 0 : i32
        %parallel_loop3A_1033 = arith.cmpi eq, %parallel_loop3A_1031, %parallel_loop3A_1032 : i32
        %parallel_loop3A_1034 = arith.constant 1 : i32
        %parallel_loop3A_1035 = arith.select %parallel_loop3A_1033, %parallel_loop3A_1034, %parallel_loop3A_1031 : i32
        %parallel_loop3A_1036 = arith.remsi %parallel_loop3A_992, %parallel_loop3A_1035 : i32
        %parallel_loop3A_1037 = arith.constant 0 : i32
        %parallel_loop3A_1038 = arith.cmpi ne, %parallel_loop3A_1036, %parallel_loop3A_1037 : i32
        %parallel_loop3A_1039 = arith.constant 0 : i32
        %parallel_loop3A_1040 = arith.cmpi slt, %parallel_loop3A_1036, %parallel_loop3A_1039 : i32
        %parallel_loop3A_1041 = arith.constant 0 : i32
        %parallel_loop3A_1042 = arith.cmpi slt, %parallel_loop3A_1035, %parallel_loop3A_1041 : i32
        %parallel_loop3A_1043 = arith.xori %parallel_loop3A_1040, %parallel_loop3A_1042 : i1
        %parallel_loop3A_1044 = arith.andi %parallel_loop3A_1043, %parallel_loop3A_1038 : i1
        %parallel_loop3A_1045 = arith.addi %parallel_loop3A_1036, %parallel_loop3A_1035 : i32
        %parallel_loop3A_1046 = arith.select %parallel_loop3A_1044, %parallel_loop3A_1045, %parallel_loop3A_1036 : i32
        %parallel_loop3A_1047 = arith.constant 16 : i32
        %parallel_loop3A_1048 = arith.muli %parallel_loop3A_968, %parallel_loop3A_1047 : i32
        %parallel_loop3A_1049 = arith.constant 1 : i32
        %parallel_loop3A_1050 = arith.constant 0 : i32
        %parallel_loop3A_1051 = arith.index_cast %parallel_loop3A_1049 : i32 to index
        %parallel_loop3A_1052 = arith.index_cast %parallel_loop3A_1030 : i32 to index
        %parallel_loop3A_1053 = arith.index_cast %parallel_loop3A_1050 : i32 to index
        %parallel_loop3A_1054 = arith.index_cast %parallel_loop3A_1046 : i32 to index
        %parallel_loop3A_1055 = arith.index_cast %parallel_loop3A_1048 : i32 to index
        %parallel_loop3A_1056 = tpu.vector_load %arg7[%parallel_loop3A_1051, %parallel_loop3A_1052, %parallel_loop3A_1053, %parallel_loop3A_1054, %parallel_loop3A_1055] {strides = array<i32>} : memref<2x4x1x8x128xf32, #tpu.memory_space<vmem>>, vector<16xf32>,
        tpu.vector_store %arg7[%parallel_loop3A_1051, %parallel_loop3A_1052, %parallel_loop3A_1053, %parallel_loop3A_1054, %parallel_loop3A_1055], %parallel_loop3A_1006 {strides = array<i32>} : memref<2x4x1x8x128xf32, #tpu.memory_space<vmem>>, vector<16xf32>,
      } {sc.loop_unroll_factor = 32 : i64, sc.parallel_access}
      %add3A_875 = arith.addi %mul3A_2, %add3A_793 : i32
      %jit3A_876 = arith.constant 128 : i32
      %div3A_877 = arith.divsi %add3A_875, %jit3A_876 : i32
      %sign3A_878 = arith.constant 0 : i32
      %sign3A_879 = arith.cmpi sgt, %add3A_875, %sign3A_878 : i32
      %sign3A_880 = arith.extui %sign3A_879 : i1 to i32
      %sign3A_881 = arith.constant 0 : i32
      %sign3A_882 = arith.cmpi slt, %add3A_875, %sign3A_881 : i32
      %sign3A_883 = arith.extui %sign3A_882 : i1 to i32
      %sign3A_884 = arith.subi %sign3A_880, %sign3A_883 : i32
      %sign3A_885 = arith.constant 0 : i32
      %sign3A_886 = arith.cmpi sgt, %jit3A_876, %sign3A_885 : i32
      %sign3A_887 = arith.extui %sign3A_886 : i1 to i32
      %sign3A_888 = arith.constant 0 : i32
      %sign3A_889 = arith.cmpi slt, %jit3A_876, %sign3A_888 : i32
      %sign3A_890 = arith.extui %sign3A_889 : i1 to i32
      %sign3A_891 = arith.subi %sign3A_887, %sign3A_890 : i32
      %ne3A_892 = arith.cmpi ne, %sign3A_884, %sign3A_891 : i32
      %rem3A_893 = arith.remsi %add3A_875, %jit3A_876 : i32
      %ne3A_894 = arith.constant 0 : i32
      %ne3A_895 = arith.cmpi ne, %rem3A_893, %ne3A_894 : i32
      %and3A_896 = arith.andi %ne3A_892, %ne3A_895 : i1
      %sub3A_897 = arith.constant 1 : i32
      %sub3A_898 = arith.subi %div3A_877, %sub3A_897 : i32
      %select_n3A_899 = arith.select %and3A_896, %sub3A_898, %div3A_877 : i32
      %jit3A_900 = arith.constant 128 : i32
      %eq3A_901 = arith.constant 0 : i32
      %eq3A_902 = arith.cmpi eq, %jit3A_900, %eq3A_901 : i32
      %jit3A_903 = arith.constant 1 : i32
      %select_n3A_904 = arith.select %eq3A_902, %jit3A_903, %jit3A_900 : i32
      %rem3A_905 = arith.remsi %add3A_875, %select_n3A_904 : i32
      %ne3A_906 = arith.constant 0 : i32
      %ne3A_907 = arith.cmpi ne, %rem3A_905, %ne3A_906 : i32
      %lt3A_908 = arith.constant 0 : i32
      %lt3A_909 = arith.cmpi slt, %rem3A_905, %lt3A_908 : i32
      %lt3A_910 = arith.constant 0 : i32
      %lt3A_911 = arith.cmpi slt, %select_n3A_904, %lt3A_910 : i32
      %ne3A_912 = arith.xori %lt3A_909, %lt3A_911 : i1
      %and3A_913 = arith.andi %ne3A_912, %ne3A_907 : i1
      %add3A_914 = arith.addi %rem3A_905, %select_n3A_904 : i32
      %select_n3A_915 = arith.select %and3A_913, %add3A_914, %rem3A_905 : i32
      %dma_start3A_916 = arith.constant 1 : i32
      %dma_start3A_917 = arith.constant 0 : i32
      %dma_start3A_918 = arith.constant 0 : i32
      %dma_start3A_919 = arith.constant 0 : i32
      %dma_start3A_920 = arith.constant 0 : i32
      %dma_start3A_921 = tpu.memref_slice %arg7[%dma_start3A_916, %dma_start3A_917, %dma_start3A_918, %dma_start3A_919, %dma_start3A_920] : memref<2x4x1x8x128xf32, #tpu.memory_space<vmem>> -> memref<1x4x1x8x128xf32, #tpu.memory_space<vmem>>
      %dma_start3A_922 = tpu.memref_squeeze %dma_start3A_921 : memref<1x4x1x8x128xf32, #tpu.memory_space<vmem>> -> memref<4x1x8x128xf32, #tpu.memory_space<vmem>>
      %dma_start3A_923 = arith.constant 0 : i32
      %dma_start3A_924 = arith.constant 0 : i32
      %dma_start3A_925 = arith.constant 0 : i32
      %dma_start3A_926 = tpu.memref_slice %arg4[%select_n3A_899, %dma_start3A_923, %select_n3A_915, %dma_start3A_924, %dma_start3A_925] : memref<26x4x128x8x128xf32, #tpu.memory_space<hbm>> -> memref<1x4x1x8x128xf32, #tpu.memory_space<hbm>>
      %dma_start3A_927 = tpu.memref_squeeze %dma_start3A_926 : memref<1x4x1x8x128xf32, #tpu.memory_space<hbm>> -> memref<4x1x8x128xf32, #tpu.memory_space<hbm>>
      %dma_start3A_928 = arith.constant 0 : i32
      %dma_start3A_929 = arith.constant 0 : i32
      %dma_start3A_930 = arith.constant 0 : i32
      %dma_start3A_931 = tpu.memref_slice %arg4[%select_n3A_899, %dma_start3A_928, %select_n3A_915, %dma_start3A_929, %dma_start3A_930] : memref<26x4x128x8x128xf32, #tpu.memory_space<hbm>> -> memref<1x4x1x8x128xf32, #tpu.memory_space<hbm>>
      %dma_start3A_932 = tpu.memref_squeeze %dma_start3A_931 : memref<1x4x1x8x128xf32, #tpu.memory_space<hbm>> -> memref<4x1x8x128xf32, #tpu.memory_space<hbm>>
      %dma_start3A_933 = arith.constant 0 : i32
      %dma_start3A_934 = arith.constant 0 : i32
      %dma_start3A_935 = arith.constant 0 : i32
      %dma_start3A_936 = arith.constant 0 : i32
      %dma_start3A_937 = tpu.memref_slice %arg7[%dma_start3A_916, %dma_start3A_933, %dma_start3A_934, %dma_start3A_935, %dma_start3A_936] : memref<2x4x1x8x128xf32, #tpu.memory_space<vmem>> -> memref<1x4x1x8x128xf32, #tpu.memory_space<vmem>>
      %dma_start3A_938 = tpu.memref_squeeze %dma_start3A_937 : memref<1x4x1x8x128xf32, #tpu.memory_space<vmem>> -> memref<4x1x8x128xf32, #tpu.memory_space<vmem>>
      tpu.enqueue_dma source(%dma_start3A_938 : memref<4x1x8x128xf32, #tpu.memory_space<vmem>>) target(%dma_start3A_932 : memref<4x1x8x128xf32, #tpu.memory_space<hbm>>) target_semaphore(%arg11 : memref<!tpu.dma_semaphore, #tpu.memory_space<semaphore_mem>>)
      %add3A_939 = arith.constant 2 : i32
      %add3A_940 = arith.addi %add3A_793, %add3A_939 : i32
      %dma_start3A_941 = arith.constant 1 : i32
      %dma_start3A_942 = arith.constant 0 : i32
      %dma_start3A_943 = arith.constant 0 : i32
      %dma_start3A_944 = tpu.memref_slice %arg6[%dma_start3A_941, %dma_start3A_942, %dma_start3A_943] : memref<2x128x32xf32, #tpu.memory_space<vmem>> -> memref<1x128x32xf32, #tpu.memory_space<vmem>>
      %dma_start3A_945 = tpu.memref_squeeze %dma_start3A_944 : memref<1x128x32xf32, #tpu.memory_space<vmem>> -> memref<128x32xf32, #tpu.memory_space<vmem>>
      %dma_start3A_946 = arith.constant 0 : i32
      %dma_start3A_947 = tpu.memref_slice %arg5[%add3A_940, %dma_start3A_946] : memref<104x128xi32, #tpu.memory_space<vmem>> -> memref<1x128xi32, #tpu.memory_space<vmem>>
      %dma_start3A_948 = tpu.memref_squeeze %dma_start3A_947 : memref<1x128xi32, #tpu.memory_space<vmem>> -> memref<128xi32, #tpu.memory_space<vmem>>
      %dma_start3A_949 = arith.constant 0 : i32
      %dma_start3A_950 = arith.constant 0 : i32
      %dma_start3A_951 = tpu.memref_slice %arg3[%dma_start3A_949, %dma_start3A_950] : memref<1000000x32xf32, #tpu.memory_space<hbm>> -> memref<1000000x32xf32, #tpu.memory_space<hbm>>
      tpu.enqueue_indirect_dma source(%dma_start3A_951 : memref<1000000x32xf32, #tpu.memory_space<hbm>>) target(%dma_start3A_945 : memref<128x32xf32, #tpu.memory_space<vmem>>) offsets(%dma_start3A_948 : memref<128xi32, #tpu.memory_space<vmem>>) semaphore(%arg9 : memref<!tpu.dma_semaphore, #tpu.memory_space<semaphore_mem>>)
    }
    %scan3A_204 = arith.constant 50 : i32
    %dma_wait3A_205 = arith.constant 102 : i32
    %dma_wait3A_206 = arith.constant 0 : i32
    %dma_wait3A_207 = arith.constant 0 : i32
    %dma_wait3A_208 = arith.constant 0 : i32
    %dma_wait3A_209 = tpu.memref_slice %arg6[%dma_wait3A_206, %dma_wait3A_207, %dma_wait3A_208] : memref<2x128x32xf32, #tpu.memory_space<vmem>> -> memref<1x128x32xf32, #tpu.memory_space<vmem>>
    %dma_wait3A_210 = tpu.memref_squeeze %dma_wait3A_209 : memref<1x128x32xf32, #tpu.memory_space<vmem>> -> memref<128x32xf32, #tpu.memory_space<vmem>>
    %dma_wait3A_211 = arith.constant 0 : i32
    %dma_wait3A_212 = tpu.memref_slice %arg5[%dma_wait3A_205, %dma_wait3A_211] : memref<104x128xi32, #tpu.memory_space<vmem>> -> memref<1x128xi32, #tpu.memory_space<vmem>>
    %dma_wait3A_213 = tpu.memref_squeeze %dma_wait3A_212 : memref<1x128xi32, #tpu.memory_space<vmem>> -> memref<128xi32, #tpu.memory_space<vmem>>
    %dma_wait3A_214 = arith.constant 0 : i32
    %dma_wait3A_215 = arith.constant 0 : i32
    %dma_wait3A_216 = tpu.memref_slice %arg3[%dma_wait3A_214, %dma_wait3A_215] : memref<1000000x32xf32, #tpu.memory_space<hbm>> -> memref<1000000x32xf32, #tpu.memory_space<hbm>>
    tpu.wait_indirect_dma semaphore(%arg8 : memref<!tpu.dma_semaphore, #tpu.memory_space<semaphore_mem>>) src(%dma_wait3A_216 : memref<1000000x32xf32, #tpu.memory_space<hbm>>) dst(%dma_wait3A_210 : memref<128x32xf32, #tpu.memory_space<vmem>>)
    %add3A_217 = arith.constant 100 : i32
    %add3A_218 = arith.addi %mul3A_2, %add3A_217 : i32
    %jit3A_219 = arith.constant 128 : i32
    %div3A_220 = arith.divsi %add3A_218, %jit3A_219 : i32
    %sign3A_221 = arith.constant 0 : i32
    %sign3A_222 = arith.cmpi sgt, %add3A_218, %sign3A_221 : i32
    %sign3A_223 = arith.extui %sign3A_222 : i1 to i32
    %sign3A_224 = arith.constant 0 : i32
    %sign3A_225 = arith.cmpi slt, %add3A_218, %sign3A_224 : i32
    %sign3A_226 = arith.extui %sign3A_225 : i1 to i32
    %sign3A_227 = arith.subi %sign3A_223, %sign3A_226 : i32
    %sign3A_228 = arith.constant 0 : i32
    %sign3A_229 = arith.cmpi sgt, %jit3A_219, %sign3A_228 : i32
    %sign3A_230 = arith.extui %sign3A_229 : i1 to i32
    %sign3A_231 = arith.constant 0 : i32
    %sign3A_232 = arith.cmpi slt, %jit3A_219, %sign3A_231 : i32
    %sign3A_233 = arith.extui %sign3A_232 : i1 to i32
    %sign3A_234 = arith.subi %sign3A_230, %sign3A_233 : i32
    %ne3A_235 = arith.cmpi ne, %sign3A_227, %sign3A_234 : i32
    %rem3A_236 = arith.remsi %add3A_218, %jit3A_219 : i32
    %ne3A_237 = arith.constant 0 : i32
    %ne3A_238 = arith.cmpi ne, %rem3A_236, %ne3A_237 : i32
    %and3A_239 = arith.andi %ne3A_235, %ne3A_238 : i1
    %sub3A_240 = arith.constant 1 : i32
    %sub3A_241 = arith.subi %div3A_220, %sub3A_240 : i32
    %select_n3A_242 = arith.select %and3A_239, %sub3A_241, %div3A_220 : i32
    %jit3A_243 = arith.constant 128 : i32
    %eq3A_244 = arith.constant 0 : i32
    %eq3A_245 = arith.cmpi eq, %jit3A_243, %eq3A_244 : i32
    %jit3A_246 = arith.constant 1 : i32
    %select_n3A_247 = arith.select %eq3A_245, %jit3A_246, %jit3A_243 : i32
    %rem3A_248 = arith.remsi %add3A_218, %select_n3A_247 : i32
    %ne3A_249 = arith.constant 0 : i32
    %ne3A_250 = arith.cmpi ne, %rem3A_248, %ne3A_249 : i32
    %lt3A_251 = arith.constant 0 : i32
    %lt3A_252 = arith.cmpi slt, %rem3A_248, %lt3A_251 : i32
    %lt3A_253 = arith.constant 0 : i32
    %lt3A_254 = arith.cmpi slt, %select_n3A_247, %lt3A_253 : i32
    %ne3A_255 = arith.xori %lt3A_252, %lt3A_254 : i1
    %and3A_256 = arith.andi %ne3A_255, %ne3A_250 : i1
    %add3A_257 = arith.addi %rem3A_248, %select_n3A_247 : i32
    %select_n3A_258 = arith.select %and3A_256, %add3A_257, %rem3A_248 : i32
    %dma_wait3A_259 = arith.constant 0 : i32
    %dma_wait3A_260 = arith.constant 0 : i32
    %dma_wait3A_261 = arith.constant 0 : i32
    %dma_wait3A_262 = arith.constant 0 : i32
    %dma_wait3A_263 = arith.constant 0 : i32
    %dma_wait3A_264 = tpu.memref_slice %arg7[%dma_wait3A_259, %dma_wait3A_260, %dma_wait3A_261, %dma_wait3A_262, %dma_wait3A_263] : memref<2x4x1x8x128xf32, #tpu.memory_space<vmem>> -> memref<1x4x1x8x128xf32, #tpu.memory_space<vmem>>
    %dma_wait3A_265 = tpu.memref_squeeze %dma_wait3A_264 : memref<1x4x1x8x128xf32, #tpu.memory_space<vmem>> -> memref<4x1x8x128xf32, #tpu.memory_space<vmem>>
    %dma_wait3A_266 = arith.constant 0 : i32
    %dma_wait3A_267 = arith.constant 0 : i32
    %dma_wait3A_268 = arith.constant 0 : i32
    %dma_wait3A_269 = tpu.memref_slice %arg4[%select_n3A_242, %dma_wait3A_266, %select_n3A_258, %dma_wait3A_267, %dma_wait3A_268] : memref<26x4x128x8x128xf32, #tpu.memory_space<hbm>> -> memref<1x4x1x8x128xf32, #tpu.memory_space<hbm>>
    %dma_wait3A_270 = tpu.memref_squeeze %dma_wait3A_269 : memref<1x4x1x8x128xf32, #tpu.memory_space<hbm>> -> memref<4x1x8x128xf32, #tpu.memory_space<hbm>>
    %dma_wait3A_271 = arith.constant 0 : i32
    %dma_wait3A_272 = arith.constant 0 : i32
    %dma_wait3A_273 = arith.constant 0 : i32
    %dma_wait3A_274 = tpu.memref_slice %arg4[%select_n3A_242, %dma_wait3A_271, %select_n3A_258, %dma_wait3A_272, %dma_wait3A_273] : memref<26x4x128x8x128xf32, #tpu.memory_space<hbm>> -> memref<1x4x1x8x128xf32, #tpu.memory_space<hbm>>
    %dma_wait3A_275 = tpu.memref_squeeze %dma_wait3A_274 : memref<1x4x1x8x128xf32, #tpu.memory_space<hbm>> -> memref<4x1x8x128xf32, #tpu.memory_space<hbm>>
    %dma_wait3A_276 = arith.constant 0 : i32
    %dma_wait3A_277 = arith.constant 0 : i32
    %dma_wait3A_278 = arith.constant 0 : i32
    %dma_wait3A_279 = arith.constant 0 : i32
    %dma_wait3A_280 = tpu.memref_slice %arg7[%dma_wait3A_259, %dma_wait3A_276, %dma_wait3A_277, %dma_wait3A_278, %dma_wait3A_279] : memref<2x4x1x8x128xf32, #tpu.memory_space<vmem>> -> memref<1x4x1x8x128xf32, #tpu.memory_space<vmem>>
    %dma_wait3A_281 = tpu.memref_squeeze %dma_wait3A_280 : memref<1x4x1x8x128xf32, #tpu.memory_space<vmem>> -> memref<4x1x8x128xf32, #tpu.memory_space<vmem>>
    tpu.wait_dma2 semaphore(%arg10 : memref<!tpu.dma_semaphore, #tpu.memory_space<semaphore_mem>>) src(%dma_wait3A_281 : memref<4x1x8x128xf32, #tpu.memory_space<vmem>>) dst(%dma_wait3A_275 : memref<4x1x8x128xf32, #tpu.memory_space<hbm>>)
    %parallel_loop3A_282 = arith.constant 0 : i32
    %parallel_loop3A_283 = arith.constant 256 : i32
    %parallel_loop3A_284 = arith.constant 1 : i32
    %parallel_loop3A_285 = arith.constant 0 : i32
    scf.for %parallel_loop3A_627 = %parallel_loop3A_282 to %parallel_loop3A_283 step %parallel_loop3A_284  : i32 {
      %parallel_loop3A_628 = arith.constant 8 : i32
      %parallel_loop3A_629 = arith.constant 0 : i32
      %parallel_loop3A_630 = arith.cmpi eq, %parallel_loop3A_628, %parallel_loop3A_629 : i32
      %parallel_loop3A_631 = arith.constant 1 : i32
      %parallel_loop3A_632 = arith.select %parallel_loop3A_630, %parallel_loop3A_631, %parallel_loop3A_628 : i32
      %parallel_loop3A_633 = arith.remsi %parallel_loop3A_627, %parallel_loop3A_632 : i32
      %parallel_loop3A_634 = arith.constant 0 : i32
      %parallel_loop3A_635 = arith.cmpi ne, %parallel_loop3A_633, %parallel_loop3A_634 : i32
      %parallel_loop3A_636 = arith.constant 0 : i32
      %parallel_loop3A_637 = arith.cmpi slt, %parallel_loop3A_633, %parallel_loop3A_636 : i32
      %parallel_loop3A_638 = arith.constant 0 : i32
      %parallel_loop3A_639 = arith.cmpi slt, %parallel_loop3A_632, %parallel_loop3A_638 : i32
      %parallel_loop3A_640 = arith.xori %parallel_loop3A_637, %parallel_loop3A_639 : i1
      %parallel_loop3A_641 = arith.andi %parallel_loop3A_640, %parallel_loop3A_635 : i1
      %parallel_loop3A_642 = arith.addi %parallel_loop3A_633, %parallel_loop3A_632 : i32
      %parallel_loop3A_643 = arith.select %parallel_loop3A_641, %parallel_loop3A_642, %parallel_loop3A_633 : i32
      %parallel_loop3A_644 = arith.constant 8 : i32
      %parallel_loop3A_645 = arith.divsi %parallel_loop3A_627, %parallel_loop3A_644 : i32
      %parallel_loop3A_646 = arith.constant 0 : i32
      %parallel_loop3A_647 = arith.cmpi sgt, %parallel_loop3A_627, %parallel_loop3A_646 : i32
      %parallel_loop3A_648 = arith.extui %parallel_loop3A_647 : i1 to i32
      %parallel_loop3A_649 = arith.constant 0 : i32
      %parallel_loop3A_650 = arith.cmpi slt, %parallel_loop3A_627, %parallel_loop3A_649 : i32
      %parallel_loop3A_651 = arith.extui %parallel_loop3A_650 : i1 to i32
      %parallel_loop3A_652 = arith.subi %parallel_loop3A_648, %parallel_loop3A_651 : i32
      %parallel_loop3A_653 = arith.constant 0 : i32
      %parallel_loop3A_654 = arith.cmpi sgt, %parallel_loop3A_644, %parallel_loop3A_653 : i32
      %parallel_loop3A_655 = arith.extui %parallel_loop3A_654 : i1 to i32
      %parallel_loop3A_656 = arith.constant 0 : i32
      %parallel_loop3A_657 = arith.cmpi slt, %parallel_loop3A_644, %parallel_loop3A_656 : i32
      %parallel_loop3A_658 = arith.extui %parallel_loop3A_657 : i1 to i32
      %parallel_loop3A_659 = arith.subi %parallel_loop3A_655, %parallel_loop3A_658 : i32
      %parallel_loop3A_660 = arith.cmpi ne, %parallel_loop3A_652, %parallel_loop3A_659 : i32
      %parallel_loop3A_661 = arith.remsi %parallel_loop3A_627, %parallel_loop3A_644 : i32
      %parallel_loop3A_662 = arith.constant 0 : i32
      %parallel_loop3A_663 = arith.cmpi ne, %parallel_loop3A_661, %parallel_loop3A_662 : i32
      %parallel_loop3A_664 = arith.andi %parallel_loop3A_660, %parallel_loop3A_663 : i1
      %parallel_loop3A_665 = arith.constant 1 : i32
      %parallel_loop3A_666 = arith.subi %parallel_loop3A_645, %parallel_loop3A_665 : i32
      %parallel_loop3A_667 = arith.select %parallel_loop3A_664, %parallel_loop3A_666, %parallel_loop3A_645 : i32
      %parallel_loop3A_668 = tpu.iota {dimensions = array<i32: 0>} : vector<16xi32>
      %parallel_loop3A_669 = arith.constant 16 : i32
      %parallel_loop3A_670 = arith.muli %parallel_loop3A_643, %parallel_loop3A_669 : i32
      %parallel_loop3A_671 = vector.broadcast %parallel_loop3A_670 : i32 to vector<16xi32>
      %parallel_loop3A_672 = arith.addi %parallel_loop3A_668, %parallel_loop3A_671 : vector<16xi32>
      %parallel_loop3A_673 = arith.constant 0 : i32
      %parallel_loop3A_674 = vector.broadcast %parallel_loop3A_673 : i32 to vector<16xi32>
      %parallel_loop3A_675 = vector.broadcast %parallel_loop3A_667 : i32 to vector<16xi32>
      %parallel_loop3A_676 = arith.addi %parallel_loop3A_674, %parallel_loop3A_675 : vector<16xi32>
      %parallel_loop3A_677 = arith.constant 0 : i32
      %parallel_loop3A_678 = arith.constant 0 : i32
      %parallel_loop3A_679 = tpu.memref_slice %arg6[%parallel_loop3A_285, %parallel_loop3A_677, %parallel_loop3A_678] : memref<2x128x32xf32, #tpu.memory_space<vmem>> -> memref<1x128x32xf32, #tpu.memory_space<vmem>>
      %parallel_loop3A_680 = tpu.memref_squeeze %parallel_loop3A_679 : memref<1x128x32xf32, #tpu.memory_space<vmem>> -> memref<128x32xf32, #tpu.memory_space<vmem>>
      %parallel_loop3A_681 = tpu.vector_load_idx %parallel_loop3A_680[%parallel_loop3A_672, %parallel_loop3A_676] : memref<128x32xf32, #tpu.memory_space<vmem>>[vector<16xi32>, vector<16xi32>], vector<16xf32>,
      %parallel_loop3A_682 = arith.constant 8 : i32
      %parallel_loop3A_683 = arith.divsi %parallel_loop3A_667, %parallel_loop3A_682 : i32
      %parallel_loop3A_684 = arith.constant 0 : i32
      %parallel_loop3A_685 = arith.cmpi sgt, %parallel_loop3A_667, %parallel_loop3A_684 : i32
      %parallel_loop3A_686 = arith.extui %parallel_loop3A_685 : i1 to i32
      %parallel_loop3A_687 = arith.constant 0 : i32
      %parallel_loop3A_688 = arith.cmpi slt, %parallel_loop3A_667, %parallel_loop3A_687 : i32
      %parallel_loop3A_689 = arith.extui %parallel_loop3A_688 : i1 to i32
      %parallel_loop3A_690 = arith.subi %parallel_loop3A_686, %parallel_loop3A_689 : i32
      %parallel_loop3A_691 = arith.constant 0 : i32
      %parallel_loop3A_692 = arith.cmpi sgt, %parallel_loop3A_682, %parallel_loop3A_691 : i32
      %parallel_loop3A_693 = arith.extui %parallel_loop3A_692 : i1 to i32
      %parallel_loop3A_694 = arith.constant 0 : i32
      %parallel_loop3A_695 = arith.cmpi slt, %parallel_loop3A_682, %parallel_loop3A_694 : i32
      %parallel_loop3A_696 = arith.extui %parallel_loop3A_695 : i1 to i32
      %parallel_loop3A_697 = arith.subi %parallel_loop3A_693, %parallel_loop3A_696 : i32
      %parallel_loop3A_698 = arith.cmpi ne, %parallel_loop3A_690, %parallel_loop3A_697 : i32
      %parallel_loop3A_699 = arith.remsi %parallel_loop3A_667, %parallel_loop3A_682 : i32
      %parallel_loop3A_700 = arith.constant 0 : i32
      %parallel_loop3A_701 = arith.cmpi ne, %parallel_loop3A_699, %parallel_loop3A_700 : i32
      %parallel_loop3A_702 = arith.andi %parallel_loop3A_698, %parallel_loop3A_701 : i1
      %parallel_loop3A_703 = arith.constant 1 : i32
      %parallel_loop3A_704 = arith.subi %parallel_loop3A_683, %parallel_loop3A_703 : i32
      %parallel_loop3A_705 = arith.select %parallel_loop3A_702, %parallel_loop3A_704, %parallel_loop3A_683 : i32
      %parallel_loop3A_706 = arith.constant 8 : i32
      %parallel_loop3A_707 = arith.constant 0 : i32
      %parallel_loop3A_708 = arith.cmpi eq, %parallel_loop3A_706, %parallel_loop3A_707 : i32
      %parallel_loop3A_709 = arith.constant 1 : i32
      %parallel_loop3A_710 = arith.select %parallel_loop3A_708, %parallel_loop3A_709, %parallel_loop3A_706 : i32
      %parallel_loop3A_711 = arith.remsi %parallel_loop3A_667, %parallel_loop3A_710 : i32
      %parallel_loop3A_712 = arith.constant 0 : i32
      %parallel_loop3A_713 = arith.cmpi ne, %parallel_loop3A_711, %parallel_loop3A_712 : i32
      %parallel_loop3A_714 = arith.constant 0 : i32
      %parallel_loop3A_715 = arith.cmpi slt, %parallel_loop3A_711, %parallel_loop3A_714 : i32
      %parallel_loop3A_716 = arith.constant 0 : i32
      %parallel_loop3A_717 = arith.cmpi slt, %parallel_loop3A_710, %parallel_loop3A_716 : i32
      %parallel_loop3A_718 = arith.xori %parallel_loop3A_715, %parallel_loop3A_717 : i1
      %parallel_loop3A_719 = arith.andi %parallel_loop3A_718, %parallel_loop3A_713 : i1
      %parallel_loop3A_720 = arith.addi %parallel_loop3A_711, %parallel_loop3A_710 : i32
      %parallel_loop3A_721 = arith.select %parallel_loop3A_719, %parallel_loop3A_720, %parallel_loop3A_711 : i32
      %parallel_loop3A_722 = arith.constant 16 : i32
      %parallel_loop3A_723 = arith.muli %parallel_loop3A_643, %parallel_loop3A_722 : i32
      %parallel_loop3A_724 = arith.constant 0 : i32
      %parallel_loop3A_725 = arith.constant 0 : i32
      %parallel_loop3A_726 = arith.index_cast %parallel_loop3A_724 : i32 to index
      %parallel_loop3A_727 = arith.index_cast %parallel_loop3A_705 : i32 to index
      %parallel_loop3A_728 = arith.index_cast %parallel_loop3A_725 : i32 to index
      %parallel_loop3A_729 = arith.index_cast %parallel_loop3A_721 : i32 to index
      %parallel_loop3A_730 = arith.index_cast %parallel_loop3A_723 : i32 to index
      %parallel_loop3A_731 = tpu.vector_load %arg7[%parallel_loop3A_726, %parallel_loop3A_727, %parallel_loop3A_728, %parallel_loop3A_729, %parallel_loop3A_730] {strides = array<i32>} : memref<2x4x1x8x128xf32, #tpu.memory_space<vmem>>, vector<16xf32>,
      tpu.vector_store %arg7[%parallel_loop3A_726, %parallel_loop3A_727, %parallel_loop3A_728, %parallel_loop3A_729, %parallel_loop3A_730], %parallel_loop3A_681 {strides = array<i32>} : memref<2x4x1x8x128xf32, #tpu.memory_space<vmem>>, vector<16xf32>,
    } {sc.loop_unroll_factor = 32 : i64, sc.parallel_access}
    %add3A_286 = arith.constant 102 : i32
    %add3A_287 = arith.addi %mul3A_2, %add3A_286 : i32
    %jit3A_288 = arith.constant 128 : i32
    %div3A_289 = arith.divsi %add3A_287, %jit3A_288 : i32
    %sign3A_290 = arith.constant 0 : i32
    %sign3A_291 = arith.cmpi sgt, %add3A_287, %sign3A_290 : i32
    %sign3A_292 = arith.extui %sign3A_291 : i1 to i32
    %sign3A_293 = arith.constant 0 : i32
    %sign3A_294 = arith.cmpi slt, %add3A_287, %sign3A_293 : i32
    %sign3A_295 = arith.extui %sign3A_294 : i1 to i32
    %sign3A_296 = arith.subi %sign3A_292, %sign3A_295 : i32
    %sign3A_297 = arith.constant 0 : i32
    %sign3A_298 = arith.cmpi sgt, %jit3A_288, %sign3A_297 : i32
    %sign3A_299 = arith.extui %sign3A_298 : i1 to i32
    %sign3A_300 = arith.constant 0 : i32
    %sign3A_301 = arith.cmpi slt, %jit3A_288, %sign3A_300 : i32
    %sign3A_302 = arith.extui %sign3A_301 : i1 to i32
    %sign3A_303 = arith.subi %sign3A_299, %sign3A_302 : i32
    %ne3A_304 = arith.cmpi ne, %sign3A_296, %sign3A_303 : i32
    %rem3A_305 = arith.remsi %add3A_287, %jit3A_288 : i32
    %ne3A_306 = arith.constant 0 : i32
    %ne3A_307 = arith.cmpi ne, %rem3A_305, %ne3A_306 : i32
    %and3A_308 = arith.andi %ne3A_304, %ne3A_307 : i1
    %sub3A_309 = arith.constant 1 : i32
    %sub3A_310 = arith.subi %div3A_289, %sub3A_309 : i32
    %select_n3A_311 = arith.select %and3A_308, %sub3A_310, %div3A_289 : i32
    %jit3A_312 = arith.constant 128 : i32
    %eq3A_313 = arith.constant 0 : i32
    %eq3A_314 = arith.cmpi eq, %jit3A_312, %eq3A_313 : i32
    %jit3A_315 = arith.constant 1 : i32
    %select_n3A_316 = arith.select %eq3A_314, %jit3A_315, %jit3A_312 : i32
    %rem3A_317 = arith.remsi %add3A_287, %select_n3A_316 : i32
    %ne3A_318 = arith.constant 0 : i32
    %ne3A_319 = arith.cmpi ne, %rem3A_317, %ne3A_318 : i32
    %lt3A_320 = arith.constant 0 : i32
    %lt3A_321 = arith.cmpi slt, %rem3A_317, %lt3A_320 : i32
    %lt3A_322 = arith.constant 0 : i32
    %lt3A_323 = arith.cmpi slt, %select_n3A_316, %lt3A_322 : i32
    %ne3A_324 = arith.xori %lt3A_321, %lt3A_323 : i1
    %and3A_325 = arith.andi %ne3A_324, %ne3A_319 : i1
    %add3A_326 = arith.addi %rem3A_317, %select_n3A_316 : i32
    %select_n3A_327 = arith.select %and3A_325, %add3A_326, %rem3A_317 : i32
    %dma_start3A_328 = arith.constant 0 : i32
    %dma_start3A_329 = arith.constant 0 : i32
    %dma_start3A_330 = arith.constant 0 : i32
    %dma_start3A_331 = arith.constant 0 : i32
    %dma_start3A_332 = arith.constant 0 : i32
    %dma_start3A_333 = tpu.memref_slice %arg7[%dma_start3A_328, %dma_start3A_329, %dma_start3A_330, %dma_start3A_331, %dma_start3A_332] : memref<2x4x1x8x128xf32, #tpu.memory_space<vmem>> -> memref<1x4x1x8x128xf32, #tpu.memory_space<vmem>>
    %dma_start3A_334 = tpu.memref_squeeze %dma_start3A_333 : memref<1x4x1x8x128xf32, #tpu.memory_space<vmem>> -> memref<4x1x8x128xf32, #tpu.memory_space<vmem>>
    %dma_start3A_335 = arith.constant 0 : i32
    %dma_start3A_336 = arith.constant 0 : i32
    %dma_start3A_337 = arith.constant 0 : i32
    %dma_start3A_338 = tpu.memref_slice %arg4[%select_n3A_311, %dma_start3A_335, %select_n3A_327, %dma_start3A_336, %dma_start3A_337] : memref<26x4x128x8x128xf32, #tpu.memory_space<hbm>> -> memref<1x4x1x8x128xf32, #tpu.memory_space<hbm>>
    %dma_start3A_339 = tpu.memref_squeeze %dma_start3A_338 : memref<1x4x1x8x128xf32, #tpu.memory_space<hbm>> -> memref<4x1x8x128xf32, #tpu.memory_space<hbm>>
    %dma_start3A_340 = arith.constant 0 : i32
    %dma_start3A_341 = arith.constant 0 : i32
    %dma_start3A_342 = arith.constant 0 : i32
    %dma_start3A_343 = tpu.memref_slice %arg4[%select_n3A_311, %dma_start3A_340, %select_n3A_327, %dma_start3A_341, %dma_start3A_342] : memref<26x4x128x8x128xf32, #tpu.memory_space<hbm>> -> memref<1x4x1x8x128xf32, #tpu.memory_space<hbm>>
    %dma_start3A_344 = tpu.memref_squeeze %dma_start3A_343 : memref<1x4x1x8x128xf32, #tpu.memory_space<hbm>> -> memref<4x1x8x128xf32, #tpu.memory_space<hbm>>
    %dma_start3A_345 = arith.constant 0 : i32
    %dma_start3A_346 = arith.constant 0 : i32
    %dma_start3A_347 = arith.constant 0 : i32
    %dma_start3A_348 = arith.constant 0 : i32
    %dma_start3A_349 = tpu.memref_slice %arg7[%dma_start3A_328, %dma_start3A_345, %dma_start3A_346, %dma_start3A_347, %dma_start3A_348] : memref<2x4x1x8x128xf32, #tpu.memory_space<vmem>> -> memref<1x4x1x8x128xf32, #tpu.memory_space<vmem>>
    %dma_start3A_350 = tpu.memref_squeeze %dma_start3A_349 : memref<1x4x1x8x128xf32, #tpu.memory_space<vmem>> -> memref<4x1x8x128xf32, #tpu.memory_space<vmem>>
    tpu.enqueue_dma source(%dma_start3A_350 : memref<4x1x8x128xf32, #tpu.memory_space<vmem>>) target(%dma_start3A_344 : memref<4x1x8x128xf32, #tpu.memory_space<hbm>>) target_semaphore(%arg10 : memref<!tpu.dma_semaphore, #tpu.memory_space<semaphore_mem>>)
    %dma_wait3A_351 = arith.constant 103 : i32
    %dma_wait3A_352 = arith.constant 1 : i32
    %dma_wait3A_353 = arith.constant 0 : i32
    %dma_wait3A_354 = arith.constant 0 : i32
    %dma_wait3A_355 = tpu.memref_slice %arg6[%dma_wait3A_352, %dma_wait3A_353, %dma_wait3A_354] : memref<2x128x32xf32, #tpu.memory_space<vmem>> -> memref<1x128x32xf32, #tpu.memory_space<vmem>>
    %dma_wait3A_356 = tpu.memref_squeeze %dma_wait3A_355 : memref<1x128x32xf32, #tpu.memory_space<vmem>> -> memref<128x32xf32, #tpu.memory_space<vmem>>
    %dma_wait3A_357 = arith.constant 0 : i32
    %dma_wait3A_358 = tpu.memref_slice %arg5[%dma_wait3A_351, %dma_wait3A_357] : memref<104x128xi32, #tpu.memory_space<vmem>> -> memref<1x128xi32, #tpu.memory_space<vmem>>
    %dma_wait3A_359 = tpu.memref_squeeze %dma_wait3A_358 : memref<1x128xi32, #tpu.memory_space<vmem>> -> memref<128xi32, #tpu.memory_space<vmem>>
    %dma_wait3A_360 = arith.constant 0 : i32
    %dma_wait3A_361 = arith.constant 0 : i32
    %dma_wait3A_362 = tpu.memref_slice %arg3[%dma_wait3A_360, %dma_wait3A_361] : memref<1000000x32xf32, #tpu.memory_space<hbm>> -> memref<1000000x32xf32, #tpu.memory_space<hbm>>
    tpu.wait_indirect_dma semaphore(%arg9 : memref<!tpu.dma_semaphore, #tpu.memory_space<semaphore_mem>>) src(%dma_wait3A_362 : memref<1000000x32xf32, #tpu.memory_space<hbm>>) dst(%dma_wait3A_356 : memref<128x32xf32, #tpu.memory_space<vmem>>)
    %add3A_363 = arith.constant 101 : i32
    %add3A_364 = arith.addi %mul3A_2, %add3A_363 : i32
    %jit3A_365 = arith.constant 128 : i32
    %div3A_366 = arith.divsi %add3A_364, %jit3A_365 : i32
    %sign3A_367 = arith.constant 0 : i32
    %sign3A_368 = arith.cmpi sgt, %add3A_364, %sign3A_367 : i32
    %sign3A_369 = arith.extui %sign3A_368 : i1 to i32
    %sign3A_370 = arith.constant 0 : i32
    %sign3A_371 = arith.cmpi slt, %add3A_364, %sign3A_370 : i32
    %sign3A_372 = arith.extui %sign3A_371 : i1 to i32
    %sign3A_373 = arith.subi %sign3A_369, %sign3A_372 : i32
    %sign3A_374 = arith.constant 0 : i32
    %sign3A_375 = arith.cmpi sgt, %jit3A_365, %sign3A_374 : i32
    %sign3A_376 = arith.extui %sign3A_375 : i1 to i32
    %sign3A_377 = arith.constant 0 : i32
    %sign3A_378 = arith.cmpi slt, %jit3A_365, %sign3A_377 : i32
    %sign3A_379 = arith.extui %sign3A_378 : i1 to i32
    %sign3A_380 = arith.subi %sign3A_376, %sign3A_379 : i32
    %ne3A_381 = arith.cmpi ne, %sign3A_373, %sign3A_380 : i32
    %rem3A_382 = arith.remsi %add3A_364, %jit3A_365 : i32
    %ne3A_383 = arith.constant 0 : i32
    %ne3A_384 = arith.cmpi ne, %rem3A_382, %ne3A_383 : i32
    %and3A_385 = arith.andi %ne3A_381, %ne3A_384 : i1
    %sub3A_386 = arith.constant 1 : i32
    %sub3A_387 = arith.subi %div3A_366, %sub3A_386 : i32
    %select_n3A_388 = arith.select %and3A_385, %sub3A_387, %div3A_366 : i32
    %jit3A_389 = arith.constant 128 : i32
    %eq3A_390 = arith.constant 0 : i32
    %eq3A_391 = arith.cmpi eq, %jit3A_389, %eq3A_390 : i32
    %jit3A_392 = arith.constant 1 : i32
    %select_n3A_393 = arith.select %eq3A_391, %jit3A_392, %jit3A_389 : i32
    %rem3A_394 = arith.remsi %add3A_364, %select_n3A_393 : i32
    %ne3A_395 = arith.constant 0 : i32
    %ne3A_396 = arith.cmpi ne, %rem3A_394, %ne3A_395 : i32
    %lt3A_397 = arith.constant 0 : i32
    %lt3A_398 = arith.cmpi slt, %rem3A_394, %lt3A_397 : i32
    %lt3A_399 = arith.constant 0 : i32
    %lt3A_400 = arith.cmpi slt, %select_n3A_393, %lt3A_399 : i32
    %ne3A_401 = arith.xori %lt3A_398, %lt3A_400 : i1
    %and3A_402 = arith.andi %ne3A_401, %ne3A_396 : i1
    %add3A_403 = arith.addi %rem3A_394, %select_n3A_393 : i32
    %select_n3A_404 = arith.select %and3A_402, %add3A_403, %rem3A_394 : i32
    %dma_wait3A_405 = arith.constant 1 : i32
    %dma_wait3A_406 = arith.constant 0 : i32
    %dma_wait3A_407 = arith.constant 0 : i32
    %dma_wait3A_408 = arith.constant 0 : i32
    %dma_wait3A_409 = arith.constant 0 : i32
    %dma_wait3A_410 = tpu.memref_slice %arg7[%dma_wait3A_405, %dma_wait3A_406, %dma_wait3A_407, %dma_wait3A_408, %dma_wait3A_409] : memref<2x4x1x8x128xf32, #tpu.memory_space<vmem>> -> memref<1x4x1x8x128xf32, #tpu.memory_space<vmem>>
    %dma_wait3A_411 = tpu.memref_squeeze %dma_wait3A_410 : memref<1x4x1x8x128xf32, #tpu.memory_space<vmem>> -> memref<4x1x8x128xf32, #tpu.memory_space<vmem>>
    %dma_wait3A_412 = arith.constant 0 : i32
    %dma_wait3A_413 = arith.constant 0 : i32
    %dma_wait3A_414 = arith.constant 0 : i32
    %dma_wait3A_415 = tpu.memref_slice %arg4[%select_n3A_388, %dma_wait3A_412, %select_n3A_404, %dma_wait3A_413, %dma_wait3A_414] : memref<26x4x128x8x128xf32, #tpu.memory_space<hbm>> -> memref<1x4x1x8x128xf32, #tpu.memory_space<hbm>>
    %dma_wait3A_416 = tpu.memref_squeeze %dma_wait3A_415 : memref<1x4x1x8x128xf32, #tpu.memory_space<hbm>> -> memref<4x1x8x128xf32, #tpu.memory_space<hbm>>
    %dma_wait3A_417 = arith.constant 0 : i32
    %dma_wait3A_418 = arith.constant 0 : i32
    %dma_wait3A_419 = arith.constant 0 : i32
    %dma_wait3A_420 = tpu.memref_slice %arg4[%select_n3A_388, %dma_wait3A_417, %select_n3A_404, %dma_wait3A_418, %dma_wait3A_419] : memref<26x4x128x8x128xf32, #tpu.memory_space<hbm>> -> memref<1x4x1x8x128xf32, #tpu.memory_space<hbm>>
    %dma_wait3A_421 = tpu.memref_squeeze %dma_wait3A_420 : memref<1x4x1x8x128xf32, #tpu.memory_space<hbm>> -> memref<4x1x8x128xf32, #tpu.memory_space<hbm>>
    %dma_wait3A_422 = arith.constant 0 : i32
    %dma_wait3A_423 = arith.constant 0 : i32
    %dma_wait3A_424 = arith.constant 0 : i32
    %dma_wait3A_425 = arith.constant 0 : i32
    %dma_wait3A_426 = tpu.memref_slice %arg7[%dma_wait3A_405, %dma_wait3A_422, %dma_wait3A_423, %dma_wait3A_424, %dma_wait3A_425] : memref<2x4x1x8x128xf32, #tpu.memory_space<vmem>> -> memref<1x4x1x8x128xf32, #tpu.memory_space<vmem>>
    %dma_wait3A_427 = tpu.memref_squeeze %dma_wait3A_426 : memref<1x4x1x8x128xf32, #tpu.memory_space<vmem>> -> memref<4x1x8x128xf32, #tpu.memory_space<vmem>>
    tpu.wait_dma2 semaphore(%arg11 : memref<!tpu.dma_semaphore, #tpu.memory_space<semaphore_mem>>) src(%dma_wait3A_427 : memref<4x1x8x128xf32, #tpu.memory_space<vmem>>) dst(%dma_wait3A_421 : memref<4x1x8x128xf32, #tpu.memory_space<hbm>>)
    %parallel_loop3A_428 = arith.constant 0 : i32
    %parallel_loop3A_429 = arith.constant 256 : i32
    %parallel_loop3A_430 = arith.constant 1 : i32
    %parallel_loop3A_431 = arith.constant 1 : i32
    scf.for %parallel_loop3A_627 = %parallel_loop3A_428 to %parallel_loop3A_429 step %parallel_loop3A_430  : i32 {
      %parallel_loop3A_628 = arith.constant 8 : i32
      %parallel_loop3A_629 = arith.constant 0 : i32
      %parallel_loop3A_630 = arith.cmpi eq, %parallel_loop3A_628, %parallel_loop3A_629 : i32
      %parallel_loop3A_631 = arith.constant 1 : i32
      %parallel_loop3A_632 = arith.select %parallel_loop3A_630, %parallel_loop3A_631, %parallel_loop3A_628 : i32
      %parallel_loop3A_633 = arith.remsi %parallel_loop3A_627, %parallel_loop3A_632 : i32
      %parallel_loop3A_634 = arith.constant 0 : i32
      %parallel_loop3A_635 = arith.cmpi ne, %parallel_loop3A_633, %parallel_loop3A_634 : i32
      %parallel_loop3A_636 = arith.constant 0 : i32
      %parallel_loop3A_637 = arith.cmpi slt, %parallel_loop3A_633, %parallel_loop3A_636 : i32
      %parallel_loop3A_638 = arith.constant 0 : i32
      %parallel_loop3A_639 = arith.cmpi slt, %parallel_loop3A_632, %parallel_loop3A_638 : i32
      %parallel_loop3A_640 = arith.xori %parallel_loop3A_637, %parallel_loop3A_639 : i1
      %parallel_loop3A_641 = arith.andi %parallel_loop3A_640, %parallel_loop3A_635 : i1
      %parallel_loop3A_642 = arith.addi %parallel_loop3A_633, %parallel_loop3A_632 : i32
      %parallel_loop3A_643 = arith.select %parallel_loop3A_641, %parallel_loop3A_642, %parallel_loop3A_633 : i32
      %parallel_loop3A_644 = arith.constant 8 : i32
      %parallel_loop3A_645 = arith.divsi %parallel_loop3A_627, %parallel_loop3A_644 : i32
      %parallel_loop3A_646 = arith.constant 0 : i32
      %parallel_loop3A_647 = arith.cmpi sgt, %parallel_loop3A_627, %parallel_loop3A_646 : i32
      %parallel_loop3A_648 = arith.extui %parallel_loop3A_647 : i1 to i32
      %parallel_loop3A_649 = arith.constant 0 : i32
      %parallel_loop3A_650 = arith.cmpi slt, %parallel_loop3A_627, %parallel_loop3A_649 : i32
      %parallel_loop3A_651 = arith.extui %parallel_loop3A_650 : i1 to i32
      %parallel_loop3A_652 = arith.subi %parallel_loop3A_648, %parallel_loop3A_651 : i32
      %parallel_loop3A_653 = arith.constant 0 : i32
      %parallel_loop3A_654 = arith.cmpi sgt, %parallel_loop3A_644, %parallel_loop3A_653 : i32
      %parallel_loop3A_655 = arith.extui %parallel_loop3A_654 : i1 to i32
      %parallel_loop3A_656 = arith.constant 0 : i32
      %parallel_loop3A_657 = arith.cmpi slt, %parallel_loop3A_644, %parallel_loop3A_656 : i32
      %parallel_loop3A_658 = arith.extui %parallel_loop3A_657 : i1 to i32
      %parallel_loop3A_659 = arith.subi %parallel_loop3A_655, %parallel_loop3A_658 : i32
      %parallel_loop3A_660 = arith.cmpi ne, %parallel_loop3A_652, %parallel_loop3A_659 : i32
      %parallel_loop3A_661 = arith.remsi %parallel_loop3A_627, %parallel_loop3A_644 : i32
      %parallel_loop3A_662 = arith.constant 0 : i32
      %parallel_loop3A_663 = arith.cmpi ne, %parallel_loop3A_661, %parallel_loop3A_662 : i32
      %parallel_loop3A_664 = arith.andi %parallel_loop3A_660, %parallel_loop3A_663 : i1
      %parallel_loop3A_665 = arith.constant 1 : i32
      %parallel_loop3A_666 = arith.subi %parallel_loop3A_645, %parallel_loop3A_665 : i32
      %parallel_loop3A_667 = arith.select %parallel_loop3A_664, %parallel_loop3A_666, %parallel_loop3A_645 : i32
      %parallel_loop3A_668 = tpu.iota {dimensions = array<i32: 0>} : vector<16xi32>
      %parallel_loop3A_669 = arith.constant 16 : i32
      %parallel_loop3A_670 = arith.muli %parallel_loop3A_643, %parallel_loop3A_669 : i32
      %parallel_loop3A_671 = vector.broadcast %parallel_loop3A_670 : i32 to vector<16xi32>
      %parallel_loop3A_672 = arith.addi %parallel_loop3A_668, %parallel_loop3A_671 : vector<16xi32>
      %parallel_loop3A_673 = arith.constant 0 : i32
      %parallel_loop3A_674 = vector.broadcast %parallel_loop3A_673 : i32 to vector<16xi32>
      %parallel_loop3A_675 = vector.broadcast %parallel_loop3A_667 : i32 to vector<16xi32>
      %parallel_loop3A_676 = arith.addi %parallel_loop3A_674, %parallel_loop3A_675 : vector<16xi32>
      %parallel_loop3A_677 = arith.constant 0 : i32
      %parallel_loop3A_678 = arith.constant 0 : i32
      %parallel_loop3A_679 = tpu.memref_slice %arg6[%parallel_loop3A_431, %parallel_loop3A_677, %parallel_loop3A_678] : memref<2x128x32xf32, #tpu.memory_space<vmem>> -> memref<1x128x32xf32, #tpu.memory_space<vmem>>
      %parallel_loop3A_680 = tpu.memref_squeeze %parallel_loop3A_679 : memref<1x128x32xf32, #tpu.memory_space<vmem>> -> memref<128x32xf32, #tpu.memory_space<vmem>>
      %parallel_loop3A_681 = tpu.vector_load_idx %parallel_loop3A_680[%parallel_loop3A_672, %parallel_loop3A_676] : memref<128x32xf32, #tpu.memory_space<vmem>>[vector<16xi32>, vector<16xi32>], vector<16xf32>,
      %parallel_loop3A_682 = arith.constant 8 : i32
      %parallel_loop3A_683 = arith.divsi %parallel_loop3A_667, %parallel_loop3A_682 : i32
      %parallel_loop3A_684 = arith.constant 0 : i32
      %parallel_loop3A_685 = arith.cmpi sgt, %parallel_loop3A_667, %parallel_loop3A_684 : i32
      %parallel_loop3A_686 = arith.extui %parallel_loop3A_685 : i1 to i32
      %parallel_loop3A_687 = arith.constant 0 : i32
      %parallel_loop3A_688 = arith.cmpi slt, %parallel_loop3A_667, %parallel_loop3A_687 : i32
      %parallel_loop3A_689 = arith.extui %parallel_loop3A_688 : i1 to i32
      %parallel_loop3A_690 = arith.subi %parallel_loop3A_686, %parallel_loop3A_689 : i32
      %parallel_loop3A_691 = arith.constant 0 : i32
      %parallel_loop3A_692 = arith.cmpi sgt, %parallel_loop3A_682, %parallel_loop3A_691 : i32
      %parallel_loop3A_693 = arith.extui %parallel_loop3A_692 : i1 to i32
      %parallel_loop3A_694 = arith.constant 0 : i32
      %parallel_loop3A_695 = arith.cmpi slt, %parallel_loop3A_682, %parallel_loop3A_694 : i32
      %parallel_loop3A_696 = arith.extui %parallel_loop3A_695 : i1 to i32
      %parallel_loop3A_697 = arith.subi %parallel_loop3A_693, %parallel_loop3A_696 : i32
      %parallel_loop3A_698 = arith.cmpi ne, %parallel_loop3A_690, %parallel_loop3A_697 : i32
      %parallel_loop3A_699 = arith.remsi %parallel_loop3A_667, %parallel_loop3A_682 : i32
      %parallel_loop3A_700 = arith.constant 0 : i32
      %parallel_loop3A_701 = arith.cmpi ne, %parallel_loop3A_699, %parallel_loop3A_700 : i32
      %parallel_loop3A_702 = arith.andi %parallel_loop3A_698, %parallel_loop3A_701 : i1
      %parallel_loop3A_703 = arith.constant 1 : i32
      %parallel_loop3A_704 = arith.subi %parallel_loop3A_683, %parallel_loop3A_703 : i32
      %parallel_loop3A_705 = arith.select %parallel_loop3A_702, %parallel_loop3A_704, %parallel_loop3A_683 : i32
      %parallel_loop3A_706 = arith.constant 8 : i32
      %parallel_loop3A_707 = arith.constant 0 : i32
      %parallel_loop3A_708 = arith.cmpi eq, %parallel_loop3A_706, %parallel_loop3A_707 : i32
      %parallel_loop3A_709 = arith.constant 1 : i32
      %parallel_loop3A_710 = arith.select %parallel_loop3A_708, %parallel_loop3A_709, %parallel_loop3A_706 : i32
      %parallel_loop3A_711 = arith.remsi %parallel_loop3A_667, %parallel_loop3A_710 : i32
      %parallel_loop3A_712 = arith.constant 0 : i32
      %parallel_loop3A_713 = arith.cmpi ne, %parallel_loop3A_711, %parallel_loop3A_712 : i32
      %parallel_loop3A_714 = arith.constant 0 : i32
      %parallel_loop3A_715 = arith.cmpi slt, %parallel_loop3A_711, %parallel_loop3A_714 : i32
      %parallel_loop3A_716 = arith.constant 0 : i32
      %parallel_loop3A_717 = arith.cmpi slt, %parallel_loop3A_710, %parallel_loop3A_716 : i32
      %parallel_loop3A_718 = arith.xori %parallel_loop3A_715, %parallel_loop3A_717 : i1
      %parallel_loop3A_719 = arith.andi %parallel_loop3A_718, %parallel_loop3A_713 : i1
      %parallel_loop3A_720 = arith.addi %parallel_loop3A_711, %parallel_loop3A_710 : i32
      %parallel_loop3A_721 = arith.select %parallel_loop3A_719, %parallel_loop3A_720, %parallel_loop3A_711 : i32
      %parallel_loop3A_722 = arith.constant 16 : i32
      %parallel_loop3A_723 = arith.muli %parallel_loop3A_643, %parallel_loop3A_722 : i32
      %parallel_loop3A_724 = arith.constant 1 : i32
      %parallel_loop3A_725 = arith.constant 0 : i32
      %parallel_loop3A_726 = arith.index_cast %parallel_loop3A_724 : i32 to index
      %parallel_loop3A_727 = arith.index_cast %parallel_loop3A_705 : i32 to index
      %parallel_loop3A_728 = arith.index_cast %parallel_loop3A_725 : i32 to index
      %parallel_loop3A_729 = arith.index_cast %parallel_loop3A_721 : i32 to index
      %parallel_loop3A_730 = arith.index_cast %parallel_loop3A_723 : i32 to index
      %parallel_loop3A_731 = tpu.vector_load %arg7[%parallel_loop3A_726, %parallel_loop3A_727, %parallel_loop3A_728, %parallel_loop3A_729, %parallel_loop3A_730] {strides = array<i32>} : memref<2x4x1x8x128xf32, #tpu.memory_space<vmem>>, vector<16xf32>,
      tpu.vector_store %arg7[%parallel_loop3A_726, %parallel_loop3A_727, %parallel_loop3A_728, %parallel_loop3A_729, %parallel_loop3A_730], %parallel_loop3A_681 {strides = array<i32>} : memref<2x4x1x8x128xf32, #tpu.memory_space<vmem>>, vector<16xf32>,
    } {sc.loop_unroll_factor = 32 : i64, sc.parallel_access}
    %add3A_432 = arith.constant 103 : i32
    %add3A_433 = arith.addi %mul3A_2, %add3A_432 : i32
    %jit3A_434 = arith.constant 128 : i32
    %div3A_435 = arith.divsi %add3A_433, %jit3A_434 : i32
    %sign3A_436 = arith.constant 0 : i32
    %sign3A_437 = arith.cmpi sgt, %add3A_433, %sign3A_436 : i32
    %sign3A_438 = arith.extui %sign3A_437 : i1 to i32
    %sign3A_439 = arith.constant 0 : i32
    %sign3A_440 = arith.cmpi slt, %add3A_433, %sign3A_439 : i32
    %sign3A_441 = arith.extui %sign3A_440 : i1 to i32
    %sign3A_442 = arith.subi %sign3A_438, %sign3A_441 : i32
    %sign3A_443 = arith.constant 0 : i32
    %sign3A_444 = arith.cmpi sgt, %jit3A_434, %sign3A_443 : i32
    %sign3A_445 = arith.extui %sign3A_444 : i1 to i32
    %sign3A_446 = arith.constant 0 : i32
    %sign3A_447 = arith.cmpi slt, %jit3A_434, %sign3A_446 : i32
    %sign3A_448 = arith.extui %sign3A_447 : i1 to i32
    %sign3A_449 = arith.subi %sign3A_445, %sign3A_448 : i32
    %ne3A_450 = arith.cmpi ne, %sign3A_442, %sign3A_449 : i32
    %rem3A_451 = arith.remsi %add3A_433, %jit3A_434 : i32
    %ne3A_452 = arith.constant 0 : i32
    %ne3A_453 = arith.cmpi ne, %rem3A_451, %ne3A_452 : i32
    %and3A_454 = arith.andi %ne3A_450, %ne3A_453 : i1
    %sub3A_455 = arith.constant 1 : i32
    %sub3A_456 = arith.subi %div3A_435, %sub3A_455 : i32
    %select_n3A_457 = arith.select %and3A_454, %sub3A_456, %div3A_435 : i32
    %jit3A_458 = arith.constant 128 : i32
    %eq3A_459 = arith.constant 0 : i32
    %eq3A_460 = arith.cmpi eq, %jit3A_458, %eq3A_459 : i32
    %jit3A_461 = arith.constant 1 : i32
    %select_n3A_462 = arith.select %eq3A_460, %jit3A_461, %jit3A_458 : i32
    %rem3A_463 = arith.remsi %add3A_433, %select_n3A_462 : i32
    %ne3A_464 = arith.constant 0 : i32
    %ne3A_465 = arith.cmpi ne, %rem3A_463, %ne3A_464 : i32
    %lt3A_466 = arith.constant 0 : i32
    %lt3A_467 = arith.cmpi slt, %rem3A_463, %lt3A_466 : i32
    %lt3A_468 = arith.constant 0 : i32
    %lt3A_469 = arith.cmpi slt, %select_n3A_462, %lt3A_468 : i32
    %ne3A_470 = arith.xori %lt3A_467, %lt3A_469 : i1
    %and3A_471 = arith.andi %ne3A_470, %ne3A_465 : i1
    %add3A_472 = arith.addi %rem3A_463, %select_n3A_462 : i32
    %select_n3A_473 = arith.select %and3A_471, %add3A_472, %rem3A_463 : i32
    %dma_start3A_474 = arith.constant 1 : i32
    %dma_start3A_475 = arith.constant 0 : i32
    %dma_start3A_476 = arith.constant 0 : i32
    %dma_start3A_477 = arith.constant 0 : i32
    %dma_start3A_478 = arith.constant 0 : i32
    %dma_start3A_479 = tpu.memref_slice %arg7[%dma_start3A_474, %dma_start3A_475, %dma_start3A_476, %dma_start3A_477, %dma_start3A_478] : memref<2x4x1x8x128xf32, #tpu.memory_space<vmem>> -> memref<1x4x1x8x128xf32, #tpu.memory_space<vmem>>
    %dma_start3A_480 = tpu.memref_squeeze %dma_start3A_479 : memref<1x4x1x8x128xf32, #tpu.memory_space<vmem>> -> memref<4x1x8x128xf32, #tpu.memory_space<vmem>>
    %dma_start3A_481 = arith.constant 0 : i32
    %dma_start3A_482 = arith.constant 0 : i32
    %dma_start3A_483 = arith.constant 0 : i32
    %dma_start3A_484 = tpu.memref_slice %arg4[%select_n3A_457, %dma_start3A_481, %select_n3A_473, %dma_start3A_482, %dma_start3A_483] : memref<26x4x128x8x128xf32, #tpu.memory_space<hbm>> -> memref<1x4x1x8x128xf32, #tpu.memory_space<hbm>>
    %dma_start3A_485 = tpu.memref_squeeze %dma_start3A_484 : memref<1x4x1x8x128xf32, #tpu.memory_space<hbm>> -> memref<4x1x8x128xf32, #tpu.memory_space<hbm>>
    %dma_start3A_486 = arith.constant 0 : i32
    %dma_start3A_487 = arith.constant 0 : i32
    %dma_start3A_488 = arith.constant 0 : i32
    %dma_start3A_489 = tpu.memref_slice %arg4[%select_n3A_457, %dma_start3A_486, %select_n3A_473, %dma_start3A_487, %dma_start3A_488] : memref<26x4x128x8x128xf32, #tpu.memory_space<hbm>> -> memref<1x4x1x8x128xf32, #tpu.memory_space<hbm>>
    %dma_start3A_490 = tpu.memref_squeeze %dma_start3A_489 : memref<1x4x1x8x128xf32, #tpu.memory_space<hbm>> -> memref<4x1x8x128xf32, #tpu.memory_space<hbm>>
    %dma_start3A_491 = arith.constant 0 : i32
    %dma_start3A_492 = arith.constant 0 : i32
    %dma_start3A_493 = arith.constant 0 : i32
    %dma_start3A_494 = arith.constant 0 : i32
    %dma_start3A_495 = tpu.memref_slice %arg7[%dma_start3A_474, %dma_start3A_491, %dma_start3A_492, %dma_start3A_493, %dma_start3A_494] : memref<2x4x1x8x128xf32, #tpu.memory_space<vmem>> -> memref<1x4x1x8x128xf32, #tpu.memory_space<vmem>>
    %dma_start3A_496 = tpu.memref_squeeze %dma_start3A_495 : memref<1x4x1x8x128xf32, #tpu.memory_space<vmem>> -> memref<4x1x8x128xf32, #tpu.memory_space<vmem>>
    tpu.enqueue_dma source(%dma_start3A_496 : memref<4x1x8x128xf32, #tpu.memory_space<vmem>>) target(%dma_start3A_490 : memref<4x1x8x128xf32, #tpu.memory_space<hbm>>) target_semaphore(%arg11 : memref<!tpu.dma_semaphore, #tpu.memory_space<semaphore_mem>>)
    %add3A_497 = arith.constant 102 : i32
    %add3A_498 = arith.addi %mul3A_2, %add3A_497 : i32
    %jit3A_499 = arith.constant 128 : i32
    %div3A_500 = arith.divsi %add3A_498, %jit3A_499 : i32
    %sign3A_501 = arith.constant 0 : i32
    %sign3A_502 = arith.cmpi sgt, %add3A_498, %sign3A_501 : i32
    %sign3A_503 = arith.extui %sign3A_502 : i1 to i32
    %sign3A_504 = arith.constant 0 : i32
    %sign3A_505 = arith.cmpi slt, %add3A_498, %sign3A_504 : i32
    %sign3A_506 = arith.extui %sign3A_505 : i1 to i32
    %sign3A_507 = arith.subi %sign3A_503, %sign3A_506 : i32
    %sign3A_508 = arith.constant 0 : i32
    %sign3A_509 = arith.cmpi sgt, %jit3A_499, %sign3A_508 : i32
    %sign3A_510 = arith.extui %sign3A_509 : i1 to i32
    %sign3A_511 = arith.constant 0 : i32
    %sign3A_512 = arith.cmpi slt, %jit3A_499, %sign3A_511 : i32
    %sign3A_513 = arith.extui %sign3A_512 : i1 to i32
    %sign3A_514 = arith.subi %sign3A_510, %sign3A_513 : i32
    %ne3A_515 = arith.cmpi ne, %sign3A_507, %sign3A_514 : i32
    %rem3A_516 = arith.remsi %add3A_498, %jit3A_499 : i32
    %ne3A_517 = arith.constant 0 : i32
    %ne3A_518 = arith.cmpi ne, %rem3A_516, %ne3A_517 : i32
    %and3A_519 = arith.andi %ne3A_515, %ne3A_518 : i1
    %sub3A_520 = arith.constant 1 : i32
    %sub3A_521 = arith.subi %div3A_500, %sub3A_520 : i32
    %select_n3A_522 = arith.select %and3A_519, %sub3A_521, %div3A_500 : i32
    %jit3A_523 = arith.constant 128 : i32
    %eq3A_524 = arith.constant 0 : i32
    %eq3A_525 = arith.cmpi eq, %jit3A_523, %eq3A_524 : i32
    %jit3A_526 = arith.constant 1 : i32
    %select_n3A_527 = arith.select %eq3A_525, %jit3A_526, %jit3A_523 : i32
    %rem3A_528 = arith.remsi %add3A_498, %select_n3A_527 : i32
    %ne3A_529 = arith.constant 0 : i32
    %ne3A_530 = arith.cmpi ne, %rem3A_528, %ne3A_529 : i32
    %lt3A_531 = arith.constant 0 : i32
    %lt3A_532 = arith.cmpi slt, %rem3A_528, %lt3A_531 : i32
    %lt3A_533 = arith.constant 0 : i32
    %lt3A_534 = arith.cmpi slt, %select_n3A_527, %lt3A_533 : i32
    %ne3A_535 = arith.xori %lt3A_532, %lt3A_534 : i1
    %and3A_536 = arith.andi %ne3A_535, %ne3A_530 : i1
    %add3A_537 = arith.addi %rem3A_528, %select_n3A_527 : i32
    %select_n3A_538 = arith.select %and3A_536, %add3A_537, %rem3A_528 : i32
    %dma_wait3A_539 = arith.constant 0 : i32
    %dma_wait3A_540 = arith.constant 0 : i32
    %dma_wait3A_541 = arith.constant 0 : i32
    %dma_wait3A_542 = arith.constant 0 : i32
    %dma_wait3A_543 = arith.constant 0 : i32
    %dma_wait3A_544 = tpu.memref_slice %arg7[%dma_wait3A_539, %dma_wait3A_540, %dma_wait3A_541, %dma_wait3A_542, %dma_wait3A_543] : memref<2x4x1x8x128xf32, #tpu.memory_space<vmem>> -> memref<1x4x1x8x128xf32, #tpu.memory_space<vmem>>
    %dma_wait3A_545 = tpu.memref_squeeze %dma_wait3A_544 : memref<1x4x1x8x128xf32, #tpu.memory_space<vmem>> -> memref<4x1x8x128xf32, #tpu.memory_space<vmem>>
    %dma_wait3A_546 = arith.constant 0 : i32
    %dma_wait3A_547 = arith.constant 0 : i32
    %dma_wait3A_548 = arith.constant 0 : i32
    %dma_wait3A_549 = tpu.memref_slice %arg4[%select_n3A_522, %dma_wait3A_546, %select_n3A_538, %dma_wait3A_547, %dma_wait3A_548] : memref<26x4x128x8x128xf32, #tpu.memory_space<hbm>> -> memref<1x4x1x8x128xf32, #tpu.memory_space<hbm>>
    %dma_wait3A_550 = tpu.memref_squeeze %dma_wait3A_549 : memref<1x4x1x8x128xf32, #tpu.memory_space<hbm>> -> memref<4x1x8x128xf32, #tpu.memory_space<hbm>>
    %dma_wait3A_551 = arith.constant 0 : i32
    %dma_wait3A_552 = arith.constant 0 : i32
    %dma_wait3A_553 = arith.constant 0 : i32
    %dma_wait3A_554 = tpu.memref_slice %arg4[%select_n3A_522, %dma_wait3A_551, %select_n3A_538, %dma_wait3A_552, %dma_wait3A_553] : memref<26x4x128x8x128xf32, #tpu.memory_space<hbm>> -> memref<1x4x1x8x128xf32, #tpu.memory_space<hbm>>
    %dma_wait3A_555 = tpu.memref_squeeze %dma_wait3A_554 : memref<1x4x1x8x128xf32, #tpu.memory_space<hbm>> -> memref<4x1x8x128xf32, #tpu.memory_space<hbm>>
    %dma_wait3A_556 = arith.constant 0 : i32
    %dma_wait3A_557 = arith.constant 0 : i32
    %dma_wait3A_558 = arith.constant 0 : i32
    %dma_wait3A_559 = arith.constant 0 : i32
    %dma_wait3A_560 = tpu.memref_slice %arg7[%dma_wait3A_539, %dma_wait3A_556, %dma_wait3A_557, %dma_wait3A_558, %dma_wait3A_559] : memref<2x4x1x8x128xf32, #tpu.memory_space<vmem>> -> memref<1x4x1x8x128xf32, #tpu.memory_space<vmem>>
    %dma_wait3A_561 = tpu.memref_squeeze %dma_wait3A_560 : memref<1x4x1x8x128xf32, #tpu.memory_space<vmem>> -> memref<4x1x8x128xf32, #tpu.memory_space<vmem>>
    tpu.wait_dma2 semaphore(%arg10 : memref<!tpu.dma_semaphore, #tpu.memory_space<semaphore_mem>>) src(%dma_wait3A_561 : memref<4x1x8x128xf32, #tpu.memory_space<vmem>>) dst(%dma_wait3A_555 : memref<4x1x8x128xf32, #tpu.memory_space<hbm>>)
    %add3A_562 = arith.constant 103 : i32
    %add3A_563 = arith.addi %mul3A_2, %add3A_562 : i32
    %jit3A_564 = arith.constant 128 : i32
    %div3A_565 = arith.divsi %add3A_563, %jit3A_564 : i32
    %sign3A_566 = arith.constant 0 : i32
    %sign3A_567 = arith.cmpi sgt, %add3A_563, %sign3A_566 : i32
    %sign3A_568 = arith.extui %sign3A_567 : i1 to i32
    %sign3A_569 = arith.constant 0 : i32
    %sign3A_570 = arith.cmpi slt, %add3A_563, %sign3A_569 : i32
    %sign3A_571 = arith.extui %sign3A_570 : i1 to i32
    %sign3A_572 = arith.subi %sign3A_568, %sign3A_571 : i32
    %sign3A_573 = arith.constant 0 : i32
    %sign3A_574 = arith.cmpi sgt, %jit3A_564, %sign3A_573 : i32
    %sign3A_575 = arith.extui %sign3A_574 : i1 to i32
    %sign3A_576 = arith.constant 0 : i32
    %sign3A_577 = arith.cmpi slt, %jit3A_564, %sign3A_576 : i32
    %sign3A_578 = arith.extui %sign3A_577 : i1 to i32
    %sign3A_579 = arith.subi %sign3A_575, %sign3A_578 : i32
    %ne3A_580 = arith.cmpi ne, %sign3A_572, %sign3A_579 : i32
    %rem3A_581 = arith.remsi %add3A_563, %jit3A_564 : i32
    %ne3A_582 = arith.constant 0 : i32
    %ne3A_583 = arith.cmpi ne, %rem3A_581, %ne3A_582 : i32
    %and3A_584 = arith.andi %ne3A_580, %ne3A_583 : i1
    %sub3A_585 = arith.constant 1 : i32
    %sub3A_586 = arith.subi %div3A_565, %sub3A_585 : i32
    %select_n3A_587 = arith.select %and3A_584, %sub3A_586, %div3A_565 : i32
    %jit3A_588 = arith.constant 128 : i32
    %eq3A_589 = arith.constant 0 : i32
    %eq3A_590 = arith.cmpi eq, %jit3A_588, %eq3A_589 : i32
    %jit3A_591 = arith.constant 1 : i32
    %select_n3A_592 = arith.select %eq3A_590, %jit3A_591, %jit3A_588 : i32
    %rem3A_593 = arith.remsi %add3A_563, %select_n3A_592 : i32
    %ne3A_594 = arith.constant 0 : i32
    %ne3A_595 = arith.cmpi ne, %rem3A_593, %ne3A_594 : i32
    %lt3A_596 = arith.constant 0 : i32
    %lt3A_597 = arith.cmpi slt, %rem3A_593, %lt3A_596 : i32
    %lt3A_598 = arith.constant 0 : i32
    %lt3A_599 = arith.cmpi slt, %select_n3A_592, %lt3A_598 : i32
    %ne3A_600 = arith.xori %lt3A_597, %lt3A_599 : i1
    %and3A_601 = arith.andi %ne3A_600, %ne3A_595 : i1
    %add3A_602 = arith.addi %rem3A_593, %select_n3A_592 : i32
    %select_n3A_603 = arith.select %and3A_601, %add3A_602, %rem3A_593 : i32
    %dma_wait3A_604 = arith.constant 1 : i32
    %dma_wait3A_605 = arith.constant 0 : i32
    %dma_wait3A_606 = arith.constant 0 : i32
    %dma_wait3A_607 = arith.constant 0 : i32
    %dma_wait3A_608 = arith.constant 0 : i32
    %dma_wait3A_609 = tpu.memref_slice %arg7[%dma_wait3A_604, %dma_wait3A_605, %dma_wait3A_606, %dma_wait3A_607, %dma_wait3A_608] : memref<2x4x1x8x128xf32, #tpu.memory_space<vmem>> -> memref<1x4x1x8x128xf32, #tpu.memory_space<vmem>>
    %dma_wait3A_610 = tpu.memref_squeeze %dma_wait3A_609 : memref<1x4x1x8x128xf32, #tpu.memory_space<vmem>> -> memref<4x1x8x128xf32, #tpu.memory_space<vmem>>
    %dma_wait3A_611 = arith.constant 0 : i32
    %dma_wait3A_612 = arith.constant 0 : i32
    %dma_wait3A_613 = arith.constant 0 : i32
    %dma_wait3A_614 = tpu.memref_slice %arg4[%select_n3A_587, %dma_wait3A_611, %select_n3A_603, %dma_wait3A_612, %dma_wait3A_613] : memref<26x4x128x8x128xf32, #tpu.memory_space<hbm>> -> memref<1x4x1x8x128xf32, #tpu.memory_space<hbm>>
    %dma_wait3A_615 = tpu.memref_squeeze %dma_wait3A_614 : memref<1x4x1x8x128xf32, #tpu.memory_space<hbm>> -> memref<4x1x8x128xf32, #tpu.memory_space<hbm>>
    %dma_wait3A_616 = arith.constant 0 : i32
    %dma_wait3A_617 = arith.constant 0 : i32
    %dma_wait3A_618 = arith.constant 0 : i32
    %dma_wait3A_619 = tpu.memref_slice %arg4[%select_n3A_587, %dma_wait3A_616, %select_n3A_603, %dma_wait3A_617, %dma_wait3A_618] : memref<26x4x128x8x128xf32, #tpu.memory_space<hbm>> -> memref<1x4x1x8x128xf32, #tpu.memory_space<hbm>>
    %dma_wait3A_620 = tpu.memref_squeeze %dma_wait3A_619 : memref<1x4x1x8x128xf32, #tpu.memory_space<hbm>> -> memref<4x1x8x128xf32, #tpu.memory_space<hbm>>
    %dma_wait3A_621 = arith.constant 0 : i32
    %dma_wait3A_622 = arith.constant 0 : i32
    %dma_wait3A_623 = arith.constant 0 : i32
    %dma_wait3A_624 = arith.constant 0 : i32
    %dma_wait3A_625 = tpu.memref_slice %arg7[%dma_wait3A_604, %dma_wait3A_621, %dma_wait3A_622, %dma_wait3A_623, %dma_wait3A_624] : memref<2x4x1x8x128xf32, #tpu.memory_space<vmem>> -> memref<1x4x1x8x128xf32, #tpu.memory_space<vmem>>
    %dma_wait3A_626 = tpu.memref_squeeze %dma_wait3A_625 : memref<1x4x1x8x128xf32, #tpu.memory_space<vmem>> -> memref<4x1x8x128xf32, #tpu.memory_space<vmem>>
    tpu.wait_dma2 semaphore(%arg11 : memref<!tpu.dma_semaphore, #tpu.memory_space<semaphore_mem>>) src(%dma_wait3A_626 : memref<4x1x8x128xf32, #tpu.memory_space<vmem>>) dst(%dma_wait3A_620 : memref<4x1x8x128xf32, #tpu.memory_space<hbm>>)
    return
  }
}

module attributes {stable_mosaic.version = 14 : i64} {
  func.func @_repack_body(%arg0: i32, %arg1: memref<32x16384xf32, #tpu.memory_space<vmem>>, %arg2: memref<4096x128xf32, #tpu.memory_space<vmem>>, %arg3: memref<32x512x32xf32, #tpu.memory_space<vmem>>) attributes {dimension_semantics = [#tpu.dimension_semantics<arbitrary>], iteration_bounds = array<i64: 62>, scalar_prefetch = 0 : i64, scratch_operands = 1 : i64, tpu.core_type = #tpu.core_type<tc>, window_params = [{transform_indices = @transform_0, window_bounds = array<i64: 32, 16384>}, {transform_indices = @transform_1, window_bounds = array<i64: 4096, 128>}]} {
    %get3A = arith.constant 0 : index
    %get3A_0 = arith.constant 0 : index
    %get3A_1 = vector.load %arg1[%get3A, %get3A_0] : memref<32x16384xf32, #tpu.memory_space<vmem>>, vector<32x512xf32>
    %transpose3A = tpu.transpose %get3A_1, [1, 0] : vector<32x512xf32> -> vector<512x32xf32>
    %swap3A = arith.constant 0 : index
    %swap3A_2 = arith.constant 0 : index
    %swap3A_3 = arith.constant 0 : index
    %swap3A_4 = vector.load %arg3[%swap3A, %swap3A_2, %swap3A_3] : memref<32x512x32xf32, #tpu.memory_space<vmem>>, vector<1x512x32xf32>
    %swap3A_5 = vector.shape_cast %swap3A_4 : vector<1x512x32xf32> to vector<512x32xf32>
    %swap3A_6 = vector.shape_cast %transpose3A : vector<512x32xf32> to vector<1x512x32xf32>
    tpu.vector_store %arg3[%swap3A, %swap3A_2, %swap3A_3], %swap3A_6 {strides = array<i32>} : memref<32x512x32xf32, #tpu.memory_space<vmem>>, vector<1x512x32xf32>,
    %get3A_7 = arith.constant 0 : index
    %get3A_8 = arith.constant 0 : index
    %get3A_9 = arith.constant 0 : index
    %get3A_10 = tpu.strided_load %arg3[%get3A_7, %get3A_8, %get3A_9] {strides = array<i32: 1, 4, 1>} : memref<32x512x32xf32, #tpu.memory_space<vmem>>, vector<1x128x32xf32>
    %get3A_11 = vector.shape_cast %get3A_10 : vector<1x128x32xf32> to vector<128x32xf32>
    %swap3A_12 = arith.constant 0 : index
    %swap3A_13 = arith.constant 0 : index
    %swap3A_14 = vector.load %arg2[%swap3A_12, %swap3A_13] : memref<4096x128xf32, #tpu.memory_space<vmem>>, vector<128x32xf32>
    tpu.vector_store %arg2[%swap3A_12, %swap3A_13], %get3A_11 {strides = array<i32>} : memref<4096x128xf32, #tpu.memory_space<vmem>>, vector<128x32xf32>,
    %get3A_15 = arith.constant 0 : index
    %get3A_16 = arith.constant 1 : index
    %get3A_17 = arith.constant 0 : index
    %get3A_18 = tpu.strided_load %arg3[%get3A_15, %get3A_16, %get3A_17] {strides = array<i32: 1, 4, 1>} : memref<32x512x32xf32, #tpu.memory_space<vmem>>, vector<1x128x32xf32>
    %get3A_19 = vector.shape_cast %get3A_18 : vector<1x128x32xf32> to vector<128x32xf32>
    %swap3A_20 = arith.constant 0 : index
    %swap3A_21 = arith.constant 32 : index
    %swap3A_22 = vector.load %arg2[%swap3A_20, %swap3A_21] : memref<4096x128xf32, #tpu.memory_space<vmem>>, vector<128x32xf32>
    tpu.vector_store %arg2[%swap3A_20, %swap3A_21], %get3A_19 {strides = array<i32>} : memref<4096x128xf32, #tpu.memory_space<vmem>>, vector<128x32xf32>,
    %get3A_23 = arith.constant 0 : index
    %get3A_24 = arith.constant 2 : index
    %get3A_25 = arith.constant 0 : index
    %get3A_26 = tpu.strided_load %arg3[%get3A_23, %get3A_24, %get3A_25] {strides = array<i32: 1, 4, 1>} : memref<32x512x32xf32, #tpu.memory_space<vmem>>, vector<1x128x32xf32>
    %get3A_27 = vector.shape_cast %get3A_26 : vector<1x128x32xf32> to vector<128x32xf32>
    %swap3A_28 = arith.constant 0 : index
    %swap3A_29 = arith.constant 64 : index
    %swap3A_30 = vector.load %arg2[%swap3A_28, %swap3A_29] : memref<4096x128xf32, #tpu.memory_space<vmem>>, vector<128x32xf32>
    tpu.vector_store %arg2[%swap3A_28, %swap3A_29], %get3A_27 {strides = array<i32>} : memref<4096x128xf32, #tpu.memory_space<vmem>>, vector<128x32xf32>,
    %get3A_31 = arith.constant 0 : index
    %get3A_32 = arith.constant 3 : index
    %get3A_33 = arith.constant 0 : index
    %get3A_34 = tpu.strided_load %arg3[%get3A_31, %get3A_32, %get3A_33] {strides = array<i32: 1, 4, 1>} : memref<32x512x32xf32, #tpu.memory_space<vmem>>, vector<1x128x32xf32>
    %get3A_35 = vector.shape_cast %get3A_34 : vector<1x128x32xf32> to vector<128x32xf32>
    %swap3A_36 = arith.constant 0 : index
    %swap3A_37 = arith.constant 96 : index
    %swap3A_38 = vector.load %arg2[%swap3A_36, %swap3A_37] : memref<4096x128xf32, #tpu.memory_space<vmem>>, vector<128x32xf32>
    tpu.vector_store %arg2[%swap3A_36, %swap3A_37], %get3A_35 {strides = array<i32>} : memref<4096x128xf32, #tpu.memory_space<vmem>>, vector<128x32xf32>,
    %get3A_39 = arith.constant 0 : index
    %get3A_40 = arith.constant 512 : index
    %get3A_41 = vector.load %arg1[%get3A_39, %get3A_40] : memref<32x16384xf32, #tpu.memory_space<vmem>>, vector<32x512xf32>
    %transpose3A_42 = tpu.transpose %get3A_41, [1, 0] : vector<32x512xf32> -> vector<512x32xf32>
    %swap3A_43 = arith.constant 1 : index
    %swap3A_44 = arith.constant 0 : index
    %swap3A_45 = arith.constant 0 : index
    %swap3A_46 = vector.load %arg3[%swap3A_43, %swap3A_44, %swap3A_45] : memref<32x512x32xf32, #tpu.memory_space<vmem>>, vector<1x512x32xf32>
    %swap3A_47 = vector.shape_cast %swap3A_46 : vector<1x512x32xf32> to vector<512x32xf32>
    %swap3A_48 = vector.shape_cast %transpose3A_42 : vector<512x32xf32> to vector<1x512x32xf32>
    tpu.vector_store %arg3[%swap3A_43, %swap3A_44, %swap3A_45], %swap3A_48 {strides = array<i32>} : memref<32x512x32xf32, #tpu.memory_space<vmem>>, vector<1x512x32xf32>,
    %get3A_49 = arith.constant 1 : index
    %get3A_50 = arith.constant 0 : index
    %get3A_51 = arith.constant 0 : index
    %get3A_52 = tpu.strided_load %arg3[%get3A_49, %get3A_50, %get3A_51] {strides = array<i32: 1, 4, 1>} : memref<32x512x32xf32, #tpu.memory_space<vmem>>, vector<1x128x32xf32>
    %get3A_53 = vector.shape_cast %get3A_52 : vector<1x128x32xf32> to vector<128x32xf32>
    %swap3A_54 = arith.constant 128 : index
    %swap3A_55 = arith.constant 0 : index
    %swap3A_56 = vector.load %arg2[%swap3A_54, %swap3A_55] : memref<4096x128xf32, #tpu.memory_space<vmem>>, vector<128x32xf32>
    tpu.vector_store %arg2[%swap3A_54, %swap3A_55], %get3A_53 {strides = array<i32>} : memref<4096x128xf32, #tpu.memory_space<vmem>>, vector<128x32xf32>,
    %get3A_57 = arith.constant 1 : index
    %get3A_58 = arith.constant 1 : index
    %get3A_59 = arith.constant 0 : index
    %get3A_60 = tpu.strided_load %arg3[%get3A_57, %get3A_58, %get3A_59] {strides = array<i32: 1, 4, 1>} : memref<32x512x32xf32, #tpu.memory_space<vmem>>, vector<1x128x32xf32>
    %get3A_61 = vector.shape_cast %get3A_60 : vector<1x128x32xf32> to vector<128x32xf32>
    %swap3A_62 = arith.constant 128 : index
    %swap3A_63 = arith.constant 32 : index
    %swap3A_64 = vector.load %arg2[%swap3A_62, %swap3A_63] : memref<4096x128xf32, #tpu.memory_space<vmem>>, vector<128x32xf32>
    tpu.vector_store %arg2[%swap3A_62, %swap3A_63], %get3A_61 {strides = array<i32>} : memref<4096x128xf32, #tpu.memory_space<vmem>>, vector<128x32xf32>,
    %get3A_65 = arith.constant 1 : index
    %get3A_66 = arith.constant 2 : index
    %get3A_67 = arith.constant 0 : index
    %get3A_68 = tpu.strided_load %arg3[%get3A_65, %get3A_66, %get3A_67] {strides = array<i32: 1, 4, 1>} : memref<32x512x32xf32, #tpu.memory_space<vmem>>, vector<1x128x32xf32>
    %get3A_69 = vector.shape_cast %get3A_68 : vector<1x128x32xf32> to vector<128x32xf32>
    %swap3A_70 = arith.constant 128 : index
    %swap3A_71 = arith.constant 64 : index
    %swap3A_72 = vector.load %arg2[%swap3A_70, %swap3A_71] : memref<4096x128xf32, #tpu.memory_space<vmem>>, vector<128x32xf32>
    tpu.vector_store %arg2[%swap3A_70, %swap3A_71], %get3A_69 {strides = array<i32>} : memref<4096x128xf32, #tpu.memory_space<vmem>>, vector<128x32xf32>,
    %get3A_73 = arith.constant 1 : index
    %get3A_74 = arith.constant 3 : index
    %get3A_75 = arith.constant 0 : index
    %get3A_76 = tpu.strided_load %arg3[%get3A_73, %get3A_74, %get3A_75] {strides = array<i32: 1, 4, 1>} : memref<32x512x32xf32, #tpu.memory_space<vmem>>, vector<1x128x32xf32>
    %get3A_77 = vector.shape_cast %get3A_76 : vector<1x128x32xf32> to vector<128x32xf32>
    %swap3A_78 = arith.constant 128 : index
    %swap3A_79 = arith.constant 96 : index
    %swap3A_80 = vector.load %arg2[%swap3A_78, %swap3A_79] : memref<4096x128xf32, #tpu.memory_space<vmem>>, vector<128x32xf32>
    tpu.vector_store %arg2[%swap3A_78, %swap3A_79], %get3A_77 {strides = array<i32>} : memref<4096x128xf32, #tpu.memory_space<vmem>>, vector<128x32xf32>,
    %get3A_81 = arith.constant 0 : index
    %get3A_82 = arith.constant 1024 : index
    %get3A_83 = vector.load %arg1[%get3A_81, %get3A_82] : memref<32x16384xf32, #tpu.memory_space<vmem>>, vector<32x512xf32>
    %transpose3A_84 = tpu.transpose %get3A_83, [1, 0] : vector<32x512xf32> -> vector<512x32xf32>
    %swap3A_85 = arith.constant 2 : index
    %swap3A_86 = arith.constant 0 : index
    %swap3A_87 = arith.constant 0 : index
    %swap3A_88 = vector.load %arg3[%swap3A_85, %swap3A_86, %swap3A_87] : memref<32x512x32xf32, #tpu.memory_space<vmem>>, vector<1x512x32xf32>
    %swap3A_89 = vector.shape_cast %swap3A_88 : vector<1x512x32xf32> to vector<512x32xf32>
    %swap3A_90 = vector.shape_cast %transpose3A_84 : vector<512x32xf32> to vector<1x512x32xf32>
    tpu.vector_store %arg3[%swap3A_85, %swap3A_86, %swap3A_87], %swap3A_90 {strides = array<i32>} : memref<32x512x32xf32, #tpu.memory_space<vmem>>, vector<1x512x32xf32>,
    %get3A_91 = arith.constant 2 : index
    %get3A_92 = arith.constant 0 : index
    %get3A_93 = arith.constant 0 : index
    %get3A_94 = tpu.strided_load %arg3[%get3A_91, %get3A_92, %get3A_93] {strides = array<i32: 1, 4, 1>} : memref<32x512x32xf32, #tpu.memory_space<vmem>>, vector<1x128x32xf32>
    %get3A_95 = vector.shape_cast %get3A_94 : vector<1x128x32xf32> to vector<128x32xf32>
    %swap3A_96 = arith.constant 256 : index
    %swap3A_97 = arith.constant 0 : index
    %swap3A_98 = vector.load %arg2[%swap3A_96, %swap3A_97] : memref<4096x128xf32, #tpu.memory_space<vmem>>, vector<128x32xf32>
    tpu.vector_store %arg2[%swap3A_96, %swap3A_97], %get3A_95 {strides = array<i32>} : memref<4096x128xf32, #tpu.memory_space<vmem>>, vector<128x32xf32>,
    %get3A_99 = arith.constant 2 : index
    %get3A_100 = arith.constant 1 : index
    %get3A_101 = arith.constant 0 : index
    %get3A_102 = tpu.strided_load %arg3[%get3A_99, %get3A_100, %get3A_101] {strides = array<i32: 1, 4, 1>} : memref<32x512x32xf32, #tpu.memory_space<vmem>>, vector<1x128x32xf32>
    %get3A_103 = vector.shape_cast %get3A_102 : vector<1x128x32xf32> to vector<128x32xf32>
    %swap3A_104 = arith.constant 256 : index
    %swap3A_105 = arith.constant 32 : index
    %swap3A_106 = vector.load %arg2[%swap3A_104, %swap3A_105] : memref<4096x128xf32, #tpu.memory_space<vmem>>, vector<128x32xf32>
    tpu.vector_store %arg2[%swap3A_104, %swap3A_105], %get3A_103 {strides = array<i32>} : memref<4096x128xf32, #tpu.memory_space<vmem>>, vector<128x32xf32>,
    %get3A_107 = arith.constant 2 : index
    %get3A_108 = arith.constant 2 : index
    %get3A_109 = arith.constant 0 : index
    %get3A_110 = tpu.strided_load %arg3[%get3A_107, %get3A_108, %get3A_109] {strides = array<i32: 1, 4, 1>} : memref<32x512x32xf32, #tpu.memory_space<vmem>>, vector<1x128x32xf32>
    %get3A_111 = vector.shape_cast %get3A_110 : vector<1x128x32xf32> to vector<128x32xf32>
    %swap3A_112 = arith.constant 256 : index
    %swap3A_113 = arith.constant 64 : index
    %swap3A_114 = vector.load %arg2[%swap3A_112, %swap3A_113] : memref<4096x128xf32, #tpu.memory_space<vmem>>, vector<128x32xf32>
    tpu.vector_store %arg2[%swap3A_112, %swap3A_113], %get3A_111 {strides = array<i32>} : memref<4096x128xf32, #tpu.memory_space<vmem>>, vector<128x32xf32>,
    %get3A_115 = arith.constant 2 : index
    %get3A_116 = arith.constant 3 : index
    %get3A_117 = arith.constant 0 : index
    %get3A_118 = tpu.strided_load %arg3[%get3A_115, %get3A_116, %get3A_117] {strides = array<i32: 1, 4, 1>} : memref<32x512x32xf32, #tpu.memory_space<vmem>>, vector<1x128x32xf32>
    %get3A_119 = vector.shape_cast %get3A_118 : vector<1x128x32xf32> to vector<128x32xf32>
    %swap3A_120 = arith.constant 256 : index
    %swap3A_121 = arith.constant 96 : index
    %swap3A_122 = vector.load %arg2[%swap3A_120, %swap3A_121] : memref<4096x128xf32, #tpu.memory_space<vmem>>, vector<128x32xf32>
    tpu.vector_store %arg2[%swap3A_120, %swap3A_121], %get3A_119 {strides = array<i32>} : memref<4096x128xf32, #tpu.memory_space<vmem>>, vector<128x32xf32>,
    %get3A_123 = arith.constant 0 : index
    %get3A_124 = arith.constant 1536 : index
    %get3A_125 = vector.load %arg1[%get3A_123, %get3A_124] : memref<32x16384xf32, #tpu.memory_space<vmem>>, vector<32x512xf32>
    %transpose3A_126 = tpu.transpose %get3A_125, [1, 0] : vector<32x512xf32> -> vector<512x32xf32>
    %swap3A_127 = arith.constant 3 : index
    %swap3A_128 = arith.constant 0 : index
    %swap3A_129 = arith.constant 0 : index
    %swap3A_130 = vector.load %arg3[%swap3A_127, %swap3A_128, %swap3A_129] : memref<32x512x32xf32, #tpu.memory_space<vmem>>, vector<1x512x32xf32>
    %swap3A_131 = vector.shape_cast %swap3A_130 : vector<1x512x32xf32> to vector<512x32xf32>
    %swap3A_132 = vector.shape_cast %transpose3A_126 : vector<512x32xf32> to vector<1x512x32xf32>
    tpu.vector_store %arg3[%swap3A_127, %swap3A_128, %swap3A_129], %swap3A_132 {strides = array<i32>} : memref<32x512x32xf32, #tpu.memory_space<vmem>>, vector<1x512x32xf32>,
    %get3A_133 = arith.constant 3 : index
    %get3A_134 = arith.constant 0 : index
    %get3A_135 = arith.constant 0 : index
    %get3A_136 = tpu.strided_load %arg3[%get3A_133, %get3A_134, %get3A_135] {strides = array<i32: 1, 4, 1>} : memref<32x512x32xf32, #tpu.memory_space<vmem>>, vector<1x128x32xf32>
    %get3A_137 = vector.shape_cast %get3A_136 : vector<1x128x32xf32> to vector<128x32xf32>
    %swap3A_138 = arith.constant 384 : index
    %swap3A_139 = arith.constant 0 : index
    %swap3A_140 = vector.load %arg2[%swap3A_138, %swap3A_139] : memref<4096x128xf32, #tpu.memory_space<vmem>>, vector<128x32xf32>
    tpu.vector_store %arg2[%swap3A_138, %swap3A_139], %get3A_137 {strides = array<i32>} : memref<4096x128xf32, #tpu.memory_space<vmem>>, vector<128x32xf32>,
    %get3A_141 = arith.constant 3 : index
    %get3A_142 = arith.constant 1 : index
    %get3A_143 = arith.constant 0 : index
    %get3A_144 = tpu.strided_load %arg3[%get3A_141, %get3A_142, %get3A_143] {strides = array<i32: 1, 4, 1>} : memref<32x512x32xf32, #tpu.memory_space<vmem>>, vector<1x128x32xf32>
    %get3A_145 = vector.shape_cast %get3A_144 : vector<1x128x32xf32> to vector<128x32xf32>
    %swap3A_146 = arith.constant 384 : index
    %swap3A_147 = arith.constant 32 : index
    %swap3A_148 = vector.load %arg2[%swap3A_146, %swap3A_147] : memref<4096x128xf32, #tpu.memory_space<vmem>>, vector<128x32xf32>
    tpu.vector_store %arg2[%swap3A_146, %swap3A_147], %get3A_145 {strides = array<i32>} : memref<4096x128xf32, #tpu.memory_space<vmem>>, vector<128x32xf32>,
    %get3A_149 = arith.constant 3 : index
    %get3A_150 = arith.constant 2 : index
    %get3A_151 = arith.constant 0 : index
    %get3A_152 = tpu.strided_load %arg3[%get3A_149, %get3A_150, %get3A_151] {strides = array<i32: 1, 4, 1>} : memref<32x512x32xf32, #tpu.memory_space<vmem>>, vector<1x128x32xf32>
    %get3A_153 = vector.shape_cast %get3A_152 : vector<1x128x32xf32> to vector<128x32xf32>
    %swap3A_154 = arith.constant 384 : index
    %swap3A_155 = arith.constant 64 : index
    %swap3A_156 = vector.load %arg2[%swap3A_154, %swap3A_155] : memref<4096x128xf32, #tpu.memory_space<vmem>>, vector<128x32xf32>
    tpu.vector_store %arg2[%swap3A_154, %swap3A_155], %get3A_153 {strides = array<i32>} : memref<4096x128xf32, #tpu.memory_space<vmem>>, vector<128x32xf32>,
    %get3A_157 = arith.constant 3 : index
    %get3A_158 = arith.constant 3 : index
    %get3A_159 = arith.constant 0 : index
    %get3A_160 = tpu.strided_load %arg3[%get3A_157, %get3A_158, %get3A_159] {strides = array<i32: 1, 4, 1>} : memref<32x512x32xf32, #tpu.memory_space<vmem>>, vector<1x128x32xf32>
    %get3A_161 = vector.shape_cast %get3A_160 : vector<1x128x32xf32> to vector<128x32xf32>
    %swap3A_162 = arith.constant 384 : index
    %swap3A_163 = arith.constant 96 : index
    %swap3A_164 = vector.load %arg2[%swap3A_162, %swap3A_163] : memref<4096x128xf32, #tpu.memory_space<vmem>>, vector<128x32xf32>
    tpu.vector_store %arg2[%swap3A_162, %swap3A_163], %get3A_161 {strides = array<i32>} : memref<4096x128xf32, #tpu.memory_space<vmem>>, vector<128x32xf32>,
    %get3A_165 = arith.constant 0 : index
    %get3A_166 = arith.constant 2048 : index
    %get3A_167 = vector.load %arg1[%get3A_165, %get3A_166] : memref<32x16384xf32, #tpu.memory_space<vmem>>, vector<32x512xf32>
    %transpose3A_168 = tpu.transpose %get3A_167, [1, 0] : vector<32x512xf32> -> vector<512x32xf32>
    %swap3A_169 = arith.constant 4 : index
    %swap3A_170 = arith.constant 0 : index
    %swap3A_171 = arith.constant 0 : index
    %swap3A_172 = vector.load %arg3[%swap3A_169, %swap3A_170, %swap3A_171] : memref<32x512x32xf32, #tpu.memory_space<vmem>>, vector<1x512x32xf32>
    %swap3A_173 = vector.shape_cast %swap3A_172 : vector<1x512x32xf32> to vector<512x32xf32>
    %swap3A_174 = vector.shape_cast %transpose3A_168 : vector<512x32xf32> to vector<1x512x32xf32>
    tpu.vector_store %arg3[%swap3A_169, %swap3A_170, %swap3A_171], %swap3A_174 {strides = array<i32>} : memref<32x512x32xf32, #tpu.memory_space<vmem>>, vector<1x512x32xf32>,
    %get3A_175 = arith.constant 4 : index
    %get3A_176 = arith.constant 0 : index
    %get3A_177 = arith.constant 0 : index
    %get3A_178 = tpu.strided_load %arg3[%get3A_175, %get3A_176, %get3A_177] {strides = array<i32: 1, 4, 1>} : memref<32x512x32xf32, #tpu.memory_space<vmem>>, vector<1x128x32xf32>
    %get3A_179 = vector.shape_cast %get3A_178 : vector<1x128x32xf32> to vector<128x32xf32>
    %swap3A_180 = arith.constant 512 : index
    %swap3A_181 = arith.constant 0 : index
    %swap3A_182 = vector.load %arg2[%swap3A_180, %swap3A_181] : memref<4096x128xf32, #tpu.memory_space<vmem>>, vector<128x32xf32>
    tpu.vector_store %arg2[%swap3A_180, %swap3A_181], %get3A_179 {strides = array<i32>} : memref<4096x128xf32, #tpu.memory_space<vmem>>, vector<128x32xf32>,
    %get3A_183 = arith.constant 4 : index
    %get3A_184 = arith.constant 1 : index
    %get3A_185 = arith.constant 0 : index
    %get3A_186 = tpu.strided_load %arg3[%get3A_183, %get3A_184, %get3A_185] {strides = array<i32: 1, 4, 1>} : memref<32x512x32xf32, #tpu.memory_space<vmem>>, vector<1x128x32xf32>
    %get3A_187 = vector.shape_cast %get3A_186 : vector<1x128x32xf32> to vector<128x32xf32>
    %swap3A_188 = arith.constant 512 : index
    %swap3A_189 = arith.constant 32 : index
    %swap3A_190 = vector.load %arg2[%swap3A_188, %swap3A_189] : memref<4096x128xf32, #tpu.memory_space<vmem>>, vector<128x32xf32>
    tpu.vector_store %arg2[%swap3A_188, %swap3A_189], %get3A_187 {strides = array<i32>} : memref<4096x128xf32, #tpu.memory_space<vmem>>, vector<128x32xf32>,
    %get3A_191 = arith.constant 4 : index
    %get3A_192 = arith.constant 2 : index
    %get3A_193 = arith.constant 0 : index
    %get3A_194 = tpu.strided_load %arg3[%get3A_191, %get3A_192, %get3A_193] {strides = array<i32: 1, 4, 1>} : memref<32x512x32xf32, #tpu.memory_space<vmem>>, vector<1x128x32xf32>
    %get3A_195 = vector.shape_cast %get3A_194 : vector<1x128x32xf32> to vector<128x32xf32>
    %swap3A_196 = arith.constant 512 : index
    %swap3A_197 = arith.constant 64 : index
    %swap3A_198 = vector.load %arg2[%swap3A_196, %swap3A_197] : memref<4096x128xf32, #tpu.memory_space<vmem>>, vector<128x32xf32>
    tpu.vector_store %arg2[%swap3A_196, %swap3A_197], %get3A_195 {strides = array<i32>} : memref<4096x128xf32, #tpu.memory_space<vmem>>, vector<128x32xf32>,
    %get3A_199 = arith.constant 4 : index
    %get3A_200 = arith.constant 3 : index
    %get3A_201 = arith.constant 0 : index
    %get3A_202 = tpu.strided_load %arg3[%get3A_199, %get3A_200, %get3A_201] {strides = array<i32: 1, 4, 1>} : memref<32x512x32xf32, #tpu.memory_space<vmem>>, vector<1x128x32xf32>
    %get3A_203 = vector.shape_cast %get3A_202 : vector<1x128x32xf32> to vector<128x32xf32>
    %swap3A_204 = arith.constant 512 : index
    %swap3A_205 = arith.constant 96 : index
    %swap3A_206 = vector.load %arg2[%swap3A_204, %swap3A_205] : memref<4096x128xf32, #tpu.memory_space<vmem>>, vector<128x32xf32>
    tpu.vector_store %arg2[%swap3A_204, %swap3A_205], %get3A_203 {strides = array<i32>} : memref<4096x128xf32, #tpu.memory_space<vmem>>, vector<128x32xf32>,
    %get3A_207 = arith.constant 0 : index
    %get3A_208 = arith.constant 2560 : index
    %get3A_209 = vector.load %arg1[%get3A_207, %get3A_208] : memref<32x16384xf32, #tpu.memory_space<vmem>>, vector<32x512xf32>
    %transpose3A_210 = tpu.transpose %get3A_209, [1, 0] : vector<32x512xf32> -> vector<512x32xf32>
    %swap3A_211 = arith.constant 5 : index
    %swap3A_212 = arith.constant 0 : index
    %swap3A_213 = arith.constant 0 : index
    %swap3A_214 = vector.load %arg3[%swap3A_211, %swap3A_212, %swap3A_213] : memref<32x512x32xf32, #tpu.memory_space<vmem>>, vector<1x512x32xf32>
    %swap3A_215 = vector.shape_cast %swap3A_214 : vector<1x512x32xf32> to vector<512x32xf32>
    %swap3A_216 = vector.shape_cast %transpose3A_210 : vector<512x32xf32> to vector<1x512x32xf32>
    tpu.vector_store %arg3[%swap3A_211, %swap3A_212, %swap3A_213], %swap3A_216 {strides = array<i32>} : memref<32x512x32xf32, #tpu.memory_space<vmem>>, vector<1x512x32xf32>,
    %get3A_217 = arith.constant 5 : index
    %get3A_218 = arith.constant 0 : index
    %get3A_219 = arith.constant 0 : index
    %get3A_220 = tpu.strided_load %arg3[%get3A_217, %get3A_218, %get3A_219] {strides = array<i32: 1, 4, 1>} : memref<32x512x32xf32, #tpu.memory_space<vmem>>, vector<1x128x32xf32>
    %get3A_221 = vector.shape_cast %get3A_220 : vector<1x128x32xf32> to vector<128x32xf32>
    %swap3A_222 = arith.constant 640 : index
    %swap3A_223 = arith.constant 0 : index
    %swap3A_224 = vector.load %arg2[%swap3A_222, %swap3A_223] : memref<4096x128xf32, #tpu.memory_space<vmem>>, vector<128x32xf32>
    tpu.vector_store %arg2[%swap3A_222, %swap3A_223], %get3A_221 {strides = array<i32>} : memref<4096x128xf32, #tpu.memory_space<vmem>>, vector<128x32xf32>,
    %get3A_225 = arith.constant 5 : index
    %get3A_226 = arith.constant 1 : index
    %get3A_227 = arith.constant 0 : index
    %get3A_228 = tpu.strided_load %arg3[%get3A_225, %get3A_226, %get3A_227] {strides = array<i32: 1, 4, 1>} : memref<32x512x32xf32, #tpu.memory_space<vmem>>, vector<1x128x32xf32>
    %get3A_229 = vector.shape_cast %get3A_228 : vector<1x128x32xf32> to vector<128x32xf32>
    %swap3A_230 = arith.constant 640 : index
    %swap3A_231 = arith.constant 32 : index
    %swap3A_232 = vector.load %arg2[%swap3A_230, %swap3A_231] : memref<4096x128xf32, #tpu.memory_space<vmem>>, vector<128x32xf32>
    tpu.vector_store %arg2[%swap3A_230, %swap3A_231], %get3A_229 {strides = array<i32>} : memref<4096x128xf32, #tpu.memory_space<vmem>>, vector<128x32xf32>,
    %get3A_233 = arith.constant 5 : index
    %get3A_234 = arith.constant 2 : index
    %get3A_235 = arith.constant 0 : index
    %get3A_236 = tpu.strided_load %arg3[%get3A_233, %get3A_234, %get3A_235] {strides = array<i32: 1, 4, 1>} : memref<32x512x32xf32, #tpu.memory_space<vmem>>, vector<1x128x32xf32>
    %get3A_237 = vector.shape_cast %get3A_236 : vector<1x128x32xf32> to vector<128x32xf32>
    %swap3A_238 = arith.constant 640 : index
    %swap3A_239 = arith.constant 64 : index
    %swap3A_240 = vector.load %arg2[%swap3A_238, %swap3A_239] : memref<4096x128xf32, #tpu.memory_space<vmem>>, vector<128x32xf32>
    tpu.vector_store %arg2[%swap3A_238, %swap3A_239], %get3A_237 {strides = array<i32>} : memref<4096x128xf32, #tpu.memory_space<vmem>>, vector<128x32xf32>,
    %get3A_241 = arith.constant 5 : index
    %get3A_242 = arith.constant 3 : index
    %get3A_243 = arith.constant 0 : index
    %get3A_244 = tpu.strided_load %arg3[%get3A_241, %get3A_242, %get3A_243] {strides = array<i32: 1, 4, 1>} : memref<32x512x32xf32, #tpu.memory_space<vmem>>, vector<1x128x32xf32>
    %get3A_245 = vector.shape_cast %get3A_244 : vector<1x128x32xf32> to vector<128x32xf32>
    %swap3A_246 = arith.constant 640 : index
    %swap3A_247 = arith.constant 96 : index
    %swap3A_248 = vector.load %arg2[%swap3A_246, %swap3A_247] : memref<4096x128xf32, #tpu.memory_space<vmem>>, vector<128x32xf32>
    tpu.vector_store %arg2[%swap3A_246, %swap3A_247], %get3A_245 {strides = array<i32>} : memref<4096x128xf32, #tpu.memory_space<vmem>>, vector<128x32xf32>,
    %get3A_249 = arith.constant 0 : index
    %get3A_250 = arith.constant 3072 : index
    %get3A_251 = vector.load %arg1[%get3A_249, %get3A_250] : memref<32x16384xf32, #tpu.memory_space<vmem>>, vector<32x512xf32>
    %transpose3A_252 = tpu.transpose %get3A_251, [1, 0] : vector<32x512xf32> -> vector<512x32xf32>
    %swap3A_253 = arith.constant 6 : index
    %swap3A_254 = arith.constant 0 : index
    %swap3A_255 = arith.constant 0 : index
    %swap3A_256 = vector.load %arg3[%swap3A_253, %swap3A_254, %swap3A_255] : memref<32x512x32xf32, #tpu.memory_space<vmem>>, vector<1x512x32xf32>
    %swap3A_257 = vector.shape_cast %swap3A_256 : vector<1x512x32xf32> to vector<512x32xf32>
    %swap3A_258 = vector.shape_cast %transpose3A_252 : vector<512x32xf32> to vector<1x512x32xf32>
    tpu.vector_store %arg3[%swap3A_253, %swap3A_254, %swap3A_255], %swap3A_258 {strides = array<i32>} : memref<32x512x32xf32, #tpu.memory_space<vmem>>, vector<1x512x32xf32>,
    %get3A_259 = arith.constant 6 : index
    %get3A_260 = arith.constant 0 : index
    %get3A_261 = arith.constant 0 : index
    %get3A_262 = tpu.strided_load %arg3[%get3A_259, %get3A_260, %get3A_261] {strides = array<i32: 1, 4, 1>} : memref<32x512x32xf32, #tpu.memory_space<vmem>>, vector<1x128x32xf32>
    %get3A_263 = vector.shape_cast %get3A_262 : vector<1x128x32xf32> to vector<128x32xf32>
    %swap3A_264 = arith.constant 768 : index
    %swap3A_265 = arith.constant 0 : index
    %swap3A_266 = vector.load %arg2[%swap3A_264, %swap3A_265] : memref<4096x128xf32, #tpu.memory_space<vmem>>, vector<128x32xf32>
    tpu.vector_store %arg2[%swap3A_264, %swap3A_265], %get3A_263 {strides = array<i32>} : memref<4096x128xf32, #tpu.memory_space<vmem>>, vector<128x32xf32>,
    %get3A_267 = arith.constant 6 : index
    %get3A_268 = arith.constant 1 : index
    %get3A_269 = arith.constant 0 : index
    %get3A_270 = tpu.strided_load %arg3[%get3A_267, %get3A_268, %get3A_269] {strides = array<i32: 1, 4, 1>} : memref<32x512x32xf32, #tpu.memory_space<vmem>>, vector<1x128x32xf32>
    %get3A_271 = vector.shape_cast %get3A_270 : vector<1x128x32xf32> to vector<128x32xf32>
    %swap3A_272 = arith.constant 768 : index
    %swap3A_273 = arith.constant 32 : index
    %swap3A_274 = vector.load %arg2[%swap3A_272, %swap3A_273] : memref<4096x128xf32, #tpu.memory_space<vmem>>, vector<128x32xf32>
    tpu.vector_store %arg2[%swap3A_272, %swap3A_273], %get3A_271 {strides = array<i32>} : memref<4096x128xf32, #tpu.memory_space<vmem>>, vector<128x32xf32>,
    %get3A_275 = arith.constant 6 : index
    %get3A_276 = arith.constant 2 : index
    %get3A_277 = arith.constant 0 : index
    %get3A_278 = tpu.strided_load %arg3[%get3A_275, %get3A_276, %get3A_277] {strides = array<i32: 1, 4, 1>} : memref<32x512x32xf32, #tpu.memory_space<vmem>>, vector<1x128x32xf32>
    %get3A_279 = vector.shape_cast %get3A_278 : vector<1x128x32xf32> to vector<128x32xf32>
    %swap3A_280 = arith.constant 768 : index
    %swap3A_281 = arith.constant 64 : index
    %swap3A_282 = vector.load %arg2[%swap3A_280, %swap3A_281] : memref<4096x128xf32, #tpu.memory_space<vmem>>, vector<128x32xf32>
    tpu.vector_store %arg2[%swap3A_280, %swap3A_281], %get3A_279 {strides = array<i32>} : memref<4096x128xf32, #tpu.memory_space<vmem>>, vector<128x32xf32>,
    %get3A_283 = arith.constant 6 : index
    %get3A_284 = arith.constant 3 : index
    %get3A_285 = arith.constant 0 : index
    %get3A_286 = tpu.strided_load %arg3[%get3A_283, %get3A_284, %get3A_285] {strides = array<i32: 1, 4, 1>} : memref<32x512x32xf32, #tpu.memory_space<vmem>>, vector<1x128x32xf32>
    %get3A_287 = vector.shape_cast %get3A_286 : vector<1x128x32xf32> to vector<128x32xf32>
    %swap3A_288 = arith.constant 768 : index
    %swap3A_289 = arith.constant 96 : index
    %swap3A_290 = vector.load %arg2[%swap3A_288, %swap3A_289] : memref<4096x128xf32, #tpu.memory_space<vmem>>, vector<128x32xf32>
    tpu.vector_store %arg2[%swap3A_288, %swap3A_289], %get3A_287 {strides = array<i32>} : memref<4096x128xf32, #tpu.memory_space<vmem>>, vector<128x32xf32>,
    %get3A_291 = arith.constant 0 : index
    %get3A_292 = arith.constant 3584 : index
    %get3A_293 = vector.load %arg1[%get3A_291, %get3A_292] : memref<32x16384xf32, #tpu.memory_space<vmem>>, vector<32x512xf32>
    %transpose3A_294 = tpu.transpose %get3A_293, [1, 0] : vector<32x512xf32> -> vector<512x32xf32>
    %swap3A_295 = arith.constant 7 : index
    %swap3A_296 = arith.constant 0 : index
    %swap3A_297 = arith.constant 0 : index
    %swap3A_298 = vector.load %arg3[%swap3A_295, %swap3A_296, %swap3A_297] : memref<32x512x32xf32, #tpu.memory_space<vmem>>, vector<1x512x32xf32>
    %swap3A_299 = vector.shape_cast %swap3A_298 : vector<1x512x32xf32> to vector<512x32xf32>
    %swap3A_300 = vector.shape_cast %transpose3A_294 : vector<512x32xf32> to vector<1x512x32xf32>
    tpu.vector_store %arg3[%swap3A_295, %swap3A_296, %swap3A_297], %swap3A_300 {strides = array<i32>} : memref<32x512x32xf32, #tpu.memory_space<vmem>>, vector<1x512x32xf32>,
    %get3A_301 = arith.constant 7 : index
    %get3A_302 = arith.constant 0 : index
    %get3A_303 = arith.constant 0 : index
    %get3A_304 = tpu.strided_load %arg3[%get3A_301, %get3A_302, %get3A_303] {strides = array<i32: 1, 4, 1>} : memref<32x512x32xf32, #tpu.memory_space<vmem>>, vector<1x128x32xf32>
    %get3A_305 = vector.shape_cast %get3A_304 : vector<1x128x32xf32> to vector<128x32xf32>
    %swap3A_306 = arith.constant 896 : index
    %swap3A_307 = arith.constant 0 : index
    %swap3A_308 = vector.load %arg2[%swap3A_306, %swap3A_307] : memref<4096x128xf32, #tpu.memory_space<vmem>>, vector<128x32xf32>
    tpu.vector_store %arg2[%swap3A_306, %swap3A_307], %get3A_305 {strides = array<i32>} : memref<4096x128xf32, #tpu.memory_space<vmem>>, vector<128x32xf32>,
    %get3A_309 = arith.constant 7 : index
    %get3A_310 = arith.constant 1 : index
    %get3A_311 = arith.constant 0 : index
    %get3A_312 = tpu.strided_load %arg3[%get3A_309, %get3A_310, %get3A_311] {strides = array<i32: 1, 4, 1>} : memref<32x512x32xf32, #tpu.memory_space<vmem>>, vector<1x128x32xf32>
    %get3A_313 = vector.shape_cast %get3A_312 : vector<1x128x32xf32> to vector<128x32xf32>
    %swap3A_314 = arith.constant 896 : index
    %swap3A_315 = arith.constant 32 : index
    %swap3A_316 = vector.load %arg2[%swap3A_314, %swap3A_315] : memref<4096x128xf32, #tpu.memory_space<vmem>>, vector<128x32xf32>
    tpu.vector_store %arg2[%swap3A_314, %swap3A_315], %get3A_313 {strides = array<i32>} : memref<4096x128xf32, #tpu.memory_space<vmem>>, vector<128x32xf32>,
    %get3A_317 = arith.constant 7 : index
    %get3A_318 = arith.constant 2 : index
    %get3A_319 = arith.constant 0 : index
    %get3A_320 = tpu.strided_load %arg3[%get3A_317, %get3A_318, %get3A_319] {strides = array<i32: 1, 4, 1>} : memref<32x512x32xf32, #tpu.memory_space<vmem>>, vector<1x128x32xf32>
    %get3A_321 = vector.shape_cast %get3A_320 : vector<1x128x32xf32> to vector<128x32xf32>
    %swap3A_322 = arith.constant 896 : index
    %swap3A_323 = arith.constant 64 : index
    %swap3A_324 = vector.load %arg2[%swap3A_322, %swap3A_323] : memref<4096x128xf32, #tpu.memory_space<vmem>>, vector<128x32xf32>
    tpu.vector_store %arg2[%swap3A_322, %swap3A_323], %get3A_321 {strides = array<i32>} : memref<4096x128xf32, #tpu.memory_space<vmem>>, vector<128x32xf32>,
    %get3A_325 = arith.constant 7 : index
    %get3A_326 = arith.constant 3 : index
    %get3A_327 = arith.constant 0 : index
    %get3A_328 = tpu.strided_load %arg3[%get3A_325, %get3A_326, %get3A_327] {strides = array<i32: 1, 4, 1>} : memref<32x512x32xf32, #tpu.memory_space<vmem>>, vector<1x128x32xf32>
    %get3A_329 = vector.shape_cast %get3A_328 : vector<1x128x32xf32> to vector<128x32xf32>
    %swap3A_330 = arith.constant 896 : index
    %swap3A_331 = arith.constant 96 : index
    %swap3A_332 = vector.load %arg2[%swap3A_330, %swap3A_331] : memref<4096x128xf32, #tpu.memory_space<vmem>>, vector<128x32xf32>
    tpu.vector_store %arg2[%swap3A_330, %swap3A_331], %get3A_329 {strides = array<i32>} : memref<4096x128xf32, #tpu.memory_space<vmem>>, vector<128x32xf32>,
    %get3A_333 = arith.constant 0 : index
    %get3A_334 = arith.constant 4096 : index
    %get3A_335 = vector.load %arg1[%get3A_333, %get3A_334] : memref<32x16384xf32, #tpu.memory_space<vmem>>, vector<32x512xf32>
    %transpose3A_336 = tpu.transpose %get3A_335, [1, 0] : vector<32x512xf32> -> vector<512x32xf32>
    %swap3A_337 = arith.constant 8 : index
    %swap3A_338 = arith.constant 0 : index
    %swap3A_339 = arith.constant 0 : index
    %swap3A_340 = vector.load %arg3[%swap3A_337, %swap3A_338, %swap3A_339] : memref<32x512x32xf32, #tpu.memory_space<vmem>>, vector<1x512x32xf32>
    %swap3A_341 = vector.shape_cast %swap3A_340 : vector<1x512x32xf32> to vector<512x32xf32>
    %swap3A_342 = vector.shape_cast %transpose3A_336 : vector<512x32xf32> to vector<1x512x32xf32>
    tpu.vector_store %arg3[%swap3A_337, %swap3A_338, %swap3A_339], %swap3A_342 {strides = array<i32>} : memref<32x512x32xf32, #tpu.memory_space<vmem>>, vector<1x512x32xf32>,
    %get3A_343 = arith.constant 8 : index
    %get3A_344 = arith.constant 0 : index
    %get3A_345 = arith.constant 0 : index
    %get3A_346 = tpu.strided_load %arg3[%get3A_343, %get3A_344, %get3A_345] {strides = array<i32: 1, 4, 1>} : memref<32x512x32xf32, #tpu.memory_space<vmem>>, vector<1x128x32xf32>
    %get3A_347 = vector.shape_cast %get3A_346 : vector<1x128x32xf32> to vector<128x32xf32>
    %swap3A_348 = arith.constant 1024 : index
    %swap3A_349 = arith.constant 0 : index
    %swap3A_350 = vector.load %arg2[%swap3A_348, %swap3A_349] : memref<4096x128xf32, #tpu.memory_space<vmem>>, vector<128x32xf32>
    tpu.vector_store %arg2[%swap3A_348, %swap3A_349], %get3A_347 {strides = array<i32>} : memref<4096x128xf32, #tpu.memory_space<vmem>>, vector<128x32xf32>,
    %get3A_351 = arith.constant 8 : index
    %get3A_352 = arith.constant 1 : index
    %get3A_353 = arith.constant 0 : index
    %get3A_354 = tpu.strided_load %arg3[%get3A_351, %get3A_352, %get3A_353] {strides = array<i32: 1, 4, 1>} : memref<32x512x32xf32, #tpu.memory_space<vmem>>, vector<1x128x32xf32>
    %get3A_355 = vector.shape_cast %get3A_354 : vector<1x128x32xf32> to vector<128x32xf32>
    %swap3A_356 = arith.constant 1024 : index
    %swap3A_357 = arith.constant 32 : index
    %swap3A_358 = vector.load %arg2[%swap3A_356, %swap3A_357] : memref<4096x128xf32, #tpu.memory_space<vmem>>, vector<128x32xf32>
    tpu.vector_store %arg2[%swap3A_356, %swap3A_357], %get3A_355 {strides = array<i32>} : memref<4096x128xf32, #tpu.memory_space<vmem>>, vector<128x32xf32>,
    %get3A_359 = arith.constant 8 : index
    %get3A_360 = arith.constant 2 : index
    %get3A_361 = arith.constant 0 : index
    %get3A_362 = tpu.strided_load %arg3[%get3A_359, %get3A_360, %get3A_361] {strides = array<i32: 1, 4, 1>} : memref<32x512x32xf32, #tpu.memory_space<vmem>>, vector<1x128x32xf32>
    %get3A_363 = vector.shape_cast %get3A_362 : vector<1x128x32xf32> to vector<128x32xf32>
    %swap3A_364 = arith.constant 1024 : index
    %swap3A_365 = arith.constant 64 : index
    %swap3A_366 = vector.load %arg2[%swap3A_364, %swap3A_365] : memref<4096x128xf32, #tpu.memory_space<vmem>>, vector<128x32xf32>
    tpu.vector_store %arg2[%swap3A_364, %swap3A_365], %get3A_363 {strides = array<i32>} : memref<4096x128xf32, #tpu.memory_space<vmem>>, vector<128x32xf32>,
    %get3A_367 = arith.constant 8 : index
    %get3A_368 = arith.constant 3 : index
    %get3A_369 = arith.constant 0 : index
    %get3A_370 = tpu.strided_load %arg3[%get3A_367, %get3A_368, %get3A_369] {strides = array<i32: 1, 4, 1>} : memref<32x512x32xf32, #tpu.memory_space<vmem>>, vector<1x128x32xf32>
    %get3A_371 = vector.shape_cast %get3A_370 : vector<1x128x32xf32> to vector<128x32xf32>
    %swap3A_372 = arith.constant 1024 : index
    %swap3A_373 = arith.constant 96 : index
    %swap3A_374 = vector.load %arg2[%swap3A_372, %swap3A_373] : memref<4096x128xf32, #tpu.memory_space<vmem>>, vector<128x32xf32>
    tpu.vector_store %arg2[%swap3A_372, %swap3A_373], %get3A_371 {strides = array<i32>} : memref<4096x128xf32, #tpu.memory_space<vmem>>, vector<128x32xf32>,
    %get3A_375 = arith.constant 0 : index
    %get3A_376 = arith.constant 4608 : index
    %get3A_377 = vector.load %arg1[%get3A_375, %get3A_376] : memref<32x16384xf32, #tpu.memory_space<vmem>>, vector<32x512xf32>
    %transpose3A_378 = tpu.transpose %get3A_377, [1, 0] : vector<32x512xf32> -> vector<512x32xf32>
    %swap3A_379 = arith.constant 9 : index
    %swap3A_380 = arith.constant 0 : index
    %swap3A_381 = arith.constant 0 : index
    %swap3A_382 = vector.load %arg3[%swap3A_379, %swap3A_380, %swap3A_381] : memref<32x512x32xf32, #tpu.memory_space<vmem>>, vector<1x512x32xf32>
    %swap3A_383 = vector.shape_cast %swap3A_382 : vector<1x512x32xf32> to vector<512x32xf32>
    %swap3A_384 = vector.shape_cast %transpose3A_378 : vector<512x32xf32> to vector<1x512x32xf32>
    tpu.vector_store %arg3[%swap3A_379, %swap3A_380, %swap3A_381], %swap3A_384 {strides = array<i32>} : memref<32x512x32xf32, #tpu.memory_space<vmem>>, vector<1x512x32xf32>,
    %get3A_385 = arith.constant 9 : index
    %get3A_386 = arith.constant 0 : index
    %get3A_387 = arith.constant 0 : index
    %get3A_388 = tpu.strided_load %arg3[%get3A_385, %get3A_386, %get3A_387] {strides = array<i32: 1, 4, 1>} : memref<32x512x32xf32, #tpu.memory_space<vmem>>, vector<1x128x32xf32>
    %get3A_389 = vector.shape_cast %get3A_388 : vector<1x128x32xf32> to vector<128x32xf32>
    %swap3A_390 = arith.constant 1152 : index
    %swap3A_391 = arith.constant 0 : index
    %swap3A_392 = vector.load %arg2[%swap3A_390, %swap3A_391] : memref<4096x128xf32, #tpu.memory_space<vmem>>, vector<128x32xf32>
    tpu.vector_store %arg2[%swap3A_390, %swap3A_391], %get3A_389 {strides = array<i32>} : memref<4096x128xf32, #tpu.memory_space<vmem>>, vector<128x32xf32>,
    %get3A_393 = arith.constant 9 : index
    %get3A_394 = arith.constant 1 : index
    %get3A_395 = arith.constant 0 : index
    %get3A_396 = tpu.strided_load %arg3[%get3A_393, %get3A_394, %get3A_395] {strides = array<i32: 1, 4, 1>} : memref<32x512x32xf32, #tpu.memory_space<vmem>>, vector<1x128x32xf32>
    %get3A_397 = vector.shape_cast %get3A_396 : vector<1x128x32xf32> to vector<128x32xf32>
    %swap3A_398 = arith.constant 1152 : index
    %swap3A_399 = arith.constant 32 : index
    %swap3A_400 = vector.load %arg2[%swap3A_398, %swap3A_399] : memref<4096x128xf32, #tpu.memory_space<vmem>>, vector<128x32xf32>
    tpu.vector_store %arg2[%swap3A_398, %swap3A_399], %get3A_397 {strides = array<i32>} : memref<4096x128xf32, #tpu.memory_space<vmem>>, vector<128x32xf32>,
    %get3A_401 = arith.constant 9 : index
    %get3A_402 = arith.constant 2 : index
    %get3A_403 = arith.constant 0 : index
    %get3A_404 = tpu.strided_load %arg3[%get3A_401, %get3A_402, %get3A_403] {strides = array<i32: 1, 4, 1>} : memref<32x512x32xf32, #tpu.memory_space<vmem>>, vector<1x128x32xf32>
    %get3A_405 = vector.shape_cast %get3A_404 : vector<1x128x32xf32> to vector<128x32xf32>
    %swap3A_406 = arith.constant 1152 : index
    %swap3A_407 = arith.constant 64 : index
    %swap3A_408 = vector.load %arg2[%swap3A_406, %swap3A_407] : memref<4096x128xf32, #tpu.memory_space<vmem>>, vector<128x32xf32>
    tpu.vector_store %arg2[%swap3A_406, %swap3A_407], %get3A_405 {strides = array<i32>} : memref<4096x128xf32, #tpu.memory_space<vmem>>, vector<128x32xf32>,
    %get3A_409 = arith.constant 9 : index
    %get3A_410 = arith.constant 3 : index
    %get3A_411 = arith.constant 0 : index
    %get3A_412 = tpu.strided_load %arg3[%get3A_409, %get3A_410, %get3A_411] {strides = array<i32: 1, 4, 1>} : memref<32x512x32xf32, #tpu.memory_space<vmem>>, vector<1x128x32xf32>
    %get3A_413 = vector.shape_cast %get3A_412 : vector<1x128x32xf32> to vector<128x32xf32>
    %swap3A_414 = arith.constant 1152 : index
    %swap3A_415 = arith.constant 96 : index
    %swap3A_416 = vector.load %arg2[%swap3A_414, %swap3A_415] : memref<4096x128xf32, #tpu.memory_space<vmem>>, vector<128x32xf32>
    tpu.vector_store %arg2[%swap3A_414, %swap3A_415], %get3A_413 {strides = array<i32>} : memref<4096x128xf32, #tpu.memory_space<vmem>>, vector<128x32xf32>,
    %get3A_417 = arith.constant 0 : index
    %get3A_418 = arith.constant 5120 : index
    %get3A_419 = vector.load %arg1[%get3A_417, %get3A_418] : memref<32x16384xf32, #tpu.memory_space<vmem>>, vector<32x512xf32>
    %transpose3A_420 = tpu.transpose %get3A_419, [1, 0] : vector<32x512xf32> -> vector<512x32xf32>
    %swap3A_421 = arith.constant 10 : index
    %swap3A_422 = arith.constant 0 : index
    %swap3A_423 = arith.constant 0 : index
    %swap3A_424 = vector.load %arg3[%swap3A_421, %swap3A_422, %swap3A_423] : memref<32x512x32xf32, #tpu.memory_space<vmem>>, vector<1x512x32xf32>
    %swap3A_425 = vector.shape_cast %swap3A_424 : vector<1x512x32xf32> to vector<512x32xf32>
    %swap3A_426 = vector.shape_cast %transpose3A_420 : vector<512x32xf32> to vector<1x512x32xf32>
    tpu.vector_store %arg3[%swap3A_421, %swap3A_422, %swap3A_423], %swap3A_426 {strides = array<i32>} : memref<32x512x32xf32, #tpu.memory_space<vmem>>, vector<1x512x32xf32>,
    %get3A_427 = arith.constant 10 : index
    %get3A_428 = arith.constant 0 : index
    %get3A_429 = arith.constant 0 : index
    %get3A_430 = tpu.strided_load %arg3[%get3A_427, %get3A_428, %get3A_429] {strides = array<i32: 1, 4, 1>} : memref<32x512x32xf32, #tpu.memory_space<vmem>>, vector<1x128x32xf32>
    %get3A_431 = vector.shape_cast %get3A_430 : vector<1x128x32xf32> to vector<128x32xf32>
    %swap3A_432 = arith.constant 1280 : index
    %swap3A_433 = arith.constant 0 : index
    %swap3A_434 = vector.load %arg2[%swap3A_432, %swap3A_433] : memref<4096x128xf32, #tpu.memory_space<vmem>>, vector<128x32xf32>
    tpu.vector_store %arg2[%swap3A_432, %swap3A_433], %get3A_431 {strides = array<i32>} : memref<4096x128xf32, #tpu.memory_space<vmem>>, vector<128x32xf32>,
    %get3A_435 = arith.constant 10 : index
    %get3A_436 = arith.constant 1 : index
    %get3A_437 = arith.constant 0 : index
    %get3A_438 = tpu.strided_load %arg3[%get3A_435, %get3A_436, %get3A_437] {strides = array<i32: 1, 4, 1>} : memref<32x512x32xf32, #tpu.memory_space<vmem>>, vector<1x128x32xf32>
    %get3A_439 = vector.shape_cast %get3A_438 : vector<1x128x32xf32> to vector<128x32xf32>
    %swap3A_440 = arith.constant 1280 : index
    %swap3A_441 = arith.constant 32 : index
    %swap3A_442 = vector.load %arg2[%swap3A_440, %swap3A_441] : memref<4096x128xf32, #tpu.memory_space<vmem>>, vector<128x32xf32>
    tpu.vector_store %arg2[%swap3A_440, %swap3A_441], %get3A_439 {strides = array<i32>} : memref<4096x128xf32, #tpu.memory_space<vmem>>, vector<128x32xf32>,
    %get3A_443 = arith.constant 10 : index
    %get3A_444 = arith.constant 2 : index
    %get3A_445 = arith.constant 0 : index
    %get3A_446 = tpu.strided_load %arg3[%get3A_443, %get3A_444, %get3A_445] {strides = array<i32: 1, 4, 1>} : memref<32x512x32xf32, #tpu.memory_space<vmem>>, vector<1x128x32xf32>
    %get3A_447 = vector.shape_cast %get3A_446 : vector<1x128x32xf32> to vector<128x32xf32>
    %swap3A_448 = arith.constant 1280 : index
    %swap3A_449 = arith.constant 64 : index
    %swap3A_450 = vector.load %arg2[%swap3A_448, %swap3A_449] : memref<4096x128xf32, #tpu.memory_space<vmem>>, vector<128x32xf32>
    tpu.vector_store %arg2[%swap3A_448, %swap3A_449], %get3A_447 {strides = array<i32>} : memref<4096x128xf32, #tpu.memory_space<vmem>>, vector<128x32xf32>,
    %get3A_451 = arith.constant 10 : index
    %get3A_452 = arith.constant 3 : index
    %get3A_453 = arith.constant 0 : index
    %get3A_454 = tpu.strided_load %arg3[%get3A_451, %get3A_452, %get3A_453] {strides = array<i32: 1, 4, 1>} : memref<32x512x32xf32, #tpu.memory_space<vmem>>, vector<1x128x32xf32>
    %get3A_455 = vector.shape_cast %get3A_454 : vector<1x128x32xf32> to vector<128x32xf32>
    %swap3A_456 = arith.constant 1280 : index
    %swap3A_457 = arith.constant 96 : index
    %swap3A_458 = vector.load %arg2[%swap3A_456, %swap3A_457] : memref<4096x128xf32, #tpu.memory_space<vmem>>, vector<128x32xf32>
    tpu.vector_store %arg2[%swap3A_456, %swap3A_457], %get3A_455 {strides = array<i32>} : memref<4096x128xf32, #tpu.memory_space<vmem>>, vector<128x32xf32>,
    %get3A_459 = arith.constant 0 : index
    %get3A_460 = arith.constant 5632 : index
    %get3A_461 = vector.load %arg1[%get3A_459, %get3A_460] : memref<32x16384xf32, #tpu.memory_space<vmem>>, vector<32x512xf32>
    %transpose3A_462 = tpu.transpose %get3A_461, [1, 0] : vector<32x512xf32> -> vector<512x32xf32>
    %swap3A_463 = arith.constant 11 : index
    %swap3A_464 = arith.constant 0 : index
    %swap3A_465 = arith.constant 0 : index
    %swap3A_466 = vector.load %arg3[%swap3A_463, %swap3A_464, %swap3A_465] : memref<32x512x32xf32, #tpu.memory_space<vmem>>, vector<1x512x32xf32>
    %swap3A_467 = vector.shape_cast %swap3A_466 : vector<1x512x32xf32> to vector<512x32xf32>
    %swap3A_468 = vector.shape_cast %transpose3A_462 : vector<512x32xf32> to vector<1x512x32xf32>
    tpu.vector_store %arg3[%swap3A_463, %swap3A_464, %swap3A_465], %swap3A_468 {strides = array<i32>} : memref<32x512x32xf32, #tpu.memory_space<vmem>>, vector<1x512x32xf32>,
    %get3A_469 = arith.constant 11 : index
    %get3A_470 = arith.constant 0 : index
    %get3A_471 = arith.constant 0 : index
    %get3A_472 = tpu.strided_load %arg3[%get3A_469, %get3A_470, %get3A_471] {strides = array<i32: 1, 4, 1>} : memref<32x512x32xf32, #tpu.memory_space<vmem>>, vector<1x128x32xf32>
    %get3A_473 = vector.shape_cast %get3A_472 : vector<1x128x32xf32> to vector<128x32xf32>
    %swap3A_474 = arith.constant 1408 : index
    %swap3A_475 = arith.constant 0 : index
    %swap3A_476 = vector.load %arg2[%swap3A_474, %swap3A_475] : memref<4096x128xf32, #tpu.memory_space<vmem>>, vector<128x32xf32>
    tpu.vector_store %arg2[%swap3A_474, %swap3A_475], %get3A_473 {strides = array<i32>} : memref<4096x128xf32, #tpu.memory_space<vmem>>, vector<128x32xf32>,
    %get3A_477 = arith.constant 11 : index
    %get3A_478 = arith.constant 1 : index
    %get3A_479 = arith.constant 0 : index
    %get3A_480 = tpu.strided_load %arg3[%get3A_477, %get3A_478, %get3A_479] {strides = array<i32: 1, 4, 1>} : memref<32x512x32xf32, #tpu.memory_space<vmem>>, vector<1x128x32xf32>
    %get3A_481 = vector.shape_cast %get3A_480 : vector<1x128x32xf32> to vector<128x32xf32>
    %swap3A_482 = arith.constant 1408 : index
    %swap3A_483 = arith.constant 32 : index
    %swap3A_484 = vector.load %arg2[%swap3A_482, %swap3A_483] : memref<4096x128xf32, #tpu.memory_space<vmem>>, vector<128x32xf32>
    tpu.vector_store %arg2[%swap3A_482, %swap3A_483], %get3A_481 {strides = array<i32>} : memref<4096x128xf32, #tpu.memory_space<vmem>>, vector<128x32xf32>,
    %get3A_485 = arith.constant 11 : index
    %get3A_486 = arith.constant 2 : index
    %get3A_487 = arith.constant 0 : index
    %get3A_488 = tpu.strided_load %arg3[%get3A_485, %get3A_486, %get3A_487] {strides = array<i32: 1, 4, 1>} : memref<32x512x32xf32, #tpu.memory_space<vmem>>, vector<1x128x32xf32>
    %get3A_489 = vector.shape_cast %get3A_488 : vector<1x128x32xf32> to vector<128x32xf32>
    %swap3A_490 = arith.constant 1408 : index
    %swap3A_491 = arith.constant 64 : index
    %swap3A_492 = vector.load %arg2[%swap3A_490, %swap3A_491] : memref<4096x128xf32, #tpu.memory_space<vmem>>, vector<128x32xf32>
    tpu.vector_store %arg2[%swap3A_490, %swap3A_491], %get3A_489 {strides = array<i32>} : memref<4096x128xf32, #tpu.memory_space<vmem>>, vector<128x32xf32>,
    %get3A_493 = arith.constant 11 : index
    %get3A_494 = arith.constant 3 : index
    %get3A_495 = arith.constant 0 : index
    %get3A_496 = tpu.strided_load %arg3[%get3A_493, %get3A_494, %get3A_495] {strides = array<i32: 1, 4, 1>} : memref<32x512x32xf32, #tpu.memory_space<vmem>>, vector<1x128x32xf32>
    %get3A_497 = vector.shape_cast %get3A_496 : vector<1x128x32xf32> to vector<128x32xf32>
    %swap3A_498 = arith.constant 1408 : index
    %swap3A_499 = arith.constant 96 : index
    %swap3A_500 = vector.load %arg2[%swap3A_498, %swap3A_499] : memref<4096x128xf32, #tpu.memory_space<vmem>>, vector<128x32xf32>
    tpu.vector_store %arg2[%swap3A_498, %swap3A_499], %get3A_497 {strides = array<i32>} : memref<4096x128xf32, #tpu.memory_space<vmem>>, vector<128x32xf32>,
    %get3A_501 = arith.constant 0 : index
    %get3A_502 = arith.constant 6144 : index
    %get3A_503 = vector.load %arg1[%get3A_501, %get3A_502] : memref<32x16384xf32, #tpu.memory_space<vmem>>, vector<32x512xf32>
    %transpose3A_504 = tpu.transpose %get3A_503, [1, 0] : vector<32x512xf32> -> vector<512x32xf32>
    %swap3A_505 = arith.constant 12 : index
    %swap3A_506 = arith.constant 0 : index
    %swap3A_507 = arith.constant 0 : index
    %swap3A_508 = vector.load %arg3[%swap3A_505, %swap3A_506, %swap3A_507] : memref<32x512x32xf32, #tpu.memory_space<vmem>>, vector<1x512x32xf32>
    %swap3A_509 = vector.shape_cast %swap3A_508 : vector<1x512x32xf32> to vector<512x32xf32>
    %swap3A_510 = vector.shape_cast %transpose3A_504 : vector<512x32xf32> to vector<1x512x32xf32>
    tpu.vector_store %arg3[%swap3A_505, %swap3A_506, %swap3A_507], %swap3A_510 {strides = array<i32>} : memref<32x512x32xf32, #tpu.memory_space<vmem>>, vector<1x512x32xf32>,
    %get3A_511 = arith.constant 12 : index
    %get3A_512 = arith.constant 0 : index
    %get3A_513 = arith.constant 0 : index
    %get3A_514 = tpu.strided_load %arg3[%get3A_511, %get3A_512, %get3A_513] {strides = array<i32: 1, 4, 1>} : memref<32x512x32xf32, #tpu.memory_space<vmem>>, vector<1x128x32xf32>
    %get3A_515 = vector.shape_cast %get3A_514 : vector<1x128x32xf32> to vector<128x32xf32>
    %swap3A_516 = arith.constant 1536 : index
    %swap3A_517 = arith.constant 0 : index
    %swap3A_518 = vector.load %arg2[%swap3A_516, %swap3A_517] : memref<4096x128xf32, #tpu.memory_space<vmem>>, vector<128x32xf32>
    tpu.vector_store %arg2[%swap3A_516, %swap3A_517], %get3A_515 {strides = array<i32>} : memref<4096x128xf32, #tpu.memory_space<vmem>>, vector<128x32xf32>,
    %get3A_519 = arith.constant 12 : index
    %get3A_520 = arith.constant 1 : index
    %get3A_521 = arith.constant 0 : index
    %get3A_522 = tpu.strided_load %arg3[%get3A_519, %get3A_520, %get3A_521] {strides = array<i32: 1, 4, 1>} : memref<32x512x32xf32, #tpu.memory_space<vmem>>, vector<1x128x32xf32>
    %get3A_523 = vector.shape_cast %get3A_522 : vector<1x128x32xf32> to vector<128x32xf32>
    %swap3A_524 = arith.constant 1536 : index
    %swap3A_525 = arith.constant 32 : index
    %swap3A_526 = vector.load %arg2[%swap3A_524, %swap3A_525] : memref<4096x128xf32, #tpu.memory_space<vmem>>, vector<128x32xf32>
    tpu.vector_store %arg2[%swap3A_524, %swap3A_525], %get3A_523 {strides = array<i32>} : memref<4096x128xf32, #tpu.memory_space<vmem>>, vector<128x32xf32>,
    %get3A_527 = arith.constant 12 : index
    %get3A_528 = arith.constant 2 : index
    %get3A_529 = arith.constant 0 : index
    %get3A_530 = tpu.strided_load %arg3[%get3A_527, %get3A_528, %get3A_529] {strides = array<i32: 1, 4, 1>} : memref<32x512x32xf32, #tpu.memory_space<vmem>>, vector<1x128x32xf32>
    %get3A_531 = vector.shape_cast %get3A_530 : vector<1x128x32xf32> to vector<128x32xf32>
    %swap3A_532 = arith.constant 1536 : index
    %swap3A_533 = arith.constant 64 : index
    %swap3A_534 = vector.load %arg2[%swap3A_532, %swap3A_533] : memref<4096x128xf32, #tpu.memory_space<vmem>>, vector<128x32xf32>
    tpu.vector_store %arg2[%swap3A_532, %swap3A_533], %get3A_531 {strides = array<i32>} : memref<4096x128xf32, #tpu.memory_space<vmem>>, vector<128x32xf32>,
    %get3A_535 = arith.constant 12 : index
    %get3A_536 = arith.constant 3 : index
    %get3A_537 = arith.constant 0 : index
    %get3A_538 = tpu.strided_load %arg3[%get3A_535, %get3A_536, %get3A_537] {strides = array<i32: 1, 4, 1>} : memref<32x512x32xf32, #tpu.memory_space<vmem>>, vector<1x128x32xf32>
    %get3A_539 = vector.shape_cast %get3A_538 : vector<1x128x32xf32> to vector<128x32xf32>
    %swap3A_540 = arith.constant 1536 : index
    %swap3A_541 = arith.constant 96 : index
    %swap3A_542 = vector.load %arg2[%swap3A_540, %swap3A_541] : memref<4096x128xf32, #tpu.memory_space<vmem>>, vector<128x32xf32>
    tpu.vector_store %arg2[%swap3A_540, %swap3A_541], %get3A_539 {strides = array<i32>} : memref<4096x128xf32, #tpu.memory_space<vmem>>, vector<128x32xf32>,
    %get3A_543 = arith.constant 0 : index
    %get3A_544 = arith.constant 6656 : index
    %get3A_545 = vector.load %arg1[%get3A_543, %get3A_544] : memref<32x16384xf32, #tpu.memory_space<vmem>>, vector<32x512xf32>
    %transpose3A_546 = tpu.transpose %get3A_545, [1, 0] : vector<32x512xf32> -> vector<512x32xf32>
    %swap3A_547 = arith.constant 13 : index
    %swap3A_548 = arith.constant 0 : index
    %swap3A_549 = arith.constant 0 : index
    %swap3A_550 = vector.load %arg3[%swap3A_547, %swap3A_548, %swap3A_549] : memref<32x512x32xf32, #tpu.memory_space<vmem>>, vector<1x512x32xf32>
    %swap3A_551 = vector.shape_cast %swap3A_550 : vector<1x512x32xf32> to vector<512x32xf32>
    %swap3A_552 = vector.shape_cast %transpose3A_546 : vector<512x32xf32> to vector<1x512x32xf32>
    tpu.vector_store %arg3[%swap3A_547, %swap3A_548, %swap3A_549], %swap3A_552 {strides = array<i32>} : memref<32x512x32xf32, #tpu.memory_space<vmem>>, vector<1x512x32xf32>,
    %get3A_553 = arith.constant 13 : index
    %get3A_554 = arith.constant 0 : index
    %get3A_555 = arith.constant 0 : index
    %get3A_556 = tpu.strided_load %arg3[%get3A_553, %get3A_554, %get3A_555] {strides = array<i32: 1, 4, 1>} : memref<32x512x32xf32, #tpu.memory_space<vmem>>, vector<1x128x32xf32>
    %get3A_557 = vector.shape_cast %get3A_556 : vector<1x128x32xf32> to vector<128x32xf32>
    %swap3A_558 = arith.constant 1664 : index
    %swap3A_559 = arith.constant 0 : index
    %swap3A_560 = vector.load %arg2[%swap3A_558, %swap3A_559] : memref<4096x128xf32, #tpu.memory_space<vmem>>, vector<128x32xf32>
    tpu.vector_store %arg2[%swap3A_558, %swap3A_559], %get3A_557 {strides = array<i32>} : memref<4096x128xf32, #tpu.memory_space<vmem>>, vector<128x32xf32>,
    %get3A_561 = arith.constant 13 : index
    %get3A_562 = arith.constant 1 : index
    %get3A_563 = arith.constant 0 : index
    %get3A_564 = tpu.strided_load %arg3[%get3A_561, %get3A_562, %get3A_563] {strides = array<i32: 1, 4, 1>} : memref<32x512x32xf32, #tpu.memory_space<vmem>>, vector<1x128x32xf32>
    %get3A_565 = vector.shape_cast %get3A_564 : vector<1x128x32xf32> to vector<128x32xf32>
    %swap3A_566 = arith.constant 1664 : index
    %swap3A_567 = arith.constant 32 : index
    %swap3A_568 = vector.load %arg2[%swap3A_566, %swap3A_567] : memref<4096x128xf32, #tpu.memory_space<vmem>>, vector<128x32xf32>
    tpu.vector_store %arg2[%swap3A_566, %swap3A_567], %get3A_565 {strides = array<i32>} : memref<4096x128xf32, #tpu.memory_space<vmem>>, vector<128x32xf32>,
    %get3A_569 = arith.constant 13 : index
    %get3A_570 = arith.constant 2 : index
    %get3A_571 = arith.constant 0 : index
    %get3A_572 = tpu.strided_load %arg3[%get3A_569, %get3A_570, %get3A_571] {strides = array<i32: 1, 4, 1>} : memref<32x512x32xf32, #tpu.memory_space<vmem>>, vector<1x128x32xf32>
    %get3A_573 = vector.shape_cast %get3A_572 : vector<1x128x32xf32> to vector<128x32xf32>
    %swap3A_574 = arith.constant 1664 : index
    %swap3A_575 = arith.constant 64 : index
    %swap3A_576 = vector.load %arg2[%swap3A_574, %swap3A_575] : memref<4096x128xf32, #tpu.memory_space<vmem>>, vector<128x32xf32>
    tpu.vector_store %arg2[%swap3A_574, %swap3A_575], %get3A_573 {strides = array<i32>} : memref<4096x128xf32, #tpu.memory_space<vmem>>, vector<128x32xf32>,
    %get3A_577 = arith.constant 13 : index
    %get3A_578 = arith.constant 3 : index
    %get3A_579 = arith.constant 0 : index
    %get3A_580 = tpu.strided_load %arg3[%get3A_577, %get3A_578, %get3A_579] {strides = array<i32: 1, 4, 1>} : memref<32x512x32xf32, #tpu.memory_space<vmem>>, vector<1x128x32xf32>
    %get3A_581 = vector.shape_cast %get3A_580 : vector<1x128x32xf32> to vector<128x32xf32>
    %swap3A_582 = arith.constant 1664 : index
    %swap3A_583 = arith.constant 96 : index
    %swap3A_584 = vector.load %arg2[%swap3A_582, %swap3A_583] : memref<4096x128xf32, #tpu.memory_space<vmem>>, vector<128x32xf32>
    tpu.vector_store %arg2[%swap3A_582, %swap3A_583], %get3A_581 {strides = array<i32>} : memref<4096x128xf32, #tpu.memory_space<vmem>>, vector<128x32xf32>,
    %get3A_585 = arith.constant 0 : index
    %get3A_586 = arith.constant 7168 : index
    %get3A_587 = vector.load %arg1[%get3A_585, %get3A_586] : memref<32x16384xf32, #tpu.memory_space<vmem>>, vector<32x512xf32>
    %transpose3A_588 = tpu.transpose %get3A_587, [1, 0] : vector<32x512xf32> -> vector<512x32xf32>
    %swap3A_589 = arith.constant 14 : index
    %swap3A_590 = arith.constant 0 : index
    %swap3A_591 = arith.constant 0 : index
    %swap3A_592 = vector.load %arg3[%swap3A_589, %swap3A_590, %swap3A_591] : memref<32x512x32xf32, #tpu.memory_space<vmem>>, vector<1x512x32xf32>
    %swap3A_593 = vector.shape_cast %swap3A_592 : vector<1x512x32xf32> to vector<512x32xf32>
    %swap3A_594 = vector.shape_cast %transpose3A_588 : vector<512x32xf32> to vector<1x512x32xf32>
    tpu.vector_store %arg3[%swap3A_589, %swap3A_590, %swap3A_591], %swap3A_594 {strides = array<i32>} : memref<32x512x32xf32, #tpu.memory_space<vmem>>, vector<1x512x32xf32>,
    %get3A_595 = arith.constant 14 : index
    %get3A_596 = arith.constant 0 : index
    %get3A_597 = arith.constant 0 : index
    %get3A_598 = tpu.strided_load %arg3[%get3A_595, %get3A_596, %get3A_597] {strides = array<i32: 1, 4, 1>} : memref<32x512x32xf32, #tpu.memory_space<vmem>>, vector<1x128x32xf32>
    %get3A_599 = vector.shape_cast %get3A_598 : vector<1x128x32xf32> to vector<128x32xf32>
    %swap3A_600 = arith.constant 1792 : index
    %swap3A_601 = arith.constant 0 : index
    %swap3A_602 = vector.load %arg2[%swap3A_600, %swap3A_601] : memref<4096x128xf32, #tpu.memory_space<vmem>>, vector<128x32xf32>
    tpu.vector_store %arg2[%swap3A_600, %swap3A_601], %get3A_599 {strides = array<i32>} : memref<4096x128xf32, #tpu.memory_space<vmem>>, vector<128x32xf32>,
    %get3A_603 = arith.constant 14 : index
    %get3A_604 = arith.constant 1 : index
    %get3A_605 = arith.constant 0 : index
    %get3A_606 = tpu.strided_load %arg3[%get3A_603, %get3A_604, %get3A_605] {strides = array<i32: 1, 4, 1>} : memref<32x512x32xf32, #tpu.memory_space<vmem>>, vector<1x128x32xf32>
    %get3A_607 = vector.shape_cast %get3A_606 : vector<1x128x32xf32> to vector<128x32xf32>
    %swap3A_608 = arith.constant 1792 : index
    %swap3A_609 = arith.constant 32 : index
    %swap3A_610 = vector.load %arg2[%swap3A_608, %swap3A_609] : memref<4096x128xf32, #tpu.memory_space<vmem>>, vector<128x32xf32>
    tpu.vector_store %arg2[%swap3A_608, %swap3A_609], %get3A_607 {strides = array<i32>} : memref<4096x128xf32, #tpu.memory_space<vmem>>, vector<128x32xf32>,
    %get3A_611 = arith.constant 14 : index
    %get3A_612 = arith.constant 2 : index
    %get3A_613 = arith.constant 0 : index
    %get3A_614 = tpu.strided_load %arg3[%get3A_611, %get3A_612, %get3A_613] {strides = array<i32: 1, 4, 1>} : memref<32x512x32xf32, #tpu.memory_space<vmem>>, vector<1x128x32xf32>
    %get3A_615 = vector.shape_cast %get3A_614 : vector<1x128x32xf32> to vector<128x32xf32>
    %swap3A_616 = arith.constant 1792 : index
    %swap3A_617 = arith.constant 64 : index
    %swap3A_618 = vector.load %arg2[%swap3A_616, %swap3A_617] : memref<4096x128xf32, #tpu.memory_space<vmem>>, vector<128x32xf32>
    tpu.vector_store %arg2[%swap3A_616, %swap3A_617], %get3A_615 {strides = array<i32>} : memref<4096x128xf32, #tpu.memory_space<vmem>>, vector<128x32xf32>,
    %get3A_619 = arith.constant 14 : index
    %get3A_620 = arith.constant 3 : index
    %get3A_621 = arith.constant 0 : index
    %get3A_622 = tpu.strided_load %arg3[%get3A_619, %get3A_620, %get3A_621] {strides = array<i32: 1, 4, 1>} : memref<32x512x32xf32, #tpu.memory_space<vmem>>, vector<1x128x32xf32>
    %get3A_623 = vector.shape_cast %get3A_622 : vector<1x128x32xf32> to vector<128x32xf32>
    %swap3A_624 = arith.constant 1792 : index
    %swap3A_625 = arith.constant 96 : index
    %swap3A_626 = vector.load %arg2[%swap3A_624, %swap3A_625] : memref<4096x128xf32, #tpu.memory_space<vmem>>, vector<128x32xf32>
    tpu.vector_store %arg2[%swap3A_624, %swap3A_625], %get3A_623 {strides = array<i32>} : memref<4096x128xf32, #tpu.memory_space<vmem>>, vector<128x32xf32>,
    %get3A_627 = arith.constant 0 : index
    %get3A_628 = arith.constant 7680 : index
    %get3A_629 = vector.load %arg1[%get3A_627, %get3A_628] : memref<32x16384xf32, #tpu.memory_space<vmem>>, vector<32x512xf32>
    %transpose3A_630 = tpu.transpose %get3A_629, [1, 0] : vector<32x512xf32> -> vector<512x32xf32>
    %swap3A_631 = arith.constant 15 : index
    %swap3A_632 = arith.constant 0 : index
    %swap3A_633 = arith.constant 0 : index
    %swap3A_634 = vector.load %arg3[%swap3A_631, %swap3A_632, %swap3A_633] : memref<32x512x32xf32, #tpu.memory_space<vmem>>, vector<1x512x32xf32>
    %swap3A_635 = vector.shape_cast %swap3A_634 : vector<1x512x32xf32> to vector<512x32xf32>
    %swap3A_636 = vector.shape_cast %transpose3A_630 : vector<512x32xf32> to vector<1x512x32xf32>
    tpu.vector_store %arg3[%swap3A_631, %swap3A_632, %swap3A_633], %swap3A_636 {strides = array<i32>} : memref<32x512x32xf32, #tpu.memory_space<vmem>>, vector<1x512x32xf32>,
    %get3A_637 = arith.constant 15 : index
    %get3A_638 = arith.constant 0 : index
    %get3A_639 = arith.constant 0 : index
    %get3A_640 = tpu.strided_load %arg3[%get3A_637, %get3A_638, %get3A_639] {strides = array<i32: 1, 4, 1>} : memref<32x512x32xf32, #tpu.memory_space<vmem>>, vector<1x128x32xf32>
    %get3A_641 = vector.shape_cast %get3A_640 : vector<1x128x32xf32> to vector<128x32xf32>
    %swap3A_642 = arith.constant 1920 : index
    %swap3A_643 = arith.constant 0 : index
    %swap3A_644 = vector.load %arg2[%swap3A_642, %swap3A_643] : memref<4096x128xf32, #tpu.memory_space<vmem>>, vector<128x32xf32>
    tpu.vector_store %arg2[%swap3A_642, %swap3A_643], %get3A_641 {strides = array<i32>} : memref<4096x128xf32, #tpu.memory_space<vmem>>, vector<128x32xf32>,
    %get3A_645 = arith.constant 15 : index
    %get3A_646 = arith.constant 1 : index
    %get3A_647 = arith.constant 0 : index
    %get3A_648 = tpu.strided_load %arg3[%get3A_645, %get3A_646, %get3A_647] {strides = array<i32: 1, 4, 1>} : memref<32x512x32xf32, #tpu.memory_space<vmem>>, vector<1x128x32xf32>
    %get3A_649 = vector.shape_cast %get3A_648 : vector<1x128x32xf32> to vector<128x32xf32>
    %swap3A_650 = arith.constant 1920 : index
    %swap3A_651 = arith.constant 32 : index
    %swap3A_652 = vector.load %arg2[%swap3A_650, %swap3A_651] : memref<4096x128xf32, #tpu.memory_space<vmem>>, vector<128x32xf32>
    tpu.vector_store %arg2[%swap3A_650, %swap3A_651], %get3A_649 {strides = array<i32>} : memref<4096x128xf32, #tpu.memory_space<vmem>>, vector<128x32xf32>,
    %get3A_653 = arith.constant 15 : index
    %get3A_654 = arith.constant 2 : index
    %get3A_655 = arith.constant 0 : index
    %get3A_656 = tpu.strided_load %arg3[%get3A_653, %get3A_654, %get3A_655] {strides = array<i32: 1, 4, 1>} : memref<32x512x32xf32, #tpu.memory_space<vmem>>, vector<1x128x32xf32>
    %get3A_657 = vector.shape_cast %get3A_656 : vector<1x128x32xf32> to vector<128x32xf32>
    %swap3A_658 = arith.constant 1920 : index
    %swap3A_659 = arith.constant 64 : index
    %swap3A_660 = vector.load %arg2[%swap3A_658, %swap3A_659] : memref<4096x128xf32, #tpu.memory_space<vmem>>, vector<128x32xf32>
    tpu.vector_store %arg2[%swap3A_658, %swap3A_659], %get3A_657 {strides = array<i32>} : memref<4096x128xf32, #tpu.memory_space<vmem>>, vector<128x32xf32>,
    %get3A_661 = arith.constant 15 : index
    %get3A_662 = arith.constant 3 : index
    %get3A_663 = arith.constant 0 : index
    %get3A_664 = tpu.strided_load %arg3[%get3A_661, %get3A_662, %get3A_663] {strides = array<i32: 1, 4, 1>} : memref<32x512x32xf32, #tpu.memory_space<vmem>>, vector<1x128x32xf32>
    %get3A_665 = vector.shape_cast %get3A_664 : vector<1x128x32xf32> to vector<128x32xf32>
    %swap3A_666 = arith.constant 1920 : index
    %swap3A_667 = arith.constant 96 : index
    %swap3A_668 = vector.load %arg2[%swap3A_666, %swap3A_667] : memref<4096x128xf32, #tpu.memory_space<vmem>>, vector<128x32xf32>
    tpu.vector_store %arg2[%swap3A_666, %swap3A_667], %get3A_665 {strides = array<i32>} : memref<4096x128xf32, #tpu.memory_space<vmem>>, vector<128x32xf32>,
    %get3A_669 = arith.constant 0 : index
    %get3A_670 = arith.constant 8192 : index
    %get3A_671 = vector.load %arg1[%get3A_669, %get3A_670] : memref<32x16384xf32, #tpu.memory_space<vmem>>, vector<32x512xf32>
    %transpose3A_672 = tpu.transpose %get3A_671, [1, 0] : vector<32x512xf32> -> vector<512x32xf32>
    %swap3A_673 = arith.constant 16 : index
    %swap3A_674 = arith.constant 0 : index
    %swap3A_675 = arith.constant 0 : index
    %swap3A_676 = vector.load %arg3[%swap3A_673, %swap3A_674, %swap3A_675] : memref<32x512x32xf32, #tpu.memory_space<vmem>>, vector<1x512x32xf32>
    %swap3A_677 = vector.shape_cast %swap3A_676 : vector<1x512x32xf32> to vector<512x32xf32>
    %swap3A_678 = vector.shape_cast %transpose3A_672 : vector<512x32xf32> to vector<1x512x32xf32>
    tpu.vector_store %arg3[%swap3A_673, %swap3A_674, %swap3A_675], %swap3A_678 {strides = array<i32>} : memref<32x512x32xf32, #tpu.memory_space<vmem>>, vector<1x512x32xf32>,
    %get3A_679 = arith.constant 16 : index
    %get3A_680 = arith.constant 0 : index
    %get3A_681 = arith.constant 0 : index
    %get3A_682 = tpu.strided_load %arg3[%get3A_679, %get3A_680, %get3A_681] {strides = array<i32: 1, 4, 1>} : memref<32x512x32xf32, #tpu.memory_space<vmem>>, vector<1x128x32xf32>
    %get3A_683 = vector.shape_cast %get3A_682 : vector<1x128x32xf32> to vector<128x32xf32>
    %swap3A_684 = arith.constant 2048 : index
    %swap3A_685 = arith.constant 0 : index
    %swap3A_686 = vector.load %arg2[%swap3A_684, %swap3A_685] : memref<4096x128xf32, #tpu.memory_space<vmem>>, vector<128x32xf32>
    tpu.vector_store %arg2[%swap3A_684, %swap3A_685], %get3A_683 {strides = array<i32>} : memref<4096x128xf32, #tpu.memory_space<vmem>>, vector<128x32xf32>,
    %get3A_687 = arith.constant 16 : index
    %get3A_688 = arith.constant 1 : index
    %get3A_689 = arith.constant 0 : index
    %get3A_690 = tpu.strided_load %arg3[%get3A_687, %get3A_688, %get3A_689] {strides = array<i32: 1, 4, 1>} : memref<32x512x32xf32, #tpu.memory_space<vmem>>, vector<1x128x32xf32>
    %get3A_691 = vector.shape_cast %get3A_690 : vector<1x128x32xf32> to vector<128x32xf32>
    %swap3A_692 = arith.constant 2048 : index
    %swap3A_693 = arith.constant 32 : index
    %swap3A_694 = vector.load %arg2[%swap3A_692, %swap3A_693] : memref<4096x128xf32, #tpu.memory_space<vmem>>, vector<128x32xf32>
    tpu.vector_store %arg2[%swap3A_692, %swap3A_693], %get3A_691 {strides = array<i32>} : memref<4096x128xf32, #tpu.memory_space<vmem>>, vector<128x32xf32>,
    %get3A_695 = arith.constant 16 : index
    %get3A_696 = arith.constant 2 : index
    %get3A_697 = arith.constant 0 : index
    %get3A_698 = tpu.strided_load %arg3[%get3A_695, %get3A_696, %get3A_697] {strides = array<i32: 1, 4, 1>} : memref<32x512x32xf32, #tpu.memory_space<vmem>>, vector<1x128x32xf32>
    %get3A_699 = vector.shape_cast %get3A_698 : vector<1x128x32xf32> to vector<128x32xf32>
    %swap3A_700 = arith.constant 2048 : index
    %swap3A_701 = arith.constant 64 : index
    %swap3A_702 = vector.load %arg2[%swap3A_700, %swap3A_701] : memref<4096x128xf32, #tpu.memory_space<vmem>>, vector<128x32xf32>
    tpu.vector_store %arg2[%swap3A_700, %swap3A_701], %get3A_699 {strides = array<i32>} : memref<4096x128xf32, #tpu.memory_space<vmem>>, vector<128x32xf32>,
    %get3A_703 = arith.constant 16 : index
    %get3A_704 = arith.constant 3 : index
    %get3A_705 = arith.constant 0 : index
    %get3A_706 = tpu.strided_load %arg3[%get3A_703, %get3A_704, %get3A_705] {strides = array<i32: 1, 4, 1>} : memref<32x512x32xf32, #tpu.memory_space<vmem>>, vector<1x128x32xf32>
    %get3A_707 = vector.shape_cast %get3A_706 : vector<1x128x32xf32> to vector<128x32xf32>
    %swap3A_708 = arith.constant 2048 : index
    %swap3A_709 = arith.constant 96 : index
    %swap3A_710 = vector.load %arg2[%swap3A_708, %swap3A_709] : memref<4096x128xf32, #tpu.memory_space<vmem>>, vector<128x32xf32>
    tpu.vector_store %arg2[%swap3A_708, %swap3A_709], %get3A_707 {strides = array<i32>} : memref<4096x128xf32, #tpu.memory_space<vmem>>, vector<128x32xf32>,
    %get3A_711 = arith.constant 0 : index
    %get3A_712 = arith.constant 8704 : index
    %get3A_713 = vector.load %arg1[%get3A_711, %get3A_712] : memref<32x16384xf32, #tpu.memory_space<vmem>>, vector<32x512xf32>
    %transpose3A_714 = tpu.transpose %get3A_713, [1, 0] : vector<32x512xf32> -> vector<512x32xf32>
    %swap3A_715 = arith.constant 17 : index
    %swap3A_716 = arith.constant 0 : index
    %swap3A_717 = arith.constant 0 : index
    %swap3A_718 = vector.load %arg3[%swap3A_715, %swap3A_716, %swap3A_717] : memref<32x512x32xf32, #tpu.memory_space<vmem>>, vector<1x512x32xf32>
    %swap3A_719 = vector.shape_cast %swap3A_718 : vector<1x512x32xf32> to vector<512x32xf32>
    %swap3A_720 = vector.shape_cast %transpose3A_714 : vector<512x32xf32> to vector<1x512x32xf32>
    tpu.vector_store %arg3[%swap3A_715, %swap3A_716, %swap3A_717], %swap3A_720 {strides = array<i32>} : memref<32x512x32xf32, #tpu.memory_space<vmem>>, vector<1x512x32xf32>,
    %get3A_721 = arith.constant 17 : index
    %get3A_722 = arith.constant 0 : index
    %get3A_723 = arith.constant 0 : index
    %get3A_724 = tpu.strided_load %arg3[%get3A_721, %get3A_722, %get3A_723] {strides = array<i32: 1, 4, 1>} : memref<32x512x32xf32, #tpu.memory_space<vmem>>, vector<1x128x32xf32>
    %get3A_725 = vector.shape_cast %get3A_724 : vector<1x128x32xf32> to vector<128x32xf32>
    %swap3A_726 = arith.constant 2176 : index
    %swap3A_727 = arith.constant 0 : index
    %swap3A_728 = vector.load %arg2[%swap3A_726, %swap3A_727] : memref<4096x128xf32, #tpu.memory_space<vmem>>, vector<128x32xf32>
    tpu.vector_store %arg2[%swap3A_726, %swap3A_727], %get3A_725 {strides = array<i32>} : memref<4096x128xf32, #tpu.memory_space<vmem>>, vector<128x32xf32>,
    %get3A_729 = arith.constant 17 : index
    %get3A_730 = arith.constant 1 : index
    %get3A_731 = arith.constant 0 : index
    %get3A_732 = tpu.strided_load %arg3[%get3A_729, %get3A_730, %get3A_731] {strides = array<i32: 1, 4, 1>} : memref<32x512x32xf32, #tpu.memory_space<vmem>>, vector<1x128x32xf32>
    %get3A_733 = vector.shape_cast %get3A_732 : vector<1x128x32xf32> to vector<128x32xf32>
    %swap3A_734 = arith.constant 2176 : index
    %swap3A_735 = arith.constant 32 : index
    %swap3A_736 = vector.load %arg2[%swap3A_734, %swap3A_735] : memref<4096x128xf32, #tpu.memory_space<vmem>>, vector<128x32xf32>
    tpu.vector_store %arg2[%swap3A_734, %swap3A_735], %get3A_733 {strides = array<i32>} : memref<4096x128xf32, #tpu.memory_space<vmem>>, vector<128x32xf32>,
    %get3A_737 = arith.constant 17 : index
    %get3A_738 = arith.constant 2 : index
    %get3A_739 = arith.constant 0 : index
    %get3A_740 = tpu.strided_load %arg3[%get3A_737, %get3A_738, %get3A_739] {strides = array<i32: 1, 4, 1>} : memref<32x512x32xf32, #tpu.memory_space<vmem>>, vector<1x128x32xf32>
    %get3A_741 = vector.shape_cast %get3A_740 : vector<1x128x32xf32> to vector<128x32xf32>
    %swap3A_742 = arith.constant 2176 : index
    %swap3A_743 = arith.constant 64 : index
    %swap3A_744 = vector.load %arg2[%swap3A_742, %swap3A_743] : memref<4096x128xf32, #tpu.memory_space<vmem>>, vector<128x32xf32>
    tpu.vector_store %arg2[%swap3A_742, %swap3A_743], %get3A_741 {strides = array<i32>} : memref<4096x128xf32, #tpu.memory_space<vmem>>, vector<128x32xf32>,
    %get3A_745 = arith.constant 17 : index
    %get3A_746 = arith.constant 3 : index
    %get3A_747 = arith.constant 0 : index
    %get3A_748 = tpu.strided_load %arg3[%get3A_745, %get3A_746, %get3A_747] {strides = array<i32: 1, 4, 1>} : memref<32x512x32xf32, #tpu.memory_space<vmem>>, vector<1x128x32xf32>
    %get3A_749 = vector.shape_cast %get3A_748 : vector<1x128x32xf32> to vector<128x32xf32>
    %swap3A_750 = arith.constant 2176 : index
    %swap3A_751 = arith.constant 96 : index
    %swap3A_752 = vector.load %arg2[%swap3A_750, %swap3A_751] : memref<4096x128xf32, #tpu.memory_space<vmem>>, vector<128x32xf32>
    tpu.vector_store %arg2[%swap3A_750, %swap3A_751], %get3A_749 {strides = array<i32>} : memref<4096x128xf32, #tpu.memory_space<vmem>>, vector<128x32xf32>,
    %get3A_753 = arith.constant 0 : index
    %get3A_754 = arith.constant 9216 : index
    %get3A_755 = vector.load %arg1[%get3A_753, %get3A_754] : memref<32x16384xf32, #tpu.memory_space<vmem>>, vector<32x512xf32>
    %transpose3A_756 = tpu.transpose %get3A_755, [1, 0] : vector<32x512xf32> -> vector<512x32xf32>
    %swap3A_757 = arith.constant 18 : index
    %swap3A_758 = arith.constant 0 : index
    %swap3A_759 = arith.constant 0 : index
    %swap3A_760 = vector.load %arg3[%swap3A_757, %swap3A_758, %swap3A_759] : memref<32x512x32xf32, #tpu.memory_space<vmem>>, vector<1x512x32xf32>
    %swap3A_761 = vector.shape_cast %swap3A_760 : vector<1x512x32xf32> to vector<512x32xf32>
    %swap3A_762 = vector.shape_cast %transpose3A_756 : vector<512x32xf32> to vector<1x512x32xf32>
    tpu.vector_store %arg3[%swap3A_757, %swap3A_758, %swap3A_759], %swap3A_762 {strides = array<i32>} : memref<32x512x32xf32, #tpu.memory_space<vmem>>, vector<1x512x32xf32>,
    %get3A_763 = arith.constant 18 : index
    %get3A_764 = arith.constant 0 : index
    %get3A_765 = arith.constant 0 : index
    %get3A_766 = tpu.strided_load %arg3[%get3A_763, %get3A_764, %get3A_765] {strides = array<i32: 1, 4, 1>} : memref<32x512x32xf32, #tpu.memory_space<vmem>>, vector<1x128x32xf32>
    %get3A_767 = vector.shape_cast %get3A_766 : vector<1x128x32xf32> to vector<128x32xf32>
    %swap3A_768 = arith.constant 2304 : index
    %swap3A_769 = arith.constant 0 : index
    %swap3A_770 = vector.load %arg2[%swap3A_768, %swap3A_769] : memref<4096x128xf32, #tpu.memory_space<vmem>>, vector<128x32xf32>
    tpu.vector_store %arg2[%swap3A_768, %swap3A_769], %get3A_767 {strides = array<i32>} : memref<4096x128xf32, #tpu.memory_space<vmem>>, vector<128x32xf32>,
    %get3A_771 = arith.constant 18 : index
    %get3A_772 = arith.constant 1 : index
    %get3A_773 = arith.constant 0 : index
    %get3A_774 = tpu.strided_load %arg3[%get3A_771, %get3A_772, %get3A_773] {strides = array<i32: 1, 4, 1>} : memref<32x512x32xf32, #tpu.memory_space<vmem>>, vector<1x128x32xf32>
    %get3A_775 = vector.shape_cast %get3A_774 : vector<1x128x32xf32> to vector<128x32xf32>
    %swap3A_776 = arith.constant 2304 : index
    %swap3A_777 = arith.constant 32 : index
    %swap3A_778 = vector.load %arg2[%swap3A_776, %swap3A_777] : memref<4096x128xf32, #tpu.memory_space<vmem>>, vector<128x32xf32>
    tpu.vector_store %arg2[%swap3A_776, %swap3A_777], %get3A_775 {strides = array<i32>} : memref<4096x128xf32, #tpu.memory_space<vmem>>, vector<128x32xf32>,
    %get3A_779 = arith.constant 18 : index
    %get3A_780 = arith.constant 2 : index
    %get3A_781 = arith.constant 0 : index
    %get3A_782 = tpu.strided_load %arg3[%get3A_779, %get3A_780, %get3A_781] {strides = array<i32: 1, 4, 1>} : memref<32x512x32xf32, #tpu.memory_space<vmem>>, vector<1x128x32xf32>
    %get3A_783 = vector.shape_cast %get3A_782 : vector<1x128x32xf32> to vector<128x32xf32>
    %swap3A_784 = arith.constant 2304 : index
    %swap3A_785 = arith.constant 64 : index
    %swap3A_786 = vector.load %arg2[%swap3A_784, %swap3A_785] : memref<4096x128xf32, #tpu.memory_space<vmem>>, vector<128x32xf32>
    tpu.vector_store %arg2[%swap3A_784, %swap3A_785], %get3A_783 {strides = array<i32>} : memref<4096x128xf32, #tpu.memory_space<vmem>>, vector<128x32xf32>,
    %get3A_787 = arith.constant 18 : index
    %get3A_788 = arith.constant 3 : index
    %get3A_789 = arith.constant 0 : index
    %get3A_790 = tpu.strided_load %arg3[%get3A_787, %get3A_788, %get3A_789] {strides = array<i32: 1, 4, 1>} : memref<32x512x32xf32, #tpu.memory_space<vmem>>, vector<1x128x32xf32>
    %get3A_791 = vector.shape_cast %get3A_790 : vector<1x128x32xf32> to vector<128x32xf32>
    %swap3A_792 = arith.constant 2304 : index
    %swap3A_793 = arith.constant 96 : index
    %swap3A_794 = vector.load %arg2[%swap3A_792, %swap3A_793] : memref<4096x128xf32, #tpu.memory_space<vmem>>, vector<128x32xf32>
    tpu.vector_store %arg2[%swap3A_792, %swap3A_793], %get3A_791 {strides = array<i32>} : memref<4096x128xf32, #tpu.memory_space<vmem>>, vector<128x32xf32>,
    %get3A_795 = arith.constant 0 : index
    %get3A_796 = arith.constant 9728 : index
    %get3A_797 = vector.load %arg1[%get3A_795, %get3A_796] : memref<32x16384xf32, #tpu.memory_space<vmem>>, vector<32x512xf32>
    %transpose3A_798 = tpu.transpose %get3A_797, [1, 0] : vector<32x512xf32> -> vector<512x32xf32>
    %swap3A_799 = arith.constant 19 : index
    %swap3A_800 = arith.constant 0 : index
    %swap3A_801 = arith.constant 0 : index
    %swap3A_802 = vector.load %arg3[%swap3A_799, %swap3A_800, %swap3A_801] : memref<32x512x32xf32, #tpu.memory_space<vmem>>, vector<1x512x32xf32>
    %swap3A_803 = vector.shape_cast %swap3A_802 : vector<1x512x32xf32> to vector<512x32xf32>
    %swap3A_804 = vector.shape_cast %transpose3A_798 : vector<512x32xf32> to vector<1x512x32xf32>
    tpu.vector_store %arg3[%swap3A_799, %swap3A_800, %swap3A_801], %swap3A_804 {strides = array<i32>} : memref<32x512x32xf32, #tpu.memory_space<vmem>>, vector<1x512x32xf32>,
    %get3A_805 = arith.constant 19 : index
    %get3A_806 = arith.constant 0 : index
    %get3A_807 = arith.constant 0 : index
    %get3A_808 = tpu.strided_load %arg3[%get3A_805, %get3A_806, %get3A_807] {strides = array<i32: 1, 4, 1>} : memref<32x512x32xf32, #tpu.memory_space<vmem>>, vector<1x128x32xf32>
    %get3A_809 = vector.shape_cast %get3A_808 : vector<1x128x32xf32> to vector<128x32xf32>
    %swap3A_810 = arith.constant 2432 : index
    %swap3A_811 = arith.constant 0 : index
    %swap3A_812 = vector.load %arg2[%swap3A_810, %swap3A_811] : memref<4096x128xf32, #tpu.memory_space<vmem>>, vector<128x32xf32>
    tpu.vector_store %arg2[%swap3A_810, %swap3A_811], %get3A_809 {strides = array<i32>} : memref<4096x128xf32, #tpu.memory_space<vmem>>, vector<128x32xf32>,
    %get3A_813 = arith.constant 19 : index
    %get3A_814 = arith.constant 1 : index
    %get3A_815 = arith.constant 0 : index
    %get3A_816 = tpu.strided_load %arg3[%get3A_813, %get3A_814, %get3A_815] {strides = array<i32: 1, 4, 1>} : memref<32x512x32xf32, #tpu.memory_space<vmem>>, vector<1x128x32xf32>
    %get3A_817 = vector.shape_cast %get3A_816 : vector<1x128x32xf32> to vector<128x32xf32>
    %swap3A_818 = arith.constant 2432 : index
    %swap3A_819 = arith.constant 32 : index
    %swap3A_820 = vector.load %arg2[%swap3A_818, %swap3A_819] : memref<4096x128xf32, #tpu.memory_space<vmem>>, vector<128x32xf32>
    tpu.vector_store %arg2[%swap3A_818, %swap3A_819], %get3A_817 {strides = array<i32>} : memref<4096x128xf32, #tpu.memory_space<vmem>>, vector<128x32xf32>,
    %get3A_821 = arith.constant 19 : index
    %get3A_822 = arith.constant 2 : index
    %get3A_823 = arith.constant 0 : index
    %get3A_824 = tpu.strided_load %arg3[%get3A_821, %get3A_822, %get3A_823] {strides = array<i32: 1, 4, 1>} : memref<32x512x32xf32, #tpu.memory_space<vmem>>, vector<1x128x32xf32>
    %get3A_825 = vector.shape_cast %get3A_824 : vector<1x128x32xf32> to vector<128x32xf32>
    %swap3A_826 = arith.constant 2432 : index
    %swap3A_827 = arith.constant 64 : index
    %swap3A_828 = vector.load %arg2[%swap3A_826, %swap3A_827] : memref<4096x128xf32, #tpu.memory_space<vmem>>, vector<128x32xf32>
    tpu.vector_store %arg2[%swap3A_826, %swap3A_827], %get3A_825 {strides = array<i32>} : memref<4096x128xf32, #tpu.memory_space<vmem>>, vector<128x32xf32>,
    %get3A_829 = arith.constant 19 : index
    %get3A_830 = arith.constant 3 : index
    %get3A_831 = arith.constant 0 : index
    %get3A_832 = tpu.strided_load %arg3[%get3A_829, %get3A_830, %get3A_831] {strides = array<i32: 1, 4, 1>} : memref<32x512x32xf32, #tpu.memory_space<vmem>>, vector<1x128x32xf32>
    %get3A_833 = vector.shape_cast %get3A_832 : vector<1x128x32xf32> to vector<128x32xf32>
    %swap3A_834 = arith.constant 2432 : index
    %swap3A_835 = arith.constant 96 : index
    %swap3A_836 = vector.load %arg2[%swap3A_834, %swap3A_835] : memref<4096x128xf32, #tpu.memory_space<vmem>>, vector<128x32xf32>
    tpu.vector_store %arg2[%swap3A_834, %swap3A_835], %get3A_833 {strides = array<i32>} : memref<4096x128xf32, #tpu.memory_space<vmem>>, vector<128x32xf32>,
    %get3A_837 = arith.constant 0 : index
    %get3A_838 = arith.constant 10240 : index
    %get3A_839 = vector.load %arg1[%get3A_837, %get3A_838] : memref<32x16384xf32, #tpu.memory_space<vmem>>, vector<32x512xf32>
    %transpose3A_840 = tpu.transpose %get3A_839, [1, 0] : vector<32x512xf32> -> vector<512x32xf32>
    %swap3A_841 = arith.constant 20 : index
    %swap3A_842 = arith.constant 0 : index
    %swap3A_843 = arith.constant 0 : index
    %swap3A_844 = vector.load %arg3[%swap3A_841, %swap3A_842, %swap3A_843] : memref<32x512x32xf32, #tpu.memory_space<vmem>>, vector<1x512x32xf32>
    %swap3A_845 = vector.shape_cast %swap3A_844 : vector<1x512x32xf32> to vector<512x32xf32>
    %swap3A_846 = vector.shape_cast %transpose3A_840 : vector<512x32xf32> to vector<1x512x32xf32>
    tpu.vector_store %arg3[%swap3A_841, %swap3A_842, %swap3A_843], %swap3A_846 {strides = array<i32>} : memref<32x512x32xf32, #tpu.memory_space<vmem>>, vector<1x512x32xf32>,
    %get3A_847 = arith.constant 20 : index
    %get3A_848 = arith.constant 0 : index
    %get3A_849 = arith.constant 0 : index
    %get3A_850 = tpu.strided_load %arg3[%get3A_847, %get3A_848, %get3A_849] {strides = array<i32: 1, 4, 1>} : memref<32x512x32xf32, #tpu.memory_space<vmem>>, vector<1x128x32xf32>
    %get3A_851 = vector.shape_cast %get3A_850 : vector<1x128x32xf32> to vector<128x32xf32>
    %swap3A_852 = arith.constant 2560 : index
    %swap3A_853 = arith.constant 0 : index
    %swap3A_854 = vector.load %arg2[%swap3A_852, %swap3A_853] : memref<4096x128xf32, #tpu.memory_space<vmem>>, vector<128x32xf32>
    tpu.vector_store %arg2[%swap3A_852, %swap3A_853], %get3A_851 {strides = array<i32>} : memref<4096x128xf32, #tpu.memory_space<vmem>>, vector<128x32xf32>,
    %get3A_855 = arith.constant 20 : index
    %get3A_856 = arith.constant 1 : index
    %get3A_857 = arith.constant 0 : index
    %get3A_858 = tpu.strided_load %arg3[%get3A_855, %get3A_856, %get3A_857] {strides = array<i32: 1, 4, 1>} : memref<32x512x32xf32, #tpu.memory_space<vmem>>, vector<1x128x32xf32>
    %get3A_859 = vector.shape_cast %get3A_858 : vector<1x128x32xf32> to vector<128x32xf32>
    %swap3A_860 = arith.constant 2560 : index
    %swap3A_861 = arith.constant 32 : index
    %swap3A_862 = vector.load %arg2[%swap3A_860, %swap3A_861] : memref<4096x128xf32, #tpu.memory_space<vmem>>, vector<128x32xf32>
    tpu.vector_store %arg2[%swap3A_860, %swap3A_861], %get3A_859 {strides = array<i32>} : memref<4096x128xf32, #tpu.memory_space<vmem>>, vector<128x32xf32>,
    %get3A_863 = arith.constant 20 : index
    %get3A_864 = arith.constant 2 : index
    %get3A_865 = arith.constant 0 : index
    %get3A_866 = tpu.strided_load %arg3[%get3A_863, %get3A_864, %get3A_865] {strides = array<i32: 1, 4, 1>} : memref<32x512x32xf32, #tpu.memory_space<vmem>>, vector<1x128x32xf32>
    %get3A_867 = vector.shape_cast %get3A_866 : vector<1x128x32xf32> to vector<128x32xf32>
    %swap3A_868 = arith.constant 2560 : index
    %swap3A_869 = arith.constant 64 : index
    %swap3A_870 = vector.load %arg2[%swap3A_868, %swap3A_869] : memref<4096x128xf32, #tpu.memory_space<vmem>>, vector<128x32xf32>
    tpu.vector_store %arg2[%swap3A_868, %swap3A_869], %get3A_867 {strides = array<i32>} : memref<4096x128xf32, #tpu.memory_space<vmem>>, vector<128x32xf32>,
    %get3A_871 = arith.constant 20 : index
    %get3A_872 = arith.constant 3 : index
    %get3A_873 = arith.constant 0 : index
    %get3A_874 = tpu.strided_load %arg3[%get3A_871, %get3A_872, %get3A_873] {strides = array<i32: 1, 4, 1>} : memref<32x512x32xf32, #tpu.memory_space<vmem>>, vector<1x128x32xf32>
    %get3A_875 = vector.shape_cast %get3A_874 : vector<1x128x32xf32> to vector<128x32xf32>
    %swap3A_876 = arith.constant 2560 : index
    %swap3A_877 = arith.constant 96 : index
    %swap3A_878 = vector.load %arg2[%swap3A_876, %swap3A_877] : memref<4096x128xf32, #tpu.memory_space<vmem>>, vector<128x32xf32>
    tpu.vector_store %arg2[%swap3A_876, %swap3A_877], %get3A_875 {strides = array<i32>} : memref<4096x128xf32, #tpu.memory_space<vmem>>, vector<128x32xf32>,
    %get3A_879 = arith.constant 0 : index
    %get3A_880 = arith.constant 10752 : index
    %get3A_881 = vector.load %arg1[%get3A_879, %get3A_880] : memref<32x16384xf32, #tpu.memory_space<vmem>>, vector<32x512xf32>
    %transpose3A_882 = tpu.transpose %get3A_881, [1, 0] : vector<32x512xf32> -> vector<512x32xf32>
    %swap3A_883 = arith.constant 21 : index
    %swap3A_884 = arith.constant 0 : index
    %swap3A_885 = arith.constant 0 : index
    %swap3A_886 = vector.load %arg3[%swap3A_883, %swap3A_884, %swap3A_885] : memref<32x512x32xf32, #tpu.memory_space<vmem>>, vector<1x512x32xf32>
    %swap3A_887 = vector.shape_cast %swap3A_886 : vector<1x512x32xf32> to vector<512x32xf32>
    %swap3A_888 = vector.shape_cast %transpose3A_882 : vector<512x32xf32> to vector<1x512x32xf32>
    tpu.vector_store %arg3[%swap3A_883, %swap3A_884, %swap3A_885], %swap3A_888 {strides = array<i32>} : memref<32x512x32xf32, #tpu.memory_space<vmem>>, vector<1x512x32xf32>,
    %get3A_889 = arith.constant 21 : index
    %get3A_890 = arith.constant 0 : index
    %get3A_891 = arith.constant 0 : index
    %get3A_892 = tpu.strided_load %arg3[%get3A_889, %get3A_890, %get3A_891] {strides = array<i32: 1, 4, 1>} : memref<32x512x32xf32, #tpu.memory_space<vmem>>, vector<1x128x32xf32>
    %get3A_893 = vector.shape_cast %get3A_892 : vector<1x128x32xf32> to vector<128x32xf32>
    %swap3A_894 = arith.constant 2688 : index
    %swap3A_895 = arith.constant 0 : index
    %swap3A_896 = vector.load %arg2[%swap3A_894, %swap3A_895] : memref<4096x128xf32, #tpu.memory_space<vmem>>, vector<128x32xf32>
    tpu.vector_store %arg2[%swap3A_894, %swap3A_895], %get3A_893 {strides = array<i32>} : memref<4096x128xf32, #tpu.memory_space<vmem>>, vector<128x32xf32>,
    %get3A_897 = arith.constant 21 : index
    %get3A_898 = arith.constant 1 : index
    %get3A_899 = arith.constant 0 : index
    %get3A_900 = tpu.strided_load %arg3[%get3A_897, %get3A_898, %get3A_899] {strides = array<i32: 1, 4, 1>} : memref<32x512x32xf32, #tpu.memory_space<vmem>>, vector<1x128x32xf32>
    %get3A_901 = vector.shape_cast %get3A_900 : vector<1x128x32xf32> to vector<128x32xf32>
    %swap3A_902 = arith.constant 2688 : index
    %swap3A_903 = arith.constant 32 : index
    %swap3A_904 = vector.load %arg2[%swap3A_902, %swap3A_903] : memref<4096x128xf32, #tpu.memory_space<vmem>>, vector<128x32xf32>
    tpu.vector_store %arg2[%swap3A_902, %swap3A_903], %get3A_901 {strides = array<i32>} : memref<4096x128xf32, #tpu.memory_space<vmem>>, vector<128x32xf32>,
    %get3A_905 = arith.constant 21 : index
    %get3A_906 = arith.constant 2 : index
    %get3A_907 = arith.constant 0 : index
    %get3A_908 = tpu.strided_load %arg3[%get3A_905, %get3A_906, %get3A_907] {strides = array<i32: 1, 4, 1>} : memref<32x512x32xf32, #tpu.memory_space<vmem>>, vector<1x128x32xf32>
    %get3A_909 = vector.shape_cast %get3A_908 : vector<1x128x32xf32> to vector<128x32xf32>
    %swap3A_910 = arith.constant 2688 : index
    %swap3A_911 = arith.constant 64 : index
    %swap3A_912 = vector.load %arg2[%swap3A_910, %swap3A_911] : memref<4096x128xf32, #tpu.memory_space<vmem>>, vector<128x32xf32>
    tpu.vector_store %arg2[%swap3A_910, %swap3A_911], %get3A_909 {strides = array<i32>} : memref<4096x128xf32, #tpu.memory_space<vmem>>, vector<128x32xf32>,
    %get3A_913 = arith.constant 21 : index
    %get3A_914 = arith.constant 3 : index
    %get3A_915 = arith.constant 0 : index
    %get3A_916 = tpu.strided_load %arg3[%get3A_913, %get3A_914, %get3A_915] {strides = array<i32: 1, 4, 1>} : memref<32x512x32xf32, #tpu.memory_space<vmem>>, vector<1x128x32xf32>
    %get3A_917 = vector.shape_cast %get3A_916 : vector<1x128x32xf32> to vector<128x32xf32>
    %swap3A_918 = arith.constant 2688 : index
    %swap3A_919 = arith.constant 96 : index
    %swap3A_920 = vector.load %arg2[%swap3A_918, %swap3A_919] : memref<4096x128xf32, #tpu.memory_space<vmem>>, vector<128x32xf32>
    tpu.vector_store %arg2[%swap3A_918, %swap3A_919], %get3A_917 {strides = array<i32>} : memref<4096x128xf32, #tpu.memory_space<vmem>>, vector<128x32xf32>,
    %get3A_921 = arith.constant 0 : index
    %get3A_922 = arith.constant 11264 : index
    %get3A_923 = vector.load %arg1[%get3A_921, %get3A_922] : memref<32x16384xf32, #tpu.memory_space<vmem>>, vector<32x512xf32>
    %transpose3A_924 = tpu.transpose %get3A_923, [1, 0] : vector<32x512xf32> -> vector<512x32xf32>
    %swap3A_925 = arith.constant 22 : index
    %swap3A_926 = arith.constant 0 : index
    %swap3A_927 = arith.constant 0 : index
    %swap3A_928 = vector.load %arg3[%swap3A_925, %swap3A_926, %swap3A_927] : memref<32x512x32xf32, #tpu.memory_space<vmem>>, vector<1x512x32xf32>
    %swap3A_929 = vector.shape_cast %swap3A_928 : vector<1x512x32xf32> to vector<512x32xf32>
    %swap3A_930 = vector.shape_cast %transpose3A_924 : vector<512x32xf32> to vector<1x512x32xf32>
    tpu.vector_store %arg3[%swap3A_925, %swap3A_926, %swap3A_927], %swap3A_930 {strides = array<i32>} : memref<32x512x32xf32, #tpu.memory_space<vmem>>, vector<1x512x32xf32>,
    %get3A_931 = arith.constant 22 : index
    %get3A_932 = arith.constant 0 : index
    %get3A_933 = arith.constant 0 : index
    %get3A_934 = tpu.strided_load %arg3[%get3A_931, %get3A_932, %get3A_933] {strides = array<i32: 1, 4, 1>} : memref<32x512x32xf32, #tpu.memory_space<vmem>>, vector<1x128x32xf32>
    %get3A_935 = vector.shape_cast %get3A_934 : vector<1x128x32xf32> to vector<128x32xf32>
    %swap3A_936 = arith.constant 2816 : index
    %swap3A_937 = arith.constant 0 : index
    %swap3A_938 = vector.load %arg2[%swap3A_936, %swap3A_937] : memref<4096x128xf32, #tpu.memory_space<vmem>>, vector<128x32xf32>
    tpu.vector_store %arg2[%swap3A_936, %swap3A_937], %get3A_935 {strides = array<i32>} : memref<4096x128xf32, #tpu.memory_space<vmem>>, vector<128x32xf32>,
    %get3A_939 = arith.constant 22 : index
    %get3A_940 = arith.constant 1 : index
    %get3A_941 = arith.constant 0 : index
    %get3A_942 = tpu.strided_load %arg3[%get3A_939, %get3A_940, %get3A_941] {strides = array<i32: 1, 4, 1>} : memref<32x512x32xf32, #tpu.memory_space<vmem>>, vector<1x128x32xf32>
    %get3A_943 = vector.shape_cast %get3A_942 : vector<1x128x32xf32> to vector<128x32xf32>
    %swap3A_944 = arith.constant 2816 : index
    %swap3A_945 = arith.constant 32 : index
    %swap3A_946 = vector.load %arg2[%swap3A_944, %swap3A_945] : memref<4096x128xf32, #tpu.memory_space<vmem>>, vector<128x32xf32>
    tpu.vector_store %arg2[%swap3A_944, %swap3A_945], %get3A_943 {strides = array<i32>} : memref<4096x128xf32, #tpu.memory_space<vmem>>, vector<128x32xf32>,
    %get3A_947 = arith.constant 22 : index
    %get3A_948 = arith.constant 2 : index
    %get3A_949 = arith.constant 0 : index
    %get3A_950 = tpu.strided_load %arg3[%get3A_947, %get3A_948, %get3A_949] {strides = array<i32: 1, 4, 1>} : memref<32x512x32xf32, #tpu.memory_space<vmem>>, vector<1x128x32xf32>
    %get3A_951 = vector.shape_cast %get3A_950 : vector<1x128x32xf32> to vector<128x32xf32>
    %swap3A_952 = arith.constant 2816 : index
    %swap3A_953 = arith.constant 64 : index
    %swap3A_954 = vector.load %arg2[%swap3A_952, %swap3A_953] : memref<4096x128xf32, #tpu.memory_space<vmem>>, vector<128x32xf32>
    tpu.vector_store %arg2[%swap3A_952, %swap3A_953], %get3A_951 {strides = array<i32>} : memref<4096x128xf32, #tpu.memory_space<vmem>>, vector<128x32xf32>,
    %get3A_955 = arith.constant 22 : index
    %get3A_956 = arith.constant 3 : index
    %get3A_957 = arith.constant 0 : index
    %get3A_958 = tpu.strided_load %arg3[%get3A_955, %get3A_956, %get3A_957] {strides = array<i32: 1, 4, 1>} : memref<32x512x32xf32, #tpu.memory_space<vmem>>, vector<1x128x32xf32>
    %get3A_959 = vector.shape_cast %get3A_958 : vector<1x128x32xf32> to vector<128x32xf32>
    %swap3A_960 = arith.constant 2816 : index
    %swap3A_961 = arith.constant 96 : index
    %swap3A_962 = vector.load %arg2[%swap3A_960, %swap3A_961] : memref<4096x128xf32, #tpu.memory_space<vmem>>, vector<128x32xf32>
    tpu.vector_store %arg2[%swap3A_960, %swap3A_961], %get3A_959 {strides = array<i32>} : memref<4096x128xf32, #tpu.memory_space<vmem>>, vector<128x32xf32>,
    %get3A_963 = arith.constant 0 : index
    %get3A_964 = arith.constant 11776 : index
    %get3A_965 = vector.load %arg1[%get3A_963, %get3A_964] : memref<32x16384xf32, #tpu.memory_space<vmem>>, vector<32x512xf32>
    %transpose3A_966 = tpu.transpose %get3A_965, [1, 0] : vector<32x512xf32> -> vector<512x32xf32>
    %swap3A_967 = arith.constant 23 : index
    %swap3A_968 = arith.constant 0 : index
    %swap3A_969 = arith.constant 0 : index
    %swap3A_970 = vector.load %arg3[%swap3A_967, %swap3A_968, %swap3A_969] : memref<32x512x32xf32, #tpu.memory_space<vmem>>, vector<1x512x32xf32>
    %swap3A_971 = vector.shape_cast %swap3A_970 : vector<1x512x32xf32> to vector<512x32xf32>
    %swap3A_972 = vector.shape_cast %transpose3A_966 : vector<512x32xf32> to vector<1x512x32xf32>
    tpu.vector_store %arg3[%swap3A_967, %swap3A_968, %swap3A_969], %swap3A_972 {strides = array<i32>} : memref<32x512x32xf32, #tpu.memory_space<vmem>>, vector<1x512x32xf32>,
    %get3A_973 = arith.constant 23 : index
    %get3A_974 = arith.constant 0 : index
    %get3A_975 = arith.constant 0 : index
    %get3A_976 = tpu.strided_load %arg3[%get3A_973, %get3A_974, %get3A_975] {strides = array<i32: 1, 4, 1>} : memref<32x512x32xf32, #tpu.memory_space<vmem>>, vector<1x128x32xf32>
    %get3A_977 = vector.shape_cast %get3A_976 : vector<1x128x32xf32> to vector<128x32xf32>
    %swap3A_978 = arith.constant 2944 : index
    %swap3A_979 = arith.constant 0 : index
    %swap3A_980 = vector.load %arg2[%swap3A_978, %swap3A_979] : memref<4096x128xf32, #tpu.memory_space<vmem>>, vector<128x32xf32>
    tpu.vector_store %arg2[%swap3A_978, %swap3A_979], %get3A_977 {strides = array<i32>} : memref<4096x128xf32, #tpu.memory_space<vmem>>, vector<128x32xf32>,
    %get3A_981 = arith.constant 23 : index
    %get3A_982 = arith.constant 1 : index
    %get3A_983 = arith.constant 0 : index
    %get3A_984 = tpu.strided_load %arg3[%get3A_981, %get3A_982, %get3A_983] {strides = array<i32: 1, 4, 1>} : memref<32x512x32xf32, #tpu.memory_space<vmem>>, vector<1x128x32xf32>
    %get3A_985 = vector.shape_cast %get3A_984 : vector<1x128x32xf32> to vector<128x32xf32>
    %swap3A_986 = arith.constant 2944 : index
    %swap3A_987 = arith.constant 32 : index
    %swap3A_988 = vector.load %arg2[%swap3A_986, %swap3A_987] : memref<4096x128xf32, #tpu.memory_space<vmem>>, vector<128x32xf32>
    tpu.vector_store %arg2[%swap3A_986, %swap3A_987], %get3A_985 {strides = array<i32>} : memref<4096x128xf32, #tpu.memory_space<vmem>>, vector<128x32xf32>,
    %get3A_989 = arith.constant 23 : index
    %get3A_990 = arith.constant 2 : index
    %get3A_991 = arith.constant 0 : index
    %get3A_992 = tpu.strided_load %arg3[%get3A_989, %get3A_990, %get3A_991] {strides = array<i32: 1, 4, 1>} : memref<32x512x32xf32, #tpu.memory_space<vmem>>, vector<1x128x32xf32>
    %get3A_993 = vector.shape_cast %get3A_992 : vector<1x128x32xf32> to vector<128x32xf32>
    %swap3A_994 = arith.constant 2944 : index
    %swap3A_995 = arith.constant 64 : index
    %swap3A_996 = vector.load %arg2[%swap3A_994, %swap3A_995] : memref<4096x128xf32, #tpu.memory_space<vmem>>, vector<128x32xf32>
    tpu.vector_store %arg2[%swap3A_994, %swap3A_995], %get3A_993 {strides = array<i32>} : memref<4096x128xf32, #tpu.memory_space<vmem>>, vector<128x32xf32>,
    %get3A_997 = arith.constant 23 : index
    %get3A_998 = arith.constant 3 : index
    %get3A_999 = arith.constant 0 : index
    %get3A_1000 = tpu.strided_load %arg3[%get3A_997, %get3A_998, %get3A_999] {strides = array<i32: 1, 4, 1>} : memref<32x512x32xf32, #tpu.memory_space<vmem>>, vector<1x128x32xf32>
    %get3A_1001 = vector.shape_cast %get3A_1000 : vector<1x128x32xf32> to vector<128x32xf32>
    %swap3A_1002 = arith.constant 2944 : index
    %swap3A_1003 = arith.constant 96 : index
    %swap3A_1004 = vector.load %arg2[%swap3A_1002, %swap3A_1003] : memref<4096x128xf32, #tpu.memory_space<vmem>>, vector<128x32xf32>
    tpu.vector_store %arg2[%swap3A_1002, %swap3A_1003], %get3A_1001 {strides = array<i32>} : memref<4096x128xf32, #tpu.memory_space<vmem>>, vector<128x32xf32>,
    %get3A_1005 = arith.constant 0 : index
    %get3A_1006 = arith.constant 12288 : index
    %get3A_1007 = vector.load %arg1[%get3A_1005, %get3A_1006] : memref<32x16384xf32, #tpu.memory_space<vmem>>, vector<32x512xf32>
    %transpose3A_1008 = tpu.transpose %get3A_1007, [1, 0] : vector<32x512xf32> -> vector<512x32xf32>
    %swap3A_1009 = arith.constant 24 : index
    %swap3A_1010 = arith.constant 0 : index
    %swap3A_1011 = arith.constant 0 : index
    %swap3A_1012 = vector.load %arg3[%swap3A_1009, %swap3A_1010, %swap3A_1011] : memref<32x512x32xf32, #tpu.memory_space<vmem>>, vector<1x512x32xf32>
    %swap3A_1013 = vector.shape_cast %swap3A_1012 : vector<1x512x32xf32> to vector<512x32xf32>
    %swap3A_1014 = vector.shape_cast %transpose3A_1008 : vector<512x32xf32> to vector<1x512x32xf32>
    tpu.vector_store %arg3[%swap3A_1009, %swap3A_1010, %swap3A_1011], %swap3A_1014 {strides = array<i32>} : memref<32x512x32xf32, #tpu.memory_space<vmem>>, vector<1x512x32xf32>,
    %get3A_1015 = arith.constant 24 : index
    %get3A_1016 = arith.constant 0 : index
    %get3A_1017 = arith.constant 0 : index
    %get3A_1018 = tpu.strided_load %arg3[%get3A_1015, %get3A_1016, %get3A_1017] {strides = array<i32: 1, 4, 1>} : memref<32x512x32xf32, #tpu.memory_space<vmem>>, vector<1x128x32xf32>
    %get3A_1019 = vector.shape_cast %get3A_1018 : vector<1x128x32xf32> to vector<128x32xf32>
    %swap3A_1020 = arith.constant 3072 : index
    %swap3A_1021 = arith.constant 0 : index
    %swap3A_1022 = vector.load %arg2[%swap3A_1020, %swap3A_1021] : memref<4096x128xf32, #tpu.memory_space<vmem>>, vector<128x32xf32>
    tpu.vector_store %arg2[%swap3A_1020, %swap3A_1021], %get3A_1019 {strides = array<i32>} : memref<4096x128xf32, #tpu.memory_space<vmem>>, vector<128x32xf32>,
    %get3A_1023 = arith.constant 24 : index
    %get3A_1024 = arith.constant 1 : index
    %get3A_1025 = arith.constant 0 : index
    %get3A_1026 = tpu.strided_load %arg3[%get3A_1023, %get3A_1024, %get3A_1025] {strides = array<i32: 1, 4, 1>} : memref<32x512x32xf32, #tpu.memory_space<vmem>>, vector<1x128x32xf32>
    %get3A_1027 = vector.shape_cast %get3A_1026 : vector<1x128x32xf32> to vector<128x32xf32>
    %swap3A_1028 = arith.constant 3072 : index
    %swap3A_1029 = arith.constant 32 : index
    %swap3A_1030 = vector.load %arg2[%swap3A_1028, %swap3A_1029] : memref<4096x128xf32, #tpu.memory_space<vmem>>, vector<128x32xf32>
    tpu.vector_store %arg2[%swap3A_1028, %swap3A_1029], %get3A_1027 {strides = array<i32>} : memref<4096x128xf32, #tpu.memory_space<vmem>>, vector<128x32xf32>,
    %get3A_1031 = arith.constant 24 : index
    %get3A_1032 = arith.constant 2 : index
    %get3A_1033 = arith.constant 0 : index
    %get3A_1034 = tpu.strided_load %arg3[%get3A_1031, %get3A_1032, %get3A_1033] {strides = array<i32: 1, 4, 1>} : memref<32x512x32xf32, #tpu.memory_space<vmem>>, vector<1x128x32xf32>
    %get3A_1035 = vector.shape_cast %get3A_1034 : vector<1x128x32xf32> to vector<128x32xf32>
    %swap3A_1036 = arith.constant 3072 : index
    %swap3A_1037 = arith.constant 64 : index
    %swap3A_1038 = vector.load %arg2[%swap3A_1036, %swap3A_1037] : memref<4096x128xf32, #tpu.memory_space<vmem>>, vector<128x32xf32>
    tpu.vector_store %arg2[%swap3A_1036, %swap3A_1037], %get3A_1035 {strides = array<i32>} : memref<4096x128xf32, #tpu.memory_space<vmem>>, vector<128x32xf32>,
    %get3A_1039 = arith.constant 24 : index
    %get3A_1040 = arith.constant 3 : index
    %get3A_1041 = arith.constant 0 : index
    %get3A_1042 = tpu.strided_load %arg3[%get3A_1039, %get3A_1040, %get3A_1041] {strides = array<i32: 1, 4, 1>} : memref<32x512x32xf32, #tpu.memory_space<vmem>>, vector<1x128x32xf32>
    %get3A_1043 = vector.shape_cast %get3A_1042 : vector<1x128x32xf32> to vector<128x32xf32>
    %swap3A_1044 = arith.constant 3072 : index
    %swap3A_1045 = arith.constant 96 : index
    %swap3A_1046 = vector.load %arg2[%swap3A_1044, %swap3A_1045] : memref<4096x128xf32, #tpu.memory_space<vmem>>, vector<128x32xf32>
    tpu.vector_store %arg2[%swap3A_1044, %swap3A_1045], %get3A_1043 {strides = array<i32>} : memref<4096x128xf32, #tpu.memory_space<vmem>>, vector<128x32xf32>,
    %get3A_1047 = arith.constant 0 : index
    %get3A_1048 = arith.constant 12800 : index
    %get3A_1049 = vector.load %arg1[%get3A_1047, %get3A_1048] : memref<32x16384xf32, #tpu.memory_space<vmem>>, vector<32x512xf32>
    %transpose3A_1050 = tpu.transpose %get3A_1049, [1, 0] : vector<32x512xf32> -> vector<512x32xf32>
    %swap3A_1051 = arith.constant 25 : index
    %swap3A_1052 = arith.constant 0 : index
    %swap3A_1053 = arith.constant 0 : index
    %swap3A_1054 = vector.load %arg3[%swap3A_1051, %swap3A_1052, %swap3A_1053] : memref<32x512x32xf32, #tpu.memory_space<vmem>>, vector<1x512x32xf32>
    %swap3A_1055 = vector.shape_cast %swap3A_1054 : vector<1x512x32xf32> to vector<512x32xf32>
    %swap3A_1056 = vector.shape_cast %transpose3A_1050 : vector<512x32xf32> to vector<1x512x32xf32>
    tpu.vector_store %arg3[%swap3A_1051, %swap3A_1052, %swap3A_1053], %swap3A_1056 {strides = array<i32>} : memref<32x512x32xf32, #tpu.memory_space<vmem>>, vector<1x512x32xf32>,
    %get3A_1057 = arith.constant 25 : index
    %get3A_1058 = arith.constant 0 : index
    %get3A_1059 = arith.constant 0 : index
    %get3A_1060 = tpu.strided_load %arg3[%get3A_1057, %get3A_1058, %get3A_1059] {strides = array<i32: 1, 4, 1>} : memref<32x512x32xf32, #tpu.memory_space<vmem>>, vector<1x128x32xf32>
    %get3A_1061 = vector.shape_cast %get3A_1060 : vector<1x128x32xf32> to vector<128x32xf32>
    %swap3A_1062 = arith.constant 3200 : index
    %swap3A_1063 = arith.constant 0 : index
    %swap3A_1064 = vector.load %arg2[%swap3A_1062, %swap3A_1063] : memref<4096x128xf32, #tpu.memory_space<vmem>>, vector<128x32xf32>
    tpu.vector_store %arg2[%swap3A_1062, %swap3A_1063], %get3A_1061 {strides = array<i32>} : memref<4096x128xf32, #tpu.memory_space<vmem>>, vector<128x32xf32>,
    %get3A_1065 = arith.constant 25 : index
    %get3A_1066 = arith.constant 1 : index
    %get3A_1067 = arith.constant 0 : index
    %get3A_1068 = tpu.strided_load %arg3[%get3A_1065, %get3A_1066, %get3A_1067] {strides = array<i32: 1, 4, 1>} : memref<32x512x32xf32, #tpu.memory_space<vmem>>, vector<1x128x32xf32>
    %get3A_1069 = vector.shape_cast %get3A_1068 : vector<1x128x32xf32> to vector<128x32xf32>
    %swap3A_1070 = arith.constant 3200 : index
    %swap3A_1071 = arith.constant 32 : index
    %swap3A_1072 = vector.load %arg2[%swap3A_1070, %swap3A_1071] : memref<4096x128xf32, #tpu.memory_space<vmem>>, vector<128x32xf32>
    tpu.vector_store %arg2[%swap3A_1070, %swap3A_1071], %get3A_1069 {strides = array<i32>} : memref<4096x128xf32, #tpu.memory_space<vmem>>, vector<128x32xf32>,
    %get3A_1073 = arith.constant 25 : index
    %get3A_1074 = arith.constant 2 : index
    %get3A_1075 = arith.constant 0 : index
    %get3A_1076 = tpu.strided_load %arg3[%get3A_1073, %get3A_1074, %get3A_1075] {strides = array<i32: 1, 4, 1>} : memref<32x512x32xf32, #tpu.memory_space<vmem>>, vector<1x128x32xf32>
    %get3A_1077 = vector.shape_cast %get3A_1076 : vector<1x128x32xf32> to vector<128x32xf32>
    %swap3A_1078 = arith.constant 3200 : index
    %swap3A_1079 = arith.constant 64 : index
    %swap3A_1080 = vector.load %arg2[%swap3A_1078, %swap3A_1079] : memref<4096x128xf32, #tpu.memory_space<vmem>>, vector<128x32xf32>
    tpu.vector_store %arg2[%swap3A_1078, %swap3A_1079], %get3A_1077 {strides = array<i32>} : memref<4096x128xf32, #tpu.memory_space<vmem>>, vector<128x32xf32>,
    %get3A_1081 = arith.constant 25 : index
    %get3A_1082 = arith.constant 3 : index
    %get3A_1083 = arith.constant 0 : index
    %get3A_1084 = tpu.strided_load %arg3[%get3A_1081, %get3A_1082, %get3A_1083] {strides = array<i32: 1, 4, 1>} : memref<32x512x32xf32, #tpu.memory_space<vmem>>, vector<1x128x32xf32>
    %get3A_1085 = vector.shape_cast %get3A_1084 : vector<1x128x32xf32> to vector<128x32xf32>
    %swap3A_1086 = arith.constant 3200 : index
    %swap3A_1087 = arith.constant 96 : index
    %swap3A_1088 = vector.load %arg2[%swap3A_1086, %swap3A_1087] : memref<4096x128xf32, #tpu.memory_space<vmem>>, vector<128x32xf32>
    tpu.vector_store %arg2[%swap3A_1086, %swap3A_1087], %get3A_1085 {strides = array<i32>} : memref<4096x128xf32, #tpu.memory_space<vmem>>, vector<128x32xf32>,
    %get3A_1089 = arith.constant 0 : index
    %get3A_1090 = arith.constant 13312 : index
    %get3A_1091 = vector.load %arg1[%get3A_1089, %get3A_1090] : memref<32x16384xf32, #tpu.memory_space<vmem>>, vector<32x512xf32>
    %transpose3A_1092 = tpu.transpose %get3A_1091, [1, 0] : vector<32x512xf32> -> vector<512x32xf32>
    %swap3A_1093 = arith.constant 26 : index
    %swap3A_1094 = arith.constant 0 : index
    %swap3A_1095 = arith.constant 0 : index
    %swap3A_1096 = vector.load %arg3[%swap3A_1093, %swap3A_1094, %swap3A_1095] : memref<32x512x32xf32, #tpu.memory_space<vmem>>, vector<1x512x32xf32>
    %swap3A_1097 = vector.shape_cast %swap3A_1096 : vector<1x512x32xf32> to vector<512x32xf32>
    %swap3A_1098 = vector.shape_cast %transpose3A_1092 : vector<512x32xf32> to vector<1x512x32xf32>
    tpu.vector_store %arg3[%swap3A_1093, %swap3A_1094, %swap3A_1095], %swap3A_1098 {strides = array<i32>} : memref<32x512x32xf32, #tpu.memory_space<vmem>>, vector<1x512x32xf32>,
    %get3A_1099 = arith.constant 26 : index
    %get3A_1100 = arith.constant 0 : index
    %get3A_1101 = arith.constant 0 : index
    %get3A_1102 = tpu.strided_load %arg3[%get3A_1099, %get3A_1100, %get3A_1101] {strides = array<i32: 1, 4, 1>} : memref<32x512x32xf32, #tpu.memory_space<vmem>>, vector<1x128x32xf32>
    %get3A_1103 = vector.shape_cast %get3A_1102 : vector<1x128x32xf32> to vector<128x32xf32>
    %swap3A_1104 = arith.constant 3328 : index
    %swap3A_1105 = arith.constant 0 : index
    %swap3A_1106 = vector.load %arg2[%swap3A_1104, %swap3A_1105] : memref<4096x128xf32, #tpu.memory_space<vmem>>, vector<128x32xf32>
    tpu.vector_store %arg2[%swap3A_1104, %swap3A_1105], %get3A_1103 {strides = array<i32>} : memref<4096x128xf32, #tpu.memory_space<vmem>>, vector<128x32xf32>,
    %get3A_1107 = arith.constant 26 : index
    %get3A_1108 = arith.constant 1 : index
    %get3A_1109 = arith.constant 0 : index
    %get3A_1110 = tpu.strided_load %arg3[%get3A_1107, %get3A_1108, %get3A_1109] {strides = array<i32: 1, 4, 1>} : memref<32x512x32xf32, #tpu.memory_space<vmem>>, vector<1x128x32xf32>
    %get3A_1111 = vector.shape_cast %get3A_1110 : vector<1x128x32xf32> to vector<128x32xf32>
    %swap3A_1112 = arith.constant 3328 : index
    %swap3A_1113 = arith.constant 32 : index
    %swap3A_1114 = vector.load %arg2[%swap3A_1112, %swap3A_1113] : memref<4096x128xf32, #tpu.memory_space<vmem>>, vector<128x32xf32>
    tpu.vector_store %arg2[%swap3A_1112, %swap3A_1113], %get3A_1111 {strides = array<i32>} : memref<4096x128xf32, #tpu.memory_space<vmem>>, vector<128x32xf32>,
    %get3A_1115 = arith.constant 26 : index
    %get3A_1116 = arith.constant 2 : index
    %get3A_1117 = arith.constant 0 : index
    %get3A_1118 = tpu.strided_load %arg3[%get3A_1115, %get3A_1116, %get3A_1117] {strides = array<i32: 1, 4, 1>} : memref<32x512x32xf32, #tpu.memory_space<vmem>>, vector<1x128x32xf32>
    %get3A_1119 = vector.shape_cast %get3A_1118 : vector<1x128x32xf32> to vector<128x32xf32>
    %swap3A_1120 = arith.constant 3328 : index
    %swap3A_1121 = arith.constant 64 : index
    %swap3A_1122 = vector.load %arg2[%swap3A_1120, %swap3A_1121] : memref<4096x128xf32, #tpu.memory_space<vmem>>, vector<128x32xf32>
    tpu.vector_store %arg2[%swap3A_1120, %swap3A_1121], %get3A_1119 {strides = array<i32>} : memref<4096x128xf32, #tpu.memory_space<vmem>>, vector<128x32xf32>,
    %get3A_1123 = arith.constant 26 : index
    %get3A_1124 = arith.constant 3 : index
    %get3A_1125 = arith.constant 0 : index
    %get3A_1126 = tpu.strided_load %arg3[%get3A_1123, %get3A_1124, %get3A_1125] {strides = array<i32: 1, 4, 1>} : memref<32x512x32xf32, #tpu.memory_space<vmem>>, vector<1x128x32xf32>
    %get3A_1127 = vector.shape_cast %get3A_1126 : vector<1x128x32xf32> to vector<128x32xf32>
    %swap3A_1128 = arith.constant 3328 : index
    %swap3A_1129 = arith.constant 96 : index
    %swap3A_1130 = vector.load %arg2[%swap3A_1128, %swap3A_1129] : memref<4096x128xf32, #tpu.memory_space<vmem>>, vector<128x32xf32>
    tpu.vector_store %arg2[%swap3A_1128, %swap3A_1129], %get3A_1127 {strides = array<i32>} : memref<4096x128xf32, #tpu.memory_space<vmem>>, vector<128x32xf32>,
    %get3A_1131 = arith.constant 0 : index
    %get3A_1132 = arith.constant 13824 : index
    %get3A_1133 = vector.load %arg1[%get3A_1131, %get3A_1132] : memref<32x16384xf32, #tpu.memory_space<vmem>>, vector<32x512xf32>
    %transpose3A_1134 = tpu.transpose %get3A_1133, [1, 0] : vector<32x512xf32> -> vector<512x32xf32>
    %swap3A_1135 = arith.constant 27 : index
    %swap3A_1136 = arith.constant 0 : index
    %swap3A_1137 = arith.constant 0 : index
    %swap3A_1138 = vector.load %arg3[%swap3A_1135, %swap3A_1136, %swap3A_1137] : memref<32x512x32xf32, #tpu.memory_space<vmem>>, vector<1x512x32xf32>
    %swap3A_1139 = vector.shape_cast %swap3A_1138 : vector<1x512x32xf32> to vector<512x32xf32>
    %swap3A_1140 = vector.shape_cast %transpose3A_1134 : vector<512x32xf32> to vector<1x512x32xf32>
    tpu.vector_store %arg3[%swap3A_1135, %swap3A_1136, %swap3A_1137], %swap3A_1140 {strides = array<i32>} : memref<32x512x32xf32, #tpu.memory_space<vmem>>, vector<1x512x32xf32>,
    %get3A_1141 = arith.constant 27 : index
    %get3A_1142 = arith.constant 0 : index
    %get3A_1143 = arith.constant 0 : index
    %get3A_1144 = tpu.strided_load %arg3[%get3A_1141, %get3A_1142, %get3A_1143] {strides = array<i32: 1, 4, 1>} : memref<32x512x32xf32, #tpu.memory_space<vmem>>, vector<1x128x32xf32>
    %get3A_1145 = vector.shape_cast %get3A_1144 : vector<1x128x32xf32> to vector<128x32xf32>
    %swap3A_1146 = arith.constant 3456 : index
    %swap3A_1147 = arith.constant 0 : index
    %swap3A_1148 = vector.load %arg2[%swap3A_1146, %swap3A_1147] : memref<4096x128xf32, #tpu.memory_space<vmem>>, vector<128x32xf32>
    tpu.vector_store %arg2[%swap3A_1146, %swap3A_1147], %get3A_1145 {strides = array<i32>} : memref<4096x128xf32, #tpu.memory_space<vmem>>, vector<128x32xf32>,
    %get3A_1149 = arith.constant 27 : index
    %get3A_1150 = arith.constant 1 : index
    %get3A_1151 = arith.constant 0 : index
    %get3A_1152 = tpu.strided_load %arg3[%get3A_1149, %get3A_1150, %get3A_1151] {strides = array<i32: 1, 4, 1>} : memref<32x512x32xf32, #tpu.memory_space<vmem>>, vector<1x128x32xf32>
    %get3A_1153 = vector.shape_cast %get3A_1152 : vector<1x128x32xf32> to vector<128x32xf32>
    %swap3A_1154 = arith.constant 3456 : index
    %swap3A_1155 = arith.constant 32 : index
    %swap3A_1156 = vector.load %arg2[%swap3A_1154, %swap3A_1155] : memref<4096x128xf32, #tpu.memory_space<vmem>>, vector<128x32xf32>
    tpu.vector_store %arg2[%swap3A_1154, %swap3A_1155], %get3A_1153 {strides = array<i32>} : memref<4096x128xf32, #tpu.memory_space<vmem>>, vector<128x32xf32>,
    %get3A_1157 = arith.constant 27 : index
    %get3A_1158 = arith.constant 2 : index
    %get3A_1159 = arith.constant 0 : index
    %get3A_1160 = tpu.strided_load %arg3[%get3A_1157, %get3A_1158, %get3A_1159] {strides = array<i32: 1, 4, 1>} : memref<32x512x32xf32, #tpu.memory_space<vmem>>, vector<1x128x32xf32>
    %get3A_1161 = vector.shape_cast %get3A_1160 : vector<1x128x32xf32> to vector<128x32xf32>
    %swap3A_1162 = arith.constant 3456 : index
    %swap3A_1163 = arith.constant 64 : index
    %swap3A_1164 = vector.load %arg2[%swap3A_1162, %swap3A_1163] : memref<4096x128xf32, #tpu.memory_space<vmem>>, vector<128x32xf32>
    tpu.vector_store %arg2[%swap3A_1162, %swap3A_1163], %get3A_1161 {strides = array<i32>} : memref<4096x128xf32, #tpu.memory_space<vmem>>, vector<128x32xf32>,
    %get3A_1165 = arith.constant 27 : index
    %get3A_1166 = arith.constant 3 : index
    %get3A_1167 = arith.constant 0 : index
    %get3A_1168 = tpu.strided_load %arg3[%get3A_1165, %get3A_1166, %get3A_1167] {strides = array<i32: 1, 4, 1>} : memref<32x512x32xf32, #tpu.memory_space<vmem>>, vector<1x128x32xf32>
    %get3A_1169 = vector.shape_cast %get3A_1168 : vector<1x128x32xf32> to vector<128x32xf32>
    %swap3A_1170 = arith.constant 3456 : index
    %swap3A_1171 = arith.constant 96 : index
    %swap3A_1172 = vector.load %arg2[%swap3A_1170, %swap3A_1171] : memref<4096x128xf32, #tpu.memory_space<vmem>>, vector<128x32xf32>
    tpu.vector_store %arg2[%swap3A_1170, %swap3A_1171], %get3A_1169 {strides = array<i32>} : memref<4096x128xf32, #tpu.memory_space<vmem>>, vector<128x32xf32>,
    %get3A_1173 = arith.constant 0 : index
    %get3A_1174 = arith.constant 14336 : index
    %get3A_1175 = vector.load %arg1[%get3A_1173, %get3A_1174] : memref<32x16384xf32, #tpu.memory_space<vmem>>, vector<32x512xf32>
    %transpose3A_1176 = tpu.transpose %get3A_1175, [1, 0] : vector<32x512xf32> -> vector<512x32xf32>
    %swap3A_1177 = arith.constant 28 : index
    %swap3A_1178 = arith.constant 0 : index
    %swap3A_1179 = arith.constant 0 : index
    %swap3A_1180 = vector.load %arg3[%swap3A_1177, %swap3A_1178, %swap3A_1179] : memref<32x512x32xf32, #tpu.memory_space<vmem>>, vector<1x512x32xf32>
    %swap3A_1181 = vector.shape_cast %swap3A_1180 : vector<1x512x32xf32> to vector<512x32xf32>
    %swap3A_1182 = vector.shape_cast %transpose3A_1176 : vector<512x32xf32> to vector<1x512x32xf32>
    tpu.vector_store %arg3[%swap3A_1177, %swap3A_1178, %swap3A_1179], %swap3A_1182 {strides = array<i32>} : memref<32x512x32xf32, #tpu.memory_space<vmem>>, vector<1x512x32xf32>,
    %get3A_1183 = arith.constant 28 : index
    %get3A_1184 = arith.constant 0 : index
    %get3A_1185 = arith.constant 0 : index
    %get3A_1186 = tpu.strided_load %arg3[%get3A_1183, %get3A_1184, %get3A_1185] {strides = array<i32: 1, 4, 1>} : memref<32x512x32xf32, #tpu.memory_space<vmem>>, vector<1x128x32xf32>
    %get3A_1187 = vector.shape_cast %get3A_1186 : vector<1x128x32xf32> to vector<128x32xf32>
    %swap3A_1188 = arith.constant 3584 : index
    %swap3A_1189 = arith.constant 0 : index
    %swap3A_1190 = vector.load %arg2[%swap3A_1188, %swap3A_1189] : memref<4096x128xf32, #tpu.memory_space<vmem>>, vector<128x32xf32>
    tpu.vector_store %arg2[%swap3A_1188, %swap3A_1189], %get3A_1187 {strides = array<i32>} : memref<4096x128xf32, #tpu.memory_space<vmem>>, vector<128x32xf32>,
    %get3A_1191 = arith.constant 28 : index
    %get3A_1192 = arith.constant 1 : index
    %get3A_1193 = arith.constant 0 : index
    %get3A_1194 = tpu.strided_load %arg3[%get3A_1191, %get3A_1192, %get3A_1193] {strides = array<i32: 1, 4, 1>} : memref<32x512x32xf32, #tpu.memory_space<vmem>>, vector<1x128x32xf32>
    %get3A_1195 = vector.shape_cast %get3A_1194 : vector<1x128x32xf32> to vector<128x32xf32>
    %swap3A_1196 = arith.constant 3584 : index
    %swap3A_1197 = arith.constant 32 : index
    %swap3A_1198 = vector.load %arg2[%swap3A_1196, %swap3A_1197] : memref<4096x128xf32, #tpu.memory_space<vmem>>, vector<128x32xf32>
    tpu.vector_store %arg2[%swap3A_1196, %swap3A_1197], %get3A_1195 {strides = array<i32>} : memref<4096x128xf32, #tpu.memory_space<vmem>>, vector<128x32xf32>,
    %get3A_1199 = arith.constant 28 : index
    %get3A_1200 = arith.constant 2 : index
    %get3A_1201 = arith.constant 0 : index
    %get3A_1202 = tpu.strided_load %arg3[%get3A_1199, %get3A_1200, %get3A_1201] {strides = array<i32: 1, 4, 1>} : memref<32x512x32xf32, #tpu.memory_space<vmem>>, vector<1x128x32xf32>
    %get3A_1203 = vector.shape_cast %get3A_1202 : vector<1x128x32xf32> to vector<128x32xf32>
    %swap3A_1204 = arith.constant 3584 : index
    %swap3A_1205 = arith.constant 64 : index
    %swap3A_1206 = vector.load %arg2[%swap3A_1204, %swap3A_1205] : memref<4096x128xf32, #tpu.memory_space<vmem>>, vector<128x32xf32>
    tpu.vector_store %arg2[%swap3A_1204, %swap3A_1205], %get3A_1203 {strides = array<i32>} : memref<4096x128xf32, #tpu.memory_space<vmem>>, vector<128x32xf32>,
    %get3A_1207 = arith.constant 28 : index
    %get3A_1208 = arith.constant 3 : index
    %get3A_1209 = arith.constant 0 : index
    %get3A_1210 = tpu.strided_load %arg3[%get3A_1207, %get3A_1208, %get3A_1209] {strides = array<i32: 1, 4, 1>} : memref<32x512x32xf32, #tpu.memory_space<vmem>>, vector<1x128x32xf32>
    %get3A_1211 = vector.shape_cast %get3A_1210 : vector<1x128x32xf32> to vector<128x32xf32>
    %swap3A_1212 = arith.constant 3584 : index
    %swap3A_1213 = arith.constant 96 : index
    %swap3A_1214 = vector.load %arg2[%swap3A_1212, %swap3A_1213] : memref<4096x128xf32, #tpu.memory_space<vmem>>, vector<128x32xf32>
    tpu.vector_store %arg2[%swap3A_1212, %swap3A_1213], %get3A_1211 {strides = array<i32>} : memref<4096x128xf32, #tpu.memory_space<vmem>>, vector<128x32xf32>,
    %get3A_1215 = arith.constant 0 : index
    %get3A_1216 = arith.constant 14848 : index
    %get3A_1217 = vector.load %arg1[%get3A_1215, %get3A_1216] : memref<32x16384xf32, #tpu.memory_space<vmem>>, vector<32x512xf32>
    %transpose3A_1218 = tpu.transpose %get3A_1217, [1, 0] : vector<32x512xf32> -> vector<512x32xf32>
    %swap3A_1219 = arith.constant 29 : index
    %swap3A_1220 = arith.constant 0 : index
    %swap3A_1221 = arith.constant 0 : index
    %swap3A_1222 = vector.load %arg3[%swap3A_1219, %swap3A_1220, %swap3A_1221] : memref<32x512x32xf32, #tpu.memory_space<vmem>>, vector<1x512x32xf32>
    %swap3A_1223 = vector.shape_cast %swap3A_1222 : vector<1x512x32xf32> to vector<512x32xf32>
    %swap3A_1224 = vector.shape_cast %transpose3A_1218 : vector<512x32xf32> to vector<1x512x32xf32>
    tpu.vector_store %arg3[%swap3A_1219, %swap3A_1220, %swap3A_1221], %swap3A_1224 {strides = array<i32>} : memref<32x512x32xf32, #tpu.memory_space<vmem>>, vector<1x512x32xf32>,
    %get3A_1225 = arith.constant 29 : index
    %get3A_1226 = arith.constant 0 : index
    %get3A_1227 = arith.constant 0 : index
    %get3A_1228 = tpu.strided_load %arg3[%get3A_1225, %get3A_1226, %get3A_1227] {strides = array<i32: 1, 4, 1>} : memref<32x512x32xf32, #tpu.memory_space<vmem>>, vector<1x128x32xf32>
    %get3A_1229 = vector.shape_cast %get3A_1228 : vector<1x128x32xf32> to vector<128x32xf32>
    %swap3A_1230 = arith.constant 3712 : index
    %swap3A_1231 = arith.constant 0 : index
    %swap3A_1232 = vector.load %arg2[%swap3A_1230, %swap3A_1231] : memref<4096x128xf32, #tpu.memory_space<vmem>>, vector<128x32xf32>
    tpu.vector_store %arg2[%swap3A_1230, %swap3A_1231], %get3A_1229 {strides = array<i32>} : memref<4096x128xf32, #tpu.memory_space<vmem>>, vector<128x32xf32>,
    %get3A_1233 = arith.constant 29 : index
    %get3A_1234 = arith.constant 1 : index
    %get3A_1235 = arith.constant 0 : index
    %get3A_1236 = tpu.strided_load %arg3[%get3A_1233, %get3A_1234, %get3A_1235] {strides = array<i32: 1, 4, 1>} : memref<32x512x32xf32, #tpu.memory_space<vmem>>, vector<1x128x32xf32>
    %get3A_1237 = vector.shape_cast %get3A_1236 : vector<1x128x32xf32> to vector<128x32xf32>
    %swap3A_1238 = arith.constant 3712 : index
    %swap3A_1239 = arith.constant 32 : index
    %swap3A_1240 = vector.load %arg2[%swap3A_1238, %swap3A_1239] : memref<4096x128xf32, #tpu.memory_space<vmem>>, vector<128x32xf32>
    tpu.vector_store %arg2[%swap3A_1238, %swap3A_1239], %get3A_1237 {strides = array<i32>} : memref<4096x128xf32, #tpu.memory_space<vmem>>, vector<128x32xf32>,
    %get3A_1241 = arith.constant 29 : index
    %get3A_1242 = arith.constant 2 : index
    %get3A_1243 = arith.constant 0 : index
    %get3A_1244 = tpu.strided_load %arg3[%get3A_1241, %get3A_1242, %get3A_1243] {strides = array<i32: 1, 4, 1>} : memref<32x512x32xf32, #tpu.memory_space<vmem>>, vector<1x128x32xf32>
    %get3A_1245 = vector.shape_cast %get3A_1244 : vector<1x128x32xf32> to vector<128x32xf32>
    %swap3A_1246 = arith.constant 3712 : index
    %swap3A_1247 = arith.constant 64 : index
    %swap3A_1248 = vector.load %arg2[%swap3A_1246, %swap3A_1247] : memref<4096x128xf32, #tpu.memory_space<vmem>>, vector<128x32xf32>
    tpu.vector_store %arg2[%swap3A_1246, %swap3A_1247], %get3A_1245 {strides = array<i32>} : memref<4096x128xf32, #tpu.memory_space<vmem>>, vector<128x32xf32>,
    %get3A_1249 = arith.constant 29 : index
    %get3A_1250 = arith.constant 3 : index
    %get3A_1251 = arith.constant 0 : index
    %get3A_1252 = tpu.strided_load %arg3[%get3A_1249, %get3A_1250, %get3A_1251] {strides = array<i32: 1, 4, 1>} : memref<32x512x32xf32, #tpu.memory_space<vmem>>, vector<1x128x32xf32>
    %get3A_1253 = vector.shape_cast %get3A_1252 : vector<1x128x32xf32> to vector<128x32xf32>
    %swap3A_1254 = arith.constant 3712 : index
    %swap3A_1255 = arith.constant 96 : index
    %swap3A_1256 = vector.load %arg2[%swap3A_1254, %swap3A_1255] : memref<4096x128xf32, #tpu.memory_space<vmem>>, vector<128x32xf32>
    tpu.vector_store %arg2[%swap3A_1254, %swap3A_1255], %get3A_1253 {strides = array<i32>} : memref<4096x128xf32, #tpu.memory_space<vmem>>, vector<128x32xf32>,
    %get3A_1257 = arith.constant 0 : index
    %get3A_1258 = arith.constant 15360 : index
    %get3A_1259 = vector.load %arg1[%get3A_1257, %get3A_1258] : memref<32x16384xf32, #tpu.memory_space<vmem>>, vector<32x512xf32>
    %transpose3A_1260 = tpu.transpose %get3A_1259, [1, 0] : vector<32x512xf32> -> vector<512x32xf32>
    %swap3A_1261 = arith.constant 30 : index
    %swap3A_1262 = arith.constant 0 : index
    %swap3A_1263 = arith.constant 0 : index
    %swap3A_1264 = vector.load %arg3[%swap3A_1261, %swap3A_1262, %swap3A_1263] : memref<32x512x32xf32, #tpu.memory_space<vmem>>, vector<1x512x32xf32>
    %swap3A_1265 = vector.shape_cast %swap3A_1264 : vector<1x512x32xf32> to vector<512x32xf32>
    %swap3A_1266 = vector.shape_cast %transpose3A_1260 : vector<512x32xf32> to vector<1x512x32xf32>
    tpu.vector_store %arg3[%swap3A_1261, %swap3A_1262, %swap3A_1263], %swap3A_1266 {strides = array<i32>} : memref<32x512x32xf32, #tpu.memory_space<vmem>>, vector<1x512x32xf32>,
    %get3A_1267 = arith.constant 30 : index
    %get3A_1268 = arith.constant 0 : index
    %get3A_1269 = arith.constant 0 : index
    %get3A_1270 = tpu.strided_load %arg3[%get3A_1267, %get3A_1268, %get3A_1269] {strides = array<i32: 1, 4, 1>} : memref<32x512x32xf32, #tpu.memory_space<vmem>>, vector<1x128x32xf32>
    %get3A_1271 = vector.shape_cast %get3A_1270 : vector<1x128x32xf32> to vector<128x32xf32>
    %swap3A_1272 = arith.constant 3840 : index
    %swap3A_1273 = arith.constant 0 : index
    %swap3A_1274 = vector.load %arg2[%swap3A_1272, %swap3A_1273] : memref<4096x128xf32, #tpu.memory_space<vmem>>, vector<128x32xf32>
    tpu.vector_store %arg2[%swap3A_1272, %swap3A_1273], %get3A_1271 {strides = array<i32>} : memref<4096x128xf32, #tpu.memory_space<vmem>>, vector<128x32xf32>,
    %get3A_1275 = arith.constant 30 : index
    %get3A_1276 = arith.constant 1 : index
    %get3A_1277 = arith.constant 0 : index
    %get3A_1278 = tpu.strided_load %arg3[%get3A_1275, %get3A_1276, %get3A_1277] {strides = array<i32: 1, 4, 1>} : memref<32x512x32xf32, #tpu.memory_space<vmem>>, vector<1x128x32xf32>
    %get3A_1279 = vector.shape_cast %get3A_1278 : vector<1x128x32xf32> to vector<128x32xf32>
    %swap3A_1280 = arith.constant 3840 : index
    %swap3A_1281 = arith.constant 32 : index
    %swap3A_1282 = vector.load %arg2[%swap3A_1280, %swap3A_1281] : memref<4096x128xf32, #tpu.memory_space<vmem>>, vector<128x32xf32>
    tpu.vector_store %arg2[%swap3A_1280, %swap3A_1281], %get3A_1279 {strides = array<i32>} : memref<4096x128xf32, #tpu.memory_space<vmem>>, vector<128x32xf32>,
    %get3A_1283 = arith.constant 30 : index
    %get3A_1284 = arith.constant 2 : index
    %get3A_1285 = arith.constant 0 : index
    %get3A_1286 = tpu.strided_load %arg3[%get3A_1283, %get3A_1284, %get3A_1285] {strides = array<i32: 1, 4, 1>} : memref<32x512x32xf32, #tpu.memory_space<vmem>>, vector<1x128x32xf32>
    %get3A_1287 = vector.shape_cast %get3A_1286 : vector<1x128x32xf32> to vector<128x32xf32>
    %swap3A_1288 = arith.constant 3840 : index
    %swap3A_1289 = arith.constant 64 : index
    %swap3A_1290 = vector.load %arg2[%swap3A_1288, %swap3A_1289] : memref<4096x128xf32, #tpu.memory_space<vmem>>, vector<128x32xf32>
    tpu.vector_store %arg2[%swap3A_1288, %swap3A_1289], %get3A_1287 {strides = array<i32>} : memref<4096x128xf32, #tpu.memory_space<vmem>>, vector<128x32xf32>,
    %get3A_1291 = arith.constant 30 : index
    %get3A_1292 = arith.constant 3 : index
    %get3A_1293 = arith.constant 0 : index
    %get3A_1294 = tpu.strided_load %arg3[%get3A_1291, %get3A_1292, %get3A_1293] {strides = array<i32: 1, 4, 1>} : memref<32x512x32xf32, #tpu.memory_space<vmem>>, vector<1x128x32xf32>
    %get3A_1295 = vector.shape_cast %get3A_1294 : vector<1x128x32xf32> to vector<128x32xf32>
    %swap3A_1296 = arith.constant 3840 : index
    %swap3A_1297 = arith.constant 96 : index
    %swap3A_1298 = vector.load %arg2[%swap3A_1296, %swap3A_1297] : memref<4096x128xf32, #tpu.memory_space<vmem>>, vector<128x32xf32>
    tpu.vector_store %arg2[%swap3A_1296, %swap3A_1297], %get3A_1295 {strides = array<i32>} : memref<4096x128xf32, #tpu.memory_space<vmem>>, vector<128x32xf32>,
    %get3A_1299 = arith.constant 0 : index
    %get3A_1300 = arith.constant 15872 : index
    %get3A_1301 = vector.load %arg1[%get3A_1299, %get3A_1300] : memref<32x16384xf32, #tpu.memory_space<vmem>>, vector<32x512xf32>
    %transpose3A_1302 = tpu.transpose %get3A_1301, [1, 0] : vector<32x512xf32> -> vector<512x32xf32>
    %swap3A_1303 = arith.constant 31 : index
    %swap3A_1304 = arith.constant 0 : index
    %swap3A_1305 = arith.constant 0 : index
    %swap3A_1306 = vector.load %arg3[%swap3A_1303, %swap3A_1304, %swap3A_1305] : memref<32x512x32xf32, #tpu.memory_space<vmem>>, vector<1x512x32xf32>
    %swap3A_1307 = vector.shape_cast %swap3A_1306 : vector<1x512x32xf32> to vector<512x32xf32>
    %swap3A_1308 = vector.shape_cast %transpose3A_1302 : vector<512x32xf32> to vector<1x512x32xf32>
    tpu.vector_store %arg3[%swap3A_1303, %swap3A_1304, %swap3A_1305], %swap3A_1308 {strides = array<i32>} : memref<32x512x32xf32, #tpu.memory_space<vmem>>, vector<1x512x32xf32>,
    %get3A_1309 = arith.constant 31 : index
    %get3A_1310 = arith.constant 0 : index
    %get3A_1311 = arith.constant 0 : index
    %get3A_1312 = tpu.strided_load %arg3[%get3A_1309, %get3A_1310, %get3A_1311] {strides = array<i32: 1, 4, 1>} : memref<32x512x32xf32, #tpu.memory_space<vmem>>, vector<1x128x32xf32>
    %get3A_1313 = vector.shape_cast %get3A_1312 : vector<1x128x32xf32> to vector<128x32xf32>
    %swap3A_1314 = arith.constant 3968 : index
    %swap3A_1315 = arith.constant 0 : index
    %swap3A_1316 = vector.load %arg2[%swap3A_1314, %swap3A_1315] : memref<4096x128xf32, #tpu.memory_space<vmem>>, vector<128x32xf32>
    tpu.vector_store %arg2[%swap3A_1314, %swap3A_1315], %get3A_1313 {strides = array<i32>} : memref<4096x128xf32, #tpu.memory_space<vmem>>, vector<128x32xf32>,
    %get3A_1317 = arith.constant 31 : index
    %get3A_1318 = arith.constant 1 : index
    %get3A_1319 = arith.constant 0 : index
    %get3A_1320 = tpu.strided_load %arg3[%get3A_1317, %get3A_1318, %get3A_1319] {strides = array<i32: 1, 4, 1>} : memref<32x512x32xf32, #tpu.memory_space<vmem>>, vector<1x128x32xf32>
    %get3A_1321 = vector.shape_cast %get3A_1320 : vector<1x128x32xf32> to vector<128x32xf32>
    %swap3A_1322 = arith.constant 3968 : index
    %swap3A_1323 = arith.constant 32 : index
    %swap3A_1324 = vector.load %arg2[%swap3A_1322, %swap3A_1323] : memref<4096x128xf32, #tpu.memory_space<vmem>>, vector<128x32xf32>
    tpu.vector_store %arg2[%swap3A_1322, %swap3A_1323], %get3A_1321 {strides = array<i32>} : memref<4096x128xf32, #tpu.memory_space<vmem>>, vector<128x32xf32>,
    %get3A_1325 = arith.constant 31 : index
    %get3A_1326 = arith.constant 2 : index
    %get3A_1327 = arith.constant 0 : index
    %get3A_1328 = tpu.strided_load %arg3[%get3A_1325, %get3A_1326, %get3A_1327] {strides = array<i32: 1, 4, 1>} : memref<32x512x32xf32, #tpu.memory_space<vmem>>, vector<1x128x32xf32>
    %get3A_1329 = vector.shape_cast %get3A_1328 : vector<1x128x32xf32> to vector<128x32xf32>
    %swap3A_1330 = arith.constant 3968 : index
    %swap3A_1331 = arith.constant 64 : index
    %swap3A_1332 = vector.load %arg2[%swap3A_1330, %swap3A_1331] : memref<4096x128xf32, #tpu.memory_space<vmem>>, vector<128x32xf32>
    tpu.vector_store %arg2[%swap3A_1330, %swap3A_1331], %get3A_1329 {strides = array<i32>} : memref<4096x128xf32, #tpu.memory_space<vmem>>, vector<128x32xf32>,
    %get3A_1333 = arith.constant 31 : index
    %get3A_1334 = arith.constant 3 : index
    %get3A_1335 = arith.constant 0 : index
    %get3A_1336 = tpu.strided_load %arg3[%get3A_1333, %get3A_1334, %get3A_1335] {strides = array<i32: 1, 4, 1>} : memref<32x512x32xf32, #tpu.memory_space<vmem>>, vector<1x128x32xf32>
    %get3A_1337 = vector.shape_cast %get3A_1336 : vector<1x128x32xf32> to vector<128x32xf32>
    %swap3A_1338 = arith.constant 3968 : index
    %swap3A_1339 = arith.constant 96 : index
    %swap3A_1340 = vector.load %arg2[%swap3A_1338, %swap3A_1339] : memref<4096x128xf32, #tpu.memory_space<vmem>>, vector<128x32xf32>
    tpu.vector_store %arg2[%swap3A_1338, %swap3A_1339], %get3A_1337 {strides = array<i32>} : memref<4096x128xf32, #tpu.memory_space<vmem>>, vector<128x32xf32>,
    return
  }
  func.func @transform_0(%arg0: i32) -> (i32, i32) {
    %c0_i32 = arith.constant 0 : i32
    %c0_i32_0 = arith.constant 0 : i32
    return %c0_i32, %arg0 : i32, i32
  }
  func.func @transform_1(%arg0: i32) -> (i32, i32) {
    %c0_i32 = arith.constant 0 : i32
    %c0_i32_0 = arith.constant 0 : i32
    return %arg0, %c0_i32 : i32, i32
  }
}

</mosaic_0001>

<sc_bundles>
// kernel: kernel.4.cloned.1.call-start
scs
__scs_entry_jumppad:
0x0: {  	(pc) =	sbr.rel $0x88, $3  }
0x1: {  	(tag) =	ssettag $0x0;
	lr =	simm.s32 $0x1  }
0x2: {  	[smem:$0x3F9F] =	sst lr;
	_ =	strace $0xD0000000  }
0x3: {  	_ = 	snop  }
0x4: {  	_ = 	snop  }
0x5: {  	_ = 	snop  }
0x6: {  	_ = 	snop  }
0x7: {  	_ = 	snop  }
__scs_overlays_trampoline_lowered:
0x8: {  	[smem:$0x3FAE] =	sst s0  }
0x9: {  	[smem:$0x3FAF] =	sst s1  }
0xa: {  	[smem:$0x3FB0] =	sst s2  }
0xb: {  	[smem:$0x3FB1] =	sst s3  }
0xc: {  	[smem:$0x3FB2] =	sst s4  }
0xd: {  	[smem:$0x3FB3] =	sst s5  }
0xe: {  	[smem:$0x3FB4] =	sst s6  }
0xf: {  	[smem:$0x3FB5] =	sst s7  }
0x10: {  	[smem:$0x3FB6] =	sst s8  }
0x11: {  	[smem:$0x3FB7] =	sst s9;
	s0 =	simm.s32 @!p0 $0x0  }
0x12: {  	s1 =	sld [smem:$0x3F9D];
	s0 =	simm.s32 @p0 $0x1  }
0x13: {  	[smem:$0x3FB8] =	sst s0;
	s0 =	simm.s32 @!p1 $0x0  }
0x14: {  	s2 =	sld [smem:$0x3F9C];
	s0 =	simm.s32 @p1 $0x1  }
0x15: {  	[smem:$0x3FB9] =	sst s0;
	s0 =	simm.s32 @!p2 $0x0  }
0x16: {  	s3 =	sld [smem:$0x3FDB];
	s0 =	simm.s32 @p2 $0x1  }
0x17: {  	s4 =	simm.s32 $0x1BF5;
	[smem:$0x3FBB] =	sst s0  }
0x18: {  	s0 =	sld [smem:$0x3F9E];
	_ =	swait.ge [sflag:s4], $0x0  }
0x19: {  	s7 =	sld [smem:$0x3F9F]  }
0x1a: {  	s8 =	sadd.s32 $0xFFFFE003, lr  }
0x1b: {  	s9 =	sadd.s32 $0xFFFFFEF7, lr;
	s5 =	simm.s32 $0xFFFFFFFF;
	p2 =	slt.u32 s8, $0xFFFFF086  }
0x1c: {  	p1 =	slt.u32 s9, $0xF7A;
	s5 =	simm.s32 @!p2 $0x0  }
0x1d: {  	s5 =	simm.s32 @p1 $0x1;
	p0 =	seq.s32 s7, s2  }
0x1e: {  	s7 =	smul.u32 @!p0 $0xF7A, s2;
	p2 =	seq.s32 @!p0 s5, $0x0  }
0x1f: {  	s9 =	smul.u32 $0xF7A, s1;
	s8 =	simm.s32 @!p0 $0x1BF5;
	p2 =	por !p2, p0  }
0x20: {  	[sflag:s8] =	ssyncset.s32 @!p0 $0xFFFFF086;
	s6 =	sadd.s32 @!p0 s3, s7;
	s7 =	simm.s32 @!p0 $0x108  }
0x21: {  	s3 =	sadd.s32 s3, s9;
	s6 =	sadd.s32 @!p0 $0x88, s6;
	s7 =	simm.s32 @p2 $0x1082  }
0x22: {  	[simem:s7], [sflag:s8] =	dma.local @!p0 [hbm:s6], $0xF7A  }
0x23: {  	s9 =	sor.u32 $0xD0000000, s2;
	s6 =	simm.s32 $0x108;
	_ =	swait.ge @!p0 [sflag:s8], $0x0  }
0x24: {  	s3 =	sadd.s32 $0x88, s3;
	s6 =	simm.s32 @!p1 $0x1082;
	[sflag:s4] =	ssyncset.s32 $0xFFFFF086  }
0x25: {  	[simem:s6], [sflag:s4] =	dma.local [hbm:s3], $0xF7A  }
0x26: {  	[smem:$0x3F9F] =	sst s1;
	(tag) =	ssettag s2;
	_ =	strace s9  }
0x27: {  	s1 =	sld [smem:$0x3FAF]  }
0x28: {  	s2 =	sld [smem:$0x3FB0]  }
0x29: {  	s4 =	sld [smem:$0x3FB2]  }
0x2a: {  	p0 =	seq.s32 s5, $0x0;
	s5 =	sld [smem:$0x3FB3]  }
0x2b: {  	s6 =	sld [smem:$0x3FB4]  }
0x2c: {  	s7 =	sld [smem:$0x3FB5]  }
0x2d: {  	s3 =	simm.s32 $0x108;
	s8 =	sld [smem:$0x3FB6]  }
0x2e: {  	s3 =	simm.s32 @!p0 $0x1082;
	s9 =	sld [smem:$0x3FB7]  }
0x2f: {  	lr =	sadd.s32 s0, s3;
	s0 =	sld [smem:$0x3FAE]  }
0x30: {  	s3 =	sld [smem:$0x3FB1]  }
0x31: {  	[smem:$0x3FBA] =	sst s10  }
0x32: {  	s10 =	sld [smem:$0x3FB8];
	_ =	sdelay $0x3  }
0x33: {  	p0 =	seq.s32 s10, $0x1;
	s10 =	sld [smem:$0x3FBA];
	_ =	sdelay $0x3  }
0x34: {  	[smem:$0x3FBA] =	sst s10  }
0x35: {  	s10 =	sld [smem:$0x3FB9];
	_ =	sdelay $0x3  }
0x36: {  	p1 =	seq.s32 s10, $0x1;
	s10 =	sld [smem:$0x3FBA];
	_ =	sdelay $0x3  }
0x37: {  	[smem:$0x3FBA] =	sst s10  }
0x38: {  	s10 =	sld [smem:$0x3FBB]  }
0x39: {  	_ = 	snop;
	(pc) =	sbr.ind lr, $3  }
0x3a: {  	_ = 	snop  }
0x3b: {  	_ = 	snop  }
0x3c: {  	p2 =	seq.s32 s10, $0x1;
	s10 =	sld [smem:$0x3FBA]  }
0x3d: {  	_ =	shalt  }
0x3e: {  	_ =	shalt  }
0x3f: {  	_ =	shalt  }
0x40: {  	_ =	shalt  }
0x41: {  	_ =	shalt  }
0x42: {  	_ =	shalt  }
0x43: {  	_ =	shalt  }
0x44: {  	_ =	shalt  }
0x45: {  	_ =	shalt  }
0x46: {  	_ =	shalt  }
0x47: {  	_ =	shalt  }
0x48: {  	_ =	shalt  }
0x49: {  	_ =	shalt  }
0x4a: {  	_ =	shalt  }
0x4b: {  	_ =	shalt  }
0x4c: {  	_ =	shalt  }
0x4d: {  	_ =	shalt  }
0x4e: {  	_ =	shalt  }
0x4f: {  	_ =	shalt  }
0x50: {  	_ =	shalt  }
0x51: {  	_ =	shalt  }
0x52: {  	_ =	shalt  }
0x53: {  	_ =	shalt  }
0x54: {  	_ =	shalt  }
0x55: {  	_ =	shalt  }
0x56: {  	_ =	shalt  }
0x57: {  	_ =	shalt  }
0x58: {  	_ =	shalt  }
0x59: {  	_ =	shalt  }
0x5a: {  	_ =	shalt  }
0x5b: {  	_ =	shalt  }
0x5c: {  	_ =	shalt  }
0x5d: {  	_ =	shalt  }
0x5e: {  	_ =	shalt  }
0x5f: {  	_ =	shalt  }
0x60: {  	_ =	shalt  }
0x61: {  	_ =	shalt  }
0x62: {  	_ =	shalt  }
0x63: {  	_ =	shalt  }
0x64: {  	_ =	shalt  }
0x65: {  	_ =	shalt  }
0x66: {  	_ =	shalt  }
0x67: {  	_ =	shalt  }
0x68: {  	_ =	shalt  }
0x69: {  	_ =	shalt  }
0x6a: {  	_ =	shalt  }
0x6b: {  	_ =	shalt  }
0x6c: {  	_ =	shalt  }
0x6d: {  	_ =	shalt  }
0x6e: {  	_ =	shalt  }
0x6f: {  	_ =	shalt  }
0x70: {  	_ =	shalt  }
0x71: {  	_ =	shalt  }
0x72: {  	_ =	shalt  }
0x73: {  	_ =	shalt  }
0x74: {  	_ =	shalt  }
0x75: {  	_ =	shalt  }
0x76: {  	_ =	shalt  }
0x77: {  	_ =	shalt  }
0x78: {  	_ =	shalt  }
0x79: {  	_ =	shalt  }
0x7a: {  	_ =	shalt  }
0x7b: {  	_ =	shalt  }
0x7c: {  	_ =	shalt  }
0x7d: {  	_ =	shalt  }
0x7e: {  	_ =	shalt  }
0x7f: {  	_ =	shalt  }
0x80: {  	_ =	shalt  }
0x81: {  	_ =	shalt  }
0x82: {  	_ =	shalt  }
0x83: {  	_ =	shalt  }
0x84: {  	_ =	shalt  }
0x85: {  	_ =	shalt  }
0x86: {  	_ =	shalt  }
0x87: {  	_ =	shalt  }
.Lfunc_end0:
.L_simem_size_0:
called_computation_lowered:
.L_overlay_start_0:
0x88: {  	s2 =	sld [smem:$0x3FD9]  }
0x89: {  	s3 =	sld [smem:$0x3FFE];
	_ =	sdelay $0x1  }
0x8a: {  	s1 =	srdreg.scid  }
0x8b: {  	s0 =	sand.u32 $0x1, s1  }
0x8c: {  	s17 =	sshll.u32 s0, $0xA;
	s2 =	sadd.s32 s3, s2  }
0x8d: {  	s2 =	sadd.s32 s2, s17  }
0x8e: {  	[smem:$0x3FC6] =	sst s2  }
0x8f: {  	_ = 	snop  }
0x90: {  	s2 =	sld [smem:$0x3FD0];
	(tm) =	ssettm $0x1  }
0x91: {  	s18 =	sld [smem:$0x3FFB];
	_ =	sdelay $0x3  }
0x92: {  	_ =	strace s18  }
0x93: {  	s3 =	sld [smem:$0x3FFC];
	_ =	sdelay $0x3  }
0x94: {  	_ =	strace s3  }
0x95: {  	s3 =	sld [smem:$0x3FFD];
	_ =	sdelay $0x3  }
0x96: {  	_ =	strace s3  }
0x97: {  	_ =	strace $0x8FFFFFFF  }
0x98: {  	s19 =	sld [smem:$0x3FDB];
	_ =	sdelay $0x1  }
0x99: {  	s4 =	simm.s32 $_scs_section_size  }
0x9a: {  	s5 =	simm.s32 $_size__tile_overlayer_lowered;
	s6 =	simm.s32 $_tile_overlayer_lowered  }
0x9b: {  	s22 =	simm.s32 $0x1BFF;
	s21 =	sshll.u32 s6, $0x1;
	s3 =	sadd.s32 s4, s19  }
0x9c: {  	s7 =	simm.s32 $0x0;
	s20 =	sshll.u32 s5, $0x1;
	s5 =	sadd.s32 s21, s3  }
0x9d: {  	[timem:s7], [sflag:s22] =	dma.local [hbm:s5], s20  }
0x9e: {  	_ =	swait.ge [sflag:s22], s20  }
0x9f: {  	s4 =	ssub.s32 $0x0, s20;
	[sflag:s22] =	ssyncset.done $0x0  }
0xa0: {  	[sflag:s22] =	ssyncadd.s32 s4;
	_ =	sdelay $0x1  }
0xa1: {  	s23 =	simm.s32 $0x1B8B  }
0xa2: {  	_ =	swait.ge [sflag:s23], $0x1  }
0xa3: {  	[sflag:s23] =	ssyncset.done $0x0  }
0xa4: {  	s25 =	simm.s32 $0x1B8E;
	s24 =	sld [smem:$0x3FFE];
	[sflag:s23] =	ssyncadd.s32 $0xFFFFFFFF  }
0xa5: {  	s26 =	simm.s32 $execute0_lowered;
	[smem:$0x3FD2] =	sst s25  }
0xa6: {  	s5 =	sshll.u32 s26, $0x1;
	_ =	strace $0x80000046;
	[dreg:$0x1] =	wrdreg $0xFFFFFFFF  }
0xa7: {  	s28 =	simm.s32 $_size_execute0_lowered;
	s3 =	sadd.s32 s3, s5;
	[dreg:$0x0] =	wrdreg $0x0  }
0xa8: {  	s5 =	sshll.u32 s28, $0x1;
	[dreg:$0x2] =	wrdreg s3  }
0xa9: {  	[dreg:$0x3] =	wrdreg s5  }
0xaa: {  	[dreg:$0x4] =	wrdreg $0xC0  }
0xab: {  	_ =	task [dreg:s7], $0x5FFFF  }
0xac: {  	[dreg:$0x1] =	wrdreg $0xFFFFFFFF  }
0xad: {  	[dreg:$0x0] =	wrdreg $0x60  }
0xae: {  	[dreg:$0x2] =	wrdreg s24  }
0xaf: {  	[dreg:$0x3] =	wrdreg s2  }
0xb0: {  	[dreg:$0x4] =	wrdreg $0x9  }
0xb1: {  	_ =	task.clear_ibuf [dreg:s7], $0x5FFFF;
	_ =	strace $0x90000046  }
0xb2: {  	s29 =	simm.s32 $0x9;
	_ =	strace $0x80000048  }
0xb3: {  	_ =	swait.ge [sflag:s29], $0x1  }
0xb4: {  	[sflag:s29] =	ssyncadd.s32 $0xFFFFFFFF  }
0xb5: {  	_ =	strace $0x90000048  }
0xb6: {  	_ =	sfence  }
0xb7: {  	s30 =	sld [smem:$0x0];
	_ =	sdelay $0x2  }
0xb8: {  	s31 =	sshll.u32 s1, $0xD;
	s1 =	sshrl.u32 s1, $0x2  }
0xb9: {  	s3 =	sand.u32 $0x4000, s31;
	s1 =	sadd.s32 s1, s30  }
0xba: {  	s0 =	sor.u32 s3, s0;
	s1 =	sshll.u32 s1, $0x11  }
0xbb: {  	s0 =	sor.u32 s1, s0  }
0xbc: {  	s0 =	sadd.s32 $0x8F2B, s0  }
0xbd: {  	[sflag:s0] =	ssyncadd.remote.s32 $0x1  }
0xbe: {  	_ =	sfence.sel $0xFFFF  }
0xbf: {  	[dreg:$0x0] =	wrdreg $0xFFFFFFFF;
	(pc) =	sbr.abs _section_cstart, $3  }
0xc0: {  	[dreg:$0x1] =	wrdreg $0xFFFFFFFF  }
0xc1: {  	_ =	task.clear_ibuf [dreg:s7], $0x2FFFF;
	_ =	strace $0x9FFFFFFF  }
0xc2: {  	(tm) =	ssettm $0x7FFFFFFF  }
0xc3: {  	_ =	shalt  }
tec
execute0_lowered:
.L_overlay_start_1:
0x0: {  	(tag) =	ssettag $0x1  }
0x1: {  	s0 =	srdreg.scid;
	s5 =	rddreg [dreg:$0x0]  }
0x2: {  	s1 =	stileid.u32;
	s2 =	rddreg [dreg:$0x1]  }
0x3: {  	s3 =	simm.s32 $0x0;
	s12 =	simm.s32 $0x5;
	s13 =	simm.s32 $0x80  }
0x4: {  	s14 =	simm.s32 $0x3400;
	s15 =	simm.s32 $0x4400;
	s16 =	simm.s32 $0x1  }
0x5: {  	s17 =	simm.s32 $0x400;
	s0 =	sand.u32 $0x1, s0;
	s1 =	sshll.u32 s1, $0x1  }
0x6: {  	s18 =	simm.s32 $0x20000;
	s19 =	simm.s32 $0x5400;
	s1 =	sor.u32 s0, s1  }
0x7: {  	s21 =	simm.s32 $0x2;
	s22 =	simm.s32 $0x6400;
	s4 =	smul.u32 $0x680, s1  }
0x8: {  	[smem:$0x7FF] =	sst s3;
	s0 =	ssub.s32 $0x2, s0;
	s6 =	smul.u32 $0x68000, s1  }
0x9: {  	_ =	strace $0x80000047;
	s7 =	smul.u32 $0x1A000, s1;
	s9 =	sshrl.u32 s0, $0x1  }
0xa: {  	s0 =	ssub.s32 s0, s9;
	s8 =	sadd.s32 s4, s5;
	s6 =	sand.u32 $0xF80000, s6  }
0xb: {  	s7 =	sand.u32 $0x1E000, s7;
	s4 =	smul.u32 $0x68, s1;
	s0 =	smax.u32 s0, $0x1  }
0xc: {  	s23 =	sor.u32 s7, s6;
	s24 =	sadd.s32 $0x400, s8;
	[dreg:$0x8] =	wrdreg s0  }
0xd: {  	s5 =	sadd.s32 $0xD400, s5;
	s1 =	sshrl.u32 s23, $0x3;
	[dreg:$0x3] =	wrdreg s24  }
0xe: {  	s26 =	sadd.s32 $0x66, s4;
	s29 =	sadd.s32 $0x67, s4;
	s24 =	simm.s32 $0x4  }
0xf: {  	s25 =	sadd.s32 s2, s1;
	s28 =	sshll.u32 s26, $0x9;
	s1 =	sshll.u32 s26, $0x7  }
0x10: {  	v0 =	vlaneseq.u32;
	s30 =	sshll.u32 s29, $0x7;
	s8 =	sshll.u32 s29, $0x9;
	[dreg:$0x4] =	wrdreg s25  }
0x11: {  	v0 =	vmul.u32 $0x20, v0;
	s3 =	sadd.s32 $0x80, s25;
	s6 =	sand.u32 $0x3F0000, s28;
	s1 =	sand.u32 $0x3F00, s1  }
0x12: {  	s9 =	sand.u32 $0x3F80, s30;
	s8 =	sand.u32 $0x3F0000, s8;
	s1 =	sadd.s32 s2, s1  }
0x13: {  	v1 =	vor.u32 $0x200, v0;
	[dreg:$0x5] =	wrdreg s3;
	s9 =	sadd.s32 s2, s9;
	s1 =	sadd.s32 s6, s1  }
0x14: {  	v2 =	vor.u32 $0x400, v0;
	v3 =	vor.u32 $0x600, v0;
	v4 =	vor.u32 $0x800, v0;
	s26 =	simm.s32 $0x0;
	s31 =	sadd.s32 s8, s9;
	[dreg:$0x6] =	wrdreg s1  }
0x15: {  	v5 =	vor.u32 $0xA00, v0;
	v6 =	vor.u32 $0xC00, v0;
	v7 =	vor.u32 $0xE00, v0;
	s25 =	simm.s32 $0x3;
	s3 =	simm.s32 $0x180;
	[dreg:$0x7] =	wrdreg s31  }
.LBB2_1:
0x16: {  	s1 =	simm.s32 $0x0;
	s0 =	rddreg [dreg:$0x3]  }
0x17: {  	[tilespmem:s1], [sflag:$0x5] =	stream.linear.gather [hbm4b:s0+s1], $0x3400, $0x38;
	[tilespmem:$0x7400] =	vst v63  }
0x18: {  	v8 =	vmov s25;
	_ =	swait.ge [sflag:s12], $0x3400  }
0x19: {  	s10 =	simm.s32 $0x2;
	v8 =	vand.u32 $0x1F, v8;
	[sflag:s12] =	ssyncset.done $0x0  }
0x1a: {  	v9 =	vmov s10;
	v10 =	vbroadcast v8, $0x0;
	[sflag:s12] =	ssyncadd.s32 $0xFFFFCC00  }
0x1b: {  	v8 =	vand.u32 $0x1E, v9;
	[tilespmem:s14], [sflag:$0x1] =	stream.indirect.gather [hbm4b:s5+s13], $0x20, s1, s13, $0xb8;
	[tilespmem:$0x7400] =	vst v63  }
0x1c: {  	v9 =	vbroadcast v8, $0x0;
	v8 =	vor.u32 v2, v10  }
0x1d: {  	v11 =	vor.u32 v7, v10;
	[tilespmem:s15], [sflag:$0x2] =	stream.indirect.gather [hbm4b:s5+s13], $0x20, s13, s13, $0xb8;
	[tilespmem:$0x7400] =	vst v63  }
0x1e: {  	v12 =	vor.u32 v0, v9;
	_ =	swait.ge [sflag:s16], $0x1000  }
0x1f: {  	v13 =	vor.u32 v6, v10;
	[sflag:s16] =	ssyncset.done $0x0  }
0x20: {  	v14 =	vor.u32 v7, v9;
	[sflag:s16] =	ssyncadd.s32 $0xFFFFF000  }
0x21: {  	v15 =	vor.u32 v1, v10;
	v16 =	vld.idx.msk [tilespmem:v8+s14+$0x0], $0xffff  }
0x22: {  	v17 =	vor.u32 v0, v10;
	v11 =	vld.idx.msk [tilespmem:v11+s14+$0x0], $0xffff  }
0x23: {  	v18 =	vor.u32 v4, v10;
	v8 =	vld.idx.msk [tilespmem:v12+s14+$0x0], $0xffff  }
0x24: {  	v20 =	vor.u32 v3, v10;
	v10 =	vor.u32 v5, v10;
	v13 =	vld.idx.msk [tilespmem:v13+s14+$0x0], $0xffff  }
0x25: {  	s11 =	sand.u32 $0x3000, s1;
	v23 =	vor.u32 v5, v9;
	v14 =	vld.idx.msk [tilespmem:v14+s14+$0x0], $0xffff  }
0x26: {  	s0 =	sshrl.u32 s11, $0x2;
	v12 =	vor.u32 v3, v9;
	v15 =	vld.idx.msk [tilespmem:v15+s14+$0x0], $0xffff  }
0x27: {  	s20 =	simm.s32 $0x0;
	s23 =	sand.u32 $0x380, s3;
	s28 =	sadd.s32 $0x5400, s0;
	v19 =	vor.u32 v4, v9;
	v17 =	vld.idx.msk [tilespmem:v17+s14+$0x0], $0xffff  }
0x28: {  	v21 =	vmov s20;
	s0 =	sor.u32 s23, s28;
	v18 =	vld.idx.msk [tilespmem:v18+s14+$0x0], $0xffff  }
0x29: {  	v21 =	vand.u32 $0x1C, v21;
	v22 =	vor.u32 v6, v9;
	v10 =	vld.idx.msk [tilespmem:v10+s14+$0x0], $0xffff;
	[tilespmem:s0+$0x20] =	vst v16  }
0x2a: {  	v23 =	vld.idx.msk [tilespmem:v23+s14+$0x0], $0xffff;
	v16 =	vbroadcast v21, $0x0;
	v21 =	vor.u32 v1, v9;
	[tilespmem:s0+$0x70] =	vst v11  }
0x2b: {  	v12 =	vld.idx.msk [tilespmem:v12+s14+$0x0], $0xffff;
	v9 =	vor.u32 v2, v9;
	[tilespmem:s0+$0x60] =	vst v13  }
0x2c: {  	s30 =	simm.s32 $0x100;
	v11 =	vld.idx.msk [tilespmem:v19+s14+$0x0], $0xffff;
	[tilespmem:s0+$0x10] =	vst v15;
	v19 =	vor.u32 v1, v16  }
0x2d: {  	s1 =	sand.u32 $0x300, s30;
	v13 =	vld.idx.msk [tilespmem:v20+s14+$0x0], $0xffff;
	[tilespmem:s0+$0x0] =	vst v17;
	v15 =	vor.u32 v2, v16  }
0x2e: {  	s6 =	simm.s32 $0x1;
	s23 =	sor.u32 s1, s28;
	v20 =	vld.idx.msk [tilespmem:v22+s14+$0x0], $0xffff;
	[tilespmem:s0+$0x40] =	vst v18;
	v17 =	vor.u32 v3, v16  }
0x2f: {  	v22 =	vmov s6;
	[tilespmem:s23+$0x70] =	vst v14;
	v18 =	vor.u32 v4, v16;
	v24 =	vld.idx.msk [tilespmem:v21+s14+$0x0], $0xffff  }
0x30: {  	[tilespmem:s0+$0x50] =	vst v10;
	v14 =	vor.u32 v5, v16;
	v21 =	vand.u32 $0x1D, v22;
	v25 =	vld.idx.msk [tilespmem:v9+s14+$0x0], $0xffff  }
0x31: {  	[tilespmem:s23+$0x30] =	vst v12;
	v12 =	vor.u32 v6, v16;
	v26 =	vbroadcast v21, $0x0;
	v27 =	vld.idx.msk [tilespmem:v19+s14+$0x0], $0xffff  }
0x32: {  	[tilespmem:s23+$0x40] =	vst v11;
	v11 =	vor.u32 v7, v16;
	v28 =	vld.idx.msk [tilespmem:v15+s14+$0x0], $0xffff  }
0x33: {  	[tilespmem:s23+$0x50] =	vst v23;
	v22 =	vld.idx.msk [tilespmem:v17+s14+$0x0], $0xffff;
	v29 =	vor.u32 v0, v26  }
0x34: {  	[tilespmem:s0+$0x30] =	vst v13;
	v19 =	vld.idx.msk [tilespmem:v18+s14+$0x0], $0xffff;
	v17 =	vor.u32 v1, v26  }
0x35: {  	s31 =	simm.s32 $0x0;
	[tilespmem:s23+$0x60] =	vst v20;
	v20 =	vld.idx.msk [tilespmem:v14+s14+$0x0], $0xffff;
	v15 =	vor.u32 v2, v26  }
0x36: {  	v9 =	vor.u32 v0, v16;
	s0 =	sand.u32 $0x200, s31;
	v21 =	vld.idx.msk [tilespmem:v12+s14+$0x0], $0xffff;
	[tilespmem:s23+$0x10] =	vst v24  }
0x37: {  	s29 =	sor.u32 s0, s28;
	v13 =	vor.u32 v3, v26;
	v18 =	vld.idx.msk [tilespmem:v11+s14+$0x0], $0xffff;
	[tilespmem:s23+$0x20] =	vst v25  }
0x38: {  	s8 =	simm.s32 $0x800;
	s20 =	simm.s32 $0x380;
	v14 =	vor.u32 v4, v26;
	v10 =	vor.u32 v7, v26;
	[tilespmem:s29+$0x10] =	vst v27;
	v16 =	vld.idx.msk [tilespmem:v29+s14+$0x0], $0xffff  }
0x39: {  	s1 =	simm.s32 $0x180;
	s6 =	simm.s32 $0x7;
	s0 =	simm.s32 $0x0;
	v12 =	vor.u32 v5, v26;
	v11 =	vor.u32 v6, v26;
	[tilespmem:s29+$0x20] =	vst v28;
	v17 =	vld.idx.msk [tilespmem:v17+s14+$0x0], $0xffff  }
.LBB2_2:
0x3a: {  	s9 =	sadd.s32 $0xFFFFFFFD, s6;
	s10 =	sadd.s32 $0xFFFFFFFF, s6;
	v23 =	vmov s6;
	s0 =	sadd.s32 $0x20, s0;
	[tilespmem:s29+$0x30] =	vst v22;
	v15 =	vld.idx.msk [tilespmem:v15+s14+$0x0], $0xffff  }
0x3b: {  	v22 =	vmov s9;
	v24 =	vmov s10;
	v23 =	vand.u32 $0x1F, v23;
	p0 =	slt.u32 s0, $0xE0;
	v25 =	vld.idx.msk [tilespmem:v9+s14+$0x0], $0xffff;
	[tilespmem:s23+$0x0] =	vst v8  }
0x3c: {  	v8 =	vand.u32 $0x1C, v22;
	v9 =	vand.u32 $0x1E, v24;
	v22 =	vbroadcast v23, $0x0;
	[tilespmem:s29+$0x40] =	vst v19;
	v13 =	vld.idx.msk [tilespmem:v13+s14+$0x0], $0xffff  }
0x3d: {  	v19 =	vbroadcast v9, $0x0;
	[tilespmem:s29+$0x50] =	vst v20;
	v14 =	vld.idx.msk [tilespmem:v14+s14+$0x0], $0xffff  }
0x3e: {  	v20 =	vbroadcast v8, $0x0;
	v23 =	vor.u32 v1, v22;
	v8 =	vor.u32 v2, v22;
	[tilespmem:s29+$0x60] =	vst v21;
	v12 =	vld.idx.msk [tilespmem:v12+s14+$0x0], $0xffff  }
0x3f: {  	v26 =	vor.u32 v7, v22;
	v21 =	vor.u32 v0, v19;
	v24 =	vor.u32 v4, v19;
	v11 =	vld.idx.msk [tilespmem:v11+s14+$0x0], $0xffff  }
0x40: {  	s9 =	sadd.s32 $0xFFFFFF00, s1;
	s1 =	smov.u32 s20;
	v9 =	vor.u32 v0, v20;
	v27 =	vor.u32 v1, v20;
	v28 =	vor.u32 v7, v19;
	[tilespmem:s29+$0x70] =	vst v18  }
0x41: {  	s9 =	sand.u32 $0x280, s9;
	v30 =	vor.u32 v6, v22;
	v29 =	vor.u32 v1, v19;
	v18 =	vor.u32 v2, v20;
	v10 =	vld.idx.msk [tilespmem:v10+s14+$0x0], $0xffff  }
0x42: {  	s10 =	sadd.s32 $0xFFFFFFFE, s6;
	s9 =	sor.u32 s9, s28;
	v33 =	vor.u32 v4, v22;
	v31 =	vor.u32 v3, v20;
	v32 =	vor.u32 v2, v19;
	[tilespmem:s29+$0x0] =	vst v25  }
0x43: {  	v34 =	vmov s10;
	v35 =	vor.u32 v0, v22;
	v25 =	vor.u32 v4, v20;
	v36 =	vld.idx.msk [tilespmem:v8+s14+$0x0], $0xffff;
	[tilespmem:s9+$0x0] =	vst v16  }
0x44: {  	v16 =	vor.u32 v5, v20;
	v8 =	vand.u32 $0x1D, v34;
	v34 =	vor.u32 v3, v22;
	v26 =	vld.idx.msk [tilespmem:v26+s14+$0x0], $0xffff;
	[tilespmem:s9+$0x10] =	vst v17  }
0x45: {  	s10 =	sand.u32 $0x3000, s8;
	v17 =	vor.u32 v6, v20;
	v37 =	vbroadcast v8, $0x0;
	v8 =	vld.idx.msk [tilespmem:v21+s14+$0x0], $0xffff;
	v21 =	vor.u32 v3, v19;
	[tilespmem:s9+$0x20] =	vst v15  }
0x46: {  	s10 =	sshrl.u32 s10, $0x2;
	v38 =	vor.u32 v7, v20;
	v20 =	vor.u32 v5, v19;
	v19 =	vor.u32 v6, v19;
	[tilespmem:s9+$0x30] =	vst v13  }
0x47: {  	s28 =	sadd.s32 $0x5400, s10;
	s10 =	sand.u32 $0x380, s20;
	v22 =	vor.u32 v5, v22;
	v39 =	vor.u32 v0, v37;
	v30 =	vld.idx.msk [tilespmem:v30+s14+$0x0], $0xffff;
	[tilespmem:s9+$0x40] =	vst v14  }
0x48: {  	s10 =	sor.u32 s10, s28;
	v40 =	vor.u32 v1, v37;
	v28 =	vld.idx.msk [tilespmem:v28+s14+$0x0], $0xffff;
	[tilespmem:s9+$0x50] =	vst v12  }
0x49: {  	v15 =	vor.u32 v2, v37;
	v23 =	vld.idx.msk [tilespmem:v23+s14+$0x0], $0xffff;
	[tilespmem:s9+$0x70] =	vst v10  }
0x4a: {  	v13 =	vor.u32 v3, v37;
	v35 =	vld.idx.msk [tilespmem:v35+s14+$0x0], $0xffff;
	[tilespmem:s9+$0x60] =	vst v11  }
0x4b: {  	v14 =	vor.u32 v4, v37;
	[tilespmem:s10+$0x20] =	vst v36;
	v33 =	vld.idx.msk [tilespmem:v33+s14+$0x0], $0xffff  }
0x4c: {  	v12 =	vor.u32 v5, v37;
	v21 =	vld.idx.msk [tilespmem:v21+s14+$0x0], $0xffff;
	[tilespmem:s10+$0x70] =	vst v26  }
0x4d: {  	v11 =	vor.u32 v6, v37;
	v24 =	vld.idx.msk [tilespmem:v24+s14+$0x0], $0xffff;
	[tilespmem:s10+$0x60] =	vst v30  }
0x4e: {  	v10 =	vor.u32 v7, v37;
	s9 =	sadd.s32 $0xFFFFFF80, s20;
	v26 =	vld.idx.msk [tilespmem:v34+s14+$0x0], $0xffff  }
0x4f: {  	s9 =	sand.u32 $0x300, s9;
	[tilespmem:s10+$0x10] =	vst v23;
	v23 =	vld.idx.msk [tilespmem:v22+s14+$0x0], $0xffff  }
0x50: {  	s23 =	sor.u32 s9, s28;
	v30 =	vld.idx.msk [tilespmem:v19+s14+$0x0], $0xffff;
	[tilespmem:s10+$0x0] =	vst v35  }
0x51: {  	v34 =	vld.idx.msk [tilespmem:v20+s14+$0x0], $0xffff;
	[tilespmem:s10+$0x40] =	vst v33  }
0x52: {  	v29 =	vld.idx.msk [tilespmem:v29+s14+$0x0], $0xffff;
	[tilespmem:s23+$0x70] =	vst v28  }
0x53: {  	v28 =	vld.idx.msk [tilespmem:v32+s14+$0x0], $0xffff;
	[tilespmem:s23+$0x30] =	vst v21  }
0x54: {  	v27 =	vld.idx.msk [tilespmem:v27+s14+$0x0], $0xffff;
	[tilespmem:s23+$0x40] =	vst v24  }
0x55: {  	v24 =	vld.idx.msk [tilespmem:v18+s14+$0x0], $0xffff;
	[tilespmem:s10+$0x30] =	vst v26  }
0x56: {  	v22 =	vld.idx.msk [tilespmem:v31+s14+$0x0], $0xffff;
	[tilespmem:s10+$0x50] =	vst v23  }
0x57: {  	v19 =	vld.idx.msk [tilespmem:v25+s14+$0x0], $0xffff;
	[tilespmem:s23+$0x60] =	vst v30  }
.Ltmp0:
0x58: {  	s9 =	sadd.s32 $0xFFFFFE80, s20;
	v20 =	vld.idx.msk [tilespmem:v16+s14+$0x0], $0xffff;
	[tilespmem:s23+$0x50] =	vst v34;
	(pc) =	sbr.rel @p0 .LBB2_2-.Ltmp0, $4  }
0x59: {  	s9 =	sand.u32 $0x200, s9;
	v21 =	vld.idx.msk [tilespmem:v17+s14+$0x0], $0xffff;
	[tilespmem:s23+$0x10] =	vst v29  }
0x5a: {  	s29 =	sor.u32 s9, s28;
	v18 =	vld.idx.msk [tilespmem:v38+s14+$0x0], $0xffff;
	[tilespmem:s23+$0x20] =	vst v28  }
0x5b: {  	[tilespmem:s29+$0x10] =	vst v27;
	v16 =	vld.idx.msk [tilespmem:v39+s14+$0x0], $0xffff  }
0x5c: {  	s6 =	sadd.s32 $0x4, s6;
	s8 =	sadd.s32 $0x800, s8;
	s20 =	sadd.s32 $0x200, s20;
	[tilespmem:s29+$0x20] =	vst v24;
	v17 =	vld.idx.msk [tilespmem:v40+s14+$0x0], $0xffff  }
0x5d: {  	_ = 	snop  }
0x5e: {  	[tilespmem:s29+$0x30] =	vst v22  }
0x5f: {  	[tilespmem:s23+$0x0] =	vst v8  }
0x60: {  	[tilespmem:s29+$0x40] =	vst v19  }
0x61: {  	v9 =	vld.idx.msk [tilespmem:v9+s14+$0x0], $0xffff;
	[tilespmem:s29+$0x50] =	vst v20;
	s0 =	sadd.s32 $0xFFFFFF00, s1  }
0x62: {  	v8 =	vld.idx.msk [tilespmem:v15+s14+$0x0], $0xffff;
	[tilespmem:s29+$0x60] =	vst v21;
	s0 =	sand.u32 $0x280, s0  }
0x63: {  	v13 =	vld.idx.msk [tilespmem:v13+s14+$0x0], $0xffff;
	[tilespmem:s29+$0x70] =	vst v18;
	s0 =	sor.u32 s0, s28  }
0x64: {  	v14 =	vld.idx.msk [tilespmem:v14+s14+$0x0], $0xffff;
	[tilespmem:s0+$0x0] =	vst v16  }
0x65: {  	v10 =	vld.idx.msk [tilespmem:v10+s14+$0x0], $0xffff;
	[tilespmem:s0+$0x10] =	vst v17  }
0x66: {  	v11 =	vld.idx.msk [tilespmem:v11+s14+$0x0], $0xffff;
	[tilespmem:s29+$0x0] =	vst v9  }
0x67: {  	v9 =	vld.idx.msk [tilespmem:v12+s14+$0x0], $0xffff;
	[tilespmem:s0+$0x20] =	vst v8  }
0x68: {  	[tilespmem:s0+$0x30] =	vst v13  }
0x69: {  	[tilespmem:s0+$0x40] =	vst v14  }
0x6a: {  	s31 =	simm.s32 $0x3;
	[tilespmem:s0+$0x70] =	vst v10  }
0x6b: {  	v8 =	vmov s31;
	[tilespmem:s0+$0x60] =	vst v11  }
0x6c: {  	v8 =	vand.u32 $0x1F, v8;
	[tilespmem:s0+$0x50] =	vst v9  }
0x6d: {  	v8 =	vbroadcast v8, $0x0;
	s0 =	rddreg [dreg:$0x4]  }
0x6e: {  	[hbm4b:s0+s17] =	stream.strided.scatter [tilespmem:s19], [sflag:$0x3], $0x1000, s18, s17, $0x38;
	[tilespmem:$0x7400] =	vst v63  }
0x6f: {  	s1 =	simm.s32 $0x100;
	s6 =	simm.s32 $0x2;
	v9 =	vor.u32 v1, v8  }
0x70: {  	v10 =	vor.u32 v3, v8;
	[tilespmem:s14], [sflag:$0x1] =	stream.indirect.gather [hbm4b:s5+s13], $0x20, s1, s13, $0xb8;
	[tilespmem:$0x7400] =	vst v63  }
0x71: {  	v11 =	vmov s6;
	v12 =	vor.u32 v7, v8;
	_ =	swait.ge [sflag:s21], $0x1000  }
0x72: {  	v11 =	vand.u32 $0x1E, v11;
	v13 =	vor.u32 v2, v8;
	[sflag:s21] =	ssyncset.done $0x0  }
0x73: {  	v11 =	vbroadcast v11, $0x0;
	v14 =	vor.u32 v6, v8;
	[sflag:s21] =	ssyncadd.s32 $0xFFFFF000  }
0x74: {  	v15 =	vor.u32 v5, v8;
	v9 =	vld.idx.msk [tilespmem:v9+s15+$0x0], $0xffff  }
0x75: {  	v16 =	vor.u32 v7, v11;
	v10 =	vld.idx.msk [tilespmem:v10+s15+$0x0], $0xffff  }
0x76: {  	s7 =	simm.s32 $0x0;
	v17 =	vor.u32 v3, v11;
	v12 =	vld.idx.msk [tilespmem:v12+s15+$0x0], $0xffff  }
0x77: {  	s8 =	simm.s32 $0x180;
	v18 =	vor.u32 v0, v8;
	s0 =	sand.u32 $0xC00, s7;
	v13 =	vld.idx.msk [tilespmem:v13+s15+$0x0], $0xffff  }
0x78: {  	s6 =	sand.u32 $0x380, s8;
	v8 =	vor.u32 v4, v8;
	s28 =	sadd.s32 $0x5400, s0;
	v14 =	vld.idx.msk [tilespmem:v14+s15+$0x0], $0xffff  }
0x79: {  	s9 =	simm.s32 $0x0;
	v19 =	vor.u32 v5, v11;
	s8 =	sor.u32 s6, s28;
	v15 =	vld.idx.msk [tilespmem:v15+s15+$0x0], $0xffff  }
0x7a: {  	v20 =	vmov s9;
	v61 =	vor.u32 v6, v11;
	v16 =	vld.idx.msk [tilespmem:v16+s15+$0x0], $0xffff;
	[tilespmem:s8+$0x1010] =	vst v9  }
0x7b: {  	v17 =	vld.idx.msk [tilespmem:v17+s15+$0x0], $0xffff;
	v9 =	vand.u32 $0x1C, v20;
	v20 =	vor.u32 v1, v11;
	[tilespmem:s8+$0x1030] =	vst v10  }
0x7c: {  	v18 =	vld.idx.msk [tilespmem:v18+s15+$0x0], $0xffff;
	v10 =	vor.u32 v0, v11;
	[tilespmem:s8+$0x1070] =	vst v12;
	v9 =	vbroadcast v9, $0x0  }
0x7d: {  	s10 =	simm.s32 $0x100;
	v8 =	vld.idx.msk [tilespmem:v8+s15+$0x0], $0xffff;
	v12 =	vor.u32 v2, v11;
	[tilespmem:s8+$0x1020] =	vst v13  }
0x7e: {  	s9 =	sand.u32 $0x300, s10;
	v19 =	vld.idx.msk [tilespmem:v19+s15+$0x0], $0xffff;
	[tilespmem:s8+$0x1060] =	vst v14;
	v13 =	vor.u32 v0, v9  }
0x7f: {  	s1 =	sor.u32 s9, s28;
	v21 =	vld.idx.msk [tilespmem:v61+s15+$0x0], $0xffff;
	[tilespmem:s8+$0x1050] =	vst v15;
	v14 =	vor.u32 v1, v9  }
0x80: {  	s20 =	sadd.s32 $0x6400, s0;
	[tilespmem:s1+$0x1070] =	vst v16;
	v15 =	vor.u32 v2, v9;
	v20 =	vld.idx.msk [tilespmem:v20+s15+$0x0], $0xffff  }
0x81: {  	s11 =	simm.s32 $0x1;
	s6 =	sor.u32 s6, s20;
	[tilespmem:s1+$0x1030] =	vst v17;
	v16 =	vor.u32 v3, v9;
	v10 =	vld.idx.msk [tilespmem:v10+s15+$0x0], $0xffff  }
0x82: {  	v62 =	vmov s11;
	[tilespmem:s6+$0x0] =	vst v18;
	v17 =	vor.u32 v4, v9;
	v12 =	vld.idx.msk [tilespmem:v12+s15+$0x0], $0xffff  }
0x83: {  	v22 =	vand.u32 $0x1D, v62;
	[tilespmem:s8+$0x1040] =	vst v8;
	v18 =	vor.u32 v5, v9;
	v13 =	vld.idx.msk [tilespmem:v13+s15+$0x0], $0xffff  }
0x84: {  	v22 =	vbroadcast v22, $0x0;
	[tilespmem:s1+$0x1050] =	vst v19;
	v8 =	vor.u32 v6, v9;
	v14 =	vld.idx.msk [tilespmem:v14+s15+$0x0], $0xffff  }
0x85: {  	[tilespmem:s1+$0x1060] =	vst v21;
	v9 =	vor.u32 v7, v9;
	v15 =	vld.idx.msk [tilespmem:v15+s15+$0x0], $0xffff  }
0x86: {  	s23 =	simm.s32 $0x0;
	v63 =	vor.u32 v0, v22;
	s30 =	sor.u32 s9, s20;
	v23 =	vld.idx.msk [tilespmem:v16+s15+$0x0], $0xffff;
	[tilespmem:s1+$0x1010] =	vst v20  }
0x87: {  	v25 =	vor.u32 v2, v22;
	s0 =	sand.u32 $0x200, s23;
	v24 =	vld.idx.msk [tilespmem:v17+s15+$0x0], $0xffff;
	[tilespmem:s30+$0x0] =	vst v10  }
0x88: {  	s31 =	sor.u32 s0, s20;
	v18 =	vld.idx.msk [tilespmem:v18+s15+$0x0], $0xffff;
	v20 =	vor.u32 v1, v22;
	[tilespmem:s1+$0x1020] =	vst v12  }
0x89: {  	s23 =	sor.u32 s0, s28;
	v19 =	vld.idx.msk [tilespmem:v8+s15+$0x0], $0xffff;
	v12 =	vor.u32 v4, v22;
	[tilespmem:s31+$0x0] =	vst v13  }
0x8a: {  	v17 =	vld.idx.msk [tilespmem:v9+s15+$0x0], $0xffff;
	[tilespmem:s23+$0x1010] =	vst v14;
	v13 =	vor.u32 v6, v22  }
0x8b: {  	v9 =	vor.u32 v3, v22;
	v16 =	vld.idx.msk [tilespmem:v63+s15+$0x0], $0xffff;
	[tilespmem:s23+$0x1020] =	vst v15  }
0x8c: {  	s29 =	simm.s32 $0x0;
	s0 =	simm.s32 $0x800;
	v10 =	vor.u32 v5, v22;
	[tilespmem:s23+$0x1030] =	vst v23;
	v15 =	vld.idx.msk [tilespmem:v25+s15+$0x0], $0xffff  }
0x8d: {  	s9 =	simm.s32 $0x80;
	s6 =	simm.s32 $0x380;
	s8 =	simm.s32 $0x7;
	v8 =	vor.u32 v4, v11;
	v11 =	vor.u32 v7, v22;
	[tilespmem:s23+$0x1040] =	vst v24;
	v14 =	vld.idx.msk [tilespmem:v20+s15+$0x0], $0xffff  }
.LBB2_4:
0x8e: {  	s10 =	sadd.s32 $0xFFFFFFFD, s8;
	s30 =	sadd.s32 $0xFFFFFFFF, s8;
	v20 =	vmov s8;
	s29 =	sadd.s32 $0x20, s29;
	[tilespmem:s23+$0x1050] =	vst v18;
	v12 =	vld.idx.msk [tilespmem:v12+s15+$0x0], $0xffff  }
0x8f: {  	s9 =	sand.u32 $0x280, s9;
	v18 =	vmov s10;
	v21 =	vmov s30;
	v20 =	vand.u32 $0x1F, v20;
	p0 =	slt.u32 s29, $0xE0;
	[tilespmem:s23+$0x1060] =	vst v19;
	v13 =	vld.idx.msk [tilespmem:v13+s15+$0x0], $0xffff  }
0x90: {  	s10 =	sor.u32 s9, s20;
	v18 =	vand.u32 $0x1C, v18;
	v19 =	vand.u32 $0x1E, v21;
	v20 =	vbroadcast v20, $0x0;
	[tilespmem:s23+$0x1070] =	vst v17;
	v9 =	vld.idx.msk [tilespmem:v9+s15+$0x0], $0xffff  }
0x91: {  	v17 =	vbroadcast v18, $0x0;
	v18 =	vbroadcast v19, $0x0;
	[tilespmem:s10+$0x0] =	vst v16;
	v10 =	vld.idx.msk [tilespmem:v10+s15+$0x0], $0xffff  }
0x92: {  	v16 =	vor.u32 v1, v20;
	v19 =	vor.u32 v2, v20;
	v21 =	vor.u32 v3, v20;
	v22 =	vld.idx.msk [tilespmem:v8+s15+$0x0], $0xffff  }
0x93: {  	s9 =	sor.u32 s9, s28;
	v24 =	vor.u32 v5, v20;
	v23 =	vor.u32 v0, v17;
	v8 =	vor.u32 v4, v18;
	v11 =	vld.idx.msk [tilespmem:v11+s15+$0x0], $0xffff  }
0x94: {  	v27 =	vor.u32 v7, v20;
	v25 =	vor.u32 v1, v17;
	v26 =	vor.u32 v0, v18;
	[tilespmem:s9+$0x1010] =	vst v14  }
0x95: {  	v29 =	vor.u32 v0, v20;
	v28 =	vor.u32 v1, v18;
	v14 =	vor.u32 v2, v17;
	[tilespmem:s9+$0x1020] =	vst v15  }
0x96: {  	s10 =	sadd.s32 $0xFFFFFFFE, s8;
	v31 =	vor.u32 v6, v20;
	v30 =	vor.u32 v2, v18;
	v15 =	vor.u32 v3, v17;
	[tilespmem:s9+$0x1030] =	vst v9  }
0x97: {  	v32 =	vor.u32 v4, v17;
	v33 =	vor.u32 v7, v18;
	v9 =	vmov s10;
	v16 =	vld.idx.msk [tilespmem:v16+s15+$0x0], $0xffff;
	[tilespmem:s9+$0x1050] =	vst v10  }
0x98: {  	v34 =	vor.u32 v5, v17;
	v9 =	vand.u32 $0x1D, v9;
	v10 =	vor.u32 v3, v18;
	v21 =	vld.idx.msk [tilespmem:v21+s15+$0x0], $0xffff;
	[tilespmem:s1+$0x1040] =	vst v22  }
0x99: {  	v20 =	vor.u32 v4, v20;
	s1 =	sshrl.u32 s0, $0x2;
	v22 =	vor.u32 v6, v17;
	v35 =	vbroadcast v9, $0x0;
	v27 =	vld.idx.msk [tilespmem:v27+s15+$0x0], $0xffff;
	[tilespmem:s9+$0x1070] =	vst v11  }
0x9a: {  	v36 =	vor.u32 v6, v18;
	v17 =	vor.u32 v7, v17;
	s1 =	sand.u32 $0xC00, s1;
	v11 =	vld.idx.msk [tilespmem:v19+s15+$0x0], $0xffff;
	[tilespmem:s9+$0x1040] =	vst v12  }
0x9b: {  	s10 =	sand.u32 $0x380, s6;
	v18 =	vor.u32 v5, v18;
	s28 =	sadd.s32 $0x5400, s1;
	s20 =	sadd.s32 $0x6400, s1;
	v37 =	vor.u32 v0, v35;
	v19 =	vld.idx.msk [tilespmem:v31+s15+$0x0], $0xffff;
	[tilespmem:s9+$0x1060] =	vst v13  }
0x9c: {  	v31 =	vor.u32 v1, v35;
	s9 =	sor.u32 s10, s28;
	v24 =	vld.idx.msk [tilespmem:v24+s15+$0x0], $0xffff  }
0x9d: {  	v38 =	vor.u32 v2, v35;
	s1 =	sadd.s32 $0xFFFFFF80, s6;
	v33 =	vld.idx.msk [tilespmem:v33+s15+$0x0], $0xffff;
	[tilespmem:s9+$0x1010] =	vst v16  }
0x9e: {  	v9 =	vor.u32 v3, v35;
	s23 =	sand.u32 $0x300, s1;
	v16 =	vld.idx.msk [tilespmem:v10+s15+$0x0], $0xffff;
	[tilespmem:s9+$0x1030] =	vst v21  }
0x9f: {  	v12 =	vor.u32 v4, v35;
	s1 =	sor.u32 s23, s28;
	v21 =	vld.idx.msk [tilespmem:v29+s15+$0x0], $0xffff;
	[tilespmem:s9+$0x1070] =	vst v27  }
0xa0: {  	s10 =	sor.u32 s10, s20;
	v10 =	vor.u32 v5, v35;
	[tilespmem:s9+$0x1020] =	vst v11;
	v20 =	vld.idx.msk [tilespmem:v20+s15+$0x0], $0xffff  }
0xa1: {  	v13 =	vor.u32 v6, v35;
	v18 =	vld.idx.msk [tilespmem:v18+s15+$0x0], $0xffff;
	[tilespmem:s9+$0x1060] =	vst v19  }
0xa2: {  	s30 =	sadd.s32 $0xFFFFFE80, s6;
	v11 =	vor.u32 v7, v35;
	v19 =	vld.idx.msk [tilespmem:v36+s15+$0x0], $0xffff;
	[tilespmem:s9+$0x1050] =	vst v24  }
0xa3: {  	s30 =	sand.u32 $0x200, s30;
	s31 =	sor.u32 s23, s20;
	v24 =	vld.idx.msk [tilespmem:v28+s15+$0x0], $0xffff;
	[tilespmem:s1+$0x1070] =	vst v33  }
0xa4: {  	s11 =	sor.u32 s30, s20;
	v26 =	vld.idx.msk [tilespmem:v26+s15+$0x0], $0xffff;
	[tilespmem:s1+$0x1030] =	vst v16  }
0xa5: {  	s23 =	sor.u32 s30, s28;
	v16 =	vld.idx.msk [tilespmem:v30+s15+$0x0], $0xffff;
	[tilespmem:s10+$0x0] =	vst v21  }
0xa6: {  	v21 =	vld.idx.msk [tilespmem:v23+s15+$0x0], $0xffff;
	[tilespmem:s9+$0x1040] =	vst v20  }
0xa7: {  	v20 =	vld.idx.msk [tilespmem:v25+s15+$0x0], $0xffff;
	[tilespmem:s1+$0x1050] =	vst v18  }
0xa8: {  	v14 =	vld.idx.msk [tilespmem:v14+s15+$0x0], $0xffff;
	[tilespmem:s1+$0x1060] =	vst v19  }
0xa9: {  	v15 =	vld.idx.msk [tilespmem:v15+s15+$0x0], $0xffff;
	[tilespmem:s1+$0x1010] =	vst v24  }
0xaa: {  	v23 =	vld.idx.msk [tilespmem:v32+s15+$0x0], $0xffff;
	[tilespmem:s31+$0x0] =	vst v26  }
0xab: {  	v18 =	vld.idx.msk [tilespmem:v34+s15+$0x0], $0xffff;
	[tilespmem:s1+$0x1020] =	vst v16  }
.Ltmp1:
0xac: {  	[tilespmem:s11+$0x0] =	vst v21;
	v19 =	vld.idx.msk [tilespmem:v22+s15+$0x0], $0xffff;
	(pc) =	sbr.rel @p0 .LBB2_4-.Ltmp1, $4  }
0xad: {  	[tilespmem:s23+$0x1010] =	vst v20;
	v17 =	vld.idx.msk [tilespmem:v17+s15+$0x0], $0xffff  }
0xae: {  	[tilespmem:s23+$0x1020] =	vst v14;
	v16 =	vld.idx.msk [tilespmem:v37+s15+$0x0], $0xffff  }
0xaf: {  	s0 =	sadd.s32 $0x800, s0;
	[tilespmem:s23+$0x1030] =	vst v15;
	v14 =	vld.idx.msk [tilespmem:v31+s15+$0x0], $0xffff  }
0xb0: {  	s8 =	sadd.s32 $0x4, s8;
	s9 =	sadd.s32 $0xFFFFFF00, s6;
	s6 =	sadd.s32 $0x200, s6;
	[tilespmem:s23+$0x1040] =	vst v23;
	v15 =	vld.idx.msk [tilespmem:v38+s15+$0x0], $0xffff  }
0xb1: {  	_ =	sdelay $0x2  }
0xb2: {  	[tilespmem:s23+$0x1050] =	vst v18  }
0xb3: {  	[tilespmem:s23+$0x1060] =	vst v19;
	s0 =	sand.u32 $0x280, s9;
	v9 =	vld.idx.msk [tilespmem:v9+s15+$0x0], $0xffff  }
0xb4: {  	v10 =	vld.idx.msk [tilespmem:v10+s15+$0x0], $0xffff;
	[tilespmem:s23+$0x1070] =	vst v17;
	s6 =	sor.u32 s0, s20  }
0xb5: {  	v8 =	vld.idx.msk [tilespmem:v8+s15+$0x0], $0xffff;
	s0 =	sor.u32 s0, s28;
	[tilespmem:s6+$0x0] =	vst v16  }
0xb6: {  	v11 =	vld.idx.msk [tilespmem:v11+s15+$0x0], $0xffff;
	[tilespmem:s0+$0x1010] =	vst v14  }
0xb7: {  	v12 =	vld.idx.msk [tilespmem:v12+s15+$0x0], $0xffff;
	[tilespmem:s0+$0x1020] =	vst v15  }
0xb8: {  	v13 =	vld.idx.msk [tilespmem:v13+s15+$0x0], $0xffff;
	[tilespmem:s0+$0x1030] =	vst v9  }
0xb9: {  	[tilespmem:s0+$0x1050] =	vst v10  }
0xba: {  	[tilespmem:s1+$0x1040] =	vst v8  }
0xbb: {  	[tilespmem:s0+$0x1070] =	vst v11  }
0xbc: {  	[tilespmem:s0+$0x1040] =	vst v12  }
0xbd: {  	[tilespmem:s0+$0x1060] =	vst v13  }
0xbe: {  	s0 =	rddreg [dreg:$0x5]  }
0xbf: {  	[hbm4b:s0+s17] =	stream.strided.scatter [tilespmem:s22], [sflag:$0x4], $0x1000, s18, s17, $0x38;
	[tilespmem:$0x7400] =	vst v63  }
0xc0: {  	s28 =	simm.s32 $0x1  }
0xc1: {  	[tilespmem:s15], [sflag:$0x2] =	stream.indirect.gather [hbm4b:s5+s13], $0x20, s3, s13, $0xb8;
	[tilespmem:$0x7400] =	vst v63  }
.LBB2_6:
0xc2: {  	s0 =	simm.s32 $0x3  }
0xc3: {  	v8 =	vmov s0  }
0xc4: {  	s1 =	simm.s32 $0x2;
	v8 =	vand.u32 $0x1F, v8  }
0xc5: {  	v9 =	vmov s1;
	v10 =	vbroadcast v8, $0x0  }
0xc6: {  	_ =	swait.ge [sflag:s16], $0x1000;
	v8 =	vand.u32 $0x1E, v9  }
0xc7: {  	[sflag:s16] =	ssyncset.done $0x0;
	v9 =	vbroadcast v8, $0x0;
	v8 =	vor.u32 v2, v10  }
0xc8: {  	[sflag:s16] =	ssyncadd.s32 $0xFFFFF000;
	v11 =	vor.u32 v7, v10  }
0xc9: {  	_ =	swait.ge [sflag:s0], $0x1000;
	v13 =	vor.u32 v6, v10  }
0xca: {  	[sflag:s0] =	ssyncset.done $0x0;
	v15 =	vor.u32 v1, v10  }
0xcb: {  	[sflag:s0] =	ssyncadd.s32 $0xFFFFF000;
	v17 =	vor.u32 v0, v10  }
0xcc: {  	v18 =	vor.u32 v4, v10;
	v16 =	vld.idx.msk [tilespmem:v8+s14+$0x0], $0xffff  }
0xcd: {  	v20 =	vor.u32 v3, v10;
	v10 =	vor.u32 v5, v10;
	v11 =	vld.idx.msk [tilespmem:v11+s14+$0x0], $0xffff  }
0xce: {  	v12 =	vor.u32 v0, v9;
	v13 =	vld.idx.msk [tilespmem:v13+s14+$0x0], $0xffff  }
0xcf: {  	s10 =	simm.s32 $0x0;
	v14 =	vor.u32 v7, v9;
	v15 =	vld.idx.msk [tilespmem:v15+s14+$0x0], $0xffff  }
0xd0: {  	s0 =	sand.u32 $0x3000, s10;
	v23 =	vor.u32 v5, v9;
	v17 =	vld.idx.msk [tilespmem:v17+s14+$0x0], $0xffff  }
0xd1: {  	s29 =	simm.s32 $0x180;
	v19 =	vor.u32 v4, v9;
	s0 =	sshrl.u32 s0, $0x2;
	v18 =	vld.idx.msk [tilespmem:v18+s14+$0x0], $0xffff  }
0xd2: {  	s11 =	simm.s32 $0x0;
	s20 =	sand.u32 $0x380, s29;
	s30 =	sadd.s32 $0x5400, s0;
	v10 =	vld.idx.msk [tilespmem:v10+s14+$0x0], $0xffff  }
0xd3: {  	v21 =	vmov s11;
	s0 =	sor.u32 s20, s30;
	v8 =	vld.idx.msk [tilespmem:v12+s14+$0x0], $0xffff;
	v12 =	vor.u32 v3, v9  }
0xd4: {  	v21 =	vand.u32 $0x1C, v21;
	v22 =	vor.u32 v6, v9;
	v14 =	vld.idx.msk [tilespmem:v14+s14+$0x0], $0xffff;
	[tilespmem:s0+$0x20] =	vst v16  }
0xd5: {  	v23 =	vld.idx.msk [tilespmem:v23+s14+$0x0], $0xffff;
	v16 =	vbroadcast v21, $0x0;
	v21 =	vor.u32 v1, v9;
	[tilespmem:s0+$0x70] =	vst v11  }
0xd6: {  	v11 =	vld.idx.msk [tilespmem:v19+s14+$0x0], $0xffff;
	v9 =	vor.u32 v2, v9;
	[tilespmem:s0+$0x60] =	vst v13  }
0xd7: {  	v13 =	vld.idx.msk [tilespmem:v20+s14+$0x0], $0xffff;
	[tilespmem:s0+$0x10] =	vst v15;
	v19 =	vor.u32 v1, v16  }
0xd8: {  	s23 =	simm.s32 $0x100;
	[tilespmem:s0+$0x0] =	vst v17;
	v12 =	vld.idx.msk [tilespmem:v12+s14+$0x0], $0xffff;
	v15 =	vor.u32 v2, v16  }
0xd9: {  	s6 =	simm.s32 $0x1;
	s1 =	sand.u32 $0x300, s23;
	v20 =	vld.idx.msk [tilespmem:v22+s14+$0x0], $0xffff;
	[tilespmem:s0+$0x40] =	vst v18;
	v17 =	vor.u32 v3, v16  }
0xda: {  	s20 =	sor.u32 s1, s30;
	v22 =	vmov s6;
	[tilespmem:s0+$0x50] =	vst v10;
	v18 =	vor.u32 v4, v16;
	v24 =	vld.idx.msk [tilespmem:v21+s14+$0x0], $0xffff  }
0xdb: {  	[tilespmem:s20+$0x70] =	vst v14;
	v14 =	vor.u32 v5, v16;
	v21 =	vand.u32 $0x1D, v22;
	v25 =	vld.idx.msk [tilespmem:v9+s14+$0x0], $0xffff  }
0xdc: {  	[tilespmem:s20+$0x40] =	vst v11;
	v11 =	vor.u32 v7, v16;
	v26 =	vbroadcast v21, $0x0;
	v27 =	vld.idx.msk [tilespmem:v19+s14+$0x0], $0xffff  }
0xdd: {  	[tilespmem:s20+$0x30] =	vst v12;
	v12 =	vor.u32 v6, v16;
	v28 =	vld.idx.msk [tilespmem:v15+s14+$0x0], $0xffff  }
0xde: {  	[tilespmem:s20+$0x50] =	vst v23;
	v22 =	vld.idx.msk [tilespmem:v17+s14+$0x0], $0xffff;
	v29 =	vor.u32 v0, v26  }
0xdf: {  	[tilespmem:s0+$0x30] =	vst v13;
	v19 =	vld.idx.msk [tilespmem:v18+s14+$0x0], $0xffff;
	v30 =	vor.u32 v1, v26  }
0xe0: {  	s31 =	simm.s32 $0x0;
	[tilespmem:s20+$0x60] =	vst v20;
	v20 =	vld.idx.msk [tilespmem:v14+s14+$0x0], $0xffff;
	v15 =	vor.u32 v2, v26  }
0xe1: {  	v9 =	vor.u32 v0, v16;
	s0 =	sand.u32 $0x200, s31;
	[tilespmem:s20+$0x10] =	vst v24;
	v18 =	vld.idx.msk [tilespmem:v11+s14+$0x0], $0xffff  }
0xe2: {  	s23 =	sor.u32 s0, s30;
	v13 =	vor.u32 v3, v26;
	[tilespmem:s20+$0x20] =	vst v25;
	v21 =	vld.idx.msk [tilespmem:v12+s14+$0x0], $0xffff  }
0xe3: {  	s8 =	simm.s32 $0x800;
	v14 =	vor.u32 v4, v26;
	v10 =	vor.u32 v7, v26;
	[tilespmem:s23+$0x10] =	vst v27;
	v17 =	vld.idx.msk [tilespmem:v29+s14+$0x0], $0xffff  }
0xe4: {  	s1 =	simm.s32 $0x380;
	s6 =	simm.s32 $0x7;
	s0 =	simm.s32 $0x0;
	v11 =	vor.u32 v6, v26;
	v12 =	vor.u32 v5, v26;
	[tilespmem:s23+$0x20] =	vst v28;
	v16 =	vld.idx.msk [tilespmem:v30+s14+$0x0], $0xffff  }
.LBB2_7:
0xe5: {  	s9 =	sadd.s32 $0xFFFFFFFD, s6;
	s10 =	sadd.s32 $0xFFFFFFFF, s6;
	v23 =	vmov s6;
	s0 =	sadd.s32 $0x20, s0;
	[tilespmem:s23+$0x30] =	vst v22;
	v15 =	vld.idx.msk [tilespmem:v15+s14+$0x0], $0xffff  }
0xe6: {  	v22 =	vmov s9;
	v24 =	vmov s10;
	v23 =	vand.u32 $0x1F, v23;
	p0 =	slt.u32 s0, $0xE0;
	v25 =	vld.idx.msk [tilespmem:v9+s14+$0x0], $0xffff;
	[tilespmem:s20+$0x0] =	vst v8  }
0xe7: {  	v8 =	vand.u32 $0x1C, v22;
	v9 =	vand.u32 $0x1E, v24;
	v22 =	vbroadcast v23, $0x0;
	[tilespmem:s23+$0x40] =	vst v19;
	v13 =	vld.idx.msk [tilespmem:v13+s14+$0x0], $0xffff  }
0xe8: {  	v19 =	vbroadcast v9, $0x0;
	[tilespmem:s23+$0x50] =	vst v20;
	v14 =	vld.idx.msk [tilespmem:v14+s14+$0x0], $0xffff  }
0xe9: {  	v20 =	vbroadcast v8, $0x0;
	v23 =	vor.u32 v1, v22;
	v8 =	vor.u32 v2, v22;
	[tilespmem:s23+$0x60] =	vst v21;
	v12 =	vld.idx.msk [tilespmem:v12+s14+$0x0], $0xffff  }
0xea: {  	v26 =	vor.u32 v7, v22;
	v21 =	vor.u32 v0, v19;
	v24 =	vor.u32 v4, v19;
	v11 =	vld.idx.msk [tilespmem:v11+s14+$0x0], $0xffff  }
0xeb: {  	s9 =	sadd.s32 $0xFFFFFF00, s29;
	s29 =	smov.u32 s1;
	v9 =	vor.u32 v0, v20;
	v27 =	vor.u32 v1, v20;
	v28 =	vor.u32 v7, v19;
	[tilespmem:s23+$0x70] =	vst v18  }
0xec: {  	s9 =	sand.u32 $0x280, s9;
	v30 =	vor.u32 v6, v22;
	v29 =	vor.u32 v1, v19;
	v18 =	vor.u32 v2, v20;
	v10 =	vld.idx.msk [tilespmem:v10+s14+$0x0], $0xffff  }
0xed: {  	s10 =	sadd.s32 $0xFFFFFFFE, s6;
	s9 =	sor.u32 s9, s30;
	v33 =	vor.u32 v4, v22;
	v31 =	vor.u32 v3, v20;
	v32 =	vor.u32 v2, v19;
	[tilespmem:s23+$0x0] =	vst v25  }
0xee: {  	v34 =	vmov s10;
	v35 =	vor.u32 v0, v22;
	v25 =	vor.u32 v4, v20;
	v36 =	vld.idx.msk [tilespmem:v8+s14+$0x0], $0xffff;
	[tilespmem:s9+$0x0] =	vst v17  }
0xef: {  	v17 =	vor.u32 v5, v20;
	v8 =	vand.u32 $0x1D, v34;
	v34 =	vor.u32 v3, v22;
	v26 =	vld.idx.msk [tilespmem:v26+s14+$0x0], $0xffff;
	[tilespmem:s9+$0x10] =	vst v16  }
0xf0: {  	s10 =	sand.u32 $0x3000, s8;
	v16 =	vor.u32 v6, v20;
	v37 =	vbroadcast v8, $0x0;
	v8 =	vld.idx.msk [tilespmem:v21+s14+$0x0], $0xffff;
	v21 =	vor.u32 v3, v19;
	[tilespmem:s9+$0x20] =	vst v15  }
0xf1: {  	s10 =	sshrl.u32 s10, $0x2;
	v38 =	vor.u32 v7, v20;
	v20 =	vor.u32 v5, v19;
	v19 =	vor.u32 v6, v19;
	[tilespmem:s9+$0x30] =	vst v13  }
0xf2: {  	s30 =	sadd.s32 $0x5400, s10;
	s10 =	sand.u32 $0x380, s1;
	v22 =	vor.u32 v5, v22;
	v39 =	vor.u32 v0, v37;
	v30 =	vld.idx.msk [tilespmem:v30+s14+$0x0], $0xffff;
	[tilespmem:s9+$0x40] =	vst v14  }
0xf3: {  	s10 =	sor.u32 s10, s30;
	v40 =	vor.u32 v1, v37;
	v28 =	vld.idx.msk [tilespmem:v28+s14+$0x0], $0xffff;
	[tilespmem:s9+$0x50] =	vst v12  }
0xf4: {  	v15 =	vor.u32 v2, v37;
	v23 =	vld.idx.msk [tilespmem:v23+s14+$0x0], $0xffff;
	[tilespmem:s9+$0x70] =	vst v10  }
0xf5: {  	v13 =	vor.u32 v3, v37;
	v35 =	vld.idx.msk [tilespmem:v35+s14+$0x0], $0xffff;
	[tilespmem:s9+$0x60] =	vst v11  }
0xf6: {  	v14 =	vor.u32 v4, v37;
	[tilespmem:s10+$0x20] =	vst v36;
	v33 =	vld.idx.msk [tilespmem:v33+s14+$0x0], $0xffff  }
0xf7: {  	v12 =	vor.u32 v5, v37;
	v21 =	vld.idx.msk [tilespmem:v21+s14+$0x0], $0xffff;
	[tilespmem:s10+$0x70] =	vst v26  }
0xf8: {  	v11 =	vor.u32 v6, v37;
	v24 =	vld.idx.msk [tilespmem:v24+s14+$0x0], $0xffff;
	[tilespmem:s10+$0x60] =	vst v30  }
0xf9: {  	v10 =	vor.u32 v7, v37;
	s9 =	sadd.s32 $0xFFFFFF80, s1;
	v26 =	vld.idx.msk [tilespmem:v34+s14+$0x0], $0xffff  }
0xfa: {  	s9 =	sand.u32 $0x300, s9;
	[tilespmem:s10+$0x10] =	vst v23;
	v23 =	vld.idx.msk [tilespmem:v22+s14+$0x0], $0xffff  }
0xfb: {  	s20 =	sor.u32 s9, s30;
	v30 =	vld.idx.msk [tilespmem:v19+s14+$0x0], $0xffff;
	[tilespmem:s10+$0x0] =	vst v35  }
0xfc: {  	v34 =	vld.idx.msk [tilespmem:v20+s14+$0x0], $0xffff;
	[tilespmem:s10+$0x40] =	vst v33  }
0xfd: {  	v29 =	vld.idx.msk [tilespmem:v29+s14+$0x0], $0xffff;
	[tilespmem:s20+$0x70] =	vst v28  }
0xfe: {  	v28 =	vld.idx.msk [tilespmem:v32+s14+$0x0], $0xffff;
	[tilespmem:s20+$0x30] =	vst v21  }
0xff: {  	v27 =	vld.idx.msk [tilespmem:v27+s14+$0x0], $0xffff;
	[tilespmem:s20+$0x40] =	vst v24  }
0x100: {  	v24 =	vld.idx.msk [tilespmem:v18+s14+$0x0], $0xffff;
	[tilespmem:s10+$0x30] =	vst v26  }
0x101: {  	v22 =	vld.idx.msk [tilespmem:v31+s14+$0x0], $0xffff;
	[tilespmem:s10+$0x50] =	vst v23  }
0x102: {  	v19 =	vld.idx.msk [tilespmem:v25+s14+$0x0], $0xffff;
	[tilespmem:s20+$0x60] =	vst v30  }
.Ltmp2:
0x103: {  	s9 =	sadd.s32 $0xFFFFFE80, s1;
	v20 =	vld.idx.msk [tilespmem:v17+s14+$0x0], $0xffff;
	[tilespmem:s20+$0x50] =	vst v34;
	(pc) =	sbr.rel @p0 .LBB2_7-.Ltmp2, $4  }
0x104: {  	s9 =	sand.u32 $0x200, s9;
	v21 =	vld.idx.msk [tilespmem:v16+s14+$0x0], $0xffff;
	[tilespmem:s20+$0x10] =	vst v29  }
0x105: {  	s23 =	sor.u32 s9, s30;
	v18 =	vld.idx.msk [tilespmem:v38+s14+$0x0], $0xffff;
	[tilespmem:s20+$0x20] =	vst v28  }
0x106: {  	[tilespmem:s23+$0x10] =	vst v27;
	v17 =	vld.idx.msk [tilespmem:v39+s14+$0x0], $0xffff  }
0x107: {  	s6 =	sadd.s32 $0x4, s6;
	s8 =	sadd.s32 $0x800, s8;
	s1 =	sadd.s32 $0x200, s1;
	[tilespmem:s23+$0x20] =	vst v24;
	v16 =	vld.idx.msk [tilespmem:v40+s14+$0x0], $0xffff  }
0x108: {  	_ = 	snop  }
0x109: {  	[tilespmem:s23+$0x30] =	vst v22  }
0x10a: {  	[tilespmem:s20+$0x0] =	vst v8  }
0x10b: {  	[tilespmem:s23+$0x40] =	vst v19  }
0x10c: {  	v9 =	vld.idx.msk [tilespmem:v9+s14+$0x0], $0xffff;
	[tilespmem:s23+$0x50] =	vst v20;
	s0 =	sadd.s32 $0xFFFFFF00, s29  }
0x10d: {  	v8 =	vld.idx.msk [tilespmem:v15+s14+$0x0], $0xffff;
	[tilespmem:s23+$0x60] =	vst v21;
	s0 =	sand.u32 $0x280, s0  }
0x10e: {  	v13 =	vld.idx.msk [tilespmem:v13+s14+$0x0], $0xffff;
	[tilespmem:s23+$0x70] =	vst v18;
	s0 =	sor.u32 s0, s30  }
0x10f: {  	v14 =	vld.idx.msk [tilespmem:v14+s14+$0x0], $0xffff;
	[tilespmem:s0+$0x0] =	vst v17  }
0x110: {  	v10 =	vld.idx.msk [tilespmem:v10+s14+$0x0], $0xffff;
	[tilespmem:s0+$0x10] =	vst v16  }
0x111: {  	v11 =	vld.idx.msk [tilespmem:v11+s14+$0x0], $0xffff;
	[tilespmem:s23+$0x0] =	vst v9  }
0x112: {  	s29 =	sshll.u32 s28, $0x1;
	v9 =	vld.idx.msk [tilespmem:v12+s14+$0x0], $0xffff;
	[tilespmem:s0+$0x20] =	vst v8  }
0x113: {  	s1 =	sadd.s32 s4, s29;
	[tilespmem:s0+$0x30] =	vst v13  }
0x114: {  	s6 =	sshll.u32 s1, $0x7;
	[tilespmem:s0+$0x40] =	vst v14  }
0x115: {  	s1 =	sshll.u32 s1, $0x9;
	s6 =	sand.u32 $0x3F00, s6;
	[tilespmem:s0+$0x70] =	vst v10  }
0x116: {  	s9 =	sshll.u32 s28, $0x8;
	s1 =	sand.u32 $0xFFF0000, s1;
	s6 =	sadd.s32 s2, s6;
	[tilespmem:s0+$0x60] =	vst v11  }
0x117: {  	s10 =	simm.s32 $0x3;
	s30 =	sand.u32 $0x3FFFFF00, s9;
	s8 =	sadd.s32 s1, s6;
	[tilespmem:s0+$0x50] =	vst v9  }
0x118: {  	v8 =	vmov s10;
	[hbm4b:s8+s17] =	stream.strided.scatter [tilespmem:s19], [sflag:$0x3], $0x1000, s18, s17, $0x38;
	[tilespmem:$0x7400] =	vst v63  }
0x119: {  	v8 =	vand.u32 $0x1F, v8;
	s0 =	sadd.s32 $0x100, s30  }
0x11a: {  	v8 =	vbroadcast v8, $0x0;
	[tilespmem:s14], [sflag:$0x1] =	stream.indirect.gather [hbm4b:s5+s13], $0x20, s0, s13, $0xb8;
	[tilespmem:$0x7400] =	vst v63  }
0x11b: {  	_ =	swait.ge [sflag:s21], $0x1000  }
0x11c: {  	v9 =	vor.u32 v1, v8;
	[sflag:s21] =	ssyncset.done $0x0  }
0x11d: {  	s11 =	simm.s32 $0x2;
	v10 =	vor.u32 v3, v8;
	[sflag:s21] =	ssyncadd.s32 $0xFFFFF000  }
0x11e: {  	v11 =	vmov s11;
	v12 =	vor.u32 v7, v8;
	_ =	swait.ge [sflag:s24], $0x1000  }
0x11f: {  	v11 =	vand.u32 $0x1E, v11;
	v13 =	vor.u32 v2, v8;
	[sflag:s24] =	ssyncset.done $0x0  }
0x120: {  	v11 =	vbroadcast v11, $0x0;
	v14 =	vor.u32 v6, v8;
	[sflag:s24] =	ssyncadd.s32 $0xFFFFF000  }
0x121: {  	v15 =	vor.u32 v5, v8;
	v9 =	vld.idx.msk [tilespmem:v9+s15+$0x0], $0xffff  }
0x122: {  	v16 =	vor.u32 v7, v11;
	v10 =	vld.idx.msk [tilespmem:v10+s15+$0x0], $0xffff  }
0x123: {  	s20 =	simm.s32 $0x0;
	v17 =	vor.u32 v3, v11;
	v12 =	vld.idx.msk [tilespmem:v12+s15+$0x0], $0xffff  }
0x124: {  	s23 =	simm.s32 $0x180;
	v18 =	vor.u32 v0, v8;
	s0 =	sand.u32 $0xC00, s20;
	v13 =	vld.idx.msk [tilespmem:v13+s15+$0x0], $0xffff  }
0x125: {  	v8 =	vor.u32 v4, v8;
	s8 =	sand.u32 $0x380, s23;
	s31 =	sadd.s32 $0x5400, s0;
	v14 =	vld.idx.msk [tilespmem:v14+s15+$0x0], $0xffff  }
0x126: {  	s3 =	simm.s32 $0x0;
	v19 =	vor.u32 v5, v11;
	s9 =	sor.u32 s8, s31;
	v15 =	vld.idx.msk [tilespmem:v15+s15+$0x0], $0xffff  }
0x127: {  	v20 =	vmov s3;
	v61 =	vor.u32 v6, v11;
	v16 =	vld.idx.msk [tilespmem:v16+s15+$0x0], $0xffff;
	[tilespmem:s9+$0x1010] =	vst v9  }
0x128: {  	v17 =	vld.idx.msk [tilespmem:v17+s15+$0x0], $0xffff;
	v9 =	vand.u32 $0x1C, v20;
	v20 =	vor.u32 v1, v11;
	[tilespmem:s9+$0x1030] =	vst v10  }
0x129: {  	v18 =	vld.idx.msk [tilespmem:v18+s15+$0x0], $0xffff;
	v10 =	vor.u32 v0, v11;
	[tilespmem:s9+$0x1070] =	vst v12;
	v9 =	vbroadcast v9, $0x0  }
0x12a: {  	s6 =	simm.s32 $0x100;
	v8 =	vld.idx.msk [tilespmem:v8+s15+$0x0], $0xffff;
	v12 =	vor.u32 v2, v11;
	[tilespmem:s9+$0x1020] =	vst v13  }
0x12b: {  	s10 =	sand.u32 $0x300, s6;
	v19 =	vld.idx.msk [tilespmem:v19+s15+$0x0], $0xffff;
	[tilespmem:s9+$0x1060] =	vst v14;
	v13 =	vor.u32 v0, v9  }
0x12c: {  	s1 =	sor.u32 s10, s31;
	v21 =	vld.idx.msk [tilespmem:v61+s15+$0x0], $0xffff;
	[tilespmem:s9+$0x1050] =	vst v15;
	v14 =	vor.u32 v1, v9  }
0x12d: {  	s6 =	sadd.s32 $0x6400, s0;
	[tilespmem:s1+$0x1070] =	vst v16;
	v15 =	vor.u32 v2, v9;
	v20 =	vld.idx.msk [tilespmem:v20+s15+$0x0], $0xffff  }
0x12e: {  	s7 =	simm.s32 $0x1;
	s8 =	sor.u32 s8, s6;
	[tilespmem:s1+$0x1030] =	vst v17;
	v16 =	vor.u32 v3, v9;
	v10 =	vld.idx.msk [tilespmem:v10+s15+$0x0], $0xffff  }
0x12f: {  	v62 =	vmov s7;
	[tilespmem:s8+$0x0] =	vst v18;
	v17 =	vor.u32 v4, v9;
	v12 =	vld.idx.msk [tilespmem:v12+s15+$0x0], $0xffff  }
0x130: {  	v22 =	vand.u32 $0x1D, v62;
	[tilespmem:s9+$0x1040] =	vst v8;
	v18 =	vor.u32 v5, v9;
	v13 =	vld.idx.msk [tilespmem:v13+s15+$0x0], $0xffff  }
0x131: {  	v22 =	vbroadcast v22, $0x0;
	[tilespmem:s1+$0x1050] =	vst v19;
	v8 =	vor.u32 v6, v9;
	v14 =	vld.idx.msk [tilespmem:v14+s15+$0x0], $0xffff  }
0x132: {  	[tilespmem:s1+$0x1060] =	vst v21;
	v9 =	vor.u32 v7, v9;
	v15 =	vld.idx.msk [tilespmem:v15+s15+$0x0], $0xffff  }
0x133: {  	v63 =	vor.u32 v0, v22;
	s11 =	simm.s32 $0x0;
	s20 =	sor.u32 s10, s6;
	v23 =	vld.idx.msk [tilespmem:v16+s15+$0x0], $0xffff;
	[tilespmem:s1+$0x1010] =	vst v20  }
0x134: {  	v25 =	vor.u32 v2, v22;
	s0 =	sand.u32 $0x200, s11;
	v24 =	vld.idx.msk [tilespmem:v17+s15+$0x0], $0xffff;
	[tilespmem:s20+$0x0] =	vst v10  }
0x135: {  	s23 =	sor.u32 s0, s6;
	v18 =	vld.idx.msk [tilespmem:v18+s15+$0x0], $0xffff;
	v20 =	vor.u32 v1, v22;
	[tilespmem:s1+$0x1020] =	vst v12  }
0x136: {  	s9 =	sor.u32 s0, s31;
	v19 =	vld.idx.msk [tilespmem:v8+s15+$0x0], $0xffff;
	v12 =	vor.u32 v4, v22;
	[tilespmem:s23+$0x0] =	vst v13  }
0x137: {  	v17 =	vld.idx.msk [tilespmem:v9+s15+$0x0], $0xffff;
	[tilespmem:s9+$0x1010] =	vst v14;
	v13 =	vor.u32 v6, v22  }
0x138: {  	v9 =	vor.u32 v3, v22;
	v16 =	vld.idx.msk [tilespmem:v63+s15+$0x0], $0xffff;
	[tilespmem:s9+$0x1020] =	vst v15  }
0x139: {  	s10 =	simm.s32 $0x80;
	s0 =	simm.s32 $0x0;
	v10 =	vor.u32 v5, v22;
	[tilespmem:s9+$0x1030] =	vst v23;
	v15 =	vld.idx.msk [tilespmem:v25+s15+$0x0], $0xffff  }
0x13a: {  	s8 =	simm.s32 $0x380;
	v8 =	vor.u32 v4, v11;
	v11 =	vor.u32 v7, v22;
	s20 =	simm.s32 $0x800;
	[tilespmem:s9+$0x1040] =	vst v24;
	s23 =	simm.s32 $0x7;
	v14 =	vld.idx.msk [tilespmem:v20+s15+$0x0], $0xffff  }
.LBB2_9:
0x13b: {  	s11 =	sadd.s32 $0xFFFFFFFD, s23;
	s7 =	sadd.s32 $0xFFFFFFFF, s23;
	v20 =	vmov s23;
	s0 =	sadd.s32 $0x20, s0;
	[tilespmem:s9+$0x1050] =	vst v18;
	v12 =	vld.idx.msk [tilespmem:v12+s15+$0x0], $0xffff  }
0x13c: {  	v18 =	vmov s11;
	v21 =	vmov s7;
	v20 =	vand.u32 $0x1F, v20;
	p0 =	slt.u32 s0, $0xE0;
	[tilespmem:s9+$0x1060] =	vst v19;
	s7 =	sand.u32 $0x280, s10;
	v13 =	vld.idx.msk [tilespmem:v13+s15+$0x0], $0xffff  }
0x13d: {  	v18 =	vand.u32 $0x1C, v18;
	v19 =	vand.u32 $0x1E, v21;
	v20 =	vbroadcast v20, $0x0;
	[tilespmem:s9+$0x1070] =	vst v17;
	s6 =	sor.u32 s7, s6;
	v9 =	vld.idx.msk [tilespmem:v9+s15+$0x0], $0xffff  }
0x13e: {  	v17 =	vbroadcast v18, $0x0;
	v18 =	vbroadcast v19, $0x0;
	[tilespmem:s6+$0x0] =	vst v16;
	v10 =	vld.idx.msk [tilespmem:v10+s15+$0x0], $0xffff  }
0x13f: {  	v16 =	vor.u32 v1, v20;
	v19 =	vor.u32 v2, v20;
	v21 =	vor.u32 v3, v20;
	v22 =	vld.idx.msk [tilespmem:v8+s15+$0x0], $0xffff  }
0x140: {  	s7 =	sor.u32 s7, s31;
	v24 =	vor.u32 v5, v20;
	v23 =	vor.u32 v0, v17;
	v8 =	vor.u32 v4, v18;
	v11 =	vld.idx.msk [tilespmem:v11+s15+$0x0], $0xffff  }
0x141: {  	v27 =	vor.u32 v7, v20;
	v25 =	vor.u32 v1, v17;
	v26 =	vor.u32 v0, v18;
	[tilespmem:s7+$0x1010] =	vst v14  }
0x142: {  	v29 =	vor.u32 v0, v20;
	v28 =	vor.u32 v1, v18;
	v14 =	vor.u32 v2, v17;
	[tilespmem:s7+$0x1020] =	vst v15  }
0x143: {  	s6 =	sadd.s32 $0xFFFFFFFE, s23;
	v31 =	vor.u32 v6, v20;
	v30 =	vor.u32 v2, v18;
	v15 =	vor.u32 v3, v17;
	[tilespmem:s7+$0x1030] =	vst v9  }
0x144: {  	v32 =	vor.u32 v4, v17;
	v33 =	vor.u32 v7, v18;
	v9 =	vmov s6;
	v16 =	vld.idx.msk [tilespmem:v16+s15+$0x0], $0xffff;
	[tilespmem:s7+$0x1050] =	vst v10  }
0x145: {  	v34 =	vor.u32 v5, v17;
	v9 =	vand.u32 $0x1D, v9;
	v10 =	vor.u32 v3, v18;
	v21 =	vld.idx.msk [tilespmem:v21+s15+$0x0], $0xffff;
	[tilespmem:s1+$0x1040] =	vst v22  }
0x146: {  	v20 =	vor.u32 v4, v20;
	s1 =	sshrl.u32 s20, $0x2;
	v22 =	vor.u32 v6, v17;
	v35 =	vbroadcast v9, $0x0;
	v27 =	vld.idx.msk [tilespmem:v27+s15+$0x0], $0xffff;
	[tilespmem:s7+$0x1070] =	vst v11  }
0x147: {  	v36 =	vor.u32 v6, v18;
	v17 =	vor.u32 v7, v17;
	s1 =	sand.u32 $0xC00, s1;
	v11 =	vld.idx.msk [tilespmem:v19+s15+$0x0], $0xffff;
	[tilespmem:s7+$0x1040] =	vst v12  }
0x148: {  	s9 =	sand.u32 $0x380, s8;
	v18 =	vor.u32 v5, v18;
	s31 =	sadd.s32 $0x5400, s1;
	s6 =	sadd.s32 $0x6400, s1;
	v37 =	vor.u32 v0, v35;
	v19 =	vld.idx.msk [tilespmem:v31+s15+$0x0], $0xffff;
	[tilespmem:s7+$0x1060] =	vst v13  }
0x149: {  	v31 =	vor.u32 v1, v35;
	s7 =	sor.u32 s9, s31;
	v24 =	vld.idx.msk [tilespmem:v24+s15+$0x0], $0xffff  }
0x14a: {  	v38 =	vor.u32 v2, v35;
	s1 =	sadd.s32 $0xFFFFFF80, s8;
	v33 =	vld.idx.msk [tilespmem:v33+s15+$0x0], $0xffff;
	[tilespmem:s7+$0x1010] =	vst v16  }
0x14b: {  	v9 =	vor.u32 v3, v35;
	s10 =	sand.u32 $0x300, s1;
	v16 =	vld.idx.msk [tilespmem:v10+s15+$0x0], $0xffff;
	[tilespmem:s7+$0x1030] =	vst v21  }
0x14c: {  	v12 =	vor.u32 v4, v35;
	s1 =	sor.u32 s10, s31;
	v21 =	vld.idx.msk [tilespmem:v29+s15+$0x0], $0xffff;
	[tilespmem:s7+$0x1070] =	vst v27  }
0x14d: {  	s11 =	sor.u32 s9, s6;
	v10 =	vor.u32 v5, v35;
	[tilespmem:s7+$0x1020] =	vst v11;
	v20 =	vld.idx.msk [tilespmem:v20+s15+$0x0], $0xffff  }
0x14e: {  	v13 =	vor.u32 v6, v35;
	v18 =	vld.idx.msk [tilespmem:v18+s15+$0x0], $0xffff;
	[tilespmem:s7+$0x1060] =	vst v19  }
0x14f: {  	s9 =	sadd.s32 $0xFFFFFE80, s8;
	v11 =	vor.u32 v7, v35;
	v19 =	vld.idx.msk [tilespmem:v36+s15+$0x0], $0xffff;
	[tilespmem:s7+$0x1050] =	vst v24  }
0x150: {  	s9 =	sand.u32 $0x200, s9;
	s10 =	sor.u32 s10, s6;
	v24 =	vld.idx.msk [tilespmem:v28+s15+$0x0], $0xffff;
	[tilespmem:s1+$0x1070] =	vst v33  }
0x151: {  	s3 =	sor.u32 s9, s6;
	v26 =	vld.idx.msk [tilespmem:v26+s15+$0x0], $0xffff;
	[tilespmem:s1+$0x1030] =	vst v16  }
0x152: {  	s9 =	sor.u32 s9, s31;
	v16 =	vld.idx.msk [tilespmem:v30+s15+$0x0], $0xffff;
	[tilespmem:s11+$0x0] =	vst v21  }
0x153: {  	v21 =	vld.idx.msk [tilespmem:v23+s15+$0x0], $0xffff;
	[tilespmem:s7+$0x1040] =	vst v20  }
0x154: {  	v20 =	vld.idx.msk [tilespmem:v25+s15+$0x0], $0xffff;
	[tilespmem:s1+$0x1050] =	vst v18  }
0x155: {  	v14 =	vld.idx.msk [tilespmem:v14+s15+$0x0], $0xffff;
	[tilespmem:s1+$0x1060] =	vst v19  }
0x156: {  	v15 =	vld.idx.msk [tilespmem:v15+s15+$0x0], $0xffff;
	[tilespmem:s1+$0x1010] =	vst v24  }
0x157: {  	v23 =	vld.idx.msk [tilespmem:v32+s15+$0x0], $0xffff;
	[tilespmem:s10+$0x0] =	vst v26  }
0x158: {  	v18 =	vld.idx.msk [tilespmem:v34+s15+$0x0], $0xffff;
	[tilespmem:s1+$0x1020] =	vst v16  }
.Ltmp3:
0x159: {  	[tilespmem:s3+$0x0] =	vst v21;
	v19 =	vld.idx.msk [tilespmem:v22+s15+$0x0], $0xffff;
	(pc) =	sbr.rel @p0 .LBB2_9-.Ltmp3, $4  }
0x15a: {  	[tilespmem:s9+$0x1010] =	vst v20;
	v17 =	vld.idx.msk [tilespmem:v17+s15+$0x0], $0xffff  }
0x15b: {  	[tilespmem:s9+$0x1020] =	vst v14;
	v16 =	vld.idx.msk [tilespmem:v37+s15+$0x0], $0xffff  }
0x15c: {  	s20 =	sadd.s32 $0x800, s20;
	[tilespmem:s9+$0x1030] =	vst v15;
	v14 =	vld.idx.msk [tilespmem:v31+s15+$0x0], $0xffff  }
0x15d: {  	s23 =	sadd.s32 $0x4, s23;
	s10 =	sadd.s32 $0xFFFFFF00, s8;
	s8 =	sadd.s32 $0x200, s8;
	[tilespmem:s9+$0x1040] =	vst v23;
	v15 =	vld.idx.msk [tilespmem:v38+s15+$0x0], $0xffff  }
0x15e: {  	_ =	sdelay $0x2  }
0x15f: {  	[tilespmem:s9+$0x1050] =	vst v18  }
0x160: {  	[tilespmem:s9+$0x1060] =	vst v19;
	s0 =	sand.u32 $0x280, s10;
	v9 =	vld.idx.msk [tilespmem:v9+s15+$0x0], $0xffff  }
0x161: {  	v10 =	vld.idx.msk [tilespmem:v10+s15+$0x0], $0xffff;
	[tilespmem:s9+$0x1070] =	vst v17;
	s3 =	sor.u32 s0, s6  }
0x162: {  	v8 =	vld.idx.msk [tilespmem:v8+s15+$0x0], $0xffff;
	s0 =	sor.u32 s0, s31;
	[tilespmem:s3+$0x0] =	vst v16  }
0x163: {  	v11 =	vld.idx.msk [tilespmem:v11+s15+$0x0], $0xffff;
	[tilespmem:s0+$0x1010] =	vst v14  }
0x164: {  	v12 =	vld.idx.msk [tilespmem:v12+s15+$0x0], $0xffff;
	[tilespmem:s0+$0x1020] =	vst v15  }
0x165: {  	v13 =	vld.idx.msk [tilespmem:v13+s15+$0x0], $0xffff;
	s20 =	sadd.s32 s29, s4;
	[tilespmem:s0+$0x1030] =	vst v9  }
0x166: {  	s3 =	sadd.s32 $0x1, s20;
	[tilespmem:s0+$0x1050] =	vst v10  }
0x167: {  	s28 =	sadd.s32 $0x1, s28;
	s23 =	sshll.u32 s3, $0x7;
	[tilespmem:s1+$0x1040] =	vst v8  }
0x168: {  	p0 =	sne.s32 s28, $0x33;
	s3 =	sshll.u32 s3, $0x9;
	[tilespmem:s0+$0x1070] =	vst v11;
	s1 =	sand.u32 $0x3F80, s23  }
.Ltmp4:
0x169: {  	s3 =	sand.u32 $0xFFF0000, s3;
	[tilespmem:s0+$0x1040] =	vst v12;
	s1 =	sadd.s32 s2, s1;
	(pc) =	sbr.rel @p0 .LBB2_6-.Ltmp4, $4  }
0x16a: {  	[tilespmem:s0+$0x1060] =	vst v13;
	s29 =	sadd.s32 s3, s1  }
0x16b: {  	[hbm4b:s29+s17] =	stream.strided.scatter [tilespmem:s22], [sflag:$0x4], $0x1000, s18, s17, $0x38;
	[tilespmem:$0x7400] =	vst v63  }
0x16c: {  	s31 =	sadd.s32 $0x180, s30  }
0x16d: {  	[tilespmem:s15], [sflag:$0x2] =	stream.indirect.gather [hbm4b:s5+s13], $0x20, s31, s13, $0xb8;
	[tilespmem:$0x7400] =	vst v63  }
0x16e: {  	s0 =	simm.s32 $0x3  }
0x16f: {  	v8 =	vmov s0  }
0x170: {  	s1 =	simm.s32 $0x2;
	v8 =	vand.u32 $0x1F, v8  }
0x171: {  	v9 =	vmov s1;
	v10 =	vbroadcast v8, $0x0  }
0x172: {  	_ =	swait.ge [sflag:s16], $0x1000;
	v8 =	vand.u32 $0x1E, v9  }
0x173: {  	[sflag:s16] =	ssyncset.done $0x0;
	v9 =	vbroadcast v8, $0x0;
	v8 =	vor.u32 v2, v10  }
0x174: {  	[sflag:s16] =	ssyncadd.s32 $0xFFFFF000;
	v11 =	vor.u32 v7, v10  }
0x175: {  	_ =	swait.ge [sflag:s0], $0x1000;
	v13 =	vor.u32 v6, v10  }
0x176: {  	[sflag:s0] =	ssyncset.done $0x0;
	v15 =	vor.u32 v1, v10  }
0x177: {  	[sflag:s0] =	ssyncadd.s32 $0xFFFFF000;
	v17 =	vor.u32 v0, v10  }
0x178: {  	v18 =	vor.u32 v4, v10;
	v16 =	vld.idx.msk [tilespmem:v8+s14+$0x0], $0xffff  }
0x179: {  	v20 =	vor.u32 v3, v10;
	v10 =	vor.u32 v5, v10;
	v11 =	vld.idx.msk [tilespmem:v11+s14+$0x0], $0xffff  }
0x17a: {  	v12 =	vor.u32 v0, v9;
	v13 =	vld.idx.msk [tilespmem:v13+s14+$0x0], $0xffff  }
0x17b: {  	s11 =	simm.s32 $0x0;
	v14 =	vor.u32 v7, v9;
	v15 =	vld.idx.msk [tilespmem:v15+s14+$0x0], $0xffff  }
0x17c: {  	s0 =	sand.u32 $0x3000, s11;
	v23 =	vor.u32 v5, v9;
	v17 =	vld.idx.msk [tilespmem:v17+s14+$0x0], $0xffff  }
0x17d: {  	s28 =	simm.s32 $0x180;
	v19 =	vor.u32 v4, v9;
	s0 =	sshrl.u32 s0, $0x2;
	v18 =	vld.idx.msk [tilespmem:v18+s14+$0x0], $0xffff  }
0x17e: {  	s20 =	simm.s32 $0x0;
	s23 =	sand.u32 $0x380, s28;
	s29 =	sadd.s32 $0x5400, s0;
	v10 =	vld.idx.msk [tilespmem:v10+s14+$0x0], $0xffff  }
0x17f: {  	v21 =	vmov s20;
	s0 =	sor.u32 s23, s29;
	v8 =	vld.idx.msk [tilespmem:v12+s14+$0x0], $0xffff;
	v12 =	vor.u32 v3, v9  }
0x180: {  	v21 =	vand.u32 $0x1C, v21;
	v22 =	vor.u32 v6, v9;
	v14 =	vld.idx.msk [tilespmem:v14+s14+$0x0], $0xffff;
	[tilespmem:s0+$0x20] =	vst v16  }
0x181: {  	v23 =	vld.idx.msk [tilespmem:v23+s14+$0x0], $0xffff;
	v16 =	vbroadcast v21, $0x0;
	v21 =	vor.u32 v1, v9;
	[tilespmem:s0+$0x70] =	vst v11  }
0x182: {  	v11 =	vld.idx.msk [tilespmem:v19+s14+$0x0], $0xffff;
	v9 =	vor.u32 v2, v9;
	[tilespmem:s0+$0x60] =	vst v13  }
0x183: {  	v13 =	vld.idx.msk [tilespmem:v20+s14+$0x0], $0xffff;
	[tilespmem:s0+$0x10] =	vst v15;
	v19 =	vor.u32 v1, v16  }
0x184: {  	s30 =	simm.s32 $0x100;
	[tilespmem:s0+$0x0] =	vst v17;
	v12 =	vld.idx.msk [tilespmem:v12+s14+$0x0], $0xffff;
	v15 =	vor.u32 v2, v16  }
0x185: {  	s3 =	simm.s32 $0x1;
	s1 =	sand.u32 $0x300, s30;
	v20 =	vld.idx.msk [tilespmem:v22+s14+$0x0], $0xffff;
	[tilespmem:s0+$0x40] =	vst v18;
	v17 =	vor.u32 v3, v16  }
0x186: {  	s20 =	sor.u32 s1, s29;
	v22 =	vmov s3;
	[tilespmem:s0+$0x50] =	vst v10;
	v18 =	vor.u32 v4, v16;
	v24 =	vld.idx.msk [tilespmem:v21+s14+$0x0], $0xffff  }
0x187: {  	[tilespmem:s20+$0x70] =	vst v14;
	v14 =	vor.u32 v5, v16;
	v21 =	vand.u32 $0x1D, v22;
	v25 =	vld.idx.msk [tilespmem:v9+s14+$0x0], $0xffff  }
0x188: {  	[tilespmem:s20+$0x40] =	vst v11;
	v11 =	vor.u32 v7, v16;
	v26 =	vbroadcast v21, $0x0;
	v27 =	vld.idx.msk [tilespmem:v19+s14+$0x0], $0xffff  }
0x189: {  	[tilespmem:s20+$0x30] =	vst v12;
	v12 =	vor.u32 v6, v16;
	v28 =	vld.idx.msk [tilespmem:v15+s14+$0x0], $0xffff  }
0x18a: {  	[tilespmem:s20+$0x50] =	vst v23;
	v22 =	vld.idx.msk [tilespmem:v17+s14+$0x0], $0xffff;
	v29 =	vor.u32 v0, v26  }
0x18b: {  	[tilespmem:s0+$0x30] =	vst v13;
	v19 =	vld.idx.msk [tilespmem:v18+s14+$0x0], $0xffff;
	v30 =	vor.u32 v1, v26  }
0x18c: {  	s31 =	simm.s32 $0x0;
	[tilespmem:s20+$0x60] =	vst v20;
	v20 =	vld.idx.msk [tilespmem:v14+s14+$0x0], $0xffff;
	v15 =	vor.u32 v2, v26  }
0x18d: {  	v9 =	vor.u32 v0, v16;
	s0 =	sand.u32 $0x200, s31;
	[tilespmem:s20+$0x10] =	vst v24;
	v18 =	vld.idx.msk [tilespmem:v11+s14+$0x0], $0xffff  }
0x18e: {  	s23 =	sor.u32 s0, s29;
	v13 =	vor.u32 v3, v26;
	[tilespmem:s20+$0x20] =	vst v25;
	v21 =	vld.idx.msk [tilespmem:v12+s14+$0x0], $0xffff  }
0x18f: {  	s6 =	simm.s32 $0x7;
	v14 =	vor.u32 v4, v26;
	v10 =	vor.u32 v7, v26;
	[tilespmem:s23+$0x10] =	vst v27;
	v17 =	vld.idx.msk [tilespmem:v29+s14+$0x0], $0xffff  }
0x190: {  	s8 =	simm.s32 $0x800;
	s1 =	simm.s32 $0x380;
	s0 =	simm.s32 $0x0;
	v11 =	vor.u32 v6, v26;
	v12 =	vor.u32 v5, v26;
	[tilespmem:s23+$0x20] =	vst v28;
	v16 =	vld.idx.msk [tilespmem:v30+s14+$0x0], $0xffff  }
.LBB2_12:
0x191: {  	s3 =	sadd.s32 $0xFFFFFFFD, s6;
	s7 =	sadd.s32 $0xFFFFFFFF, s6;
	v23 =	vmov s6;
	s0 =	sadd.s32 $0x20, s0;
	[tilespmem:s23+$0x30] =	vst v22;
	v15 =	vld.idx.msk [tilespmem:v15+s14+$0x0], $0xffff  }
0x192: {  	v22 =	vmov s3;
	v24 =	vmov s7;
	v23 =	vand.u32 $0x1F, v23;
	p0 =	slt.u32 s0, $0xE0;
	v25 =	vld.idx.msk [tilespmem:v9+s14+$0x0], $0xffff;
	[tilespmem:s20+$0x0] =	vst v8  }
0x193: {  	v8 =	vand.u32 $0x1C, v22;
	v9 =	vand.u32 $0x1E, v24;
	v22 =	vbroadcast v23, $0x0;
	[tilespmem:s23+$0x40] =	vst v19;
	v13 =	vld.idx.msk [tilespmem:v13+s14+$0x0], $0xffff  }
0x194: {  	v19 =	vbroadcast v9, $0x0;
	[tilespmem:s23+$0x50] =	vst v20;
	v14 =	vld.idx.msk [tilespmem:v14+s14+$0x0], $0xffff  }
0x195: {  	v20 =	vbroadcast v8, $0x0;
	v23 =	vor.u32 v1, v22;
	v8 =	vor.u32 v2, v22;
	[tilespmem:s23+$0x60] =	vst v21;
	v12 =	vld.idx.msk [tilespmem:v12+s14+$0x0], $0xffff  }
0x196: {  	v26 =	vor.u32 v7, v22;
	v21 =	vor.u32 v0, v19;
	v24 =	vor.u32 v4, v19;
	v11 =	vld.idx.msk [tilespmem:v11+s14+$0x0], $0xffff  }
0x197: {  	s3 =	sadd.s32 $0xFFFFFF00, s28;
	s28 =	smov.u32 s1;
	v9 =	vor.u32 v0, v20;
	v27 =	vor.u32 v1, v20;
	v28 =	vor.u32 v7, v19;
	[tilespmem:s23+$0x70] =	vst v18  }
0x198: {  	s3 =	sand.u32 $0x280, s3;
	v30 =	vor.u32 v6, v22;
	v29 =	vor.u32 v1, v19;
	v18 =	vor.u32 v2, v20;
	v10 =	vld.idx.msk [tilespmem:v10+s14+$0x0], $0xffff  }
0x199: {  	s7 =	sadd.s32 $0xFFFFFFFE, s6;
	s3 =	sor.u32 s3, s29;
	v33 =	vor.u32 v4, v22;
	v31 =	vor.u32 v3, v20;
	v32 =	vor.u32 v2, v19;
	[tilespmem:s23+$0x0] =	vst v25  }
0x19a: {  	v34 =	vmov s7;
	v35 =	vor.u32 v0, v22;
	v25 =	vor.u32 v4, v20;
	v36 =	vld.idx.msk [tilespmem:v8+s14+$0x0], $0xffff;
	[tilespmem:s3+$0x0] =	vst v17  }
0x19b: {  	v17 =	vor.u32 v5, v20;
	v8 =	vand.u32 $0x1D, v34;
	v34 =	vor.u32 v3, v22;
	v26 =	vld.idx.msk [tilespmem:v26+s14+$0x0], $0xffff;
	[tilespmem:s3+$0x10] =	vst v16  }
0x19c: {  	s7 =	sand.u32 $0x3000, s8;
	v16 =	vor.u32 v6, v20;
	v37 =	vbroadcast v8, $0x0;
	v8 =	vld.idx.msk [tilespmem:v21+s14+$0x0], $0xffff;
	v21 =	vor.u32 v3, v19;
	[tilespmem:s3+$0x20] =	vst v15  }
0x19d: {  	s7 =	sshrl.u32 s7, $0x2;
	v38 =	vor.u32 v7, v20;
	v20 =	vor.u32 v5, v19;
	v19 =	vor.u32 v6, v19;
	[tilespmem:s3+$0x30] =	vst v13  }
0x19e: {  	s29 =	sadd.s32 $0x5400, s7;
	s7 =	sand.u32 $0x380, s1;
	v22 =	vor.u32 v5, v22;
	v39 =	vor.u32 v0, v37;
	v30 =	vld.idx.msk [tilespmem:v30+s14+$0x0], $0xffff;
	[tilespmem:s3+$0x40] =	vst v14  }
0x19f: {  	s7 =	sor.u32 s7, s29;
	v40 =	vor.u32 v1, v37;
	v28 =	vld.idx.msk [tilespmem:v28+s14+$0x0], $0xffff;
	[tilespmem:s3+$0x50] =	vst v12  }
0x1a0: {  	v15 =	vor.u32 v2, v37;
	v23 =	vld.idx.msk [tilespmem:v23+s14+$0x0], $0xffff;
	[tilespmem:s3+$0x70] =	vst v10  }
0x1a1: {  	v13 =	vor.u32 v3, v37;
	v35 =	vld.idx.msk [tilespmem:v35+s14+$0x0], $0xffff;
	[tilespmem:s3+$0x60] =	vst v11  }
0x1a2: {  	v14 =	vor.u32 v4, v37;
	[tilespmem:s7+$0x20] =	vst v36;
	v33 =	vld.idx.msk [tilespmem:v33+s14+$0x0], $0xffff  }
0x1a3: {  	v12 =	vor.u32 v5, v37;
	v21 =	vld.idx.msk [tilespmem:v21+s14+$0x0], $0xffff;
	[tilespmem:s7+$0x70] =	vst v26  }
0x1a4: {  	v11 =	vor.u32 v6, v37;
	v24 =	vld.idx.msk [tilespmem:v24+s14+$0x0], $0xffff;
	[tilespmem:s7+$0x60] =	vst v30  }
0x1a5: {  	v10 =	vor.u32 v7, v37;
	s3 =	sadd.s32 $0xFFFFFF80, s1;
	v26 =	vld.idx.msk [tilespmem:v34+s14+$0x0], $0xffff  }
0x1a6: {  	s3 =	sand.u32 $0x300, s3;
	[tilespmem:s7+$0x10] =	vst v23;
	v23 =	vld.idx.msk [tilespmem:v22+s14+$0x0], $0xffff  }
0x1a7: {  	s20 =	sor.u32 s3, s29;
	v30 =	vld.idx.msk [tilespmem:v19+s14+$0x0], $0xffff;
	[tilespmem:s7+$0x0] =	vst v35  }
0x1a8: {  	v34 =	vld.idx.msk [tilespmem:v20+s14+$0x0], $0xffff;
	[tilespmem:s7+$0x40] =	vst v33  }
0x1a9: {  	v29 =	vld.idx.msk [tilespmem:v29+s14+$0x0], $0xffff;
	[tilespmem:s20+$0x70] =	vst v28  }
0x1aa: {  	v28 =	vld.idx.msk [tilespmem:v32+s14+$0x0], $0xffff;
	[tilespmem:s20+$0x30] =	vst v21  }
0x1ab: {  	v27 =	vld.idx.msk [tilespmem:v27+s14+$0x0], $0xffff;
	[tilespmem:s20+$0x40] =	vst v24  }
0x1ac: {  	v24 =	vld.idx.msk [tilespmem:v18+s14+$0x0], $0xffff;
	[tilespmem:s7+$0x30] =	vst v26  }
0x1ad: {  	v22 =	vld.idx.msk [tilespmem:v31+s14+$0x0], $0xffff;
	[tilespmem:s7+$0x50] =	vst v23  }
0x1ae: {  	v19 =	vld.idx.msk [tilespmem:v25+s14+$0x0], $0xffff;
	[tilespmem:s20+$0x60] =	vst v30  }
.Ltmp5:
0x1af: {  	s3 =	sadd.s32 $0xFFFFFE80, s1;
	v20 =	vld.idx.msk [tilespmem:v17+s14+$0x0], $0xffff;
	[tilespmem:s20+$0x50] =	vst v34;
	(pc) =	sbr.rel @p0 .LBB2_12-.Ltmp5, $4  }
0x1b0: {  	s3 =	sand.u32 $0x200, s3;
	v21 =	vld.idx.msk [tilespmem:v16+s14+$0x0], $0xffff;
	[tilespmem:s20+$0x10] =	vst v29  }
0x1b1: {  	s23 =	sor.u32 s3, s29;
	v18 =	vld.idx.msk [tilespmem:v38+s14+$0x0], $0xffff;
	[tilespmem:s20+$0x20] =	vst v28  }
0x1b2: {  	[tilespmem:s23+$0x10] =	vst v27;
	v17 =	vld.idx.msk [tilespmem:v39+s14+$0x0], $0xffff  }
0x1b3: {  	s6 =	sadd.s32 $0x4, s6;
	s8 =	sadd.s32 $0x800, s8;
	s1 =	sadd.s32 $0x200, s1;
	[tilespmem:s23+$0x20] =	vst v24;
	v16 =	vld.idx.msk [tilespmem:v40+s14+$0x0], $0xffff  }
0x1b4: {  	_ = 	snop  }
0x1b5: {  	[tilespmem:s23+$0x30] =	vst v22  }
0x1b6: {  	[tilespmem:s20+$0x0] =	vst v8  }
0x1b7: {  	[tilespmem:s23+$0x40] =	vst v19  }
0x1b8: {  	v9 =	vld.idx.msk [tilespmem:v9+s14+$0x0], $0xffff;
	[tilespmem:s23+$0x50] =	vst v20;
	s0 =	sadd.s32 $0xFFFFFF00, s28  }
0x1b9: {  	v8 =	vld.idx.msk [tilespmem:v15+s14+$0x0], $0xffff;
	[tilespmem:s23+$0x60] =	vst v21;
	s0 =	sand.u32 $0x280, s0  }
0x1ba: {  	v13 =	vld.idx.msk [tilespmem:v13+s14+$0x0], $0xffff;
	[tilespmem:s23+$0x70] =	vst v18;
	s0 =	sor.u32 s0, s29  }
0x1bb: {  	v14 =	vld.idx.msk [tilespmem:v14+s14+$0x0], $0xffff;
	[tilespmem:s0+$0x0] =	vst v17  }
0x1bc: {  	v10 =	vld.idx.msk [tilespmem:v10+s14+$0x0], $0xffff;
	[tilespmem:s0+$0x10] =	vst v16  }
0x1bd: {  	v11 =	vld.idx.msk [tilespmem:v11+s14+$0x0], $0xffff;
	[tilespmem:s23+$0x0] =	vst v9  }
0x1be: {  	v9 =	vld.idx.msk [tilespmem:v12+s14+$0x0], $0xffff;
	[tilespmem:s0+$0x20] =	vst v8  }
0x1bf: {  	[tilespmem:s0+$0x30] =	vst v13  }
0x1c0: {  	[tilespmem:s0+$0x40] =	vst v14  }
0x1c1: {  	[tilespmem:s0+$0x70] =	vst v10  }
0x1c2: {  	s1 =	simm.s32 $0x3;
	[tilespmem:s0+$0x60] =	vst v11  }
0x1c3: {  	v8 =	vmov s1;
	[tilespmem:s0+$0x50] =	vst v9  }
0x1c4: {  	v8 =	vand.u32 $0x1F, v8;
	s0 =	rddreg [dreg:$0x6]  }
0x1c5: {  	v8 =	vbroadcast v8, $0x0;
	[hbm4b:s0+s17] =	stream.strided.scatter [tilespmem:s19], [sflag:$0x3], $0x1000, s18, s17, $0x38;
	[tilespmem:$0x7400] =	vst v63  }
0x1c6: {  	_ =	swait.ge [sflag:s21], $0x1000  }
0x1c7: {  	v9 =	vor.u32 v1, v8;
	[sflag:s21] =	ssyncset.done $0x0  }
0x1c8: {  	s8 =	simm.s32 $0x2;
	v10 =	vor.u32 v3, v8;
	[sflag:s21] =	ssyncadd.s32 $0xFFFFF000  }
0x1c9: {  	v11 =	vmov s8;
	v12 =	vor.u32 v7, v8;
	_ =	swait.ge [sflag:s24], $0x1000  }
0x1ca: {  	v11 =	vand.u32 $0x1E, v11;
	v13 =	vor.u32 v2, v8;
	[sflag:s24] =	ssyncset.done $0x0  }
0x1cb: {  	v11 =	vbroadcast v11, $0x0;
	v14 =	vor.u32 v6, v8;
	[sflag:s24] =	ssyncadd.s32 $0xFFFFF000  }
0x1cc: {  	v15 =	vor.u32 v5, v8;
	v9 =	vld.idx.msk [tilespmem:v9+s15+$0x0], $0xffff  }
0x1cd: {  	v16 =	vor.u32 v7, v11;
	v10 =	vld.idx.msk [tilespmem:v10+s15+$0x0], $0xffff  }
0x1ce: {  	s9 =	simm.s32 $0x0;
	v17 =	vor.u32 v3, v11;
	v12 =	vld.idx.msk [tilespmem:v12+s15+$0x0], $0xffff  }
0x1cf: {  	s10 =	simm.s32 $0x180;
	v18 =	vor.u32 v0, v8;
	s0 =	sand.u32 $0xC00, s9;
	v13 =	vld.idx.msk [tilespmem:v13+s15+$0x0], $0xffff  }
0x1d0: {  	s3 =	sand.u32 $0x380, s10;
	v8 =	vor.u32 v4, v8;
	s28 =	sadd.s32 $0x5400, s0;
	v14 =	vld.idx.msk [tilespmem:v14+s15+$0x0], $0xffff  }
0x1d1: {  	s11 =	simm.s32 $0x0;
	v19 =	vor.u32 v5, v11;
	s7 =	sor.u32 s3, s28;
	v15 =	vld.idx.msk [tilespmem:v15+s15+$0x0], $0xffff  }
0x1d2: {  	v20 =	vmov s11;
	v61 =	vor.u32 v6, v11;
	v16 =	vld.idx.msk [tilespmem:v16+s15+$0x0], $0xffff;
	[tilespmem:s7+$0x1010] =	vst v9  }
0x1d3: {  	v17 =	vld.idx.msk [tilespmem:v17+s15+$0x0], $0xffff;
	v9 =	vand.u32 $0x1C, v20;
	v20 =	vor.u32 v1, v11;
	[tilespmem:s7+$0x1030] =	vst v10  }
0x1d4: {  	v18 =	vld.idx.msk [tilespmem:v18+s15+$0x0], $0xffff;
	v10 =	vor.u32 v0, v11;
	[tilespmem:s7+$0x1070] =	vst v12;
	v9 =	vbroadcast v9, $0x0  }
0x1d5: {  	s20 =	simm.s32 $0x100;
	v8 =	vld.idx.msk [tilespmem:v8+s15+$0x0], $0xffff;
	v12 =	vor.u32 v2, v11;
	[tilespmem:s7+$0x1020] =	vst v13  }
0x1d6: {  	s8 =	sand.u32 $0x300, s20;
	v19 =	vld.idx.msk [tilespmem:v19+s15+$0x0], $0xffff;
	[tilespmem:s7+$0x1060] =	vst v14;
	v13 =	vor.u32 v0, v9  }
0x1d7: {  	s1 =	sor.u32 s8, s28;
	v21 =	vld.idx.msk [tilespmem:v61+s15+$0x0], $0xffff;
	[tilespmem:s7+$0x1050] =	vst v15;
	v14 =	vor.u32 v1, v9  }
0x1d8: {  	s6 =	sadd.s32 $0x6400, s0;
	[tilespmem:s1+$0x1070] =	vst v16;
	v15 =	vor.u32 v2, v9;
	v20 =	vld.idx.msk [tilespmem:v20+s15+$0x0], $0xffff  }
0x1d9: {  	s23 =	simm.s32 $0x1;
	s3 =	sor.u32 s3, s6;
	[tilespmem:s1+$0x1030] =	vst v17;
	v16 =	vor.u32 v3, v9;
	v10 =	vld.idx.msk [tilespmem:v10+s15+$0x0], $0xffff  }
0x1da: {  	v62 =	vmov s23;
	[tilespmem:s3+$0x0] =	vst v18;
	v17 =	vor.u32 v4, v9;
	v12 =	vld.idx.msk [tilespmem:v12+s15+$0x0], $0xffff  }
0x1db: {  	v22 =	vand.u32 $0x1D, v62;
	[tilespmem:s7+$0x1040] =	vst v8;
	v18 =	vor.u32 v5, v9;
	v13 =	vld.idx.msk [tilespmem:v13+s15+$0x0], $0xffff  }
0x1dc: {  	v22 =	vbroadcast v22, $0x0;
	[tilespmem:s1+$0x1050] =	vst v19;
	v8 =	vor.u32 v6, v9;
	v14 =	vld.idx.msk [tilespmem:v14+s15+$0x0], $0xffff  }
0x1dd: {  	[tilespmem:s1+$0x1060] =	vst v21;
	v9 =	vor.u32 v7, v9;
	v15 =	vld.idx.msk [tilespmem:v15+s15+$0x0], $0xffff  }
0x1de: {  	s29 =	simm.s32 $0x0;
	v63 =	vor.u32 v0, v22;
	s30 =	sor.u32 s8, s6;
	v23 =	vld.idx.msk [tilespmem:v16+s15+$0x0], $0xffff;
	[tilespmem:s1+$0x1010] =	vst v20  }
0x1df: {  	v25 =	vor.u32 v2, v22;
	s0 =	sand.u32 $0x200, s29;
	v24 =	vld.idx.msk [tilespmem:v17+s15+$0x0], $0xffff;
	[tilespmem:s30+$0x0] =	vst v10  }
0x1e0: {  	s31 =	sor.u32 s0, s6;
	v18 =	vld.idx.msk [tilespmem:v18+s15+$0x0], $0xffff;
	v20 =	vor.u32 v1, v22;
	[tilespmem:s1+$0x1020] =	vst v12  }
0x1e1: {  	s9 =	sor.u32 s0, s28;
	v19 =	vld.idx.msk [tilespmem:v8+s15+$0x0], $0xffff;
	v12 =	vor.u32 v4, v22;
	[tilespmem:s31+$0x0] =	vst v13  }
0x1e2: {  	v17 =	vld.idx.msk [tilespmem:v9+s15+$0x0], $0xffff;
	[tilespmem:s9+$0x1010] =	vst v14;
	v13 =	vor.u32 v6, v22  }
0x1e3: {  	v9 =	vor.u32 v3, v22;
	v16 =	vld.idx.msk [tilespmem:v63+s15+$0x0], $0xffff;
	[tilespmem:s9+$0x1020] =	vst v15  }
0x1e4: {  	s10 =	simm.s32 $0x80;
	s20 =	simm.s32 $0x800;
	v10 =	vor.u32 v5, v22;
	[tilespmem:s9+$0x1030] =	vst v23;
	v15 =	vld.idx.msk [tilespmem:v25+s15+$0x0], $0xffff  }
0x1e5: {  	s23 =	simm.s32 $0x7;
	s0 =	simm.s32 $0x0;
	s8 =	simm.s32 $0x380;
	v8 =	vor.u32 v4, v11;
	v11 =	vor.u32 v7, v22;
	[tilespmem:s9+$0x1040] =	vst v24;
	v14 =	vld.idx.msk [tilespmem:v20+s15+$0x0], $0xffff  }
.LBB2_14:
0x1e6: {  	s3 =	sadd.s32 $0xFFFFFFFD, s23;
	s7 =	sadd.s32 $0xFFFFFFFF, s23;
	v20 =	vmov s23;
	s0 =	sadd.s32 $0x20, s0;
	[tilespmem:s9+$0x1050] =	vst v18;
	v12 =	vld.idx.msk [tilespmem:v12+s15+$0x0], $0xffff  }
0x1e7: {  	v18 =	vmov s3;
	v21 =	vmov s7;
	v20 =	vand.u32 $0x1F, v20;
	p0 =	slt.u32 s0, $0xE0;
	[tilespmem:s9+$0x1060] =	vst v19;
	s3 =	sand.u32 $0x280, s10;
	v13 =	vld.idx.msk [tilespmem:v13+s15+$0x0], $0xffff  }
0x1e8: {  	v18 =	vand.u32 $0x1C, v18;
	v19 =	vand.u32 $0x1E, v21;
	v20 =	vbroadcast v20, $0x0;
	[tilespmem:s9+$0x1070] =	vst v17;
	s6 =	sor.u32 s3, s6;
	v9 =	vld.idx.msk [tilespmem:v9+s15+$0x0], $0xffff  }
0x1e9: {  	v17 =	vbroadcast v18, $0x0;
	v18 =	vbroadcast v19, $0x0;
	[tilespmem:s6+$0x0] =	vst v16;
	v10 =	vld.idx.msk [tilespmem:v10+s15+$0x0], $0xffff  }
0x1ea: {  	v16 =	vor.u32 v1, v20;
	v19 =	vor.u32 v2, v20;
	v21 =	vor.u32 v3, v20;
	v22 =	vld.idx.msk [tilespmem:v8+s15+$0x0], $0xffff  }
0x1eb: {  	s3 =	sor.u32 s3, s28;
	v24 =	vor.u32 v5, v20;
	v23 =	vor.u32 v0, v17;
	v8 =	vor.u32 v4, v18;
	v11 =	vld.idx.msk [tilespmem:v11+s15+$0x0], $0xffff  }
0x1ec: {  	v27 =	vor.u32 v7, v20;
	v25 =	vor.u32 v1, v17;
	v26 =	vor.u32 v0, v18;
	[tilespmem:s3+$0x1010] =	vst v14  }
0x1ed: {  	v29 =	vor.u32 v0, v20;
	v28 =	vor.u32 v1, v18;
	v14 =	vor.u32 v2, v17;
	[tilespmem:s3+$0x1020] =	vst v15  }
0x1ee: {  	s6 =	sadd.s32 $0xFFFFFFFE, s23;
	v31 =	vor.u32 v6, v20;
	v30 =	vor.u32 v2, v18;
	v15 =	vor.u32 v3, v17;
	[tilespmem:s3+$0x1030] =	vst v9  }
0x1ef: {  	v32 =	vor.u32 v4, v17;
	v33 =	vor.u32 v7, v18;
	v9 =	vmov s6;
	v16 =	vld.idx.msk [tilespmem:v16+s15+$0x0], $0xffff;
	[tilespmem:s3+$0x1050] =	vst v10  }
0x1f0: {  	v34 =	vor.u32 v5, v17;
	v9 =	vand.u32 $0x1D, v9;
	v10 =	vor.u32 v3, v18;
	v21 =	vld.idx.msk [tilespmem:v21+s15+$0x0], $0xffff;
	[tilespmem:s1+$0x1040] =	vst v22  }
0x1f1: {  	v20 =	vor.u32 v4, v20;
	s1 =	sshrl.u32 s20, $0x2;
	v22 =	vor.u32 v6, v17;
	v35 =	vbroadcast v9, $0x0;
	v27 =	vld.idx.msk [tilespmem:v27+s15+$0x0], $0xffff;
	[tilespmem:s3+$0x1070] =	vst v11  }
0x1f2: {  	v36 =	vor.u32 v6, v18;
	v17 =	vor.u32 v7, v17;
	s1 =	sand.u32 $0xC00, s1;
	v11 =	vld.idx.msk [tilespmem:v19+s15+$0x0], $0xffff;
	[tilespmem:s3+$0x1040] =	vst v12  }
0x1f3: {  	s7 =	sand.u32 $0x380, s8;
	v18 =	vor.u32 v5, v18;
	s28 =	sadd.s32 $0x5400, s1;
	s6 =	sadd.s32 $0x6400, s1;
	v37 =	vor.u32 v0, v35;
	v19 =	vld.idx.msk [tilespmem:v31+s15+$0x0], $0xffff;
	[tilespmem:s3+$0x1060] =	vst v13  }
0x1f4: {  	v31 =	vor.u32 v1, v35;
	s3 =	sor.u32 s7, s28;
	v24 =	vld.idx.msk [tilespmem:v24+s15+$0x0], $0xffff  }
0x1f5: {  	v38 =	vor.u32 v2, v35;
	s1 =	sadd.s32 $0xFFFFFF80, s8;
	v33 =	vld.idx.msk [tilespmem:v33+s15+$0x0], $0xffff;
	[tilespmem:s3+$0x1010] =	vst v16  }
0x1f6: {  	v9 =	vor.u32 v3, v35;
	s9 =	sand.u32 $0x300, s1;
	v16 =	vld.idx.msk [tilespmem:v10+s15+$0x0], $0xffff;
	[tilespmem:s3+$0x1030] =	vst v21  }
0x1f7: {  	v12 =	vor.u32 v4, v35;
	s1 =	sor.u32 s9, s28;
	v21 =	vld.idx.msk [tilespmem:v29+s15+$0x0], $0xffff;
	[tilespmem:s3+$0x1070] =	vst v27  }
0x1f8: {  	s7 =	sor.u32 s7, s6;
	v10 =	vor.u32 v5, v35;
	[tilespmem:s3+$0x1020] =	vst v11;
	v20 =	vld.idx.msk [tilespmem:v20+s15+$0x0], $0xffff  }
0x1f9: {  	v13 =	vor.u32 v6, v35;
	v18 =	vld.idx.msk [tilespmem:v18+s15+$0x0], $0xffff;
	[tilespmem:s3+$0x1060] =	vst v19  }
0x1fa: {  	s10 =	sadd.s32 $0xFFFFFE80, s8;
	v11 =	vor.u32 v7, v35;
	v19 =	vld.idx.msk [tilespmem:v36+s15+$0x0], $0xffff;
	[tilespmem:s3+$0x1050] =	vst v24  }
0x1fb: {  	s10 =	sand.u32 $0x200, s10;
	s11 =	sor.u32 s9, s6;
	v24 =	vld.idx.msk [tilespmem:v28+s15+$0x0], $0xffff;
	[tilespmem:s1+$0x1070] =	vst v33  }
0x1fc: {  	s29 =	sor.u32 s10, s6;
	v26 =	vld.idx.msk [tilespmem:v26+s15+$0x0], $0xffff;
	[tilespmem:s1+$0x1030] =	vst v16  }
0x1fd: {  	s9 =	sor.u32 s10, s28;
	v16 =	vld.idx.msk [tilespmem:v30+s15+$0x0], $0xffff;
	[tilespmem:s7+$0x0] =	vst v21  }
0x1fe: {  	v21 =	vld.idx.msk [tilespmem:v23+s15+$0x0], $0xffff;
	[tilespmem:s3+$0x1040] =	vst v20  }
0x1ff: {  	v20 =	vld.idx.msk [tilespmem:v25+s15+$0x0], $0xffff;
	[tilespmem:s1+$0x1050] =	vst v18  }
0x200: {  	v14 =	vld.idx.msk [tilespmem:v14+s15+$0x0], $0xffff;
	[tilespmem:s1+$0x1060] =	vst v19  }
0x201: {  	v15 =	vld.idx.msk [tilespmem:v15+s15+$0x0], $0xffff;
	[tilespmem:s1+$0x1010] =	vst v24  }
0x202: {  	v23 =	vld.idx.msk [tilespmem:v32+s15+$0x0], $0xffff;
	[tilespmem:s11+$0x0] =	vst v26  }
0x203: {  	v18 =	vld.idx.msk [tilespmem:v34+s15+$0x0], $0xffff;
	[tilespmem:s1+$0x1020] =	vst v16  }
.Ltmp6:
0x204: {  	[tilespmem:s29+$0x0] =	vst v21;
	v19 =	vld.idx.msk [tilespmem:v22+s15+$0x0], $0xffff;
	(pc) =	sbr.rel @p0 .LBB2_14-.Ltmp6, $4  }
0x205: {  	[tilespmem:s9+$0x1010] =	vst v20;
	v17 =	vld.idx.msk [tilespmem:v17+s15+$0x0], $0xffff  }
0x206: {  	[tilespmem:s9+$0x1020] =	vst v14;
	v16 =	vld.idx.msk [tilespmem:v37+s15+$0x0], $0xffff  }
0x207: {  	s20 =	sadd.s32 $0x800, s20;
	[tilespmem:s9+$0x1030] =	vst v15;
	v14 =	vld.idx.msk [tilespmem:v31+s15+$0x0], $0xffff  }
0x208: {  	s23 =	sadd.s32 $0x4, s23;
	s10 =	sadd.s32 $0xFFFFFF00, s8;
	s8 =	sadd.s32 $0x200, s8;
	[tilespmem:s9+$0x1040] =	vst v23;
	v15 =	vld.idx.msk [tilespmem:v38+s15+$0x0], $0xffff  }
0x209: {  	_ =	sdelay $0x2  }
0x20a: {  	[tilespmem:s9+$0x1050] =	vst v18  }
0x20b: {  	[tilespmem:s9+$0x1060] =	vst v19;
	s0 =	sand.u32 $0x280, s10;
	v9 =	vld.idx.msk [tilespmem:v9+s15+$0x0], $0xffff  }
0x20c: {  	v10 =	vld.idx.msk [tilespmem:v10+s15+$0x0], $0xffff;
	[tilespmem:s9+$0x1070] =	vst v17;
	s3 =	sor.u32 s0, s6  }
0x20d: {  	v8 =	vld.idx.msk [tilespmem:v8+s15+$0x0], $0xffff;
	s0 =	sor.u32 s0, s28;
	[tilespmem:s3+$0x0] =	vst v16  }
0x20e: {  	v11 =	vld.idx.msk [tilespmem:v11+s15+$0x0], $0xffff;
	[tilespmem:s0+$0x1010] =	vst v14  }
0x20f: {  	v12 =	vld.idx.msk [tilespmem:v12+s15+$0x0], $0xffff;
	[tilespmem:s0+$0x1020] =	vst v15  }
0x210: {  	v13 =	vld.idx.msk [tilespmem:v13+s15+$0x0], $0xffff;
	[tilespmem:s0+$0x1030] =	vst v9  }
0x211: {  	[tilespmem:s0+$0x1050] =	vst v10  }
0x212: {  	[tilespmem:s1+$0x1040] =	vst v8  }
0x213: {  	[tilespmem:s0+$0x1070] =	vst v11  }
0x214: {  	[tilespmem:s0+$0x1040] =	vst v12  }
0x215: {  	[tilespmem:s0+$0x1060] =	vst v13  }
0x216: {  	s0 =	rddreg [dreg:$0x7]  }
0x217: {  	[hbm4b:s0+s17] =	stream.strided.scatter [tilespmem:s22], [sflag:$0x4], $0x1000, s18, s17, $0x38;
	[tilespmem:$0x7400] =	vst v63  }
0x218: {  	_ =	swait.ge [sflag:s25], $0x1000  }
0x219: {  	[sflag:s25] =	ssyncset.done $0x0  }
0x21a: {  	[sflag:s25] =	ssyncadd.s32 $0xFFFFF000  }
0x21b: {  	_ =	swait.ge [sflag:s24], $0x1000  }
0x21c: {  	s26 =	sadd.s32 $0x1, s26;
	s31 =	rddreg [dreg:$0x8]  }
0x21d: {  	p0 =	sne.s32 s26, s31  }
.Ltmp7:
0x21e: {  	_ = 	snop;
	(pc) =	sbr.rel @p0 .LBB2_1-.Ltmp7, $3  }
0x21f: {  	_ =	sdelay $0x1  }
0x220: {  	[sflag:s24] =	ssyncset.done $0x0  }
0x221: {  	s3 =	simm.s32 $0x180;
	[sflag:s24] =	ssyncadd.s32 $0xFFFFF000  }
0x222: {  	_ =	sfence.sel $0x180000  }
0x223: {  	[bflag:$0x0] =	sbarrier.arrive $0xFFFF  }
0x224: {  	_ =	strace $0x90000047  }
0x225: {  	s0 =	stileid.u32;
	[bflag:$0x2] =	sbarrier.arrive $0xFFFF  }
0x226: {  	p0 =	sne.s32 s0, $0x0;
	s0 =	rddreg [dreg:$0x2]  }
0x227: {  	s0 =	sadd.s32 @!p0 $0x100000, s0  }
0x228: {  	[sflag:s0] =	ssyncadd.tile.s32 @!p0 $0x1;
	_ =	shalt  }
.Lfunc_end2:
_tile_overlayer_lowered:
.L_overlay_start_2:
0x229: {  	(tag) =	ssettag $0x2  }
0x22a: {  	s0 =	rddreg [dreg:$0x0];
	s2 =	stileid.u32  }
0x22b: {  	s1 =	rddreg [dreg:$0x1];
	p0 =	sne.s32 s2, $0x0  }
0x22c: {  	s3 =	rddreg [dreg:$0x2];
	[bflag:$0x3] =	sbarrier.arrive $0xFFFF;
	s2 =	simm.s32 @!p0 $0x1C05  }
0x22d: {  	[timem:s3], [sflag:s2] =	dma.local @!p0 [hbm:s0], s1  }
0x22e: {  	s0 =	simm.s32 @!p0 $0x5  }
0x22f: {  	_ =	swait.ge @!p0 [sflag:s0], s1  }
0x230: {  	s1 =	ssub.s32 @!p0 $0x0, s1;
	[sflag:s0] =	ssyncset.done @!p0 $0x0  }
0x231: {  	[sflag:s0] =	ssyncadd.s32 @!p0 s1  }
0x232: {  	[bflag:$0x3] =	sbarrier.arrive $0xFFFF  }
0x233: {  	_ =	shalt  }

</sc_bundles>
